<compile_context>
chip_gen: v7x
topology: tpu7x:2x2x1
jax: 0.10.2.dev20260603
libtpu: 0.0.44.dev20260713+nightly
codegen_flags: <defaults>
</compile_context>

<pallas_src>
import functools

import jax
import jax.numpy as jnp
from jax import lax
from jax.experimental import pallas as pl
from jax.experimental.pallas import tpu as pltpu
from jax.experimental.pallas import tpu_sc as plsc

_N = 524288
_C = 64
_TR = _C // 8
_TC = _N // 128
_NUM_CORES = 2
_NUM_SUBCORES = 16
_NW = _NUM_CORES * _NUM_SUBCORES
_TC_PER_W = _TC // _NW
_TCW = 2
_NCHUNKS = _TC_PER_W // _TCW
_NBUF = 4
_PFD = _NBUF - 2
_LANES = 16

_TARGETS = [(c // 8, c % 8) for c in range(1, 33)]


def _sc_body(d_hbm, out_hbm, buf, *sems):
    sem_in = sems[:_NBUF]
    sem_out = sems[_NBUF:]

    wid = lax.axis_index("s") * _NUM_CORES + lax.axis_index("c")
    base = wid * _TC_PER_W

    def in_copy(i, b):
        return pltpu.make_async_copy(
            d_hbm.at[:, pl.ds(base + i * _TCW, _TCW)], buf.at[b], sem_in[b])

    def out_copy(i, b):
        return pltpu.make_async_copy(
            buf.at[b], out_hbm.at[:, pl.ds(base + i * _TCW, _TCW)], sem_out[b])

    def compute(b):
        def vec(k, carry):
            t = k // (128 // _LANES)
            j0 = (k % (128 // _LANES)) * _LANES
            opv = buf[b, 0, t, 0, pl.ds(j0, _LANES)]
            for tr, i in _TARGETS:
                buf[b, tr, t, i, pl.ds(j0, _LANES)] = (
                    buf[b, tr, t, i, pl.ds(j0, _LANES)] * opv)
            return carry

        lax.fori_loop(0, _TCW * (128 // _LANES), vec, 0)

    for b in range(_PFD):
        in_copy(b, b).start()

    def step(i, b):
        in_copy(i, b).wait()
        compute(b)
        out_copy(i, b).start()

        j = i + _PFD
        bj = (b + _PFD) % _NBUF
        w = i - (_NBUF - _PFD)

        if isinstance(i, int):
            if j < _NCHUNKS:
                if w >= 0:
                    out_copy(w, bj).wait()
                in_copy(j, bj).start()
        else:
            @pl.when(j < _NCHUNKS)
            def _():
                @pl.when(w >= 0)
                def _():
                    out_copy(w, bj).wait()

                in_copy(j, bj).start()

    _MAIN = (_NCHUNKS // _NBUF) * _NBUF

    def outer(g, carry):
        for b in range(_NBUF):
            step(g * _NBUF + b, b)
        return carry

    lax.fori_loop(0, _MAIN // _NBUF, outer, 0)
    for i in range(_MAIN, _NCHUNKS):
        step(i, i % _NBUF)

    for i in range(_NCHUNKS - _NBUF, _NCHUNKS):
        out_copy(i, i % _NBUF).wait()


@functools.cache
def _build():
    mesh = plsc.VectorSubcoreMesh(
        core_axis_name="c", subcore_axis_name="s",
        num_cores=_NUM_CORES, num_subcores=_NUM_SUBCORES)
    return pl.kernel(
        _sc_body,
        out_type=jax.ShapeDtypeStruct((_TR, _TC, 8, 128), jnp.float32),
        mesh=mesh,
        scratch_types=(
            [pltpu.VMEM((_NBUF, _TR, _TCW, 8, 128), jnp.float32)]
            + [pltpu.SemaphoreType.DMA] * (2 * _NBUF)
        ),
    )


def kernel(X):
    d = X.reshape(_TC, 128, _TR, 8).transpose(2, 0, 3, 1)
    out_d = _build()(d)
    return out_d.transpose(1, 3, 0, 2).reshape(_N, _C)

# --- scband reference (transcript-rebuilt; emitter-appended) ---
"""Pipeline reference for scband-multiply-34617436406061 (READ-ONLY COPY).

The authoritative reference and input builder live on the scoring server;
editing this copy changes nothing except your own understanding.
"""

import jax, jax.numpy as jnp
import numpy as np

# Constants derived from init_kwargs: operand_name='p00' -> index 0 in space;
# name_to_new_name covers p01..p32 -> parameter_indices = [1..32].
OPERAND_INDEX = 0
PARAMETER_INDICES = jnp.arange(1, 33)


def setup_inputs(seed: int = 0) -> dict:
    key = jax.random.key(seed)
    # Keep values away from zero-ish pathologies is not required for transform
    # (only untransform divides); plain randn matches the harness fill.
    X = jax.random.normal(key, (524288, 64), dtype=jnp.float32)
    return {"X": X}


def reference(X):
    # Faithful port of Multiply.transform:
    #   operands = X[..., operand_index].unsqueeze(-1)
    #   X = X.clone(); X[..., parameter_indices] *= operands
    operands = X[..., OPERAND_INDEX][..., None]
    out = X.at[..., PARAMETER_INDICES].multiply(operands)
    return out

if __name__ == "__main__":
    import jax
    _d = setup_inputs()
    print(jax.jit(kernel)(*tuple(_d.values())))

</pallas_src>

<mosaic_0001>
#map = affine_map<(d0, d1) -> (0, 0, 0, 0)>
module attributes {stable_mosaic.version = 14 : i64} {
  func.func @_sc_body(%arg0: i32, %arg1: i32, %arg2: memref<8x4096x8x128xf32, #tpu.memory_space<hbm>>, %arg3: memref<8x4096x8x128xf32, #tpu.memory_space<hbm>>, %arg4: memref<4x8x2x8x128xf32, #tpu.memory_space<vmem>>, %arg5: memref<!tpu.dma_semaphore, #tpu.memory_space<semaphore_mem>>, %arg6: memref<!tpu.dma_semaphore, #tpu.memory_space<semaphore_mem>>, %arg7: memref<!tpu.dma_semaphore, #tpu.memory_space<semaphore_mem>>, %arg8: memref<!tpu.dma_semaphore, #tpu.memory_space<semaphore_mem>>, %arg9: memref<!tpu.dma_semaphore, #tpu.memory_space<semaphore_mem>>, %arg10: memref<!tpu.dma_semaphore, #tpu.memory_space<semaphore_mem>>, %arg11: memref<!tpu.dma_semaphore, #tpu.memory_space<semaphore_mem>>, %arg12: memref<!tpu.dma_semaphore, #tpu.memory_space<semaphore_mem>>) attributes {dimension_semantics = [#tpu.dimension_semantics<core_parallel>, #tpu.dimension_semantics<subcore_parallel>], iteration_bounds = array<i64: 2, 16>, scalar_prefetch = 0 : i64, scratch_operands = 9 : i64, tpu.core_type = #tpu.core_type<sc_vector_subcore>, window_params = [{transform_indices = #map}, {transform_indices = #map}]} {
    %mul3A = arith.constant 2 : i32
    %mul3A_0 = arith.muli %arg1, %mul3A : i32
    %add3A = arith.addi %mul3A_0, %arg0 : i32
    %mul3A_1 = arith.constant 128 : i32
    %mul3A_2 = arith.muli %add3A, %mul3A_1 : i32
    %add3A_3 = arith.constant 0 : i32
    %add3A_4 = arith.addi %mul3A_2, %add3A_3 : i32
    %dma_start3A = arith.constant 0 : i32
    %dma_start3A_5 = arith.constant 0 : i32
    %dma_start3A_6 = arith.constant 0 : i32
    %dma_start3A_7 = arith.constant 0 : i32
    %dma_start3A_8 = arith.constant 0 : i32
    %dma_start3A_9 = tpu.memref_slice %arg4[%dma_start3A, %dma_start3A_5, %dma_start3A_6, %dma_start3A_7, %dma_start3A_8] : memref<4x8x2x8x128xf32, #tpu.memory_space<vmem>> -> memref<1x8x2x8x128xf32, #tpu.memory_space<vmem>>
    %dma_start3A_10 = tpu.memref_squeeze %dma_start3A_9 : memref<1x8x2x8x128xf32, #tpu.memory_space<vmem>> -> memref<8x2x8x128xf32, #tpu.memory_space<vmem>>
    %dma_start3A_11 = arith.constant 0 : i32
    %dma_start3A_12 = arith.constant 0 : i32
    %dma_start3A_13 = arith.constant 0 : i32
    %dma_start3A_14 = tpu.memref_slice %arg2[%dma_start3A_11, %add3A_4, %dma_start3A_12, %dma_start3A_13] : memref<8x4096x8x128xf32, #tpu.memory_space<hbm>> -> memref<8x2x8x128xf32, #tpu.memory_space<hbm>>
    %dma_start3A_15 = arith.constant 0 : i32
    %dma_start3A_16 = arith.constant 0 : i32
    %dma_start3A_17 = arith.constant 0 : i32
    %dma_start3A_18 = arith.constant 0 : i32
    %dma_start3A_19 = tpu.memref_slice %arg4[%dma_start3A, %dma_start3A_15, %dma_start3A_16, %dma_start3A_17, %dma_start3A_18] : memref<4x8x2x8x128xf32, #tpu.memory_space<vmem>> -> memref<1x8x2x8x128xf32, #tpu.memory_space<vmem>>
    %dma_start3A_20 = tpu.memref_squeeze %dma_start3A_19 : memref<1x8x2x8x128xf32, #tpu.memory_space<vmem>> -> memref<8x2x8x128xf32, #tpu.memory_space<vmem>>
    %dma_start3A_21 = arith.constant 0 : i32
    %dma_start3A_22 = arith.constant 0 : i32
    %dma_start3A_23 = arith.constant 0 : i32
    %dma_start3A_24 = tpu.memref_slice %arg2[%dma_start3A_21, %add3A_4, %dma_start3A_22, %dma_start3A_23] : memref<8x4096x8x128xf32, #tpu.memory_space<hbm>> -> memref<8x2x8x128xf32, #tpu.memory_space<hbm>>
    tpu.enqueue_dma source(%dma_start3A_24 : memref<8x2x8x128xf32, #tpu.memory_space<hbm>>) target(%dma_start3A_20 : memref<8x2x8x128xf32, #tpu.memory_space<vmem>>) target_semaphore(%arg5 : memref<!tpu.dma_semaphore, #tpu.memory_space<semaphore_mem>>)
    %add3A_25 = arith.constant 2 : i32
    %add3A_26 = arith.addi %mul3A_2, %add3A_25 : i32
    %dma_start3A_27 = arith.constant 1 : i32
    %dma_start3A_28 = arith.constant 0 : i32
    %dma_start3A_29 = arith.constant 0 : i32
    %dma_start3A_30 = arith.constant 0 : i32
    %dma_start3A_31 = arith.constant 0 : i32
    %dma_start3A_32 = tpu.memref_slice %arg4[%dma_start3A_27, %dma_start3A_28, %dma_start3A_29, %dma_start3A_30, %dma_start3A_31] : memref<4x8x2x8x128xf32, #tpu.memory_space<vmem>> -> memref<1x8x2x8x128xf32, #tpu.memory_space<vmem>>
    %dma_start3A_33 = tpu.memref_squeeze %dma_start3A_32 : memref<1x8x2x8x128xf32, #tpu.memory_space<vmem>> -> memref<8x2x8x128xf32, #tpu.memory_space<vmem>>
    %dma_start3A_34 = arith.constant 0 : i32
    %dma_start3A_35 = arith.constant 0 : i32
    %dma_start3A_36 = arith.constant 0 : i32
    %dma_start3A_37 = tpu.memref_slice %arg2[%dma_start3A_34, %add3A_26, %dma_start3A_35, %dma_start3A_36] : memref<8x4096x8x128xf32, #tpu.memory_space<hbm>> -> memref<8x2x8x128xf32, #tpu.memory_space<hbm>>
    %dma_start3A_38 = arith.constant 0 : i32
    %dma_start3A_39 = arith.constant 0 : i32
    %dma_start3A_40 = arith.constant 0 : i32
    %dma_start3A_41 = arith.constant 0 : i32
    %dma_start3A_42 = tpu.memref_slice %arg4[%dma_start3A_27, %dma_start3A_38, %dma_start3A_39, %dma_start3A_40, %dma_start3A_41] : memref<4x8x2x8x128xf32, #tpu.memory_space<vmem>> -> memref<1x8x2x8x128xf32, #tpu.memory_space<vmem>>
    %dma_start3A_43 = tpu.memref_squeeze %dma_start3A_42 : memref<1x8x2x8x128xf32, #tpu.memory_space<vmem>> -> memref<8x2x8x128xf32, #tpu.memory_space<vmem>>
    %dma_start3A_44 = arith.constant 0 : i32
    %dma_start3A_45 = arith.constant 0 : i32
    %dma_start3A_46 = arith.constant 0 : i32
    %dma_start3A_47 = tpu.memref_slice %arg2[%dma_start3A_44, %add3A_26, %dma_start3A_45, %dma_start3A_46] : memref<8x4096x8x128xf32, #tpu.memory_space<hbm>> -> memref<8x2x8x128xf32, #tpu.memory_space<hbm>>
    tpu.enqueue_dma source(%dma_start3A_47 : memref<8x2x8x128xf32, #tpu.memory_space<hbm>>) target(%dma_start3A_43 : memref<8x2x8x128xf32, #tpu.memory_space<vmem>>) target_semaphore(%arg6 : memref<!tpu.dma_semaphore, #tpu.memory_space<semaphore_mem>>)
    %scan3A = arith.constant 0 : i32
    %scan3A_48 = arith.constant 0 : i32
    %scan3A_49 = arith.constant 16 : i32
    %scan3A_50 = arith.addi %scan3A_48, %scan3A_49 : i32
    %scan3A_51 = arith.constant 1 : i32
    scf.for %scan3A_144 = %scan3A_48 to %scan3A_50 step %scan3A_51  : i32 {
      %mul3A_145 = arith.constant 4 : i32
      %mul3A_146 = arith.muli %scan3A_144, %mul3A_145 : i32
      %add3A_147 = arith.constant 0 : i32
      %add3A_148 = arith.addi %mul3A_146, %add3A_147 : i32
      %mul3A_149 = arith.constant 2 : i32
      %mul3A_150 = arith.muli %add3A_148, %mul3A_149 : i32
      %add3A_151 = arith.addi %mul3A_2, %mul3A_150 : i32
      %dma_wait3A_152 = arith.constant 0 : i32
      %dma_wait3A_153 = arith.constant 0 : i32
      %dma_wait3A_154 = arith.constant 0 : i32
      %dma_wait3A_155 = arith.constant 0 : i32
      %dma_wait3A_156 = arith.constant 0 : i32
      %dma_wait3A_157 = tpu.memref_slice %arg4[%dma_wait3A_152, %dma_wait3A_153, %dma_wait3A_154, %dma_wait3A_155, %dma_wait3A_156] : memref<4x8x2x8x128xf32, #tpu.memory_space<vmem>> -> memref<1x8x2x8x128xf32, #tpu.memory_space<vmem>>
      %dma_wait3A_158 = tpu.memref_squeeze %dma_wait3A_157 : memref<1x8x2x8x128xf32, #tpu.memory_space<vmem>> -> memref<8x2x8x128xf32, #tpu.memory_space<vmem>>
      %dma_wait3A_159 = arith.constant 0 : i32
      %dma_wait3A_160 = arith.constant 0 : i32
      %dma_wait3A_161 = arith.constant 0 : i32
      %dma_wait3A_162 = tpu.memref_slice %arg2[%dma_wait3A_159, %add3A_151, %dma_wait3A_160, %dma_wait3A_161] : memref<8x4096x8x128xf32, #tpu.memory_space<hbm>> -> memref<8x2x8x128xf32, #tpu.memory_space<hbm>>
      %dma_wait3A_163 = arith.constant 0 : i32
      %dma_wait3A_164 = arith.constant 0 : i32
      %dma_wait3A_165 = arith.constant 0 : i32
      %dma_wait3A_166 = arith.constant 0 : i32
      %dma_wait3A_167 = tpu.memref_slice %arg4[%dma_wait3A_152, %dma_wait3A_163, %dma_wait3A_164, %dma_wait3A_165, %dma_wait3A_166] : memref<4x8x2x8x128xf32, #tpu.memory_space<vmem>> -> memref<1x8x2x8x128xf32, #tpu.memory_space<vmem>>
      %dma_wait3A_168 = tpu.memref_squeeze %dma_wait3A_167 : memref<1x8x2x8x128xf32, #tpu.memory_space<vmem>> -> memref<8x2x8x128xf32, #tpu.memory_space<vmem>>
      %dma_wait3A_169 = arith.constant 0 : i32
      %dma_wait3A_170 = arith.constant 0 : i32
      %dma_wait3A_171 = arith.constant 0 : i32
      %dma_wait3A_172 = tpu.memref_slice %arg2[%dma_wait3A_169, %add3A_151, %dma_wait3A_170, %dma_wait3A_171] : memref<8x4096x8x128xf32, #tpu.memory_space<hbm>> -> memref<8x2x8x128xf32, #tpu.memory_space<hbm>>
      tpu.wait_dma2 semaphore(%arg5 : memref<!tpu.dma_semaphore, #tpu.memory_space<semaphore_mem>>) src(%dma_wait3A_172 : memref<8x2x8x128xf32, #tpu.memory_space<hbm>>) dst(%dma_wait3A_168 : memref<8x2x8x128xf32, #tpu.memory_space<vmem>>)
      %scan3A_173 = arith.constant 0 : i32
      %scan3A_174 = arith.constant 0 : i32
      %scan3A_175 = arith.constant 16 : i32
      %scan3A_176 = arith.addi %scan3A_174, %scan3A_175 : i32
      %scan3A_177 = arith.constant 1 : i32
      scf.for %scan3A_409 = %scan3A_174 to %scan3A_176 step %scan3A_177  : i32 {
        %jit3A = arith.constant 8 : i32
        %div3A = arith.divsi %scan3A_409, %jit3A : i32
        %sign3A = arith.constant 0 : i32
        %sign3A_410 = arith.cmpi sgt, %scan3A_409, %sign3A : i32
        %sign3A_411 = arith.extui %sign3A_410 : i1 to i32
        %sign3A_412 = arith.constant 0 : i32
        %sign3A_413 = arith.cmpi slt, %scan3A_409, %sign3A_412 : i32
        %sign3A_414 = arith.extui %sign3A_413 : i1 to i32
        %sign3A_415 = arith.subi %sign3A_411, %sign3A_414 : i32
        %sign3A_416 = arith.constant 0 : i32
        %sign3A_417 = arith.cmpi sgt, %jit3A, %sign3A_416 : i32
        %sign3A_418 = arith.extui %sign3A_417 : i1 to i32
        %sign3A_419 = arith.constant 0 : i32
        %sign3A_420 = arith.cmpi slt, %jit3A, %sign3A_419 : i32
        %sign3A_421 = arith.extui %sign3A_420 : i1 to i32
        %sign3A_422 = arith.subi %sign3A_418, %sign3A_421 : i32
        %ne3A = arith.cmpi ne, %sign3A_415, %sign3A_422 : i32
        %rem3A = arith.remsi %scan3A_409, %jit3A : i32
        %ne3A_423 = arith.constant 0 : i32
        %ne3A_424 = arith.cmpi ne, %rem3A, %ne3A_423 : i32
        %and3A = arith.andi %ne3A, %ne3A_424 : i1
        %sub3A_425 = arith.constant 1 : i32
        %sub3A_426 = arith.subi %div3A, %sub3A_425 : i32
        %select_n3A = arith.select %and3A, %sub3A_426, %div3A : i32
        %jit3A_427 = arith.constant 8 : i32
        %eq3A = arith.constant 0 : i32
        %eq3A_428 = arith.cmpi eq, %jit3A_427, %eq3A : i32
        %jit3A_429 = arith.constant 1 : i32
        %select_n3A_430 = arith.select %eq3A_428, %jit3A_429, %jit3A_427 : i32
        %rem3A_431 = arith.remsi %scan3A_409, %select_n3A_430 : i32
        %ne3A_432 = arith.constant 0 : i32
        %ne3A_433 = arith.cmpi ne, %rem3A_431, %ne3A_432 : i32
        %lt3A_434 = arith.constant 0 : i32
        %lt3A_435 = arith.cmpi slt, %rem3A_431, %lt3A_434 : i32
        %lt3A_436 = arith.constant 0 : i32
        %lt3A_437 = arith.cmpi slt, %select_n3A_430, %lt3A_436 : i32
        %ne3A_438 = arith.xori %lt3A_435, %lt3A_437 : i1
        %and3A_439 = arith.andi %ne3A_438, %ne3A_433 : i1
        %add3A_440 = arith.addi %rem3A_431, %select_n3A_430 : i32
        %select_n3A_441 = arith.select %and3A_439, %add3A_440, %rem3A_431 : i32
        %mul3A_442 = arith.constant 16 : i32
        %mul3A_443 = arith.muli %select_n3A_441, %mul3A_442 : i32
        %get3A = arith.constant 0 : i32
        %get3A_444 = arith.constant 0 : i32
        %get3A_445 = arith.constant 0 : i32
        %get3A_446 = arith.index_cast %get3A : i32 to index
        %get3A_447 = arith.index_cast %get3A_444 : i32 to index
        %get3A_448 = arith.index_cast %select_n3A : i32 to index
        %get3A_449 = arith.index_cast %get3A_445 : i32 to index
        %get3A_450 = arith.index_cast %mul3A_443 : i32 to index
        %get3A_451 = tpu.vector_load %arg4[%get3A_446, %get3A_447, %get3A_448, %get3A_449, %get3A_450] {strides = array<i32>} : memref<4x8x2x8x128xf32, #tpu.memory_space<vmem>>, vector<1x1x1x1x16xf32>,
        %get3A_452 = vector.shape_cast %get3A_451 : vector<1x1x1x1x16xf32> to vector<16xf32>
        %get3A_453 = arith.constant 0 : i32
        %get3A_454 = arith.constant 0 : i32
        %get3A_455 = arith.constant 1 : i32
        %get3A_456 = arith.index_cast %get3A_453 : i32 to index
        %get3A_457 = arith.index_cast %get3A_454 : i32 to index
        %get3A_458 = arith.index_cast %select_n3A : i32 to index
        %get3A_459 = arith.index_cast %get3A_455 : i32 to index
        %get3A_460 = arith.index_cast %mul3A_443 : i32 to index
        %get3A_461 = tpu.vector_load %arg4[%get3A_456, %get3A_457, %get3A_458, %get3A_459, %get3A_460] {strides = array<i32>} : memref<4x8x2x8x128xf32, #tpu.memory_space<vmem>>, vector<1x1x1x1x16xf32>,
        %get3A_462 = vector.shape_cast %get3A_461 : vector<1x1x1x1x16xf32> to vector<16xf32>
        %mul3A_463 = arith.mulf %get3A_462, %get3A_452 : vector<16xf32>
        %swap3A = arith.constant 0 : i32
        %swap3A_464 = arith.constant 0 : i32
        %swap3A_465 = arith.constant 1 : i32
        %swap3A_466 = arith.index_cast %swap3A : i32 to index
        %swap3A_467 = arith.index_cast %swap3A_464 : i32 to index
        %swap3A_468 = arith.index_cast %select_n3A : i32 to index
        %swap3A_469 = arith.index_cast %swap3A_465 : i32 to index
        %swap3A_470 = arith.index_cast %mul3A_443 : i32 to index
        %swap3A_471 = tpu.vector_load %arg4[%swap3A_466, %swap3A_467, %swap3A_468, %swap3A_469, %swap3A_470] {strides = array<i32>} : memref<4x8x2x8x128xf32, #tpu.memory_space<vmem>>, vector<1x1x1x1x16xf32>,
        %swap3A_472 = vector.shape_cast %swap3A_471 : vector<1x1x1x1x16xf32> to vector<16xf32>
        %swap3A_473 = vector.shape_cast %mul3A_463 : vector<16xf32> to vector<1x1x1x1x16xf32>
        tpu.vector_store %arg4[%swap3A_466, %swap3A_467, %swap3A_468, %swap3A_469, %swap3A_470], %swap3A_473 {strides = array<i32>} : memref<4x8x2x8x128xf32, #tpu.memory_space<vmem>>, vector<1x1x1x1x16xf32>,
        %get3A_474 = arith.constant 0 : i32
        %get3A_475 = arith.constant 0 : i32
        %get3A_476 = arith.constant 2 : i32
        %get3A_477 = arith.index_cast %get3A_474 : i32 to index
        %get3A_478 = arith.index_cast %get3A_475 : i32 to index
        %get3A_479 = arith.index_cast %select_n3A : i32 to index
        %get3A_480 = arith.index_cast %get3A_476 : i32 to index
        %get3A_481 = arith.index_cast %mul3A_443 : i32 to index
        %get3A_482 = tpu.vector_load %arg4[%get3A_477, %get3A_478, %get3A_479, %get3A_480, %get3A_481] {strides = array<i32>} : memref<4x8x2x8x128xf32, #tpu.memory_space<vmem>>, vector<1x1x1x1x16xf32>,
        %get3A_483 = vector.shape_cast %get3A_482 : vector<1x1x1x1x16xf32> to vector<16xf32>
        %mul3A_484 = arith.mulf %get3A_483, %get3A_452 : vector<16xf32>
        %swap3A_485 = arith.constant 0 : i32
        %swap3A_486 = arith.constant 0 : i32
        %swap3A_487 = arith.constant 2 : i32
        %swap3A_488 = arith.index_cast %swap3A_485 : i32 to index
        %swap3A_489 = arith.index_cast %swap3A_486 : i32 to index
        %swap3A_490 = arith.index_cast %select_n3A : i32 to index
        %swap3A_491 = arith.index_cast %swap3A_487 : i32 to index
        %swap3A_492 = arith.index_cast %mul3A_443 : i32 to index
        %swap3A_493 = tpu.vector_load %arg4[%swap3A_488, %swap3A_489, %swap3A_490, %swap3A_491, %swap3A_492] {strides = array<i32>} : memref<4x8x2x8x128xf32, #tpu.memory_space<vmem>>, vector<1x1x1x1x16xf32>,
        %swap3A_494 = vector.shape_cast %swap3A_493 : vector<1x1x1x1x16xf32> to vector<16xf32>
        %swap3A_495 = vector.shape_cast %mul3A_484 : vector<16xf32> to vector<1x1x1x1x16xf32>
        tpu.vector_store %arg4[%swap3A_488, %swap3A_489, %swap3A_490, %swap3A_491, %swap3A_492], %swap3A_495 {strides = array<i32>} : memref<4x8x2x8x128xf32, #tpu.memory_space<vmem>>, vector<1x1x1x1x16xf32>,
        %get3A_496 = arith.constant 0 : i32
        %get3A_497 = arith.constant 0 : i32
        %get3A_498 = arith.constant 3 : i32
        %get3A_499 = arith.index_cast %get3A_496 : i32 to index
        %get3A_500 = arith.index_cast %get3A_497 : i32 to index
        %get3A_501 = arith.index_cast %select_n3A : i32 to index
        %get3A_502 = arith.index_cast %get3A_498 : i32 to index
        %get3A_503 = arith.index_cast %mul3A_443 : i32 to index
        %get3A_504 = tpu.vector_load %arg4[%get3A_499, %get3A_500, %get3A_501, %get3A_502, %get3A_503] {strides = array<i32>} : memref<4x8x2x8x128xf32, #tpu.memory_space<vmem>>, vector<1x1x1x1x16xf32>,
        %get3A_505 = vector.shape_cast %get3A_504 : vector<1x1x1x1x16xf32> to vector<16xf32>
        %mul3A_506 = arith.mulf %get3A_505, %get3A_452 : vector<16xf32>
        %swap3A_507 = arith.constant 0 : i32
        %swap3A_508 = arith.constant 0 : i32
        %swap3A_509 = arith.constant 3 : i32
        %swap3A_510 = arith.index_cast %swap3A_507 : i32 to index
        %swap3A_511 = arith.index_cast %swap3A_508 : i32 to index
        %swap3A_512 = arith.index_cast %select_n3A : i32 to index
        %swap3A_513 = arith.index_cast %swap3A_509 : i32 to index
        %swap3A_514 = arith.index_cast %mul3A_443 : i32 to index
        %swap3A_515 = tpu.vector_load %arg4[%swap3A_510, %swap3A_511, %swap3A_512, %swap3A_513, %swap3A_514] {strides = array<i32>} : memref<4x8x2x8x128xf32, #tpu.memory_space<vmem>>, vector<1x1x1x1x16xf32>,
        %swap3A_516 = vector.shape_cast %swap3A_515 : vector<1x1x1x1x16xf32> to vector<16xf32>
        %swap3A_517 = vector.shape_cast %mul3A_506 : vector<16xf32> to vector<1x1x1x1x16xf32>
        tpu.vector_store %arg4[%swap3A_510, %swap3A_511, %swap3A_512, %swap3A_513, %swap3A_514], %swap3A_517 {strides = array<i32>} : memref<4x8x2x8x128xf32, #tpu.memory_space<vmem>>, vector<1x1x1x1x16xf32>,
        %get3A_518 = arith.constant 0 : i32
        %get3A_519 = arith.constant 0 : i32
        %get3A_520 = arith.constant 4 : i32
        %get3A_521 = arith.index_cast %get3A_518 : i32 to index
        %get3A_522 = arith.index_cast %get3A_519 : i32 to index
        %get3A_523 = arith.index_cast %select_n3A : i32 to index
        %get3A_524 = arith.index_cast %get3A_520 : i32 to index
        %get3A_525 = arith.index_cast %mul3A_443 : i32 to index
        %get3A_526 = tpu.vector_load %arg4[%get3A_521, %get3A_522, %get3A_523, %get3A_524, %get3A_525] {strides = array<i32>} : memref<4x8x2x8x128xf32, #tpu.memory_space<vmem>>, vector<1x1x1x1x16xf32>,
        %get3A_527 = vector.shape_cast %get3A_526 : vector<1x1x1x1x16xf32> to vector<16xf32>
        %mul3A_528 = arith.mulf %get3A_527, %get3A_452 : vector<16xf32>
        %swap3A_529 = arith.constant 0 : i32
        %swap3A_530 = arith.constant 0 : i32
        %swap3A_531 = arith.constant 4 : i32
        %swap3A_532 = arith.index_cast %swap3A_529 : i32 to index
        %swap3A_533 = arith.index_cast %swap3A_530 : i32 to index
        %swap3A_534 = arith.index_cast %select_n3A : i32 to index
        %swap3A_535 = arith.index_cast %swap3A_531 : i32 to index
        %swap3A_536 = arith.index_cast %mul3A_443 : i32 to index
        %swap3A_537 = tpu.vector_load %arg4[%swap3A_532, %swap3A_533, %swap3A_534, %swap3A_535, %swap3A_536] {strides = array<i32>} : memref<4x8x2x8x128xf32, #tpu.memory_space<vmem>>, vector<1x1x1x1x16xf32>,
        %swap3A_538 = vector.shape_cast %swap3A_537 : vector<1x1x1x1x16xf32> to vector<16xf32>
        %swap3A_539 = vector.shape_cast %mul3A_528 : vector<16xf32> to vector<1x1x1x1x16xf32>
        tpu.vector_store %arg4[%swap3A_532, %swap3A_533, %swap3A_534, %swap3A_535, %swap3A_536], %swap3A_539 {strides = array<i32>} : memref<4x8x2x8x128xf32, #tpu.memory_space<vmem>>, vector<1x1x1x1x16xf32>,
        %get3A_540 = arith.constant 0 : i32
        %get3A_541 = arith.constant 0 : i32
        %get3A_542 = arith.constant 5 : i32
        %get3A_543 = arith.index_cast %get3A_540 : i32 to index
        %get3A_544 = arith.index_cast %get3A_541 : i32 to index
        %get3A_545 = arith.index_cast %select_n3A : i32 to index
        %get3A_546 = arith.index_cast %get3A_542 : i32 to index
        %get3A_547 = arith.index_cast %mul3A_443 : i32 to index
        %get3A_548 = tpu.vector_load %arg4[%get3A_543, %get3A_544, %get3A_545, %get3A_546, %get3A_547] {strides = array<i32>} : memref<4x8x2x8x128xf32, #tpu.memory_space<vmem>>, vector<1x1x1x1x16xf32>,
        %get3A_549 = vector.shape_cast %get3A_548 : vector<1x1x1x1x16xf32> to vector<16xf32>
        %mul3A_550 = arith.mulf %get3A_549, %get3A_452 : vector<16xf32>
        %swap3A_551 = arith.constant 0 : i32
        %swap3A_552 = arith.constant 0 : i32
        %swap3A_553 = arith.constant 5 : i32
        %swap3A_554 = arith.index_cast %swap3A_551 : i32 to index
        %swap3A_555 = arith.index_cast %swap3A_552 : i32 to index
        %swap3A_556 = arith.index_cast %select_n3A : i32 to index
        %swap3A_557 = arith.index_cast %swap3A_553 : i32 to index
        %swap3A_558 = arith.index_cast %mul3A_443 : i32 to index
        %swap3A_559 = tpu.vector_load %arg4[%swap3A_554, %swap3A_555, %swap3A_556, %swap3A_557, %swap3A_558] {strides = array<i32>} : memref<4x8x2x8x128xf32, #tpu.memory_space<vmem>>, vector<1x1x1x1x16xf32>,
        %swap3A_560 = vector.shape_cast %swap3A_559 : vector<1x1x1x1x16xf32> to vector<16xf32>
        %swap3A_561 = vector.shape_cast %mul3A_550 : vector<16xf32> to vector<1x1x1x1x16xf32>
        tpu.vector_store %arg4[%swap3A_554, %swap3A_555, %swap3A_556, %swap3A_557, %swap3A_558], %swap3A_561 {strides = array<i32>} : memref<4x8x2x8x128xf32, #tpu.memory_space<vmem>>, vector<1x1x1x1x16xf32>,
        %get3A_562 = arith.constant 0 : i32
        %get3A_563 = arith.constant 0 : i32
        %get3A_564 = arith.constant 6 : i32
        %get3A_565 = arith.index_cast %get3A_562 : i32 to index
        %get3A_566 = arith.index_cast %get3A_563 : i32 to index
        %get3A_567 = arith.index_cast %select_n3A : i32 to index
        %get3A_568 = arith.index_cast %get3A_564 : i32 to index
        %get3A_569 = arith.index_cast %mul3A_443 : i32 to index
        %get3A_570 = tpu.vector_load %arg4[%get3A_565, %get3A_566, %get3A_567, %get3A_568, %get3A_569] {strides = array<i32>} : memref<4x8x2x8x128xf32, #tpu.memory_space<vmem>>, vector<1x1x1x1x16xf32>,
        %get3A_571 = vector.shape_cast %get3A_570 : vector<1x1x1x1x16xf32> to vector<16xf32>
        %mul3A_572 = arith.mulf %get3A_571, %get3A_452 : vector<16xf32>
        %swap3A_573 = arith.constant 0 : i32
        %swap3A_574 = arith.constant 0 : i32
        %swap3A_575 = arith.constant 6 : i32
        %swap3A_576 = arith.index_cast %swap3A_573 : i32 to index
        %swap3A_577 = arith.index_cast %swap3A_574 : i32 to index
        %swap3A_578 = arith.index_cast %select_n3A : i32 to index
        %swap3A_579 = arith.index_cast %swap3A_575 : i32 to index
        %swap3A_580 = arith.index_cast %mul3A_443 : i32 to index
        %swap3A_581 = tpu.vector_load %arg4[%swap3A_576, %swap3A_577, %swap3A_578, %swap3A_579, %swap3A_580] {strides = array<i32>} : memref<4x8x2x8x128xf32, #tpu.memory_space<vmem>>, vector<1x1x1x1x16xf32>,
        %swap3A_582 = vector.shape_cast %swap3A_581 : vector<1x1x1x1x16xf32> to vector<16xf32>
        %swap3A_583 = vector.shape_cast %mul3A_572 : vector<16xf32> to vector<1x1x1x1x16xf32>
        tpu.vector_store %arg4[%swap3A_576, %swap3A_577, %swap3A_578, %swap3A_579, %swap3A_580], %swap3A_583 {strides = array<i32>} : memref<4x8x2x8x128xf32, #tpu.memory_space<vmem>>, vector<1x1x1x1x16xf32>,
        %get3A_584 = arith.constant 0 : i32
        %get3A_585 = arith.constant 0 : i32
        %get3A_586 = arith.constant 7 : i32
        %get3A_587 = arith.index_cast %get3A_584 : i32 to index
        %get3A_588 = arith.index_cast %get3A_585 : i32 to index
        %get3A_589 = arith.index_cast %select_n3A : i32 to index
        %get3A_590 = arith.index_cast %get3A_586 : i32 to index
        %get3A_591 = arith.index_cast %mul3A_443 : i32 to index
        %get3A_592 = tpu.vector_load %arg4[%get3A_587, %get3A_588, %get3A_589, %get3A_590, %get3A_591] {strides = array<i32>} : memref<4x8x2x8x128xf32, #tpu.memory_space<vmem>>, vector<1x1x1x1x16xf32>,
        %get3A_593 = vector.shape_cast %get3A_592 : vector<1x1x1x1x16xf32> to vector<16xf32>
        %mul3A_594 = arith.mulf %get3A_593, %get3A_452 : vector<16xf32>
        %swap3A_595 = arith.constant 0 : i32
        %swap3A_596 = arith.constant 0 : i32
        %swap3A_597 = arith.constant 7 : i32
        %swap3A_598 = arith.index_cast %swap3A_595 : i32 to index
        %swap3A_599 = arith.index_cast %swap3A_596 : i32 to index
        %swap3A_600 = arith.index_cast %select_n3A : i32 to index
        %swap3A_601 = arith.index_cast %swap3A_597 : i32 to index
        %swap3A_602 = arith.index_cast %mul3A_443 : i32 to index
        %swap3A_603 = tpu.vector_load %arg4[%swap3A_598, %swap3A_599, %swap3A_600, %swap3A_601, %swap3A_602] {strides = array<i32>} : memref<4x8x2x8x128xf32, #tpu.memory_space<vmem>>, vector<1x1x1x1x16xf32>,
        %swap3A_604 = vector.shape_cast %swap3A_603 : vector<1x1x1x1x16xf32> to vector<16xf32>
        %swap3A_605 = vector.shape_cast %mul3A_594 : vector<16xf32> to vector<1x1x1x1x16xf32>
        tpu.vector_store %arg4[%swap3A_598, %swap3A_599, %swap3A_600, %swap3A_601, %swap3A_602], %swap3A_605 {strides = array<i32>} : memref<4x8x2x8x128xf32, #tpu.memory_space<vmem>>, vector<1x1x1x1x16xf32>,
        %get3A_606 = arith.constant 0 : i32
        %get3A_607 = arith.constant 1 : i32
        %get3A_608 = arith.constant 0 : i32
        %get3A_609 = arith.index_cast %get3A_606 : i32 to index
        %get3A_610 = arith.index_cast %get3A_607 : i32 to index
        %get3A_611 = arith.index_cast %select_n3A : i32 to index
        %get3A_612 = arith.index_cast %get3A_608 : i32 to index
        %get3A_613 = arith.index_cast %mul3A_443 : i32 to index
        %get3A_614 = tpu.vector_load %arg4[%get3A_609, %get3A_610, %get3A_611, %get3A_612, %get3A_613] {strides = array<i32>} : memref<4x8x2x8x128xf32, #tpu.memory_space<vmem>>, vector<1x1x1x1x16xf32>,
        %get3A_615 = vector.shape_cast %get3A_614 : vector<1x1x1x1x16xf32> to vector<16xf32>
        %mul3A_616 = arith.mulf %get3A_615, %get3A_452 : vector<16xf32>
        %swap3A_617 = arith.constant 0 : i32
        %swap3A_618 = arith.constant 1 : i32
        %swap3A_619 = arith.constant 0 : i32
        %swap3A_620 = arith.index_cast %swap3A_617 : i32 to index
        %swap3A_621 = arith.index_cast %swap3A_618 : i32 to index
        %swap3A_622 = arith.index_cast %select_n3A : i32 to index
        %swap3A_623 = arith.index_cast %swap3A_619 : i32 to index
        %swap3A_624 = arith.index_cast %mul3A_443 : i32 to index
        %swap3A_625 = tpu.vector_load %arg4[%swap3A_620, %swap3A_621, %swap3A_622, %swap3A_623, %swap3A_624] {strides = array<i32>} : memref<4x8x2x8x128xf32, #tpu.memory_space<vmem>>, vector<1x1x1x1x16xf32>,
        %swap3A_626 = vector.shape_cast %swap3A_625 : vector<1x1x1x1x16xf32> to vector<16xf32>
        %swap3A_627 = vector.shape_cast %mul3A_616 : vector<16xf32> to vector<1x1x1x1x16xf32>
        tpu.vector_store %arg4[%swap3A_620, %swap3A_621, %swap3A_622, %swap3A_623, %swap3A_624], %swap3A_627 {strides = array<i32>} : memref<4x8x2x8x128xf32, #tpu.memory_space<vmem>>, vector<1x1x1x1x16xf32>,
        %get3A_628 = arith.constant 0 : i32
        %get3A_629 = arith.constant 1 : i32
        %get3A_630 = arith.constant 1 : i32
        %get3A_631 = arith.index_cast %get3A_628 : i32 to index
        %get3A_632 = arith.index_cast %get3A_629 : i32 to index
        %get3A_633 = arith.index_cast %select_n3A : i32 to index
        %get3A_634 = arith.index_cast %get3A_630 : i32 to index
        %get3A_635 = arith.index_cast %mul3A_443 : i32 to index
        %get3A_636 = tpu.vector_load %arg4[%get3A_631, %get3A_632, %get3A_633, %get3A_634, %get3A_635] {strides = array<i32>} : memref<4x8x2x8x128xf32, #tpu.memory_space<vmem>>, vector<1x1x1x1x16xf32>,
        %get3A_637 = vector.shape_cast %get3A_636 : vector<1x1x1x1x16xf32> to vector<16xf32>
        %mul3A_638 = arith.mulf %get3A_637, %get3A_452 : vector<16xf32>
        %swap3A_639 = arith.constant 0 : i32
        %swap3A_640 = arith.constant 1 : i32
        %swap3A_641 = arith.constant 1 : i32
        %swap3A_642 = arith.index_cast %swap3A_639 : i32 to index
        %swap3A_643 = arith.index_cast %swap3A_640 : i32 to index
        %swap3A_644 = arith.index_cast %select_n3A : i32 to index
        %swap3A_645 = arith.index_cast %swap3A_641 : i32 to index
        %swap3A_646 = arith.index_cast %mul3A_443 : i32 to index
        %swap3A_647 = tpu.vector_load %arg4[%swap3A_642, %swap3A_643, %swap3A_644, %swap3A_645, %swap3A_646] {strides = array<i32>} : memref<4x8x2x8x128xf32, #tpu.memory_space<vmem>>, vector<1x1x1x1x16xf32>,
        %swap3A_648 = vector.shape_cast %swap3A_647 : vector<1x1x1x1x16xf32> to vector<16xf32>
        %swap3A_649 = vector.shape_cast %mul3A_638 : vector<16xf32> to vector<1x1x1x1x16xf32>
        tpu.vector_store %arg4[%swap3A_642, %swap3A_643, %swap3A_644, %swap3A_645, %swap3A_646], %swap3A_649 {strides = array<i32>} : memref<4x8x2x8x128xf32, #tpu.memory_space<vmem>>, vector<1x1x1x1x16xf32>,
        %get3A_650 = arith.constant 0 : i32
        %get3A_651 = arith.constant 1 : i32
        %get3A_652 = arith.constant 2 : i32
        %get3A_653 = arith.index_cast %get3A_650 : i32 to index
        %get3A_654 = arith.index_cast %get3A_651 : i32 to index
        %get3A_655 = arith.index_cast %select_n3A : i32 to index
        %get3A_656 = arith.index_cast %get3A_652 : i32 to index
        %get3A_657 = arith.index_cast %mul3A_443 : i32 to index
        %get3A_658 = tpu.vector_load %arg4[%get3A_653, %get3A_654, %get3A_655, %get3A_656, %get3A_657] {strides = array<i32>} : memref<4x8x2x8x128xf32, #tpu.memory_space<vmem>>, vector<1x1x1x1x16xf32>,
        %get3A_659 = vector.shape_cast %get3A_658 : vector<1x1x1x1x16xf32> to vector<16xf32>
        %mul3A_660 = arith.mulf %get3A_659, %get3A_452 : vector<16xf32>
        %swap3A_661 = arith.constant 0 : i32
        %swap3A_662 = arith.constant 1 : i32
        %swap3A_663 = arith.constant 2 : i32
        %swap3A_664 = arith.index_cast %swap3A_661 : i32 to index
        %swap3A_665 = arith.index_cast %swap3A_662 : i32 to index
        %swap3A_666 = arith.index_cast %select_n3A : i32 to index
        %swap3A_667 = arith.index_cast %swap3A_663 : i32 to index
        %swap3A_668 = arith.index_cast %mul3A_443 : i32 to index
        %swap3A_669 = tpu.vector_load %arg4[%swap3A_664, %swap3A_665, %swap3A_666, %swap3A_667, %swap3A_668] {strides = array<i32>} : memref<4x8x2x8x128xf32, #tpu.memory_space<vmem>>, vector<1x1x1x1x16xf32>,
        %swap3A_670 = vector.shape_cast %swap3A_669 : vector<1x1x1x1x16xf32> to vector<16xf32>
        %swap3A_671 = vector.shape_cast %mul3A_660 : vector<16xf32> to vector<1x1x1x1x16xf32>
        tpu.vector_store %arg4[%swap3A_664, %swap3A_665, %swap3A_666, %swap3A_667, %swap3A_668], %swap3A_671 {strides = array<i32>} : memref<4x8x2x8x128xf32, #tpu.memory_space<vmem>>, vector<1x1x1x1x16xf32>,
        %get3A_672 = arith.constant 0 : i32
        %get3A_673 = arith.constant 1 : i32
        %get3A_674 = arith.constant 3 : i32
        %get3A_675 = arith.index_cast %get3A_672 : i32 to index
        %get3A_676 = arith.index_cast %get3A_673 : i32 to index
        %get3A_677 = arith.index_cast %select_n3A : i32 to index
        %get3A_678 = arith.index_cast %get3A_674 : i32 to index
        %get3A_679 = arith.index_cast %mul3A_443 : i32 to index
        %get3A_680 = tpu.vector_load %arg4[%get3A_675, %get3A_676, %get3A_677, %get3A_678, %get3A_679] {strides = array<i32>} : memref<4x8x2x8x128xf32, #tpu.memory_space<vmem>>, vector<1x1x1x1x16xf32>,
        %get3A_681 = vector.shape_cast %get3A_680 : vector<1x1x1x1x16xf32> to vector<16xf32>
        %mul3A_682 = arith.mulf %get3A_681, %get3A_452 : vector<16xf32>
        %swap3A_683 = arith.constant 0 : i32
        %swap3A_684 = arith.constant 1 : i32
        %swap3A_685 = arith.constant 3 : i32
        %swap3A_686 = arith.index_cast %swap3A_683 : i32 to index
        %swap3A_687 = arith.index_cast %swap3A_684 : i32 to index
        %swap3A_688 = arith.index_cast %select_n3A : i32 to index
        %swap3A_689 = arith.index_cast %swap3A_685 : i32 to index
        %swap3A_690 = arith.index_cast %mul3A_443 : i32 to index
        %swap3A_691 = tpu.vector_load %arg4[%swap3A_686, %swap3A_687, %swap3A_688, %swap3A_689, %swap3A_690] {strides = array<i32>} : memref<4x8x2x8x128xf32, #tpu.memory_space<vmem>>, vector<1x1x1x1x16xf32>,
        %swap3A_692 = vector.shape_cast %swap3A_691 : vector<1x1x1x1x16xf32> to vector<16xf32>
        %swap3A_693 = vector.shape_cast %mul3A_682 : vector<16xf32> to vector<1x1x1x1x16xf32>
        tpu.vector_store %arg4[%swap3A_686, %swap3A_687, %swap3A_688, %swap3A_689, %swap3A_690], %swap3A_693 {strides = array<i32>} : memref<4x8x2x8x128xf32, #tpu.memory_space<vmem>>, vector<1x1x1x1x16xf32>,
        %get3A_694 = arith.constant 0 : i32
        %get3A_695 = arith.constant 1 : i32
        %get3A_696 = arith.constant 4 : i32
        %get3A_697 = arith.index_cast %get3A_694 : i32 to index
        %get3A_698 = arith.index_cast %get3A_695 : i32 to index
        %get3A_699 = arith.index_cast %select_n3A : i32 to index
        %get3A_700 = arith.index_cast %get3A_696 : i32 to index
        %get3A_701 = arith.index_cast %mul3A_443 : i32 to index
        %get3A_702 = tpu.vector_load %arg4[%get3A_697, %get3A_698, %get3A_699, %get3A_700, %get3A_701] {strides = array<i32>} : memref<4x8x2x8x128xf32, #tpu.memory_space<vmem>>, vector<1x1x1x1x16xf32>,
        %get3A_703 = vector.shape_cast %get3A_702 : vector<1x1x1x1x16xf32> to vector<16xf32>
        %mul3A_704 = arith.mulf %get3A_703, %get3A_452 : vector<16xf32>
        %swap3A_705 = arith.constant 0 : i32
        %swap3A_706 = arith.constant 1 : i32
        %swap3A_707 = arith.constant 4 : i32
        %swap3A_708 = arith.index_cast %swap3A_705 : i32 to index
        %swap3A_709 = arith.index_cast %swap3A_706 : i32 to index
        %swap3A_710 = arith.index_cast %select_n3A : i32 to index
        %swap3A_711 = arith.index_cast %swap3A_707 : i32 to index
        %swap3A_712 = arith.index_cast %mul3A_443 : i32 to index
        %swap3A_713 = tpu.vector_load %arg4[%swap3A_708, %swap3A_709, %swap3A_710, %swap3A_711, %swap3A_712] {strides = array<i32>} : memref<4x8x2x8x128xf32, #tpu.memory_space<vmem>>, vector<1x1x1x1x16xf32>,
        %swap3A_714 = vector.shape_cast %swap3A_713 : vector<1x1x1x1x16xf32> to vector<16xf32>
        %swap3A_715 = vector.shape_cast %mul3A_704 : vector<16xf32> to vector<1x1x1x1x16xf32>
        tpu.vector_store %arg4[%swap3A_708, %swap3A_709, %swap3A_710, %swap3A_711, %swap3A_712], %swap3A_715 {strides = array<i32>} : memref<4x8x2x8x128xf32, #tpu.memory_space<vmem>>, vector<1x1x1x1x16xf32>,
        %get3A_716 = arith.constant 0 : i32
        %get3A_717 = arith.constant 1 : i32
        %get3A_718 = arith.constant 5 : i32
        %get3A_719 = arith.index_cast %get3A_716 : i32 to index
        %get3A_720 = arith.index_cast %get3A_717 : i32 to index
        %get3A_721 = arith.index_cast %select_n3A : i32 to index
        %get3A_722 = arith.index_cast %get3A_718 : i32 to index
        %get3A_723 = arith.index_cast %mul3A_443 : i32 to index
        %get3A_724 = tpu.vector_load %arg4[%get3A_719, %get3A_720, %get3A_721, %get3A_722, %get3A_723] {strides = array<i32>} : memref<4x8x2x8x128xf32, #tpu.memory_space<vmem>>, vector<1x1x1x1x16xf32>,
        %get3A_725 = vector.shape_cast %get3A_724 : vector<1x1x1x1x16xf32> to vector<16xf32>
        %mul3A_726 = arith.mulf %get3A_725, %get3A_452 : vector<16xf32>
        %swap3A_727 = arith.constant 0 : i32
        %swap3A_728 = arith.constant 1 : i32
        %swap3A_729 = arith.constant 5 : i32
        %swap3A_730 = arith.index_cast %swap3A_727 : i32 to index
        %swap3A_731 = arith.index_cast %swap3A_728 : i32 to index
        %swap3A_732 = arith.index_cast %select_n3A : i32 to index
        %swap3A_733 = arith.index_cast %swap3A_729 : i32 to index
        %swap3A_734 = arith.index_cast %mul3A_443 : i32 to index
        %swap3A_735 = tpu.vector_load %arg4[%swap3A_730, %swap3A_731, %swap3A_732, %swap3A_733, %swap3A_734] {strides = array<i32>} : memref<4x8x2x8x128xf32, #tpu.memory_space<vmem>>, vector<1x1x1x1x16xf32>,
        %swap3A_736 = vector.shape_cast %swap3A_735 : vector<1x1x1x1x16xf32> to vector<16xf32>
        %swap3A_737 = vector.shape_cast %mul3A_726 : vector<16xf32> to vector<1x1x1x1x16xf32>
        tpu.vector_store %arg4[%swap3A_730, %swap3A_731, %swap3A_732, %swap3A_733, %swap3A_734], %swap3A_737 {strides = array<i32>} : memref<4x8x2x8x128xf32, #tpu.memory_space<vmem>>, vector<1x1x1x1x16xf32>,
        %get3A_738 = arith.constant 0 : i32
        %get3A_739 = arith.constant 1 : i32
        %get3A_740 = arith.constant 6 : i32
        %get3A_741 = arith.index_cast %get3A_738 : i32 to index
        %get3A_742 = arith.index_cast %get3A_739 : i32 to index
        %get3A_743 = arith.index_cast %select_n3A : i32 to index
        %get3A_744 = arith.index_cast %get3A_740 : i32 to index
        %get3A_745 = arith.index_cast %mul3A_443 : i32 to index
        %get3A_746 = tpu.vector_load %arg4[%get3A_741, %get3A_742, %get3A_743, %get3A_744, %get3A_745] {strides = array<i32>} : memref<4x8x2x8x128xf32, #tpu.memory_space<vmem>>, vector<1x1x1x1x16xf32>,
        %get3A_747 = vector.shape_cast %get3A_746 : vector<1x1x1x1x16xf32> to vector<16xf32>
        %mul3A_748 = arith.mulf %get3A_747, %get3A_452 : vector<16xf32>
        %swap3A_749 = arith.constant 0 : i32
        %swap3A_750 = arith.constant 1 : i32
        %swap3A_751 = arith.constant 6 : i32
        %swap3A_752 = arith.index_cast %swap3A_749 : i32 to index
        %swap3A_753 = arith.index_cast %swap3A_750 : i32 to index
        %swap3A_754 = arith.index_cast %select_n3A : i32 to index
        %swap3A_755 = arith.index_cast %swap3A_751 : i32 to index
        %swap3A_756 = arith.index_cast %mul3A_443 : i32 to index
        %swap3A_757 = tpu.vector_load %arg4[%swap3A_752, %swap3A_753, %swap3A_754, %swap3A_755, %swap3A_756] {strides = array<i32>} : memref<4x8x2x8x128xf32, #tpu.memory_space<vmem>>, vector<1x1x1x1x16xf32>,
        %swap3A_758 = vector.shape_cast %swap3A_757 : vector<1x1x1x1x16xf32> to vector<16xf32>
        %swap3A_759 = vector.shape_cast %mul3A_748 : vector<16xf32> to vector<1x1x1x1x16xf32>
        tpu.vector_store %arg4[%swap3A_752, %swap3A_753, %swap3A_754, %swap3A_755, %swap3A_756], %swap3A_759 {strides = array<i32>} : memref<4x8x2x8x128xf32, #tpu.memory_space<vmem>>, vector<1x1x1x1x16xf32>,
        %get3A_760 = arith.constant 0 : i32
        %get3A_761 = arith.constant 1 : i32
        %get3A_762 = arith.constant 7 : i32
        %get3A_763 = arith.index_cast %get3A_760 : i32 to index
        %get3A_764 = arith.index_cast %get3A_761 : i32 to index
        %get3A_765 = arith.index_cast %select_n3A : i32 to index
        %get3A_766 = arith.index_cast %get3A_762 : i32 to index
        %get3A_767 = arith.index_cast %mul3A_443 : i32 to index
        %get3A_768 = tpu.vector_load %arg4[%get3A_763, %get3A_764, %get3A_765, %get3A_766, %get3A_767] {strides = array<i32>} : memref<4x8x2x8x128xf32, #tpu.memory_space<vmem>>, vector<1x1x1x1x16xf32>,
        %get3A_769 = vector.shape_cast %get3A_768 : vector<1x1x1x1x16xf32> to vector<16xf32>
        %mul3A_770 = arith.mulf %get3A_769, %get3A_452 : vector<16xf32>
        %swap3A_771 = arith.constant 0 : i32
        %swap3A_772 = arith.constant 1 : i32
        %swap3A_773 = arith.constant 7 : i32
        %swap3A_774 = arith.index_cast %swap3A_771 : i32 to index
        %swap3A_775 = arith.index_cast %swap3A_772 : i32 to index
        %swap3A_776 = arith.index_cast %select_n3A : i32 to index
        %swap3A_777 = arith.index_cast %swap3A_773 : i32 to index
        %swap3A_778 = arith.index_cast %mul3A_443 : i32 to index
        %swap3A_779 = tpu.vector_load %arg4[%swap3A_774, %swap3A_775, %swap3A_776, %swap3A_777, %swap3A_778] {strides = array<i32>} : memref<4x8x2x8x128xf32, #tpu.memory_space<vmem>>, vector<1x1x1x1x16xf32>,
        %swap3A_780 = vector.shape_cast %swap3A_779 : vector<1x1x1x1x16xf32> to vector<16xf32>
        %swap3A_781 = vector.shape_cast %mul3A_770 : vector<16xf32> to vector<1x1x1x1x16xf32>
        tpu.vector_store %arg4[%swap3A_774, %swap3A_775, %swap3A_776, %swap3A_777, %swap3A_778], %swap3A_781 {strides = array<i32>} : memref<4x8x2x8x128xf32, #tpu.memory_space<vmem>>, vector<1x1x1x1x16xf32>,
        %get3A_782 = arith.constant 0 : i32
        %get3A_783 = arith.constant 2 : i32
        %get3A_784 = arith.constant 0 : i32
        %get3A_785 = arith.index_cast %get3A_782 : i32 to index
        %get3A_786 = arith.index_cast %get3A_783 : i32 to index
        %get3A_787 = arith.index_cast %select_n3A : i32 to index
        %get3A_788 = arith.index_cast %get3A_784 : i32 to index
        %get3A_789 = arith.index_cast %mul3A_443 : i32 to index
        %get3A_790 = tpu.vector_load %arg4[%get3A_785, %get3A_786, %get3A_787, %get3A_788, %get3A_789] {strides = array<i32>} : memref<4x8x2x8x128xf32, #tpu.memory_space<vmem>>, vector<1x1x1x1x16xf32>,
        %get3A_791 = vector.shape_cast %get3A_790 : vector<1x1x1x1x16xf32> to vector<16xf32>
        %mul3A_792 = arith.mulf %get3A_791, %get3A_452 : vector<16xf32>
        %swap3A_793 = arith.constant 0 : i32
        %swap3A_794 = arith.constant 2 : i32
        %swap3A_795 = arith.constant 0 : i32
        %swap3A_796 = arith.index_cast %swap3A_793 : i32 to index
        %swap3A_797 = arith.index_cast %swap3A_794 : i32 to index
        %swap3A_798 = arith.index_cast %select_n3A : i32 to index
        %swap3A_799 = arith.index_cast %swap3A_795 : i32 to index
        %swap3A_800 = arith.index_cast %mul3A_443 : i32 to index
        %swap3A_801 = tpu.vector_load %arg4[%swap3A_796, %swap3A_797, %swap3A_798, %swap3A_799, %swap3A_800] {strides = array<i32>} : memref<4x8x2x8x128xf32, #tpu.memory_space<vmem>>, vector<1x1x1x1x16xf32>,
        %swap3A_802 = vector.shape_cast %swap3A_801 : vector<1x1x1x1x16xf32> to vector<16xf32>
        %swap3A_803 = vector.shape_cast %mul3A_792 : vector<16xf32> to vector<1x1x1x1x16xf32>
        tpu.vector_store %arg4[%swap3A_796, %swap3A_797, %swap3A_798, %swap3A_799, %swap3A_800], %swap3A_803 {strides = array<i32>} : memref<4x8x2x8x128xf32, #tpu.memory_space<vmem>>, vector<1x1x1x1x16xf32>,
        %get3A_804 = arith.constant 0 : i32
        %get3A_805 = arith.constant 2 : i32
        %get3A_806 = arith.constant 1 : i32
        %get3A_807 = arith.index_cast %get3A_804 : i32 to index
        %get3A_808 = arith.index_cast %get3A_805 : i32 to index
        %get3A_809 = arith.index_cast %select_n3A : i32 to index
        %get3A_810 = arith.index_cast %get3A_806 : i32 to index
        %get3A_811 = arith.index_cast %mul3A_443 : i32 to index
        %get3A_812 = tpu.vector_load %arg4[%get3A_807, %get3A_808, %get3A_809, %get3A_810, %get3A_811] {strides = array<i32>} : memref<4x8x2x8x128xf32, #tpu.memory_space<vmem>>, vector<1x1x1x1x16xf32>,
        %get3A_813 = vector.shape_cast %get3A_812 : vector<1x1x1x1x16xf32> to vector<16xf32>
        %mul3A_814 = arith.mulf %get3A_813, %get3A_452 : vector<16xf32>
        %swap3A_815 = arith.constant 0 : i32
        %swap3A_816 = arith.constant 2 : i32
        %swap3A_817 = arith.constant 1 : i32
        %swap3A_818 = arith.index_cast %swap3A_815 : i32 to index
        %swap3A_819 = arith.index_cast %swap3A_816 : i32 to index
        %swap3A_820 = arith.index_cast %select_n3A : i32 to index
        %swap3A_821 = arith.index_cast %swap3A_817 : i32 to index
        %swap3A_822 = arith.index_cast %mul3A_443 : i32 to index
        %swap3A_823 = tpu.vector_load %arg4[%swap3A_818, %swap3A_819, %swap3A_820, %swap3A_821, %swap3A_822] {strides = array<i32>} : memref<4x8x2x8x128xf32, #tpu.memory_space<vmem>>, vector<1x1x1x1x16xf32>,
        %swap3A_824 = vector.shape_cast %swap3A_823 : vector<1x1x1x1x16xf32> to vector<16xf32>
        %swap3A_825 = vector.shape_cast %mul3A_814 : vector<16xf32> to vector<1x1x1x1x16xf32>
        tpu.vector_store %arg4[%swap3A_818, %swap3A_819, %swap3A_820, %swap3A_821, %swap3A_822], %swap3A_825 {strides = array<i32>} : memref<4x8x2x8x128xf32, #tpu.memory_space<vmem>>, vector<1x1x1x1x16xf32>,
        %get3A_826 = arith.constant 0 : i32
        %get3A_827 = arith.constant 2 : i32
        %get3A_828 = arith.constant 2 : i32
        %get3A_829 = arith.index_cast %get3A_826 : i32 to index
        %get3A_830 = arith.index_cast %get3A_827 : i32 to index
        %get3A_831 = arith.index_cast %select_n3A : i32 to index
        %get3A_832 = arith.index_cast %get3A_828 : i32 to index
        %get3A_833 = arith.index_cast %mul3A_443 : i32 to index
        %get3A_834 = tpu.vector_load %arg4[%get3A_829, %get3A_830, %get3A_831, %get3A_832, %get3A_833] {strides = array<i32>} : memref<4x8x2x8x128xf32, #tpu.memory_space<vmem>>, vector<1x1x1x1x16xf32>,
        %get3A_835 = vector.shape_cast %get3A_834 : vector<1x1x1x1x16xf32> to vector<16xf32>
        %mul3A_836 = arith.mulf %get3A_835, %get3A_452 : vector<16xf32>
        %swap3A_837 = arith.constant 0 : i32
        %swap3A_838 = arith.constant 2 : i32
        %swap3A_839 = arith.constant 2 : i32
        %swap3A_840 = arith.index_cast %swap3A_837 : i32 to index
        %swap3A_841 = arith.index_cast %swap3A_838 : i32 to index
        %swap3A_842 = arith.index_cast %select_n3A : i32 to index
        %swap3A_843 = arith.index_cast %swap3A_839 : i32 to index
        %swap3A_844 = arith.index_cast %mul3A_443 : i32 to index
        %swap3A_845 = tpu.vector_load %arg4[%swap3A_840, %swap3A_841, %swap3A_842, %swap3A_843, %swap3A_844] {strides = array<i32>} : memref<4x8x2x8x128xf32, #tpu.memory_space<vmem>>, vector<1x1x1x1x16xf32>,
        %swap3A_846 = vector.shape_cast %swap3A_845 : vector<1x1x1x1x16xf32> to vector<16xf32>
        %swap3A_847 = vector.shape_cast %mul3A_836 : vector<16xf32> to vector<1x1x1x1x16xf32>
        tpu.vector_store %arg4[%swap3A_840, %swap3A_841, %swap3A_842, %swap3A_843, %swap3A_844], %swap3A_847 {strides = array<i32>} : memref<4x8x2x8x128xf32, #tpu.memory_space<vmem>>, vector<1x1x1x1x16xf32>,
        %get3A_848 = arith.constant 0 : i32
        %get3A_849 = arith.constant 2 : i32
        %get3A_850 = arith.constant 3 : i32
        %get3A_851 = arith.index_cast %get3A_848 : i32 to index
        %get3A_852 = arith.index_cast %get3A_849 : i32 to index
        %get3A_853 = arith.index_cast %select_n3A : i32 to index
        %get3A_854 = arith.index_cast %get3A_850 : i32 to index
        %get3A_855 = arith.index_cast %mul3A_443 : i32 to index
        %get3A_856 = tpu.vector_load %arg4[%get3A_851, %get3A_852, %get3A_853, %get3A_854, %get3A_855] {strides = array<i32>} : memref<4x8x2x8x128xf32, #tpu.memory_space<vmem>>, vector<1x1x1x1x16xf32>,
        %get3A_857 = vector.shape_cast %get3A_856 : vector<1x1x1x1x16xf32> to vector<16xf32>
        %mul3A_858 = arith.mulf %get3A_857, %get3A_452 : vector<16xf32>
        %swap3A_859 = arith.constant 0 : i32
        %swap3A_860 = arith.constant 2 : i32
        %swap3A_861 = arith.constant 3 : i32
        %swap3A_862 = arith.index_cast %swap3A_859 : i32 to index
        %swap3A_863 = arith.index_cast %swap3A_860 : i32 to index
        %swap3A_864 = arith.index_cast %select_n3A : i32 to index
        %swap3A_865 = arith.index_cast %swap3A_861 : i32 to index
        %swap3A_866 = arith.index_cast %mul3A_443 : i32 to index
        %swap3A_867 = tpu.vector_load %arg4[%swap3A_862, %swap3A_863, %swap3A_864, %swap3A_865, %swap3A_866] {strides = array<i32>} : memref<4x8x2x8x128xf32, #tpu.memory_space<vmem>>, vector<1x1x1x1x16xf32>,
        %swap3A_868 = vector.shape_cast %swap3A_867 : vector<1x1x1x1x16xf32> to vector<16xf32>
        %swap3A_869 = vector.shape_cast %mul3A_858 : vector<16xf32> to vector<1x1x1x1x16xf32>
        tpu.vector_store %arg4[%swap3A_862, %swap3A_863, %swap3A_864, %swap3A_865, %swap3A_866], %swap3A_869 {strides = array<i32>} : memref<4x8x2x8x128xf32, #tpu.memory_space<vmem>>, vector<1x1x1x1x16xf32>,
        %get3A_870 = arith.constant 0 : i32
        %get3A_871 = arith.constant 2 : i32
        %get3A_872 = arith.constant 4 : i32
        %get3A_873 = arith.index_cast %get3A_870 : i32 to index
        %get3A_874 = arith.index_cast %get3A_871 : i32 to index
        %get3A_875 = arith.index_cast %select_n3A : i32 to index
        %get3A_876 = arith.index_cast %get3A_872 : i32 to index
        %get3A_877 = arith.index_cast %mul3A_443 : i32 to index
        %get3A_878 = tpu.vector_load %arg4[%get3A_873, %get3A_874, %get3A_875, %get3A_876, %get3A_877] {strides = array<i32>} : memref<4x8x2x8x128xf32, #tpu.memory_space<vmem>>, vector<1x1x1x1x16xf32>,
        %get3A_879 = vector.shape_cast %get3A_878 : vector<1x1x1x1x16xf32> to vector<16xf32>
        %mul3A_880 = arith.mulf %get3A_879, %get3A_452 : vector<16xf32>
        %swap3A_881 = arith.constant 0 : i32
        %swap3A_882 = arith.constant 2 : i32
        %swap3A_883 = arith.constant 4 : i32
        %swap3A_884 = arith.index_cast %swap3A_881 : i32 to index
        %swap3A_885 = arith.index_cast %swap3A_882 : i32 to index
        %swap3A_886 = arith.index_cast %select_n3A : i32 to index
        %swap3A_887 = arith.index_cast %swap3A_883 : i32 to index
        %swap3A_888 = arith.index_cast %mul3A_443 : i32 to index
        %swap3A_889 = tpu.vector_load %arg4[%swap3A_884, %swap3A_885, %swap3A_886, %swap3A_887, %swap3A_888] {strides = array<i32>} : memref<4x8x2x8x128xf32, #tpu.memory_space<vmem>>, vector<1x1x1x1x16xf32>,
        %swap3A_890 = vector.shape_cast %swap3A_889 : vector<1x1x1x1x16xf32> to vector<16xf32>
        %swap3A_891 = vector.shape_cast %mul3A_880 : vector<16xf32> to vector<1x1x1x1x16xf32>
        tpu.vector_store %arg4[%swap3A_884, %swap3A_885, %swap3A_886, %swap3A_887, %swap3A_888], %swap3A_891 {strides = array<i32>} : memref<4x8x2x8x128xf32, #tpu.memory_space<vmem>>, vector<1x1x1x1x16xf32>,
        %get3A_892 = arith.constant 0 : i32
        %get3A_893 = arith.constant 2 : i32
        %get3A_894 = arith.constant 5 : i32
        %get3A_895 = arith.index_cast %get3A_892 : i32 to index
        %get3A_896 = arith.index_cast %get3A_893 : i32 to index
        %get3A_897 = arith.index_cast %select_n3A : i32 to index
        %get3A_898 = arith.index_cast %get3A_894 : i32 to index
        %get3A_899 = arith.index_cast %mul3A_443 : i32 to index
        %get3A_900 = tpu.vector_load %arg4[%get3A_895, %get3A_896, %get3A_897, %get3A_898, %get3A_899] {strides = array<i32>} : memref<4x8x2x8x128xf32, #tpu.memory_space<vmem>>, vector<1x1x1x1x16xf32>,
        %get3A_901 = vector.shape_cast %get3A_900 : vector<1x1x1x1x16xf32> to vector<16xf32>
        %mul3A_902 = arith.mulf %get3A_901, %get3A_452 : vector<16xf32>
        %swap3A_903 = arith.constant 0 : i32
        %swap3A_904 = arith.constant 2 : i32
        %swap3A_905 = arith.constant 5 : i32
        %swap3A_906 = arith.index_cast %swap3A_903 : i32 to index
        %swap3A_907 = arith.index_cast %swap3A_904 : i32 to index
        %swap3A_908 = arith.index_cast %select_n3A : i32 to index
        %swap3A_909 = arith.index_cast %swap3A_905 : i32 to index
        %swap3A_910 = arith.index_cast %mul3A_443 : i32 to index
        %swap3A_911 = tpu.vector_load %arg4[%swap3A_906, %swap3A_907, %swap3A_908, %swap3A_909, %swap3A_910] {strides = array<i32>} : memref<4x8x2x8x128xf32, #tpu.memory_space<vmem>>, vector<1x1x1x1x16xf32>,
        %swap3A_912 = vector.shape_cast %swap3A_911 : vector<1x1x1x1x16xf32> to vector<16xf32>
        %swap3A_913 = vector.shape_cast %mul3A_902 : vector<16xf32> to vector<1x1x1x1x16xf32>
        tpu.vector_store %arg4[%swap3A_906, %swap3A_907, %swap3A_908, %swap3A_909, %swap3A_910], %swap3A_913 {strides = array<i32>} : memref<4x8x2x8x128xf32, #tpu.memory_space<vmem>>, vector<1x1x1x1x16xf32>,
        %get3A_914 = arith.constant 0 : i32
        %get3A_915 = arith.constant 2 : i32
        %get3A_916 = arith.constant 6 : i32
        %get3A_917 = arith.index_cast %get3A_914 : i32 to index
        %get3A_918 = arith.index_cast %get3A_915 : i32 to index
        %get3A_919 = arith.index_cast %select_n3A : i32 to index
        %get3A_920 = arith.index_cast %get3A_916 : i32 to index
        %get3A_921 = arith.index_cast %mul3A_443 : i32 to index
        %get3A_922 = tpu.vector_load %arg4[%get3A_917, %get3A_918, %get3A_919, %get3A_920, %get3A_921] {strides = array<i32>} : memref<4x8x2x8x128xf32, #tpu.memory_space<vmem>>, vector<1x1x1x1x16xf32>,
        %get3A_923 = vector.shape_cast %get3A_922 : vector<1x1x1x1x16xf32> to vector<16xf32>
        %mul3A_924 = arith.mulf %get3A_923, %get3A_452 : vector<16xf32>
        %swap3A_925 = arith.constant 0 : i32
        %swap3A_926 = arith.constant 2 : i32
        %swap3A_927 = arith.constant 6 : i32
        %swap3A_928 = arith.index_cast %swap3A_925 : i32 to index
        %swap3A_929 = arith.index_cast %swap3A_926 : i32 to index
        %swap3A_930 = arith.index_cast %select_n3A : i32 to index
        %swap3A_931 = arith.index_cast %swap3A_927 : i32 to index
        %swap3A_932 = arith.index_cast %mul3A_443 : i32 to index
        %swap3A_933 = tpu.vector_load %arg4[%swap3A_928, %swap3A_929, %swap3A_930, %swap3A_931, %swap3A_932] {strides = array<i32>} : memref<4x8x2x8x128xf32, #tpu.memory_space<vmem>>, vector<1x1x1x1x16xf32>,
        %swap3A_934 = vector.shape_cast %swap3A_933 : vector<1x1x1x1x16xf32> to vector<16xf32>
        %swap3A_935 = vector.shape_cast %mul3A_924 : vector<16xf32> to vector<1x1x1x1x16xf32>
        tpu.vector_store %arg4[%swap3A_928, %swap3A_929, %swap3A_930, %swap3A_931, %swap3A_932], %swap3A_935 {strides = array<i32>} : memref<4x8x2x8x128xf32, #tpu.memory_space<vmem>>, vector<1x1x1x1x16xf32>,
        %get3A_936 = arith.constant 0 : i32
        %get3A_937 = arith.constant 2 : i32
        %get3A_938 = arith.constant 7 : i32
        %get3A_939 = arith.index_cast %get3A_936 : i32 to index
        %get3A_940 = arith.index_cast %get3A_937 : i32 to index
        %get3A_941 = arith.index_cast %select_n3A : i32 to index
        %get3A_942 = arith.index_cast %get3A_938 : i32 to index
        %get3A_943 = arith.index_cast %mul3A_443 : i32 to index
        %get3A_944 = tpu.vector_load %arg4[%get3A_939, %get3A_940, %get3A_941, %get3A_942, %get3A_943] {strides = array<i32>} : memref<4x8x2x8x128xf32, #tpu.memory_space<vmem>>, vector<1x1x1x1x16xf32>,
        %get3A_945 = vector.shape_cast %get3A_944 : vector<1x1x1x1x16xf32> to vector<16xf32>
        %mul3A_946 = arith.mulf %get3A_945, %get3A_452 : vector<16xf32>
        %swap3A_947 = arith.constant 0 : i32
        %swap3A_948 = arith.constant 2 : i32
        %swap3A_949 = arith.constant 7 : i32
        %swap3A_950 = arith.index_cast %swap3A_947 : i32 to index
        %swap3A_951 = arith.index_cast %swap3A_948 : i32 to index
        %swap3A_952 = arith.index_cast %select_n3A : i32 to index
        %swap3A_953 = arith.index_cast %swap3A_949 : i32 to index
        %swap3A_954 = arith.index_cast %mul3A_443 : i32 to index
        %swap3A_955 = tpu.vector_load %arg4[%swap3A_950, %swap3A_951, %swap3A_952, %swap3A_953, %swap3A_954] {strides = array<i32>} : memref<4x8x2x8x128xf32, #tpu.memory_space<vmem>>, vector<1x1x1x1x16xf32>,
        %swap3A_956 = vector.shape_cast %swap3A_955 : vector<1x1x1x1x16xf32> to vector<16xf32>
        %swap3A_957 = vector.shape_cast %mul3A_946 : vector<16xf32> to vector<1x1x1x1x16xf32>
        tpu.vector_store %arg4[%swap3A_950, %swap3A_951, %swap3A_952, %swap3A_953, %swap3A_954], %swap3A_957 {strides = array<i32>} : memref<4x8x2x8x128xf32, #tpu.memory_space<vmem>>, vector<1x1x1x1x16xf32>,
        %get3A_958 = arith.constant 0 : i32
        %get3A_959 = arith.constant 3 : i32
        %get3A_960 = arith.constant 0 : i32
        %get3A_961 = arith.index_cast %get3A_958 : i32 to index
        %get3A_962 = arith.index_cast %get3A_959 : i32 to index
        %get3A_963 = arith.index_cast %select_n3A : i32 to index
        %get3A_964 = arith.index_cast %get3A_960 : i32 to index
        %get3A_965 = arith.index_cast %mul3A_443 : i32 to index
        %get3A_966 = tpu.vector_load %arg4[%get3A_961, %get3A_962, %get3A_963, %get3A_964, %get3A_965] {strides = array<i32>} : memref<4x8x2x8x128xf32, #tpu.memory_space<vmem>>, vector<1x1x1x1x16xf32>,
        %get3A_967 = vector.shape_cast %get3A_966 : vector<1x1x1x1x16xf32> to vector<16xf32>
        %mul3A_968 = arith.mulf %get3A_967, %get3A_452 : vector<16xf32>
        %swap3A_969 = arith.constant 0 : i32
        %swap3A_970 = arith.constant 3 : i32
        %swap3A_971 = arith.constant 0 : i32
        %swap3A_972 = arith.index_cast %swap3A_969 : i32 to index
        %swap3A_973 = arith.index_cast %swap3A_970 : i32 to index
        %swap3A_974 = arith.index_cast %select_n3A : i32 to index
        %swap3A_975 = arith.index_cast %swap3A_971 : i32 to index
        %swap3A_976 = arith.index_cast %mul3A_443 : i32 to index
        %swap3A_977 = tpu.vector_load %arg4[%swap3A_972, %swap3A_973, %swap3A_974, %swap3A_975, %swap3A_976] {strides = array<i32>} : memref<4x8x2x8x128xf32, #tpu.memory_space<vmem>>, vector<1x1x1x1x16xf32>,
        %swap3A_978 = vector.shape_cast %swap3A_977 : vector<1x1x1x1x16xf32> to vector<16xf32>
        %swap3A_979 = vector.shape_cast %mul3A_968 : vector<16xf32> to vector<1x1x1x1x16xf32>
        tpu.vector_store %arg4[%swap3A_972, %swap3A_973, %swap3A_974, %swap3A_975, %swap3A_976], %swap3A_979 {strides = array<i32>} : memref<4x8x2x8x128xf32, #tpu.memory_space<vmem>>, vector<1x1x1x1x16xf32>,
        %get3A_980 = arith.constant 0 : i32
        %get3A_981 = arith.constant 3 : i32
        %get3A_982 = arith.constant 1 : i32
        %get3A_983 = arith.index_cast %get3A_980 : i32 to index
        %get3A_984 = arith.index_cast %get3A_981 : i32 to index
        %get3A_985 = arith.index_cast %select_n3A : i32 to index
        %get3A_986 = arith.index_cast %get3A_982 : i32 to index
        %get3A_987 = arith.index_cast %mul3A_443 : i32 to index
        %get3A_988 = tpu.vector_load %arg4[%get3A_983, %get3A_984, %get3A_985, %get3A_986, %get3A_987] {strides = array<i32>} : memref<4x8x2x8x128xf32, #tpu.memory_space<vmem>>, vector<1x1x1x1x16xf32>,
        %get3A_989 = vector.shape_cast %get3A_988 : vector<1x1x1x1x16xf32> to vector<16xf32>
        %mul3A_990 = arith.mulf %get3A_989, %get3A_452 : vector<16xf32>
        %swap3A_991 = arith.constant 0 : i32
        %swap3A_992 = arith.constant 3 : i32
        %swap3A_993 = arith.constant 1 : i32
        %swap3A_994 = arith.index_cast %swap3A_991 : i32 to index
        %swap3A_995 = arith.index_cast %swap3A_992 : i32 to index
        %swap3A_996 = arith.index_cast %select_n3A : i32 to index
        %swap3A_997 = arith.index_cast %swap3A_993 : i32 to index
        %swap3A_998 = arith.index_cast %mul3A_443 : i32 to index
        %swap3A_999 = tpu.vector_load %arg4[%swap3A_994, %swap3A_995, %swap3A_996, %swap3A_997, %swap3A_998] {strides = array<i32>} : memref<4x8x2x8x128xf32, #tpu.memory_space<vmem>>, vector<1x1x1x1x16xf32>,
        %swap3A_1000 = vector.shape_cast %swap3A_999 : vector<1x1x1x1x16xf32> to vector<16xf32>
        %swap3A_1001 = vector.shape_cast %mul3A_990 : vector<16xf32> to vector<1x1x1x1x16xf32>
        tpu.vector_store %arg4[%swap3A_994, %swap3A_995, %swap3A_996, %swap3A_997, %swap3A_998], %swap3A_1001 {strides = array<i32>} : memref<4x8x2x8x128xf32, #tpu.memory_space<vmem>>, vector<1x1x1x1x16xf32>,
        %get3A_1002 = arith.constant 0 : i32
        %get3A_1003 = arith.constant 3 : i32
        %get3A_1004 = arith.constant 2 : i32
        %get3A_1005 = arith.index_cast %get3A_1002 : i32 to index
        %get3A_1006 = arith.index_cast %get3A_1003 : i32 to index
        %get3A_1007 = arith.index_cast %select_n3A : i32 to index
        %get3A_1008 = arith.index_cast %get3A_1004 : i32 to index
        %get3A_1009 = arith.index_cast %mul3A_443 : i32 to index
        %get3A_1010 = tpu.vector_load %arg4[%get3A_1005, %get3A_1006, %get3A_1007, %get3A_1008, %get3A_1009] {strides = array<i32>} : memref<4x8x2x8x128xf32, #tpu.memory_space<vmem>>, vector<1x1x1x1x16xf32>,
        %get3A_1011 = vector.shape_cast %get3A_1010 : vector<1x1x1x1x16xf32> to vector<16xf32>
        %mul3A_1012 = arith.mulf %get3A_1011, %get3A_452 : vector<16xf32>
        %swap3A_1013 = arith.constant 0 : i32
        %swap3A_1014 = arith.constant 3 : i32
        %swap3A_1015 = arith.constant 2 : i32
        %swap3A_1016 = arith.index_cast %swap3A_1013 : i32 to index
        %swap3A_1017 = arith.index_cast %swap3A_1014 : i32 to index
        %swap3A_1018 = arith.index_cast %select_n3A : i32 to index
        %swap3A_1019 = arith.index_cast %swap3A_1015 : i32 to index
        %swap3A_1020 = arith.index_cast %mul3A_443 : i32 to index
        %swap3A_1021 = tpu.vector_load %arg4[%swap3A_1016, %swap3A_1017, %swap3A_1018, %swap3A_1019, %swap3A_1020] {strides = array<i32>} : memref<4x8x2x8x128xf32, #tpu.memory_space<vmem>>, vector<1x1x1x1x16xf32>,
        %swap3A_1022 = vector.shape_cast %swap3A_1021 : vector<1x1x1x1x16xf32> to vector<16xf32>
        %swap3A_1023 = vector.shape_cast %mul3A_1012 : vector<16xf32> to vector<1x1x1x1x16xf32>
        tpu.vector_store %arg4[%swap3A_1016, %swap3A_1017, %swap3A_1018, %swap3A_1019, %swap3A_1020], %swap3A_1023 {strides = array<i32>} : memref<4x8x2x8x128xf32, #tpu.memory_space<vmem>>, vector<1x1x1x1x16xf32>,
        %get3A_1024 = arith.constant 0 : i32
        %get3A_1025 = arith.constant 3 : i32
        %get3A_1026 = arith.constant 3 : i32
        %get3A_1027 = arith.index_cast %get3A_1024 : i32 to index
        %get3A_1028 = arith.index_cast %get3A_1025 : i32 to index
        %get3A_1029 = arith.index_cast %select_n3A : i32 to index
        %get3A_1030 = arith.index_cast %get3A_1026 : i32 to index
        %get3A_1031 = arith.index_cast %mul3A_443 : i32 to index
        %get3A_1032 = tpu.vector_load %arg4[%get3A_1027, %get3A_1028, %get3A_1029, %get3A_1030, %get3A_1031] {strides = array<i32>} : memref<4x8x2x8x128xf32, #tpu.memory_space<vmem>>, vector<1x1x1x1x16xf32>,
        %get3A_1033 = vector.shape_cast %get3A_1032 : vector<1x1x1x1x16xf32> to vector<16xf32>
        %mul3A_1034 = arith.mulf %get3A_1033, %get3A_452 : vector<16xf32>
        %swap3A_1035 = arith.constant 0 : i32
        %swap3A_1036 = arith.constant 3 : i32
        %swap3A_1037 = arith.constant 3 : i32
        %swap3A_1038 = arith.index_cast %swap3A_1035 : i32 to index
        %swap3A_1039 = arith.index_cast %swap3A_1036 : i32 to index
        %swap3A_1040 = arith.index_cast %select_n3A : i32 to index
        %swap3A_1041 = arith.index_cast %swap3A_1037 : i32 to index
        %swap3A_1042 = arith.index_cast %mul3A_443 : i32 to index
        %swap3A_1043 = tpu.vector_load %arg4[%swap3A_1038, %swap3A_1039, %swap3A_1040, %swap3A_1041, %swap3A_1042] {strides = array<i32>} : memref<4x8x2x8x128xf32, #tpu.memory_space<vmem>>, vector<1x1x1x1x16xf32>,
        %swap3A_1044 = vector.shape_cast %swap3A_1043 : vector<1x1x1x1x16xf32> to vector<16xf32>
        %swap3A_1045 = vector.shape_cast %mul3A_1034 : vector<16xf32> to vector<1x1x1x1x16xf32>
        tpu.vector_store %arg4[%swap3A_1038, %swap3A_1039, %swap3A_1040, %swap3A_1041, %swap3A_1042], %swap3A_1045 {strides = array<i32>} : memref<4x8x2x8x128xf32, #tpu.memory_space<vmem>>, vector<1x1x1x1x16xf32>,
        %get3A_1046 = arith.constant 0 : i32
        %get3A_1047 = arith.constant 3 : i32
        %get3A_1048 = arith.constant 4 : i32
        %get3A_1049 = arith.index_cast %get3A_1046 : i32 to index
        %get3A_1050 = arith.index_cast %get3A_1047 : i32 to index
        %get3A_1051 = arith.index_cast %select_n3A : i32 to index
        %get3A_1052 = arith.index_cast %get3A_1048 : i32 to index
        %get3A_1053 = arith.index_cast %mul3A_443 : i32 to index
        %get3A_1054 = tpu.vector_load %arg4[%get3A_1049, %get3A_1050, %get3A_1051, %get3A_1052, %get3A_1053] {strides = array<i32>} : memref<4x8x2x8x128xf32, #tpu.memory_space<vmem>>, vector<1x1x1x1x16xf32>,
        %get3A_1055 = vector.shape_cast %get3A_1054 : vector<1x1x1x1x16xf32> to vector<16xf32>
        %mul3A_1056 = arith.mulf %get3A_1055, %get3A_452 : vector<16xf32>
        %swap3A_1057 = arith.constant 0 : i32
        %swap3A_1058 = arith.constant 3 : i32
        %swap3A_1059 = arith.constant 4 : i32
        %swap3A_1060 = arith.index_cast %swap3A_1057 : i32 to index
        %swap3A_1061 = arith.index_cast %swap3A_1058 : i32 to index
        %swap3A_1062 = arith.index_cast %select_n3A : i32 to index
        %swap3A_1063 = arith.index_cast %swap3A_1059 : i32 to index
        %swap3A_1064 = arith.index_cast %mul3A_443 : i32 to index
        %swap3A_1065 = tpu.vector_load %arg4[%swap3A_1060, %swap3A_1061, %swap3A_1062, %swap3A_1063, %swap3A_1064] {strides = array<i32>} : memref<4x8x2x8x128xf32, #tpu.memory_space<vmem>>, vector<1x1x1x1x16xf32>,
        %swap3A_1066 = vector.shape_cast %swap3A_1065 : vector<1x1x1x1x16xf32> to vector<16xf32>
        %swap3A_1067 = vector.shape_cast %mul3A_1056 : vector<16xf32> to vector<1x1x1x1x16xf32>
        tpu.vector_store %arg4[%swap3A_1060, %swap3A_1061, %swap3A_1062, %swap3A_1063, %swap3A_1064], %swap3A_1067 {strides = array<i32>} : memref<4x8x2x8x128xf32, #tpu.memory_space<vmem>>, vector<1x1x1x1x16xf32>,
        %get3A_1068 = arith.constant 0 : i32
        %get3A_1069 = arith.constant 3 : i32
        %get3A_1070 = arith.constant 5 : i32
        %get3A_1071 = arith.index_cast %get3A_1068 : i32 to index
        %get3A_1072 = arith.index_cast %get3A_1069 : i32 to index
        %get3A_1073 = arith.index_cast %select_n3A : i32 to index
        %get3A_1074 = arith.index_cast %get3A_1070 : i32 to index
        %get3A_1075 = arith.index_cast %mul3A_443 : i32 to index
        %get3A_1076 = tpu.vector_load %arg4[%get3A_1071, %get3A_1072, %get3A_1073, %get3A_1074, %get3A_1075] {strides = array<i32>} : memref<4x8x2x8x128xf32, #tpu.memory_space<vmem>>, vector<1x1x1x1x16xf32>,
        %get3A_1077 = vector.shape_cast %get3A_1076 : vector<1x1x1x1x16xf32> to vector<16xf32>
        %mul3A_1078 = arith.mulf %get3A_1077, %get3A_452 : vector<16xf32>
        %swap3A_1079 = arith.constant 0 : i32
        %swap3A_1080 = arith.constant 3 : i32
        %swap3A_1081 = arith.constant 5 : i32
        %swap3A_1082 = arith.index_cast %swap3A_1079 : i32 to index
        %swap3A_1083 = arith.index_cast %swap3A_1080 : i32 to index
        %swap3A_1084 = arith.index_cast %select_n3A : i32 to index
        %swap3A_1085 = arith.index_cast %swap3A_1081 : i32 to index
        %swap3A_1086 = arith.index_cast %mul3A_443 : i32 to index
        %swap3A_1087 = tpu.vector_load %arg4[%swap3A_1082, %swap3A_1083, %swap3A_1084, %swap3A_1085, %swap3A_1086] {strides = array<i32>} : memref<4x8x2x8x128xf32, #tpu.memory_space<vmem>>, vector<1x1x1x1x16xf32>,
        %swap3A_1088 = vector.shape_cast %swap3A_1087 : vector<1x1x1x1x16xf32> to vector<16xf32>
        %swap3A_1089 = vector.shape_cast %mul3A_1078 : vector<16xf32> to vector<1x1x1x1x16xf32>
        tpu.vector_store %arg4[%swap3A_1082, %swap3A_1083, %swap3A_1084, %swap3A_1085, %swap3A_1086], %swap3A_1089 {strides = array<i32>} : memref<4x8x2x8x128xf32, #tpu.memory_space<vmem>>, vector<1x1x1x1x16xf32>,
        %get3A_1090 = arith.constant 0 : i32
        %get3A_1091 = arith.constant 3 : i32
        %get3A_1092 = arith.constant 6 : i32
        %get3A_1093 = arith.index_cast %get3A_1090 : i32 to index
        %get3A_1094 = arith.index_cast %get3A_1091 : i32 to index
        %get3A_1095 = arith.index_cast %select_n3A : i32 to index
        %get3A_1096 = arith.index_cast %get3A_1092 : i32 to index
        %get3A_1097 = arith.index_cast %mul3A_443 : i32 to index
        %get3A_1098 = tpu.vector_load %arg4[%get3A_1093, %get3A_1094, %get3A_1095, %get3A_1096, %get3A_1097] {strides = array<i32>} : memref<4x8x2x8x128xf32, #tpu.memory_space<vmem>>, vector<1x1x1x1x16xf32>,
        %get3A_1099 = vector.shape_cast %get3A_1098 : vector<1x1x1x1x16xf32> to vector<16xf32>
        %mul3A_1100 = arith.mulf %get3A_1099, %get3A_452 : vector<16xf32>
        %swap3A_1101 = arith.constant 0 : i32
        %swap3A_1102 = arith.constant 3 : i32
        %swap3A_1103 = arith.constant 6 : i32
        %swap3A_1104 = arith.index_cast %swap3A_1101 : i32 to index
        %swap3A_1105 = arith.index_cast %swap3A_1102 : i32 to index
        %swap3A_1106 = arith.index_cast %select_n3A : i32 to index
        %swap3A_1107 = arith.index_cast %swap3A_1103 : i32 to index
        %swap3A_1108 = arith.index_cast %mul3A_443 : i32 to index
        %swap3A_1109 = tpu.vector_load %arg4[%swap3A_1104, %swap3A_1105, %swap3A_1106, %swap3A_1107, %swap3A_1108] {strides = array<i32>} : memref<4x8x2x8x128xf32, #tpu.memory_space<vmem>>, vector<1x1x1x1x16xf32>,
        %swap3A_1110 = vector.shape_cast %swap3A_1109 : vector<1x1x1x1x16xf32> to vector<16xf32>
        %swap3A_1111 = vector.shape_cast %mul3A_1100 : vector<16xf32> to vector<1x1x1x1x16xf32>
        tpu.vector_store %arg4[%swap3A_1104, %swap3A_1105, %swap3A_1106, %swap3A_1107, %swap3A_1108], %swap3A_1111 {strides = array<i32>} : memref<4x8x2x8x128xf32, #tpu.memory_space<vmem>>, vector<1x1x1x1x16xf32>,
        %get3A_1112 = arith.constant 0 : i32
        %get3A_1113 = arith.constant 3 : i32
        %get3A_1114 = arith.constant 7 : i32
        %get3A_1115 = arith.index_cast %get3A_1112 : i32 to index
        %get3A_1116 = arith.index_cast %get3A_1113 : i32 to index
        %get3A_1117 = arith.index_cast %select_n3A : i32 to index
        %get3A_1118 = arith.index_cast %get3A_1114 : i32 to index
        %get3A_1119 = arith.index_cast %mul3A_443 : i32 to index
        %get3A_1120 = tpu.vector_load %arg4[%get3A_1115, %get3A_1116, %get3A_1117, %get3A_1118, %get3A_1119] {strides = array<i32>} : memref<4x8x2x8x128xf32, #tpu.memory_space<vmem>>, vector<1x1x1x1x16xf32>,
        %get3A_1121 = vector.shape_cast %get3A_1120 : vector<1x1x1x1x16xf32> to vector<16xf32>
        %mul3A_1122 = arith.mulf %get3A_1121, %get3A_452 : vector<16xf32>
        %swap3A_1123 = arith.constant 0 : i32
        %swap3A_1124 = arith.constant 3 : i32
        %swap3A_1125 = arith.constant 7 : i32
        %swap3A_1126 = arith.index_cast %swap3A_1123 : i32 to index
        %swap3A_1127 = arith.index_cast %swap3A_1124 : i32 to index
        %swap3A_1128 = arith.index_cast %select_n3A : i32 to index
        %swap3A_1129 = arith.index_cast %swap3A_1125 : i32 to index
        %swap3A_1130 = arith.index_cast %mul3A_443 : i32 to index
        %swap3A_1131 = tpu.vector_load %arg4[%swap3A_1126, %swap3A_1127, %swap3A_1128, %swap3A_1129, %swap3A_1130] {strides = array<i32>} : memref<4x8x2x8x128xf32, #tpu.memory_space<vmem>>, vector<1x1x1x1x16xf32>,
        %swap3A_1132 = vector.shape_cast %swap3A_1131 : vector<1x1x1x1x16xf32> to vector<16xf32>
        %swap3A_1133 = vector.shape_cast %mul3A_1122 : vector<16xf32> to vector<1x1x1x1x16xf32>
        tpu.vector_store %arg4[%swap3A_1126, %swap3A_1127, %swap3A_1128, %swap3A_1129, %swap3A_1130], %swap3A_1133 {strides = array<i32>} : memref<4x8x2x8x128xf32, #tpu.memory_space<vmem>>, vector<1x1x1x1x16xf32>,
        %get3A_1134 = arith.constant 0 : i32
        %get3A_1135 = arith.constant 4 : i32
        %get3A_1136 = arith.constant 0 : i32
        %get3A_1137 = arith.index_cast %get3A_1134 : i32 to index
        %get3A_1138 = arith.index_cast %get3A_1135 : i32 to index
        %get3A_1139 = arith.index_cast %select_n3A : i32 to index
        %get3A_1140 = arith.index_cast %get3A_1136 : i32 to index
        %get3A_1141 = arith.index_cast %mul3A_443 : i32 to index
        %get3A_1142 = tpu.vector_load %arg4[%get3A_1137, %get3A_1138, %get3A_1139, %get3A_1140, %get3A_1141] {strides = array<i32>} : memref<4x8x2x8x128xf32, #tpu.memory_space<vmem>>, vector<1x1x1x1x16xf32>,
        %get3A_1143 = vector.shape_cast %get3A_1142 : vector<1x1x1x1x16xf32> to vector<16xf32>
        %mul3A_1144 = arith.mulf %get3A_1143, %get3A_452 : vector<16xf32>
        %swap3A_1145 = arith.constant 0 : i32
        %swap3A_1146 = arith.constant 4 : i32
        %swap3A_1147 = arith.constant 0 : i32
        %swap3A_1148 = arith.index_cast %swap3A_1145 : i32 to index
        %swap3A_1149 = arith.index_cast %swap3A_1146 : i32 to index
        %swap3A_1150 = arith.index_cast %select_n3A : i32 to index
        %swap3A_1151 = arith.index_cast %swap3A_1147 : i32 to index
        %swap3A_1152 = arith.index_cast %mul3A_443 : i32 to index
        %swap3A_1153 = tpu.vector_load %arg4[%swap3A_1148, %swap3A_1149, %swap3A_1150, %swap3A_1151, %swap3A_1152] {strides = array<i32>} : memref<4x8x2x8x128xf32, #tpu.memory_space<vmem>>, vector<1x1x1x1x16xf32>,
        %swap3A_1154 = vector.shape_cast %swap3A_1153 : vector<1x1x1x1x16xf32> to vector<16xf32>
        %swap3A_1155 = vector.shape_cast %mul3A_1144 : vector<16xf32> to vector<1x1x1x1x16xf32>
        tpu.vector_store %arg4[%swap3A_1148, %swap3A_1149, %swap3A_1150, %swap3A_1151, %swap3A_1152], %swap3A_1155 {strides = array<i32>} : memref<4x8x2x8x128xf32, #tpu.memory_space<vmem>>, vector<1x1x1x1x16xf32>,
      }
      %scan3A_178 = arith.constant 16 : i32
      %mul3A_179 = arith.constant 2 : i32
      %mul3A_180 = arith.muli %add3A_148, %mul3A_179 : i32
      %add3A_181 = arith.addi %mul3A_2, %mul3A_180 : i32
      %dma_start3A_182 = arith.constant 0 : i32
      %dma_start3A_183 = arith.constant 0 : i32
      %dma_start3A_184 = arith.constant 0 : i32
      %dma_start3A_185 = arith.constant 0 : i32
      %dma_start3A_186 = arith.constant 0 : i32
      %dma_start3A_187 = tpu.memref_slice %arg4[%dma_start3A_182, %dma_start3A_183, %dma_start3A_184, %dma_start3A_185, %dma_start3A_186] : memref<4x8x2x8x128xf32, #tpu.memory_space<vmem>> -> memref<1x8x2x8x128xf32, #tpu.memory_space<vmem>>
      %dma_start3A_188 = tpu.memref_squeeze %dma_start3A_187 : memref<1x8x2x8x128xf32, #tpu.memory_space<vmem>> -> memref<8x2x8x128xf32, #tpu.memory_space<vmem>>
      %dma_start3A_189 = arith.constant 0 : i32
      %dma_start3A_190 = arith.constant 0 : i32
      %dma_start3A_191 = arith.constant 0 : i32
      %dma_start3A_192 = tpu.memref_slice %arg3[%dma_start3A_189, %add3A_181, %dma_start3A_190, %dma_start3A_191] : memref<8x4096x8x128xf32, #tpu.memory_space<hbm>> -> memref<8x2x8x128xf32, #tpu.memory_space<hbm>>
      %dma_start3A_193 = arith.constant 0 : i32
      %dma_start3A_194 = arith.constant 0 : i32
      %dma_start3A_195 = arith.constant 0 : i32
      %dma_start3A_196 = tpu.memref_slice %arg3[%dma_start3A_193, %add3A_181, %dma_start3A_194, %dma_start3A_195] : memref<8x4096x8x128xf32, #tpu.memory_space<hbm>> -> memref<8x2x8x128xf32, #tpu.memory_space<hbm>>
      %dma_start3A_197 = arith.constant 0 : i32
      %dma_start3A_198 = arith.constant 0 : i32
      %dma_start3A_199 = arith.constant 0 : i32
      %dma_start3A_200 = arith.constant 0 : i32
      %dma_start3A_201 = tpu.memref_slice %arg4[%dma_start3A_182, %dma_start3A_197, %dma_start3A_198, %dma_start3A_199, %dma_start3A_200] : memref<4x8x2x8x128xf32, #tpu.memory_space<vmem>> -> memref<1x8x2x8x128xf32, #tpu.memory_space<vmem>>
      %dma_start3A_202 = tpu.memref_squeeze %dma_start3A_201 : memref<1x8x2x8x128xf32, #tpu.memory_space<vmem>> -> memref<8x2x8x128xf32, #tpu.memory_space<vmem>>
      tpu.enqueue_dma source(%dma_start3A_202 : memref<8x2x8x128xf32, #tpu.memory_space<vmem>>) target(%dma_start3A_196 : memref<8x2x8x128xf32, #tpu.memory_space<hbm>>) target_semaphore(%arg9 : memref<!tpu.dma_semaphore, #tpu.memory_space<semaphore_mem>>)
      %add3A_203 = arith.constant 2 : i32
      %add3A_204 = arith.addi %add3A_148, %add3A_203 : i32
      %sub3A = arith.constant 2 : i32
      %sub3A_205 = arith.subi %add3A_148, %sub3A : i32
      %lt3A = arith.constant 64 : i32
      %lt3A_206 = arith.cmpi slt, %add3A_204, %lt3A : i32
      %convert_element_type3A = arith.extui %lt3A_206 : i1 to i32
      %cond3A = arith.constant 0 : i32
      %cond3A_207 = arith.cmpi ne, %convert_element_type3A, %cond3A : i32
      scf.if %cond3A_207 {
        %ge3A = arith.constant 0 : i32
        %ge3A_409 = arith.cmpi sge, %sub3A_205, %ge3A : i32
        %convert_element_type3A_410 = arith.extui %ge3A_409 : i1 to i32
        %cond3A_411 = arith.constant 0 : i32
        %cond3A_412 = arith.cmpi ne, %convert_element_type3A_410, %cond3A_411 : i32
        scf.if %cond3A_412 {
          %mul3A_437 = arith.constant 2 : i32
          %mul3A_438 = arith.muli %sub3A_205, %mul3A_437 : i32
          %add3A_439 = arith.addi %mul3A_2, %mul3A_438 : i32
          %dma_wait3A_440 = arith.constant 2 : i32
          %dma_wait3A_441 = arith.constant 0 : i32
          %dma_wait3A_442 = arith.constant 0 : i32
          %dma_wait3A_443 = arith.constant 0 : i32
          %dma_wait3A_444 = arith.constant 0 : i32
          %dma_wait3A_445 = tpu.memref_slice %arg4[%dma_wait3A_440, %dma_wait3A_441, %dma_wait3A_442, %dma_wait3A_443, %dma_wait3A_444] : memref<4x8x2x8x128xf32, #tpu.memory_space<vmem>> -> memref<1x8x2x8x128xf32, #tpu.memory_space<vmem>>
          %dma_wait3A_446 = tpu.memref_squeeze %dma_wait3A_445 : memref<1x8x2x8x128xf32, #tpu.memory_space<vmem>> -> memref<8x2x8x128xf32, #tpu.memory_space<vmem>>
          %dma_wait3A_447 = arith.constant 0 : i32
          %dma_wait3A_448 = arith.constant 0 : i32
          %dma_wait3A_449 = arith.constant 0 : i32
          %dma_wait3A_450 = tpu.memref_slice %arg3[%dma_wait3A_447, %add3A_439, %dma_wait3A_448, %dma_wait3A_449] : memref<8x4096x8x128xf32, #tpu.memory_space<hbm>> -> memref<8x2x8x128xf32, #tpu.memory_space<hbm>>
          %dma_wait3A_451 = arith.constant 0 : i32
          %dma_wait3A_452 = arith.constant 0 : i32
          %dma_wait3A_453 = arith.constant 0 : i32
          %dma_wait3A_454 = tpu.memref_slice %arg3[%dma_wait3A_451, %add3A_439, %dma_wait3A_452, %dma_wait3A_453] : memref<8x4096x8x128xf32, #tpu.memory_space<hbm>> -> memref<8x2x8x128xf32, #tpu.memory_space<hbm>>
          %dma_wait3A_455 = arith.constant 0 : i32
          %dma_wait3A_456 = arith.constant 0 : i32
          %dma_wait3A_457 = arith.constant 0 : i32
          %dma_wait3A_458 = arith.constant 0 : i32
          %dma_wait3A_459 = tpu.memref_slice %arg4[%dma_wait3A_440, %dma_wait3A_455, %dma_wait3A_456, %dma_wait3A_457, %dma_wait3A_458] : memref<4x8x2x8x128xf32, #tpu.memory_space<vmem>> -> memref<1x8x2x8x128xf32, #tpu.memory_space<vmem>>
          %dma_wait3A_460 = tpu.memref_squeeze %dma_wait3A_459 : memref<1x8x2x8x128xf32, #tpu.memory_space<vmem>> -> memref<8x2x8x128xf32, #tpu.memory_space<vmem>>
          tpu.wait_dma2 semaphore(%arg11 : memref<!tpu.dma_semaphore, #tpu.memory_space<semaphore_mem>>) src(%dma_wait3A_460 : memref<8x2x8x128xf32, #tpu.memory_space<vmem>>) dst(%dma_wait3A_454 : memref<8x2x8x128xf32, #tpu.memory_space<hbm>>)
        } else {
        }
        %mul3A_413 = arith.constant 2 : i32
        %mul3A_414 = arith.muli %add3A_204, %mul3A_413 : i32
        %add3A_415 = arith.addi %mul3A_2, %mul3A_414 : i32
        %dma_start3A_416 = arith.constant 2 : i32
        %dma_start3A_417 = arith.constant 0 : i32
        %dma_start3A_418 = arith.constant 0 : i32
        %dma_start3A_419 = arith.constant 0 : i32
        %dma_start3A_420 = arith.constant 0 : i32
        %dma_start3A_421 = tpu.memref_slice %arg4[%dma_start3A_416, %dma_start3A_417, %dma_start3A_418, %dma_start3A_419, %dma_start3A_420] : memref<4x8x2x8x128xf32, #tpu.memory_space<vmem>> -> memref<1x8x2x8x128xf32, #tpu.memory_space<vmem>>
        %dma_start3A_422 = tpu.memref_squeeze %dma_start3A_421 : memref<1x8x2x8x128xf32, #tpu.memory_space<vmem>> -> memref<8x2x8x128xf32, #tpu.memory_space<vmem>>
        %dma_start3A_423 = arith.constant 0 : i32
        %dma_start3A_424 = arith.constant 0 : i32
        %dma_start3A_425 = arith.constant 0 : i32
        %dma_start3A_426 = tpu.memref_slice %arg2[%dma_start3A_423, %add3A_415, %dma_start3A_424, %dma_start3A_425] : memref<8x4096x8x128xf32, #tpu.memory_space<hbm>> -> memref<8x2x8x128xf32, #tpu.memory_space<hbm>>
        %dma_start3A_427 = arith.constant 0 : i32
        %dma_start3A_428 = arith.constant 0 : i32
        %dma_start3A_429 = arith.constant 0 : i32
        %dma_start3A_430 = arith.constant 0 : i32
        %dma_start3A_431 = tpu.memref_slice %arg4[%dma_start3A_416, %dma_start3A_427, %dma_start3A_428, %dma_start3A_429, %dma_start3A_430] : memref<4x8x2x8x128xf32, #tpu.memory_space<vmem>> -> memref<1x8x2x8x128xf32, #tpu.memory_space<vmem>>
        %dma_start3A_432 = tpu.memref_squeeze %dma_start3A_431 : memref<1x8x2x8x128xf32, #tpu.memory_space<vmem>> -> memref<8x2x8x128xf32, #tpu.memory_space<vmem>>
        %dma_start3A_433 = arith.constant 0 : i32
        %dma_start3A_434 = arith.constant 0 : i32
        %dma_start3A_435 = arith.constant 0 : i32
        %dma_start3A_436 = tpu.memref_slice %arg2[%dma_start3A_433, %add3A_415, %dma_start3A_434, %dma_start3A_435] : memref<8x4096x8x128xf32, #tpu.memory_space<hbm>> -> memref<8x2x8x128xf32, #tpu.memory_space<hbm>>
        tpu.enqueue_dma source(%dma_start3A_436 : memref<8x2x8x128xf32, #tpu.memory_space<hbm>>) target(%dma_start3A_432 : memref<8x2x8x128xf32, #tpu.memory_space<vmem>>) target_semaphore(%arg7 : memref<!tpu.dma_semaphore, #tpu.memory_space<semaphore_mem>>)
      } else {
      }
      %mul3A_208 = arith.constant 4 : i32
      %mul3A_209 = arith.muli %scan3A_144, %mul3A_208 : i32
      %add3A_210 = arith.constant 1 : i32
      %add3A_211 = arith.addi %mul3A_209, %add3A_210 : i32
      %mul3A_212 = arith.constant 2 : i32
      %mul3A_213 = arith.muli %add3A_211, %mul3A_212 : i32
      %add3A_214 = arith.addi %mul3A_2, %mul3A_213 : i32
      %dma_wait3A_215 = arith.constant 1 : i32
      %dma_wait3A_216 = arith.constant 0 : i32
      %dma_wait3A_217 = arith.constant 0 : i32
      %dma_wait3A_218 = arith.constant 0 : i32
      %dma_wait3A_219 = arith.constant 0 : i32
      %dma_wait3A_220 = tpu.memref_slice %arg4[%dma_wait3A_215, %dma_wait3A_216, %dma_wait3A_217, %dma_wait3A_218, %dma_wait3A_219] : memref<4x8x2x8x128xf32, #tpu.memory_space<vmem>> -> memref<1x8x2x8x128xf32, #tpu.memory_space<vmem>>
      %dma_wait3A_221 = tpu.memref_squeeze %dma_wait3A_220 : memref<1x8x2x8x128xf32, #tpu.memory_space<vmem>> -> memref<8x2x8x128xf32, #tpu.memory_space<vmem>>
      %dma_wait3A_222 = arith.constant 0 : i32
      %dma_wait3A_223 = arith.constant 0 : i32
      %dma_wait3A_224 = arith.constant 0 : i32
      %dma_wait3A_225 = tpu.memref_slice %arg2[%dma_wait3A_222, %add3A_214, %dma_wait3A_223, %dma_wait3A_224] : memref<8x4096x8x128xf32, #tpu.memory_space<hbm>> -> memref<8x2x8x128xf32, #tpu.memory_space<hbm>>
      %dma_wait3A_226 = arith.constant 0 : i32
      %dma_wait3A_227 = arith.constant 0 : i32
      %dma_wait3A_228 = arith.constant 0 : i32
      %dma_wait3A_229 = arith.constant 0 : i32
      %dma_wait3A_230 = tpu.memref_slice %arg4[%dma_wait3A_215, %dma_wait3A_226, %dma_wait3A_227, %dma_wait3A_228, %dma_wait3A_229] : memref<4x8x2x8x128xf32, #tpu.memory_space<vmem>> -> memref<1x8x2x8x128xf32, #tpu.memory_space<vmem>>
      %dma_wait3A_231 = tpu.memref_squeeze %dma_wait3A_230 : memref<1x8x2x8x128xf32, #tpu.memory_space<vmem>> -> memref<8x2x8x128xf32, #tpu.memory_space<vmem>>
      %dma_wait3A_232 = arith.constant 0 : i32
      %dma_wait3A_233 = arith.constant 0 : i32
      %dma_wait3A_234 = arith.constant 0 : i32
      %dma_wait3A_235 = tpu.memref_slice %arg2[%dma_wait3A_232, %add3A_214, %dma_wait3A_233, %dma_wait3A_234] : memref<8x4096x8x128xf32, #tpu.memory_space<hbm>> -> memref<8x2x8x128xf32, #tpu.memory_space<hbm>>
      tpu.wait_dma2 semaphore(%arg6 : memref<!tpu.dma_semaphore, #tpu.memory_space<semaphore_mem>>) src(%dma_wait3A_235 : memref<8x2x8x128xf32, #tpu.memory_space<hbm>>) dst(%dma_wait3A_231 : memref<8x2x8x128xf32, #tpu.memory_space<vmem>>)
      %scan3A_236 = arith.constant 0 : i32
      %scan3A_237 = arith.constant 0 : i32
      %scan3A_238 = arith.constant 16 : i32
      %scan3A_239 = arith.addi %scan3A_237, %scan3A_238 : i32
      %scan3A_240 = arith.constant 1 : i32
      scf.for %scan3A_409 = %scan3A_237 to %scan3A_239 step %scan3A_240  : i32 {
        %jit3A = arith.constant 8 : i32
        %div3A = arith.divsi %scan3A_409, %jit3A : i32
        %sign3A = arith.constant 0 : i32
        %sign3A_410 = arith.cmpi sgt, %scan3A_409, %sign3A : i32
        %sign3A_411 = arith.extui %sign3A_410 : i1 to i32
        %sign3A_412 = arith.constant 0 : i32
        %sign3A_413 = arith.cmpi slt, %scan3A_409, %sign3A_412 : i32
        %sign3A_414 = arith.extui %sign3A_413 : i1 to i32
        %sign3A_415 = arith.subi %sign3A_411, %sign3A_414 : i32
        %sign3A_416 = arith.constant 0 : i32
        %sign3A_417 = arith.cmpi sgt, %jit3A, %sign3A_416 : i32
        %sign3A_418 = arith.extui %sign3A_417 : i1 to i32
        %sign3A_419 = arith.constant 0 : i32
        %sign3A_420 = arith.cmpi slt, %jit3A, %sign3A_419 : i32
        %sign3A_421 = arith.extui %sign3A_420 : i1 to i32
        %sign3A_422 = arith.subi %sign3A_418, %sign3A_421 : i32
        %ne3A = arith.cmpi ne, %sign3A_415, %sign3A_422 : i32
        %rem3A = arith.remsi %scan3A_409, %jit3A : i32
        %ne3A_423 = arith.constant 0 : i32
        %ne3A_424 = arith.cmpi ne, %rem3A, %ne3A_423 : i32
        %and3A = arith.andi %ne3A, %ne3A_424 : i1
        %sub3A_425 = arith.constant 1 : i32
        %sub3A_426 = arith.subi %div3A, %sub3A_425 : i32
        %select_n3A = arith.select %and3A, %sub3A_426, %div3A : i32
        %jit3A_427 = arith.constant 8 : i32
        %eq3A = arith.constant 0 : i32
        %eq3A_428 = arith.cmpi eq, %jit3A_427, %eq3A : i32
        %jit3A_429 = arith.constant 1 : i32
        %select_n3A_430 = arith.select %eq3A_428, %jit3A_429, %jit3A_427 : i32
        %rem3A_431 = arith.remsi %scan3A_409, %select_n3A_430 : i32
        %ne3A_432 = arith.constant 0 : i32
        %ne3A_433 = arith.cmpi ne, %rem3A_431, %ne3A_432 : i32
        %lt3A_434 = arith.constant 0 : i32
        %lt3A_435 = arith.cmpi slt, %rem3A_431, %lt3A_434 : i32
        %lt3A_436 = arith.constant 0 : i32
        %lt3A_437 = arith.cmpi slt, %select_n3A_430, %lt3A_436 : i32
        %ne3A_438 = arith.xori %lt3A_435, %lt3A_437 : i1
        %and3A_439 = arith.andi %ne3A_438, %ne3A_433 : i1
        %add3A_440 = arith.addi %rem3A_431, %select_n3A_430 : i32
        %select_n3A_441 = arith.select %and3A_439, %add3A_440, %rem3A_431 : i32
        %mul3A_442 = arith.constant 16 : i32
        %mul3A_443 = arith.muli %select_n3A_441, %mul3A_442 : i32
        %get3A = arith.constant 1 : i32
        %get3A_444 = arith.constant 0 : i32
        %get3A_445 = arith.constant 0 : i32
        %get3A_446 = arith.index_cast %get3A : i32 to index
        %get3A_447 = arith.index_cast %get3A_444 : i32 to index
        %get3A_448 = arith.index_cast %select_n3A : i32 to index
        %get3A_449 = arith.index_cast %get3A_445 : i32 to index
        %get3A_450 = arith.index_cast %mul3A_443 : i32 to index
        %get3A_451 = tpu.vector_load %arg4[%get3A_446, %get3A_447, %get3A_448, %get3A_449, %get3A_450] {strides = array<i32>} : memref<4x8x2x8x128xf32, #tpu.memory_space<vmem>>, vector<1x1x1x1x16xf32>,
        %get3A_452 = vector.shape_cast %get3A_451 : vector<1x1x1x1x16xf32> to vector<16xf32>
        %get3A_453 = arith.constant 1 : i32
        %get3A_454 = arith.constant 0 : i32
        %get3A_455 = arith.constant 1 : i32
        %get3A_456 = arith.index_cast %get3A_453 : i32 to index
        %get3A_457 = arith.index_cast %get3A_454 : i32 to index
        %get3A_458 = arith.index_cast %select_n3A : i32 to index
        %get3A_459 = arith.index_cast %get3A_455 : i32 to index
        %get3A_460 = arith.index_cast %mul3A_443 : i32 to index
        %get3A_461 = tpu.vector_load %arg4[%get3A_456, %get3A_457, %get3A_458, %get3A_459, %get3A_460] {strides = array<i32>} : memref<4x8x2x8x128xf32, #tpu.memory_space<vmem>>, vector<1x1x1x1x16xf32>,
        %get3A_462 = vector.shape_cast %get3A_461 : vector<1x1x1x1x16xf32> to vector<16xf32>
        %mul3A_463 = arith.mulf %get3A_462, %get3A_452 : vector<16xf32>
        %swap3A = arith.constant 1 : i32
        %swap3A_464 = arith.constant 0 : i32
        %swap3A_465 = arith.constant 1 : i32
        %swap3A_466 = arith.index_cast %swap3A : i32 to index
        %swap3A_467 = arith.index_cast %swap3A_464 : i32 to index
        %swap3A_468 = arith.index_cast %select_n3A : i32 to index
        %swap3A_469 = arith.index_cast %swap3A_465 : i32 to index
        %swap3A_470 = arith.index_cast %mul3A_443 : i32 to index
        %swap3A_471 = tpu.vector_load %arg4[%swap3A_466, %swap3A_467, %swap3A_468, %swap3A_469, %swap3A_470] {strides = array<i32>} : memref<4x8x2x8x128xf32, #tpu.memory_space<vmem>>, vector<1x1x1x1x16xf32>,
        %swap3A_472 = vector.shape_cast %swap3A_471 : vector<1x1x1x1x16xf32> to vector<16xf32>
        %swap3A_473 = vector.shape_cast %mul3A_463 : vector<16xf32> to vector<1x1x1x1x16xf32>
        tpu.vector_store %arg4[%swap3A_466, %swap3A_467, %swap3A_468, %swap3A_469, %swap3A_470], %swap3A_473 {strides = array<i32>} : memref<4x8x2x8x128xf32, #tpu.memory_space<vmem>>, vector<1x1x1x1x16xf32>,
        %get3A_474 = arith.constant 1 : i32
        %get3A_475 = arith.constant 0 : i32
        %get3A_476 = arith.constant 2 : i32
        %get3A_477 = arith.index_cast %get3A_474 : i32 to index
        %get3A_478 = arith.index_cast %get3A_475 : i32 to index
        %get3A_479 = arith.index_cast %select_n3A : i32 to index
        %get3A_480 = arith.index_cast %get3A_476 : i32 to index
        %get3A_481 = arith.index_cast %mul3A_443 : i32 to index
        %get3A_482 = tpu.vector_load %arg4[%get3A_477, %get3A_478, %get3A_479, %get3A_480, %get3A_481] {strides = array<i32>} : memref<4x8x2x8x128xf32, #tpu.memory_space<vmem>>, vector<1x1x1x1x16xf32>,
        %get3A_483 = vector.shape_cast %get3A_482 : vector<1x1x1x1x16xf32> to vector<16xf32>
        %mul3A_484 = arith.mulf %get3A_483, %get3A_452 : vector<16xf32>
        %swap3A_485 = arith.constant 1 : i32
        %swap3A_486 = arith.constant 0 : i32
        %swap3A_487 = arith.constant 2 : i32
        %swap3A_488 = arith.index_cast %swap3A_485 : i32 to index
        %swap3A_489 = arith.index_cast %swap3A_486 : i32 to index
        %swap3A_490 = arith.index_cast %select_n3A : i32 to index
        %swap3A_491 = arith.index_cast %swap3A_487 : i32 to index
        %swap3A_492 = arith.index_cast %mul3A_443 : i32 to index
        %swap3A_493 = tpu.vector_load %arg4[%swap3A_488, %swap3A_489, %swap3A_490, %swap3A_491, %swap3A_492] {strides = array<i32>} : memref<4x8x2x8x128xf32, #tpu.memory_space<vmem>>, vector<1x1x1x1x16xf32>,
        %swap3A_494 = vector.shape_cast %swap3A_493 : vector<1x1x1x1x16xf32> to vector<16xf32>
        %swap3A_495 = vector.shape_cast %mul3A_484 : vector<16xf32> to vector<1x1x1x1x16xf32>
        tpu.vector_store %arg4[%swap3A_488, %swap3A_489, %swap3A_490, %swap3A_491, %swap3A_492], %swap3A_495 {strides = array<i32>} : memref<4x8x2x8x128xf32, #tpu.memory_space<vmem>>, vector<1x1x1x1x16xf32>,
        %get3A_496 = arith.constant 1 : i32
        %get3A_497 = arith.constant 0 : i32
        %get3A_498 = arith.constant 3 : i32
        %get3A_499 = arith.index_cast %get3A_496 : i32 to index
        %get3A_500 = arith.index_cast %get3A_497 : i32 to index
        %get3A_501 = arith.index_cast %select_n3A : i32 to index
        %get3A_502 = arith.index_cast %get3A_498 : i32 to index
        %get3A_503 = arith.index_cast %mul3A_443 : i32 to index
        %get3A_504 = tpu.vector_load %arg4[%get3A_499, %get3A_500, %get3A_501, %get3A_502, %get3A_503] {strides = array<i32>} : memref<4x8x2x8x128xf32, #tpu.memory_space<vmem>>, vector<1x1x1x1x16xf32>,
        %get3A_505 = vector.shape_cast %get3A_504 : vector<1x1x1x1x16xf32> to vector<16xf32>
        %mul3A_506 = arith.mulf %get3A_505, %get3A_452 : vector<16xf32>
        %swap3A_507 = arith.constant 1 : i32
        %swap3A_508 = arith.constant 0 : i32
        %swap3A_509 = arith.constant 3 : i32
        %swap3A_510 = arith.index_cast %swap3A_507 : i32 to index
        %swap3A_511 = arith.index_cast %swap3A_508 : i32 to index
        %swap3A_512 = arith.index_cast %select_n3A : i32 to index
        %swap3A_513 = arith.index_cast %swap3A_509 : i32 to index
        %swap3A_514 = arith.index_cast %mul3A_443 : i32 to index
        %swap3A_515 = tpu.vector_load %arg4[%swap3A_510, %swap3A_511, %swap3A_512, %swap3A_513, %swap3A_514] {strides = array<i32>} : memref<4x8x2x8x128xf32, #tpu.memory_space<vmem>>, vector<1x1x1x1x16xf32>,
        %swap3A_516 = vector.shape_cast %swap3A_515 : vector<1x1x1x1x16xf32> to vector<16xf32>
        %swap3A_517 = vector.shape_cast %mul3A_506 : vector<16xf32> to vector<1x1x1x1x16xf32>
        tpu.vector_store %arg4[%swap3A_510, %swap3A_511, %swap3A_512, %swap3A_513, %swap3A_514], %swap3A_517 {strides = array<i32>} : memref<4x8x2x8x128xf32, #tpu.memory_space<vmem>>, vector<1x1x1x1x16xf32>,
        %get3A_518 = arith.constant 1 : i32
        %get3A_519 = arith.constant 0 : i32
        %get3A_520 = arith.constant 4 : i32
        %get3A_521 = arith.index_cast %get3A_518 : i32 to index
        %get3A_522 = arith.index_cast %get3A_519 : i32 to index
        %get3A_523 = arith.index_cast %select_n3A : i32 to index
        %get3A_524 = arith.index_cast %get3A_520 : i32 to index
        %get3A_525 = arith.index_cast %mul3A_443 : i32 to index
        %get3A_526 = tpu.vector_load %arg4[%get3A_521, %get3A_522, %get3A_523, %get3A_524, %get3A_525] {strides = array<i32>} : memref<4x8x2x8x128xf32, #tpu.memory_space<vmem>>, vector<1x1x1x1x16xf32>,
        %get3A_527 = vector.shape_cast %get3A_526 : vector<1x1x1x1x16xf32> to vector<16xf32>
        %mul3A_528 = arith.mulf %get3A_527, %get3A_452 : vector<16xf32>
        %swap3A_529 = arith.constant 1 : i32
        %swap3A_530 = arith.constant 0 : i32
        %swap3A_531 = arith.constant 4 : i32
        %swap3A_532 = arith.index_cast %swap3A_529 : i32 to index
        %swap3A_533 = arith.index_cast %swap3A_530 : i32 to index
        %swap3A_534 = arith.index_cast %select_n3A : i32 to index
        %swap3A_535 = arith.index_cast %swap3A_531 : i32 to index
        %swap3A_536 = arith.index_cast %mul3A_443 : i32 to index
        %swap3A_537 = tpu.vector_load %arg4[%swap3A_532, %swap3A_533, %swap3A_534, %swap3A_535, %swap3A_536] {strides = array<i32>} : memref<4x8x2x8x128xf32, #tpu.memory_space<vmem>>, vector<1x1x1x1x16xf32>,
        %swap3A_538 = vector.shape_cast %swap3A_537 : vector<1x1x1x1x16xf32> to vector<16xf32>
        %swap3A_539 = vector.shape_cast %mul3A_528 : vector<16xf32> to vector<1x1x1x1x16xf32>
        tpu.vector_store %arg4[%swap3A_532, %swap3A_533, %swap3A_534, %swap3A_535, %swap3A_536], %swap3A_539 {strides = array<i32>} : memref<4x8x2x8x128xf32, #tpu.memory_space<vmem>>, vector<1x1x1x1x16xf32>,
        %get3A_540 = arith.constant 1 : i32
        %get3A_541 = arith.constant 0 : i32
        %get3A_542 = arith.constant 5 : i32
        %get3A_543 = arith.index_cast %get3A_540 : i32 to index
        %get3A_544 = arith.index_cast %get3A_541 : i32 to index
        %get3A_545 = arith.index_cast %select_n3A : i32 to index
        %get3A_546 = arith.index_cast %get3A_542 : i32 to index
        %get3A_547 = arith.index_cast %mul3A_443 : i32 to index
        %get3A_548 = tpu.vector_load %arg4[%get3A_543, %get3A_544, %get3A_545, %get3A_546, %get3A_547] {strides = array<i32>} : memref<4x8x2x8x128xf32, #tpu.memory_space<vmem>>, vector<1x1x1x1x16xf32>,
        %get3A_549 = vector.shape_cast %get3A_548 : vector<1x1x1x1x16xf32> to vector<16xf32>
        %mul3A_550 = arith.mulf %get3A_549, %get3A_452 : vector<16xf32>
        %swap3A_551 = arith.constant 1 : i32
        %swap3A_552 = arith.constant 0 : i32
        %swap3A_553 = arith.constant 5 : i32
        %swap3A_554 = arith.index_cast %swap3A_551 : i32 to index
        %swap3A_555 = arith.index_cast %swap3A_552 : i32 to index
        %swap3A_556 = arith.index_cast %select_n3A : i32 to index
        %swap3A_557 = arith.index_cast %swap3A_553 : i32 to index
        %swap3A_558 = arith.index_cast %mul3A_443 : i32 to index
        %swap3A_559 = tpu.vector_load %arg4[%swap3A_554, %swap3A_555, %swap3A_556, %swap3A_557, %swap3A_558] {strides = array<i32>} : memref<4x8x2x8x128xf32, #tpu.memory_space<vmem>>, vector<1x1x1x1x16xf32>,
        %swap3A_560 = vector.shape_cast %swap3A_559 : vector<1x1x1x1x16xf32> to vector<16xf32>
        %swap3A_561 = vector.shape_cast %mul3A_550 : vector<16xf32> to vector<1x1x1x1x16xf32>
        tpu.vector_store %arg4[%swap3A_554, %swap3A_555, %swap3A_556, %swap3A_557, %swap3A_558], %swap3A_561 {strides = array<i32>} : memref<4x8x2x8x128xf32, #tpu.memory_space<vmem>>, vector<1x1x1x1x16xf32>,
        %get3A_562 = arith.constant 1 : i32
        %get3A_563 = arith.constant 0 : i32
        %get3A_564 = arith.constant 6 : i32
        %get3A_565 = arith.index_cast %get3A_562 : i32 to index
        %get3A_566 = arith.index_cast %get3A_563 : i32 to index
        %get3A_567 = arith.index_cast %select_n3A : i32 to index
        %get3A_568 = arith.index_cast %get3A_564 : i32 to index
        %get3A_569 = arith.index_cast %mul3A_443 : i32 to index
        %get3A_570 = tpu.vector_load %arg4[%get3A_565, %get3A_566, %get3A_567, %get3A_568, %get3A_569] {strides = array<i32>} : memref<4x8x2x8x128xf32, #tpu.memory_space<vmem>>, vector<1x1x1x1x16xf32>,
        %get3A_571 = vector.shape_cast %get3A_570 : vector<1x1x1x1x16xf32> to vector<16xf32>
        %mul3A_572 = arith.mulf %get3A_571, %get3A_452 : vector<16xf32>
        %swap3A_573 = arith.constant 1 : i32
        %swap3A_574 = arith.constant 0 : i32
        %swap3A_575 = arith.constant 6 : i32
        %swap3A_576 = arith.index_cast %swap3A_573 : i32 to index
        %swap3A_577 = arith.index_cast %swap3A_574 : i32 to index
        %swap3A_578 = arith.index_cast %select_n3A : i32 to index
        %swap3A_579 = arith.index_cast %swap3A_575 : i32 to index
        %swap3A_580 = arith.index_cast %mul3A_443 : i32 to index
        %swap3A_581 = tpu.vector_load %arg4[%swap3A_576, %swap3A_577, %swap3A_578, %swap3A_579, %swap3A_580] {strides = array<i32>} : memref<4x8x2x8x128xf32, #tpu.memory_space<vmem>>, vector<1x1x1x1x16xf32>,
        %swap3A_582 = vector.shape_cast %swap3A_581 : vector<1x1x1x1x16xf32> to vector<16xf32>
        %swap3A_583 = vector.shape_cast %mul3A_572 : vector<16xf32> to vector<1x1x1x1x16xf32>
        tpu.vector_store %arg4[%swap3A_576, %swap3A_577, %swap3A_578, %swap3A_579, %swap3A_580], %swap3A_583 {strides = array<i32>} : memref<4x8x2x8x128xf32, #tpu.memory_space<vmem>>, vector<1x1x1x1x16xf32>,
        %get3A_584 = arith.constant 1 : i32
        %get3A_585 = arith.constant 0 : i32
        %get3A_586 = arith.constant 7 : i32
        %get3A_587 = arith.index_cast %get3A_584 : i32 to index
        %get3A_588 = arith.index_cast %get3A_585 : i32 to index
        %get3A_589 = arith.index_cast %select_n3A : i32 to index
        %get3A_590 = arith.index_cast %get3A_586 : i32 to index
        %get3A_591 = arith.index_cast %mul3A_443 : i32 to index
        %get3A_592 = tpu.vector_load %arg4[%get3A_587, %get3A_588, %get3A_589, %get3A_590, %get3A_591] {strides = array<i32>} : memref<4x8x2x8x128xf32, #tpu.memory_space<vmem>>, vector<1x1x1x1x16xf32>,
        %get3A_593 = vector.shape_cast %get3A_592 : vector<1x1x1x1x16xf32> to vector<16xf32>
        %mul3A_594 = arith.mulf %get3A_593, %get3A_452 : vector<16xf32>
        %swap3A_595 = arith.constant 1 : i32
        %swap3A_596 = arith.constant 0 : i32
        %swap3A_597 = arith.constant 7 : i32
        %swap3A_598 = arith.index_cast %swap3A_595 : i32 to index
        %swap3A_599 = arith.index_cast %swap3A_596 : i32 to index
        %swap3A_600 = arith.index_cast %select_n3A : i32 to index
        %swap3A_601 = arith.index_cast %swap3A_597 : i32 to index
        %swap3A_602 = arith.index_cast %mul3A_443 : i32 to index
        %swap3A_603 = tpu.vector_load %arg4[%swap3A_598, %swap3A_599, %swap3A_600, %swap3A_601, %swap3A_602] {strides = array<i32>} : memref<4x8x2x8x128xf32, #tpu.memory_space<vmem>>, vector<1x1x1x1x16xf32>,
        %swap3A_604 = vector.shape_cast %swap3A_603 : vector<1x1x1x1x16xf32> to vector<16xf32>
        %swap3A_605 = vector.shape_cast %mul3A_594 : vector<16xf32> to vector<1x1x1x1x16xf32>
        tpu.vector_store %arg4[%swap3A_598, %swap3A_599, %swap3A_600, %swap3A_601, %swap3A_602], %swap3A_605 {strides = array<i32>} : memref<4x8x2x8x128xf32, #tpu.memory_space<vmem>>, vector<1x1x1x1x16xf32>,
        %get3A_606 = arith.constant 1 : i32
        %get3A_607 = arith.constant 1 : i32
        %get3A_608 = arith.constant 0 : i32
        %get3A_609 = arith.index_cast %get3A_606 : i32 to index
        %get3A_610 = arith.index_cast %get3A_607 : i32 to index
        %get3A_611 = arith.index_cast %select_n3A : i32 to index
        %get3A_612 = arith.index_cast %get3A_608 : i32 to index
        %get3A_613 = arith.index_cast %mul3A_443 : i32 to index
        %get3A_614 = tpu.vector_load %arg4[%get3A_609, %get3A_610, %get3A_611, %get3A_612, %get3A_613] {strides = array<i32>} : memref<4x8x2x8x128xf32, #tpu.memory_space<vmem>>, vector<1x1x1x1x16xf32>,
        %get3A_615 = vector.shape_cast %get3A_614 : vector<1x1x1x1x16xf32> to vector<16xf32>
        %mul3A_616 = arith.mulf %get3A_615, %get3A_452 : vector<16xf32>
        %swap3A_617 = arith.constant 1 : i32
        %swap3A_618 = arith.constant 1 : i32
        %swap3A_619 = arith.constant 0 : i32
        %swap3A_620 = arith.index_cast %swap3A_617 : i32 to index
        %swap3A_621 = arith.index_cast %swap3A_618 : i32 to index
        %swap3A_622 = arith.index_cast %select_n3A : i32 to index
        %swap3A_623 = arith.index_cast %swap3A_619 : i32 to index
        %swap3A_624 = arith.index_cast %mul3A_443 : i32 to index
        %swap3A_625 = tpu.vector_load %arg4[%swap3A_620, %swap3A_621, %swap3A_622, %swap3A_623, %swap3A_624] {strides = array<i32>} : memref<4x8x2x8x128xf32, #tpu.memory_space<vmem>>, vector<1x1x1x1x16xf32>,
        %swap3A_626 = vector.shape_cast %swap3A_625 : vector<1x1x1x1x16xf32> to vector<16xf32>
        %swap3A_627 = vector.shape_cast %mul3A_616 : vector<16xf32> to vector<1x1x1x1x16xf32>
        tpu.vector_store %arg4[%swap3A_620, %swap3A_621, %swap3A_622, %swap3A_623, %swap3A_624], %swap3A_627 {strides = array<i32>} : memref<4x8x2x8x128xf32, #tpu.memory_space<vmem>>, vector<1x1x1x1x16xf32>,
        %get3A_628 = arith.constant 1 : i32
        %get3A_629 = arith.constant 1 : i32
        %get3A_630 = arith.constant 1 : i32
        %get3A_631 = arith.index_cast %get3A_628 : i32 to index
        %get3A_632 = arith.index_cast %get3A_629 : i32 to index
        %get3A_633 = arith.index_cast %select_n3A : i32 to index
        %get3A_634 = arith.index_cast %get3A_630 : i32 to index
        %get3A_635 = arith.index_cast %mul3A_443 : i32 to index
        %get3A_636 = tpu.vector_load %arg4[%get3A_631, %get3A_632, %get3A_633, %get3A_634, %get3A_635] {strides = array<i32>} : memref<4x8x2x8x128xf32, #tpu.memory_space<vmem>>, vector<1x1x1x1x16xf32>,
        %get3A_637 = vector.shape_cast %get3A_636 : vector<1x1x1x1x16xf32> to vector<16xf32>
        %mul3A_638 = arith.mulf %get3A_637, %get3A_452 : vector<16xf32>
        %swap3A_639 = arith.constant 1 : i32
        %swap3A_640 = arith.constant 1 : i32
        %swap3A_641 = arith.constant 1 : i32
        %swap3A_642 = arith.index_cast %swap3A_639 : i32 to index
        %swap3A_643 = arith.index_cast %swap3A_640 : i32 to index
        %swap3A_644 = arith.index_cast %select_n3A : i32 to index
        %swap3A_645 = arith.index_cast %swap3A_641 : i32 to index
        %swap3A_646 = arith.index_cast %mul3A_443 : i32 to index
        %swap3A_647 = tpu.vector_load %arg4[%swap3A_642, %swap3A_643, %swap3A_644, %swap3A_645, %swap3A_646] {strides = array<i32>} : memref<4x8x2x8x128xf32, #tpu.memory_space<vmem>>, vector<1x1x1x1x16xf32>,
        %swap3A_648 = vector.shape_cast %swap3A_647 : vector<1x1x1x1x16xf32> to vector<16xf32>
        %swap3A_649 = vector.shape_cast %mul3A_638 : vector<16xf32> to vector<1x1x1x1x16xf32>
        tpu.vector_store %arg4[%swap3A_642, %swap3A_643, %swap3A_644, %swap3A_645, %swap3A_646], %swap3A_649 {strides = array<i32>} : memref<4x8x2x8x128xf32, #tpu.memory_space<vmem>>, vector<1x1x1x1x16xf32>,
        %get3A_650 = arith.constant 1 : i32
        %get3A_651 = arith.constant 1 : i32
        %get3A_652 = arith.constant 2 : i32
        %get3A_653 = arith.index_cast %get3A_650 : i32 to index
        %get3A_654 = arith.index_cast %get3A_651 : i32 to index
        %get3A_655 = arith.index_cast %select_n3A : i32 to index
        %get3A_656 = arith.index_cast %get3A_652 : i32 to index
        %get3A_657 = arith.index_cast %mul3A_443 : i32 to index
        %get3A_658 = tpu.vector_load %arg4[%get3A_653, %get3A_654, %get3A_655, %get3A_656, %get3A_657] {strides = array<i32>} : memref<4x8x2x8x128xf32, #tpu.memory_space<vmem>>, vector<1x1x1x1x16xf32>,
        %get3A_659 = vector.shape_cast %get3A_658 : vector<1x1x1x1x16xf32> to vector<16xf32>
        %mul3A_660 = arith.mulf %get3A_659, %get3A_452 : vector<16xf32>
        %swap3A_661 = arith.constant 1 : i32
        %swap3A_662 = arith.constant 1 : i32
        %swap3A_663 = arith.constant 2 : i32
        %swap3A_664 = arith.index_cast %swap3A_661 : i32 to index
        %swap3A_665 = arith.index_cast %swap3A_662 : i32 to index
        %swap3A_666 = arith.index_cast %select_n3A : i32 to index
        %swap3A_667 = arith.index_cast %swap3A_663 : i32 to index
        %swap3A_668 = arith.index_cast %mul3A_443 : i32 to index
        %swap3A_669 = tpu.vector_load %arg4[%swap3A_664, %swap3A_665, %swap3A_666, %swap3A_667, %swap3A_668] {strides = array<i32>} : memref<4x8x2x8x128xf32, #tpu.memory_space<vmem>>, vector<1x1x1x1x16xf32>,
        %swap3A_670 = vector.shape_cast %swap3A_669 : vector<1x1x1x1x16xf32> to vector<16xf32>
        %swap3A_671 = vector.shape_cast %mul3A_660 : vector<16xf32> to vector<1x1x1x1x16xf32>
        tpu.vector_store %arg4[%swap3A_664, %swap3A_665, %swap3A_666, %swap3A_667, %swap3A_668], %swap3A_671 {strides = array<i32>} : memref<4x8x2x8x128xf32, #tpu.memory_space<vmem>>, vector<1x1x1x1x16xf32>,
        %get3A_672 = arith.constant 1 : i32
        %get3A_673 = arith.constant 1 : i32
        %get3A_674 = arith.constant 3 : i32
        %get3A_675 = arith.index_cast %get3A_672 : i32 to index
        %get3A_676 = arith.index_cast %get3A_673 : i32 to index
        %get3A_677 = arith.index_cast %select_n3A : i32 to index
        %get3A_678 = arith.index_cast %get3A_674 : i32 to index
        %get3A_679 = arith.index_cast %mul3A_443 : i32 to index
        %get3A_680 = tpu.vector_load %arg4[%get3A_675, %get3A_676, %get3A_677, %get3A_678, %get3A_679] {strides = array<i32>} : memref<4x8x2x8x128xf32, #tpu.memory_space<vmem>>, vector<1x1x1x1x16xf32>,
        %get3A_681 = vector.shape_cast %get3A_680 : vector<1x1x1x1x16xf32> to vector<16xf32>
        %mul3A_682 = arith.mulf %get3A_681, %get3A_452 : vector<16xf32>
        %swap3A_683 = arith.constant 1 : i32
        %swap3A_684 = arith.constant 1 : i32
        %swap3A_685 = arith.constant 3 : i32
        %swap3A_686 = arith.index_cast %swap3A_683 : i32 to index
        %swap3A_687 = arith.index_cast %swap3A_684 : i32 to index
        %swap3A_688 = arith.index_cast %select_n3A : i32 to index
        %swap3A_689 = arith.index_cast %swap3A_685 : i32 to index
        %swap3A_690 = arith.index_cast %mul3A_443 : i32 to index
        %swap3A_691 = tpu.vector_load %arg4[%swap3A_686, %swap3A_687, %swap3A_688, %swap3A_689, %swap3A_690] {strides = array<i32>} : memref<4x8x2x8x128xf32, #tpu.memory_space<vmem>>, vector<1x1x1x1x16xf32>,
        %swap3A_692 = vector.shape_cast %swap3A_691 : vector<1x1x1x1x16xf32> to vector<16xf32>
        %swap3A_693 = vector.shape_cast %mul3A_682 : vector<16xf32> to vector<1x1x1x1x16xf32>
        tpu.vector_store %arg4[%swap3A_686, %swap3A_687, %swap3A_688, %swap3A_689, %swap3A_690], %swap3A_693 {strides = array<i32>} : memref<4x8x2x8x128xf32, #tpu.memory_space<vmem>>, vector<1x1x1x1x16xf32>,
        %get3A_694 = arith.constant 1 : i32
        %get3A_695 = arith.constant 1 : i32
        %get3A_696 = arith.constant 4 : i32
        %get3A_697 = arith.index_cast %get3A_694 : i32 to index
        %get3A_698 = arith.index_cast %get3A_695 : i32 to index
        %get3A_699 = arith.index_cast %select_n3A : i32 to index
        %get3A_700 = arith.index_cast %get3A_696 : i32 to index
        %get3A_701 = arith.index_cast %mul3A_443 : i32 to index
        %get3A_702 = tpu.vector_load %arg4[%get3A_697, %get3A_698, %get3A_699, %get3A_700, %get3A_701] {strides = array<i32>} : memref<4x8x2x8x128xf32, #tpu.memory_space<vmem>>, vector<1x1x1x1x16xf32>,
        %get3A_703 = vector.shape_cast %get3A_702 : vector<1x1x1x1x16xf32> to vector<16xf32>
        %mul3A_704 = arith.mulf %get3A_703, %get3A_452 : vector<16xf32>
        %swap3A_705 = arith.constant 1 : i32
        %swap3A_706 = arith.constant 1 : i32
        %swap3A_707 = arith.constant 4 : i32
        %swap3A_708 = arith.index_cast %swap3A_705 : i32 to index
        %swap3A_709 = arith.index_cast %swap3A_706 : i32 to index
        %swap3A_710 = arith.index_cast %select_n3A : i32 to index
        %swap3A_711 = arith.index_cast %swap3A_707 : i32 to index
        %swap3A_712 = arith.index_cast %mul3A_443 : i32 to index
        %swap3A_713 = tpu.vector_load %arg4[%swap3A_708, %swap3A_709, %swap3A_710, %swap3A_711, %swap3A_712] {strides = array<i32>} : memref<4x8x2x8x128xf32, #tpu.memory_space<vmem>>, vector<1x1x1x1x16xf32>,
        %swap3A_714 = vector.shape_cast %swap3A_713 : vector<1x1x1x1x16xf32> to vector<16xf32>
        %swap3A_715 = vector.shape_cast %mul3A_704 : vector<16xf32> to vector<1x1x1x1x16xf32>
        tpu.vector_store %arg4[%swap3A_708, %swap3A_709, %swap3A_710, %swap3A_711, %swap3A_712], %swap3A_715 {strides = array<i32>} : memref<4x8x2x8x128xf32, #tpu.memory_space<vmem>>, vector<1x1x1x1x16xf32>,
        %get3A_716 = arith.constant 1 : i32
        %get3A_717 = arith.constant 1 : i32
        %get3A_718 = arith.constant 5 : i32
        %get3A_719 = arith.index_cast %get3A_716 : i32 to index
        %get3A_720 = arith.index_cast %get3A_717 : i32 to index
        %get3A_721 = arith.index_cast %select_n3A : i32 to index
        %get3A_722 = arith.index_cast %get3A_718 : i32 to index
        %get3A_723 = arith.index_cast %mul3A_443 : i32 to index
        %get3A_724 = tpu.vector_load %arg4[%get3A_719, %get3A_720, %get3A_721, %get3A_722, %get3A_723] {strides = array<i32>} : memref<4x8x2x8x128xf32, #tpu.memory_space<vmem>>, vector<1x1x1x1x16xf32>,
        %get3A_725 = vector.shape_cast %get3A_724 : vector<1x1x1x1x16xf32> to vector<16xf32>
        %mul3A_726 = arith.mulf %get3A_725, %get3A_452 : vector<16xf32>
        %swap3A_727 = arith.constant 1 : i32
        %swap3A_728 = arith.constant 1 : i32
        %swap3A_729 = arith.constant 5 : i32
        %swap3A_730 = arith.index_cast %swap3A_727 : i32 to index
        %swap3A_731 = arith.index_cast %swap3A_728 : i32 to index
        %swap3A_732 = arith.index_cast %select_n3A : i32 to index
        %swap3A_733 = arith.index_cast %swap3A_729 : i32 to index
        %swap3A_734 = arith.index_cast %mul3A_443 : i32 to index
        %swap3A_735 = tpu.vector_load %arg4[%swap3A_730, %swap3A_731, %swap3A_732, %swap3A_733, %swap3A_734] {strides = array<i32>} : memref<4x8x2x8x128xf32, #tpu.memory_space<vmem>>, vector<1x1x1x1x16xf32>,
        %swap3A_736 = vector.shape_cast %swap3A_735 : vector<1x1x1x1x16xf32> to vector<16xf32>
        %swap3A_737 = vector.shape_cast %mul3A_726 : vector<16xf32> to vector<1x1x1x1x16xf32>
        tpu.vector_store %arg4[%swap3A_730, %swap3A_731, %swap3A_732, %swap3A_733, %swap3A_734], %swap3A_737 {strides = array<i32>} : memref<4x8x2x8x128xf32, #tpu.memory_space<vmem>>, vector<1x1x1x1x16xf32>,
        %get3A_738 = arith.constant 1 : i32
        %get3A_739 = arith.constant 1 : i32
        %get3A_740 = arith.constant 6 : i32
        %get3A_741 = arith.index_cast %get3A_738 : i32 to index
        %get3A_742 = arith.index_cast %get3A_739 : i32 to index
        %get3A_743 = arith.index_cast %select_n3A : i32 to index
        %get3A_744 = arith.index_cast %get3A_740 : i32 to index
        %get3A_745 = arith.index_cast %mul3A_443 : i32 to index
        %get3A_746 = tpu.vector_load %arg4[%get3A_741, %get3A_742, %get3A_743, %get3A_744, %get3A_745] {strides = array<i32>} : memref<4x8x2x8x128xf32, #tpu.memory_space<vmem>>, vector<1x1x1x1x16xf32>,
        %get3A_747 = vector.shape_cast %get3A_746 : vector<1x1x1x1x16xf32> to vector<16xf32>
        %mul3A_748 = arith.mulf %get3A_747, %get3A_452 : vector<16xf32>
        %swap3A_749 = arith.constant 1 : i32
        %swap3A_750 = arith.constant 1 : i32
        %swap3A_751 = arith.constant 6 : i32
        %swap3A_752 = arith.index_cast %swap3A_749 : i32 to index
        %swap3A_753 = arith.index_cast %swap3A_750 : i32 to index
        %swap3A_754 = arith.index_cast %select_n3A : i32 to index
        %swap3A_755 = arith.index_cast %swap3A_751 : i32 to index
        %swap3A_756 = arith.index_cast %mul3A_443 : i32 to index
        %swap3A_757 = tpu.vector_load %arg4[%swap3A_752, %swap3A_753, %swap3A_754, %swap3A_755, %swap3A_756] {strides = array<i32>} : memref<4x8x2x8x128xf32, #tpu.memory_space<vmem>>, vector<1x1x1x1x16xf32>,
        %swap3A_758 = vector.shape_cast %swap3A_757 : vector<1x1x1x1x16xf32> to vector<16xf32>
        %swap3A_759 = vector.shape_cast %mul3A_748 : vector<16xf32> to vector<1x1x1x1x16xf32>
        tpu.vector_store %arg4[%swap3A_752, %swap3A_753, %swap3A_754, %swap3A_755, %swap3A_756], %swap3A_759 {strides = array<i32>} : memref<4x8x2x8x128xf32, #tpu.memory_space<vmem>>, vector<1x1x1x1x16xf32>,
        %get3A_760 = arith.constant 1 : i32
        %get3A_761 = arith.constant 1 : i32
        %get3A_762 = arith.constant 7 : i32
        %get3A_763 = arith.index_cast %get3A_760 : i32 to index
        %get3A_764 = arith.index_cast %get3A_761 : i32 to index
        %get3A_765 = arith.index_cast %select_n3A : i32 to index
        %get3A_766 = arith.index_cast %get3A_762 : i32 to index
        %get3A_767 = arith.index_cast %mul3A_443 : i32 to index
        %get3A_768 = tpu.vector_load %arg4[%get3A_763, %get3A_764, %get3A_765, %get3A_766, %get3A_767] {strides = array<i32>} : memref<4x8x2x8x128xf32, #tpu.memory_space<vmem>>, vector<1x1x1x1x16xf32>,
        %get3A_769 = vector.shape_cast %get3A_768 : vector<1x1x1x1x16xf32> to vector<16xf32>
        %mul3A_770 = arith.mulf %get3A_769, %get3A_452 : vector<16xf32>
        %swap3A_771 = arith.constant 1 : i32
        %swap3A_772 = arith.constant 1 : i32
        %swap3A_773 = arith.constant 7 : i32
        %swap3A_774 = arith.index_cast %swap3A_771 : i32 to index
        %swap3A_775 = arith.index_cast %swap3A_772 : i32 to index
        %swap3A_776 = arith.index_cast %select_n3A : i32 to index
        %swap3A_777 = arith.index_cast %swap3A_773 : i32 to index
        %swap3A_778 = arith.index_cast %mul3A_443 : i32 to index
        %swap3A_779 = tpu.vector_load %arg4[%swap3A_774, %swap3A_775, %swap3A_776, %swap3A_777, %swap3A_778] {strides = array<i32>} : memref<4x8x2x8x128xf32, #tpu.memory_space<vmem>>, vector<1x1x1x1x16xf32>,
        %swap3A_780 = vector.shape_cast %swap3A_779 : vector<1x1x1x1x16xf32> to vector<16xf32>
        %swap3A_781 = vector.shape_cast %mul3A_770 : vector<16xf32> to vector<1x1x1x1x16xf32>
        tpu.vector_store %arg4[%swap3A_774, %swap3A_775, %swap3A_776, %swap3A_777, %swap3A_778], %swap3A_781 {strides = array<i32>} : memref<4x8x2x8x128xf32, #tpu.memory_space<vmem>>, vector<1x1x1x1x16xf32>,
        %get3A_782 = arith.constant 1 : i32
        %get3A_783 = arith.constant 2 : i32
        %get3A_784 = arith.constant 0 : i32
        %get3A_785 = arith.index_cast %get3A_782 : i32 to index
        %get3A_786 = arith.index_cast %get3A_783 : i32 to index
        %get3A_787 = arith.index_cast %select_n3A : i32 to index
        %get3A_788 = arith.index_cast %get3A_784 : i32 to index
        %get3A_789 = arith.index_cast %mul3A_443 : i32 to index
        %get3A_790 = tpu.vector_load %arg4[%get3A_785, %get3A_786, %get3A_787, %get3A_788, %get3A_789] {strides = array<i32>} : memref<4x8x2x8x128xf32, #tpu.memory_space<vmem>>, vector<1x1x1x1x16xf32>,
        %get3A_791 = vector.shape_cast %get3A_790 : vector<1x1x1x1x16xf32> to vector<16xf32>
        %mul3A_792 = arith.mulf %get3A_791, %get3A_452 : vector<16xf32>
        %swap3A_793 = arith.constant 1 : i32
        %swap3A_794 = arith.constant 2 : i32
        %swap3A_795 = arith.constant 0 : i32
        %swap3A_796 = arith.index_cast %swap3A_793 : i32 to index
        %swap3A_797 = arith.index_cast %swap3A_794 : i32 to index
        %swap3A_798 = arith.index_cast %select_n3A : i32 to index
        %swap3A_799 = arith.index_cast %swap3A_795 : i32 to index
        %swap3A_800 = arith.index_cast %mul3A_443 : i32 to index
        %swap3A_801 = tpu.vector_load %arg4[%swap3A_796, %swap3A_797, %swap3A_798, %swap3A_799, %swap3A_800] {strides = array<i32>} : memref<4x8x2x8x128xf32, #tpu.memory_space<vmem>>, vector<1x1x1x1x16xf32>,
        %swap3A_802 = vector.shape_cast %swap3A_801 : vector<1x1x1x1x16xf32> to vector<16xf32>
        %swap3A_803 = vector.shape_cast %mul3A_792 : vector<16xf32> to vector<1x1x1x1x16xf32>
        tpu.vector_store %arg4[%swap3A_796, %swap3A_797, %swap3A_798, %swap3A_799, %swap3A_800], %swap3A_803 {strides = array<i32>} : memref<4x8x2x8x128xf32, #tpu.memory_space<vmem>>, vector<1x1x1x1x16xf32>,
        %get3A_804 = arith.constant 1 : i32
        %get3A_805 = arith.constant 2 : i32
        %get3A_806 = arith.constant 1 : i32
        %get3A_807 = arith.index_cast %get3A_804 : i32 to index
        %get3A_808 = arith.index_cast %get3A_805 : i32 to index
        %get3A_809 = arith.index_cast %select_n3A : i32 to index
        %get3A_810 = arith.index_cast %get3A_806 : i32 to index
        %get3A_811 = arith.index_cast %mul3A_443 : i32 to index
        %get3A_812 = tpu.vector_load %arg4[%get3A_807, %get3A_808, %get3A_809, %get3A_810, %get3A_811] {strides = array<i32>} : memref<4x8x2x8x128xf32, #tpu.memory_space<vmem>>, vector<1x1x1x1x16xf32>,
        %get3A_813 = vector.shape_cast %get3A_812 : vector<1x1x1x1x16xf32> to vector<16xf32>
        %mul3A_814 = arith.mulf %get3A_813, %get3A_452 : vector<16xf32>
        %swap3A_815 = arith.constant 1 : i32
        %swap3A_816 = arith.constant 2 : i32
        %swap3A_817 = arith.constant 1 : i32
        %swap3A_818 = arith.index_cast %swap3A_815 : i32 to index
        %swap3A_819 = arith.index_cast %swap3A_816 : i32 to index
        %swap3A_820 = arith.index_cast %select_n3A : i32 to index
        %swap3A_821 = arith.index_cast %swap3A_817 : i32 to index
        %swap3A_822 = arith.index_cast %mul3A_443 : i32 to index
        %swap3A_823 = tpu.vector_load %arg4[%swap3A_818, %swap3A_819, %swap3A_820, %swap3A_821, %swap3A_822] {strides = array<i32>} : memref<4x8x2x8x128xf32, #tpu.memory_space<vmem>>, vector<1x1x1x1x16xf32>,
        %swap3A_824 = vector.shape_cast %swap3A_823 : vector<1x1x1x1x16xf32> to vector<16xf32>
        %swap3A_825 = vector.shape_cast %mul3A_814 : vector<16xf32> to vector<1x1x1x1x16xf32>
        tpu.vector_store %arg4[%swap3A_818, %swap3A_819, %swap3A_820, %swap3A_821, %swap3A_822], %swap3A_825 {strides = array<i32>} : memref<4x8x2x8x128xf32, #tpu.memory_space<vmem>>, vector<1x1x1x1x16xf32>,
        %get3A_826 = arith.constant 1 : i32
        %get3A_827 = arith.constant 2 : i32
        %get3A_828 = arith.constant 2 : i32
        %get3A_829 = arith.index_cast %get3A_826 : i32 to index
        %get3A_830 = arith.index_cast %get3A_827 : i32 to index
        %get3A_831 = arith.index_cast %select_n3A : i32 to index
        %get3A_832 = arith.index_cast %get3A_828 : i32 to index
        %get3A_833 = arith.index_cast %mul3A_443 : i32 to index
        %get3A_834 = tpu.vector_load %arg4[%get3A_829, %get3A_830, %get3A_831, %get3A_832, %get3A_833] {strides = array<i32>} : memref<4x8x2x8x128xf32, #tpu.memory_space<vmem>>, vector<1x1x1x1x16xf32>,
        %get3A_835 = vector.shape_cast %get3A_834 : vector<1x1x1x1x16xf32> to vector<16xf32>
        %mul3A_836 = arith.mulf %get3A_835, %get3A_452 : vector<16xf32>
        %swap3A_837 = arith.constant 1 : i32
        %swap3A_838 = arith.constant 2 : i32
        %swap3A_839 = arith.constant 2 : i32
        %swap3A_840 = arith.index_cast %swap3A_837 : i32 to index
        %swap3A_841 = arith.index_cast %swap3A_838 : i32 to index
        %swap3A_842 = arith.index_cast %select_n3A : i32 to index
        %swap3A_843 = arith.index_cast %swap3A_839 : i32 to index
        %swap3A_844 = arith.index_cast %mul3A_443 : i32 to index
        %swap3A_845 = tpu.vector_load %arg4[%swap3A_840, %swap3A_841, %swap3A_842, %swap3A_843, %swap3A_844] {strides = array<i32>} : memref<4x8x2x8x128xf32, #tpu.memory_space<vmem>>, vector<1x1x1x1x16xf32>,
        %swap3A_846 = vector.shape_cast %swap3A_845 : vector<1x1x1x1x16xf32> to vector<16xf32>
        %swap3A_847 = vector.shape_cast %mul3A_836 : vector<16xf32> to vector<1x1x1x1x16xf32>
        tpu.vector_store %arg4[%swap3A_840, %swap3A_841, %swap3A_842, %swap3A_843, %swap3A_844], %swap3A_847 {strides = array<i32>} : memref<4x8x2x8x128xf32, #tpu.memory_space<vmem>>, vector<1x1x1x1x16xf32>,
        %get3A_848 = arith.constant 1 : i32
        %get3A_849 = arith.constant 2 : i32
        %get3A_850 = arith.constant 3 : i32
        %get3A_851 = arith.index_cast %get3A_848 : i32 to index
        %get3A_852 = arith.index_cast %get3A_849 : i32 to index
        %get3A_853 = arith.index_cast %select_n3A : i32 to index
        %get3A_854 = arith.index_cast %get3A_850 : i32 to index
        %get3A_855 = arith.index_cast %mul3A_443 : i32 to index
        %get3A_856 = tpu.vector_load %arg4[%get3A_851, %get3A_852, %get3A_853, %get3A_854, %get3A_855] {strides = array<i32>} : memref<4x8x2x8x128xf32, #tpu.memory_space<vmem>>, vector<1x1x1x1x16xf32>,
        %get3A_857 = vector.shape_cast %get3A_856 : vector<1x1x1x1x16xf32> to vector<16xf32>
        %mul3A_858 = arith.mulf %get3A_857, %get3A_452 : vector<16xf32>
        %swap3A_859 = arith.constant 1 : i32
        %swap3A_860 = arith.constant 2 : i32
        %swap3A_861 = arith.constant 3 : i32
        %swap3A_862 = arith.index_cast %swap3A_859 : i32 to index
        %swap3A_863 = arith.index_cast %swap3A_860 : i32 to index
        %swap3A_864 = arith.index_cast %select_n3A : i32 to index
        %swap3A_865 = arith.index_cast %swap3A_861 : i32 to index
        %swap3A_866 = arith.index_cast %mul3A_443 : i32 to index
        %swap3A_867 = tpu.vector_load %arg4[%swap3A_862, %swap3A_863, %swap3A_864, %swap3A_865, %swap3A_866] {strides = array<i32>} : memref<4x8x2x8x128xf32, #tpu.memory_space<vmem>>, vector<1x1x1x1x16xf32>,
        %swap3A_868 = vector.shape_cast %swap3A_867 : vector<1x1x1x1x16xf32> to vector<16xf32>
        %swap3A_869 = vector.shape_cast %mul3A_858 : vector<16xf32> to vector<1x1x1x1x16xf32>
        tpu.vector_store %arg4[%swap3A_862, %swap3A_863, %swap3A_864, %swap3A_865, %swap3A_866], %swap3A_869 {strides = array<i32>} : memref<4x8x2x8x128xf32, #tpu.memory_space<vmem>>, vector<1x1x1x1x16xf32>,
        %get3A_870 = arith.constant 1 : i32
        %get3A_871 = arith.constant 2 : i32
        %get3A_872 = arith.constant 4 : i32
        %get3A_873 = arith.index_cast %get3A_870 : i32 to index
        %get3A_874 = arith.index_cast %get3A_871 : i32 to index
        %get3A_875 = arith.index_cast %select_n3A : i32 to index
        %get3A_876 = arith.index_cast %get3A_872 : i32 to index
        %get3A_877 = arith.index_cast %mul3A_443 : i32 to index
        %get3A_878 = tpu.vector_load %arg4[%get3A_873, %get3A_874, %get3A_875, %get3A_876, %get3A_877] {strides = array<i32>} : memref<4x8x2x8x128xf32, #tpu.memory_space<vmem>>, vector<1x1x1x1x16xf32>,
        %get3A_879 = vector.shape_cast %get3A_878 : vector<1x1x1x1x16xf32> to vector<16xf32>
        %mul3A_880 = arith.mulf %get3A_879, %get3A_452 : vector<16xf32>
        %swap3A_881 = arith.constant 1 : i32
        %swap3A_882 = arith.constant 2 : i32
        %swap3A_883 = arith.constant 4 : i32
        %swap3A_884 = arith.index_cast %swap3A_881 : i32 to index
        %swap3A_885 = arith.index_cast %swap3A_882 : i32 to index
        %swap3A_886 = arith.index_cast %select_n3A : i32 to index
        %swap3A_887 = arith.index_cast %swap3A_883 : i32 to index
        %swap3A_888 = arith.index_cast %mul3A_443 : i32 to index
        %swap3A_889 = tpu.vector_load %arg4[%swap3A_884, %swap3A_885, %swap3A_886, %swap3A_887, %swap3A_888] {strides = array<i32>} : memref<4x8x2x8x128xf32, #tpu.memory_space<vmem>>, vector<1x1x1x1x16xf32>,
        %swap3A_890 = vector.shape_cast %swap3A_889 : vector<1x1x1x1x16xf32> to vector<16xf32>
        %swap3A_891 = vector.shape_cast %mul3A_880 : vector<16xf32> to vector<1x1x1x1x16xf32>
        tpu.vector_store %arg4[%swap3A_884, %swap3A_885, %swap3A_886, %swap3A_887, %swap3A_888], %swap3A_891 {strides = array<i32>} : memref<4x8x2x8x128xf32, #tpu.memory_space<vmem>>, vector<1x1x1x1x16xf32>,
        %get3A_892 = arith.constant 1 : i32
        %get3A_893 = arith.constant 2 : i32
        %get3A_894 = arith.constant 5 : i32
        %get3A_895 = arith.index_cast %get3A_892 : i32 to index
        %get3A_896 = arith.index_cast %get3A_893 : i32 to index
        %get3A_897 = arith.index_cast %select_n3A : i32 to index
        %get3A_898 = arith.index_cast %get3A_894 : i32 to index
        %get3A_899 = arith.index_cast %mul3A_443 : i32 to index
        %get3A_900 = tpu.vector_load %arg4[%get3A_895, %get3A_896, %get3A_897, %get3A_898, %get3A_899] {strides = array<i32>} : memref<4x8x2x8x128xf32, #tpu.memory_space<vmem>>, vector<1x1x1x1x16xf32>,
        %get3A_901 = vector.shape_cast %get3A_900 : vector<1x1x1x1x16xf32> to vector<16xf32>
        %mul3A_902 = arith.mulf %get3A_901, %get3A_452 : vector<16xf32>
        %swap3A_903 = arith.constant 1 : i32
        %swap3A_904 = arith.constant 2 : i32
        %swap3A_905 = arith.constant 5 : i32
        %swap3A_906 = arith.index_cast %swap3A_903 : i32 to index
        %swap3A_907 = arith.index_cast %swap3A_904 : i32 to index
        %swap3A_908 = arith.index_cast %select_n3A : i32 to index
        %swap3A_909 = arith.index_cast %swap3A_905 : i32 to index
        %swap3A_910 = arith.index_cast %mul3A_443 : i32 to index
        %swap3A_911 = tpu.vector_load %arg4[%swap3A_906, %swap3A_907, %swap3A_908, %swap3A_909, %swap3A_910] {strides = array<i32>} : memref<4x8x2x8x128xf32, #tpu.memory_space<vmem>>, vector<1x1x1x1x16xf32>,
        %swap3A_912 = vector.shape_cast %swap3A_911 : vector<1x1x1x1x16xf32> to vector<16xf32>
        %swap3A_913 = vector.shape_cast %mul3A_902 : vector<16xf32> to vector<1x1x1x1x16xf32>
        tpu.vector_store %arg4[%swap3A_906, %swap3A_907, %swap3A_908, %swap3A_909, %swap3A_910], %swap3A_913 {strides = array<i32>} : memref<4x8x2x8x128xf32, #tpu.memory_space<vmem>>, vector<1x1x1x1x16xf32>,
        %get3A_914 = arith.constant 1 : i32
        %get3A_915 = arith.constant 2 : i32
        %get3A_916 = arith.constant 6 : i32
        %get3A_917 = arith.index_cast %get3A_914 : i32 to index
        %get3A_918 = arith.index_cast %get3A_915 : i32 to index
        %get3A_919 = arith.index_cast %select_n3A : i32 to index
        %get3A_920 = arith.index_cast %get3A_916 : i32 to index
        %get3A_921 = arith.index_cast %mul3A_443 : i32 to index
        %get3A_922 = tpu.vector_load %arg4[%get3A_917, %get3A_918, %get3A_919, %get3A_920, %get3A_921] {strides = array<i32>} : memref<4x8x2x8x128xf32, #tpu.memory_space<vmem>>, vector<1x1x1x1x16xf32>,
        %get3A_923 = vector.shape_cast %get3A_922 : vector<1x1x1x1x16xf32> to vector<16xf32>
        %mul3A_924 = arith.mulf %get3A_923, %get3A_452 : vector<16xf32>
        %swap3A_925 = arith.constant 1 : i32
        %swap3A_926 = arith.constant 2 : i32
        %swap3A_927 = arith.constant 6 : i32
        %swap3A_928 = arith.index_cast %swap3A_925 : i32 to index
        %swap3A_929 = arith.index_cast %swap3A_926 : i32 to index
        %swap3A_930 = arith.index_cast %select_n3A : i32 to index
        %swap3A_931 = arith.index_cast %swap3A_927 : i32 to index
        %swap3A_932 = arith.index_cast %mul3A_443 : i32 to index
        %swap3A_933 = tpu.vector_load %arg4[%swap3A_928, %swap3A_929, %swap3A_930, %swap3A_931, %swap3A_932] {strides = array<i32>} : memref<4x8x2x8x128xf32, #tpu.memory_space<vmem>>, vector<1x1x1x1x16xf32>,
        %swap3A_934 = vector.shape_cast %swap3A_933 : vector<1x1x1x1x16xf32> to vector<16xf32>
        %swap3A_935 = vector.shape_cast %mul3A_924 : vector<16xf32> to vector<1x1x1x1x16xf32>
        tpu.vector_store %arg4[%swap3A_928, %swap3A_929, %swap3A_930, %swap3A_931, %swap3A_932], %swap3A_935 {strides = array<i32>} : memref<4x8x2x8x128xf32, #tpu.memory_space<vmem>>, vector<1x1x1x1x16xf32>,
        %get3A_936 = arith.constant 1 : i32
        %get3A_937 = arith.constant 2 : i32
        %get3A_938 = arith.constant 7 : i32
        %get3A_939 = arith.index_cast %get3A_936 : i32 to index
        %get3A_940 = arith.index_cast %get3A_937 : i32 to index
        %get3A_941 = arith.index_cast %select_n3A : i32 to index
        %get3A_942 = arith.index_cast %get3A_938 : i32 to index
        %get3A_943 = arith.index_cast %mul3A_443 : i32 to index
        %get3A_944 = tpu.vector_load %arg4[%get3A_939, %get3A_940, %get3A_941, %get3A_942, %get3A_943] {strides = array<i32>} : memref<4x8x2x8x128xf32, #tpu.memory_space<vmem>>, vector<1x1x1x1x16xf32>,
        %get3A_945 = vector.shape_cast %get3A_944 : vector<1x1x1x1x16xf32> to vector<16xf32>
        %mul3A_946 = arith.mulf %get3A_945, %get3A_452 : vector<16xf32>
        %swap3A_947 = arith.constant 1 : i32
        %swap3A_948 = arith.constant 2 : i32
        %swap3A_949 = arith.constant 7 : i32
        %swap3A_950 = arith.index_cast %swap3A_947 : i32 to index
        %swap3A_951 = arith.index_cast %swap3A_948 : i32 to index
        %swap3A_952 = arith.index_cast %select_n3A : i32 to index
        %swap3A_953 = arith.index_cast %swap3A_949 : i32 to index
        %swap3A_954 = arith.index_cast %mul3A_443 : i32 to index
        %swap3A_955 = tpu.vector_load %arg4[%swap3A_950, %swap3A_951, %swap3A_952, %swap3A_953, %swap3A_954] {strides = array<i32>} : memref<4x8x2x8x128xf32, #tpu.memory_space<vmem>>, vector<1x1x1x1x16xf32>,
        %swap3A_956 = vector.shape_cast %swap3A_955 : vector<1x1x1x1x16xf32> to vector<16xf32>
        %swap3A_957 = vector.shape_cast %mul3A_946 : vector<16xf32> to vector<1x1x1x1x16xf32>
        tpu.vector_store %arg4[%swap3A_950, %swap3A_951, %swap3A_952, %swap3A_953, %swap3A_954], %swap3A_957 {strides = array<i32>} : memref<4x8x2x8x128xf32, #tpu.memory_space<vmem>>, vector<1x1x1x1x16xf32>,
        %get3A_958 = arith.constant 1 : i32
        %get3A_959 = arith.constant 3 : i32
        %get3A_960 = arith.constant 0 : i32
        %get3A_961 = arith.index_cast %get3A_958 : i32 to index
        %get3A_962 = arith.index_cast %get3A_959 : i32 to index
        %get3A_963 = arith.index_cast %select_n3A : i32 to index
        %get3A_964 = arith.index_cast %get3A_960 : i32 to index
        %get3A_965 = arith.index_cast %mul3A_443 : i32 to index
        %get3A_966 = tpu.vector_load %arg4[%get3A_961, %get3A_962, %get3A_963, %get3A_964, %get3A_965] {strides = array<i32>} : memref<4x8x2x8x128xf32, #tpu.memory_space<vmem>>, vector<1x1x1x1x16xf32>,
        %get3A_967 = vector.shape_cast %get3A_966 : vector<1x1x1x1x16xf32> to vector<16xf32>
        %mul3A_968 = arith.mulf %get3A_967, %get3A_452 : vector<16xf32>
        %swap3A_969 = arith.constant 1 : i32
        %swap3A_970 = arith.constant 3 : i32
        %swap3A_971 = arith.constant 0 : i32
        %swap3A_972 = arith.index_cast %swap3A_969 : i32 to index
        %swap3A_973 = arith.index_cast %swap3A_970 : i32 to index
        %swap3A_974 = arith.index_cast %select_n3A : i32 to index
        %swap3A_975 = arith.index_cast %swap3A_971 : i32 to index
        %swap3A_976 = arith.index_cast %mul3A_443 : i32 to index
        %swap3A_977 = tpu.vector_load %arg4[%swap3A_972, %swap3A_973, %swap3A_974, %swap3A_975, %swap3A_976] {strides = array<i32>} : memref<4x8x2x8x128xf32, #tpu.memory_space<vmem>>, vector<1x1x1x1x16xf32>,
        %swap3A_978 = vector.shape_cast %swap3A_977 : vector<1x1x1x1x16xf32> to vector<16xf32>
        %swap3A_979 = vector.shape_cast %mul3A_968 : vector<16xf32> to vector<1x1x1x1x16xf32>
        tpu.vector_store %arg4[%swap3A_972, %swap3A_973, %swap3A_974, %swap3A_975, %swap3A_976], %swap3A_979 {strides = array<i32>} : memref<4x8x2x8x128xf32, #tpu.memory_space<vmem>>, vector<1x1x1x1x16xf32>,
        %get3A_980 = arith.constant 1 : i32
        %get3A_981 = arith.constant 3 : i32
        %get3A_982 = arith.constant 1 : i32
        %get3A_983 = arith.index_cast %get3A_980 : i32 to index
        %get3A_984 = arith.index_cast %get3A_981 : i32 to index
        %get3A_985 = arith.index_cast %select_n3A : i32 to index
        %get3A_986 = arith.index_cast %get3A_982 : i32 to index
        %get3A_987 = arith.index_cast %mul3A_443 : i32 to index
        %get3A_988 = tpu.vector_load %arg4[%get3A_983, %get3A_984, %get3A_985, %get3A_986, %get3A_987] {strides = array<i32>} : memref<4x8x2x8x128xf32, #tpu.memory_space<vmem>>, vector<1x1x1x1x16xf32>,
        %get3A_989 = vector.shape_cast %get3A_988 : vector<1x1x1x1x16xf32> to vector<16xf32>
        %mul3A_990 = arith.mulf %get3A_989, %get3A_452 : vector<16xf32>
        %swap3A_991 = arith.constant 1 : i32
        %swap3A_992 = arith.constant 3 : i32
        %swap3A_993 = arith.constant 1 : i32
        %swap3A_994 = arith.index_cast %swap3A_991 : i32 to index
        %swap3A_995 = arith.index_cast %swap3A_992 : i32 to index
        %swap3A_996 = arith.index_cast %select_n3A : i32 to index
        %swap3A_997 = arith.index_cast %swap3A_993 : i32 to index
        %swap3A_998 = arith.index_cast %mul3A_443 : i32 to index
        %swap3A_999 = tpu.vector_load %arg4[%swap3A_994, %swap3A_995, %swap3A_996, %swap3A_997, %swap3A_998] {strides = array<i32>} : memref<4x8x2x8x128xf32, #tpu.memory_space<vmem>>, vector<1x1x1x1x16xf32>,
        %swap3A_1000 = vector.shape_cast %swap3A_999 : vector<1x1x1x1x16xf32> to vector<16xf32>
        %swap3A_1001 = vector.shape_cast %mul3A_990 : vector<16xf32> to vector<1x1x1x1x16xf32>
        tpu.vector_store %arg4[%swap3A_994, %swap3A_995, %swap3A_996, %swap3A_997, %swap3A_998], %swap3A_1001 {strides = array<i32>} : memref<4x8x2x8x128xf32, #tpu.memory_space<vmem>>, vector<1x1x1x1x16xf32>,
        %get3A_1002 = arith.constant 1 : i32
        %get3A_1003 = arith.constant 3 : i32
        %get3A_1004 = arith.constant 2 : i32
        %get3A_1005 = arith.index_cast %get3A_1002 : i32 to index
        %get3A_1006 = arith.index_cast %get3A_1003 : i32 to index
        %get3A_1007 = arith.index_cast %select_n3A : i32 to index
        %get3A_1008 = arith.index_cast %get3A_1004 : i32 to index
        %get3A_1009 = arith.index_cast %mul3A_443 : i32 to index
        %get3A_1010 = tpu.vector_load %arg4[%get3A_1005, %get3A_1006, %get3A_1007, %get3A_1008, %get3A_1009] {strides = array<i32>} : memref<4x8x2x8x128xf32, #tpu.memory_space<vmem>>, vector<1x1x1x1x16xf32>,
        %get3A_1011 = vector.shape_cast %get3A_1010 : vector<1x1x1x1x16xf32> to vector<16xf32>
        %mul3A_1012 = arith.mulf %get3A_1011, %get3A_452 : vector<16xf32>
        %swap3A_1013 = arith.constant 1 : i32
        %swap3A_1014 = arith.constant 3 : i32
        %swap3A_1015 = arith.constant 2 : i32
        %swap3A_1016 = arith.index_cast %swap3A_1013 : i32 to index
        %swap3A_1017 = arith.index_cast %swap3A_1014 : i32 to index
        %swap3A_1018 = arith.index_cast %select_n3A : i32 to index
        %swap3A_1019 = arith.index_cast %swap3A_1015 : i32 to index
        %swap3A_1020 = arith.index_cast %mul3A_443 : i32 to index
        %swap3A_1021 = tpu.vector_load %arg4[%swap3A_1016, %swap3A_1017, %swap3A_1018, %swap3A_1019, %swap3A_1020] {strides = array<i32>} : memref<4x8x2x8x128xf32, #tpu.memory_space<vmem>>, vector<1x1x1x1x16xf32>,
        %swap3A_1022 = vector.shape_cast %swap3A_1021 : vector<1x1x1x1x16xf32> to vector<16xf32>
        %swap3A_1023 = vector.shape_cast %mul3A_1012 : vector<16xf32> to vector<1x1x1x1x16xf32>
        tpu.vector_store %arg4[%swap3A_1016, %swap3A_1017, %swap3A_1018, %swap3A_1019, %swap3A_1020], %swap3A_1023 {strides = array<i32>} : memref<4x8x2x8x128xf32, #tpu.memory_space<vmem>>, vector<1x1x1x1x16xf32>,
        %get3A_1024 = arith.constant 1 : i32
        %get3A_1025 = arith.constant 3 : i32
        %get3A_1026 = arith.constant 3 : i32
        %get3A_1027 = arith.index_cast %get3A_1024 : i32 to index
        %get3A_1028 = arith.index_cast %get3A_1025 : i32 to index
        %get3A_1029 = arith.index_cast %select_n3A : i32 to index
        %get3A_1030 = arith.index_cast %get3A_1026 : i32 to index
        %get3A_1031 = arith.index_cast %mul3A_443 : i32 to index
        %get3A_1032 = tpu.vector_load %arg4[%get3A_1027, %get3A_1028, %get3A_1029, %get3A_1030, %get3A_1031] {strides = array<i32>} : memref<4x8x2x8x128xf32, #tpu.memory_space<vmem>>, vector<1x1x1x1x16xf32>,
        %get3A_1033 = vector.shape_cast %get3A_1032 : vector<1x1x1x1x16xf32> to vector<16xf32>
        %mul3A_1034 = arith.mulf %get3A_1033, %get3A_452 : vector<16xf32>
        %swap3A_1035 = arith.constant 1 : i32
        %swap3A_1036 = arith.constant 3 : i32
        %swap3A_1037 = arith.constant 3 : i32
        %swap3A_1038 = arith.index_cast %swap3A_1035 : i32 to index
        %swap3A_1039 = arith.index_cast %swap3A_1036 : i32 to index
        %swap3A_1040 = arith.index_cast %select_n3A : i32 to index
        %swap3A_1041 = arith.index_cast %swap3A_1037 : i32 to index
        %swap3A_1042 = arith.index_cast %mul3A_443 : i32 to index
        %swap3A_1043 = tpu.vector_load %arg4[%swap3A_1038, %swap3A_1039, %swap3A_1040, %swap3A_1041, %swap3A_1042] {strides = array<i32>} : memref<4x8x2x8x128xf32, #tpu.memory_space<vmem>>, vector<1x1x1x1x16xf32>,
        %swap3A_1044 = vector.shape_cast %swap3A_1043 : vector<1x1x1x1x16xf32> to vector<16xf32>
        %swap3A_1045 = vector.shape_cast %mul3A_1034 : vector<16xf32> to vector<1x1x1x1x16xf32>
        tpu.vector_store %arg4[%swap3A_1038, %swap3A_1039, %swap3A_1040, %swap3A_1041, %swap3A_1042], %swap3A_1045 {strides = array<i32>} : memref<4x8x2x8x128xf32, #tpu.memory_space<vmem>>, vector<1x1x1x1x16xf32>,
        %get3A_1046 = arith.constant 1 : i32
        %get3A_1047 = arith.constant 3 : i32
        %get3A_1048 = arith.constant 4 : i32
        %get3A_1049 = arith.index_cast %get3A_1046 : i32 to index
        %get3A_1050 = arith.index_cast %get3A_1047 : i32 to index
        %get3A_1051 = arith.index_cast %select_n3A : i32 to index
        %get3A_1052 = arith.index_cast %get3A_1048 : i32 to index
        %get3A_1053 = arith.index_cast %mul3A_443 : i32 to index
        %get3A_1054 = tpu.vector_load %arg4[%get3A_1049, %get3A_1050, %get3A_1051, %get3A_1052, %get3A_1053] {strides = array<i32>} : memref<4x8x2x8x128xf32, #tpu.memory_space<vmem>>, vector<1x1x1x1x16xf32>,
        %get3A_1055 = vector.shape_cast %get3A_1054 : vector<1x1x1x1x16xf32> to vector<16xf32>
        %mul3A_1056 = arith.mulf %get3A_1055, %get3A_452 : vector<16xf32>
        %swap3A_1057 = arith.constant 1 : i32
        %swap3A_1058 = arith.constant 3 : i32
        %swap3A_1059 = arith.constant 4 : i32
        %swap3A_1060 = arith.index_cast %swap3A_1057 : i32 to index
        %swap3A_1061 = arith.index_cast %swap3A_1058 : i32 to index
        %swap3A_1062 = arith.index_cast %select_n3A : i32 to index
        %swap3A_1063 = arith.index_cast %swap3A_1059 : i32 to index
        %swap3A_1064 = arith.index_cast %mul3A_443 : i32 to index
        %swap3A_1065 = tpu.vector_load %arg4[%swap3A_1060, %swap3A_1061, %swap3A_1062, %swap3A_1063, %swap3A_1064] {strides = array<i32>} : memref<4x8x2x8x128xf32, #tpu.memory_space<vmem>>, vector<1x1x1x1x16xf32>,
        %swap3A_1066 = vector.shape_cast %swap3A_1065 : vector<1x1x1x1x16xf32> to vector<16xf32>
        %swap3A_1067 = vector.shape_cast %mul3A_1056 : vector<16xf32> to vector<1x1x1x1x16xf32>
        tpu.vector_store %arg4[%swap3A_1060, %swap3A_1061, %swap3A_1062, %swap3A_1063, %swap3A_1064], %swap3A_1067 {strides = array<i32>} : memref<4x8x2x8x128xf32, #tpu.memory_space<vmem>>, vector<1x1x1x1x16xf32>,
        %get3A_1068 = arith.constant 1 : i32
        %get3A_1069 = arith.constant 3 : i32
        %get3A_1070 = arith.constant 5 : i32
        %get3A_1071 = arith.index_cast %get3A_1068 : i32 to index
        %get3A_1072 = arith.index_cast %get3A_1069 : i32 to index
        %get3A_1073 = arith.index_cast %select_n3A : i32 to index
        %get3A_1074 = arith.index_cast %get3A_1070 : i32 to index
        %get3A_1075 = arith.index_cast %mul3A_443 : i32 to index
        %get3A_1076 = tpu.vector_load %arg4[%get3A_1071, %get3A_1072, %get3A_1073, %get3A_1074, %get3A_1075] {strides = array<i32>} : memref<4x8x2x8x128xf32, #tpu.memory_space<vmem>>, vector<1x1x1x1x16xf32>,
        %get3A_1077 = vector.shape_cast %get3A_1076 : vector<1x1x1x1x16xf32> to vector<16xf32>
        %mul3A_1078 = arith.mulf %get3A_1077, %get3A_452 : vector<16xf32>
        %swap3A_1079 = arith.constant 1 : i32
        %swap3A_1080 = arith.constant 3 : i32
        %swap3A_1081 = arith.constant 5 : i32
        %swap3A_1082 = arith.index_cast %swap3A_1079 : i32 to index
        %swap3A_1083 = arith.index_cast %swap3A_1080 : i32 to index
        %swap3A_1084 = arith.index_cast %select_n3A : i32 to index
        %swap3A_1085 = arith.index_cast %swap3A_1081 : i32 to index
        %swap3A_1086 = arith.index_cast %mul3A_443 : i32 to index
        %swap3A_1087 = tpu.vector_load %arg4[%swap3A_1082, %swap3A_1083, %swap3A_1084, %swap3A_1085, %swap3A_1086] {strides = array<i32>} : memref<4x8x2x8x128xf32, #tpu.memory_space<vmem>>, vector<1x1x1x1x16xf32>,
        %swap3A_1088 = vector.shape_cast %swap3A_1087 : vector<1x1x1x1x16xf32> to vector<16xf32>
        %swap3A_1089 = vector.shape_cast %mul3A_1078 : vector<16xf32> to vector<1x1x1x1x16xf32>
        tpu.vector_store %arg4[%swap3A_1082, %swap3A_1083, %swap3A_1084, %swap3A_1085, %swap3A_1086], %swap3A_1089 {strides = array<i32>} : memref<4x8x2x8x128xf32, #tpu.memory_space<vmem>>, vector<1x1x1x1x16xf32>,
        %get3A_1090 = arith.constant 1 : i32
        %get3A_1091 = arith.constant 3 : i32
        %get3A_1092 = arith.constant 6 : i32
        %get3A_1093 = arith.index_cast %get3A_1090 : i32 to index
        %get3A_1094 = arith.index_cast %get3A_1091 : i32 to index
        %get3A_1095 = arith.index_cast %select_n3A : i32 to index
        %get3A_1096 = arith.index_cast %get3A_1092 : i32 to index
        %get3A_1097 = arith.index_cast %mul3A_443 : i32 to index
        %get3A_1098 = tpu.vector_load %arg4[%get3A_1093, %get3A_1094, %get3A_1095, %get3A_1096, %get3A_1097] {strides = array<i32>} : memref<4x8x2x8x128xf32, #tpu.memory_space<vmem>>, vector<1x1x1x1x16xf32>,
        %get3A_1099 = vector.shape_cast %get3A_1098 : vector<1x1x1x1x16xf32> to vector<16xf32>
        %mul3A_1100 = arith.mulf %get3A_1099, %get3A_452 : vector<16xf32>
        %swap3A_1101 = arith.constant 1 : i32
        %swap3A_1102 = arith.constant 3 : i32
        %swap3A_1103 = arith.constant 6 : i32
        %swap3A_1104 = arith.index_cast %swap3A_1101 : i32 to index
        %swap3A_1105 = arith.index_cast %swap3A_1102 : i32 to index
        %swap3A_1106 = arith.index_cast %select_n3A : i32 to index
        %swap3A_1107 = arith.index_cast %swap3A_1103 : i32 to index
        %swap3A_1108 = arith.index_cast %mul3A_443 : i32 to index
        %swap3A_1109 = tpu.vector_load %arg4[%swap3A_1104, %swap3A_1105, %swap3A_1106, %swap3A_1107, %swap3A_1108] {strides = array<i32>} : memref<4x8x2x8x128xf32, #tpu.memory_space<vmem>>, vector<1x1x1x1x16xf32>,
        %swap3A_1110 = vector.shape_cast %swap3A_1109 : vector<1x1x1x1x16xf32> to vector<16xf32>
        %swap3A_1111 = vector.shape_cast %mul3A_1100 : vector<16xf32> to vector<1x1x1x1x16xf32>
        tpu.vector_store %arg4[%swap3A_1104, %swap3A_1105, %swap3A_1106, %swap3A_1107, %swap3A_1108], %swap3A_1111 {strides = array<i32>} : memref<4x8x2x8x128xf32, #tpu.memory_space<vmem>>, vector<1x1x1x1x16xf32>,
        %get3A_1112 = arith.constant 1 : i32
        %get3A_1113 = arith.constant 3 : i32
        %get3A_1114 = arith.constant 7 : i32
        %get3A_1115 = arith.index_cast %get3A_1112 : i32 to index
        %get3A_1116 = arith.index_cast %get3A_1113 : i32 to index
        %get3A_1117 = arith.index_cast %select_n3A : i32 to index
        %get3A_1118 = arith.index_cast %get3A_1114 : i32 to index
        %get3A_1119 = arith.index_cast %mul3A_443 : i32 to index
        %get3A_1120 = tpu.vector_load %arg4[%get3A_1115, %get3A_1116, %get3A_1117, %get3A_1118, %get3A_1119] {strides = array<i32>} : memref<4x8x2x8x128xf32, #tpu.memory_space<vmem>>, vector<1x1x1x1x16xf32>,
        %get3A_1121 = vector.shape_cast %get3A_1120 : vector<1x1x1x1x16xf32> to vector<16xf32>
        %mul3A_1122 = arith.mulf %get3A_1121, %get3A_452 : vector<16xf32>
        %swap3A_1123 = arith.constant 1 : i32
        %swap3A_1124 = arith.constant 3 : i32
        %swap3A_1125 = arith.constant 7 : i32
        %swap3A_1126 = arith.index_cast %swap3A_1123 : i32 to index
        %swap3A_1127 = arith.index_cast %swap3A_1124 : i32 to index
        %swap3A_1128 = arith.index_cast %select_n3A : i32 to index
        %swap3A_1129 = arith.index_cast %swap3A_1125 : i32 to index
        %swap3A_1130 = arith.index_cast %mul3A_443 : i32 to index
        %swap3A_1131 = tpu.vector_load %arg4[%swap3A_1126, %swap3A_1127, %swap3A_1128, %swap3A_1129, %swap3A_1130] {strides = array<i32>} : memref<4x8x2x8x128xf32, #tpu.memory_space<vmem>>, vector<1x1x1x1x16xf32>,
        %swap3A_1132 = vector.shape_cast %swap3A_1131 : vector<1x1x1x1x16xf32> to vector<16xf32>
        %swap3A_1133 = vector.shape_cast %mul3A_1122 : vector<16xf32> to vector<1x1x1x1x16xf32>
        tpu.vector_store %arg4[%swap3A_1126, %swap3A_1127, %swap3A_1128, %swap3A_1129, %swap3A_1130], %swap3A_1133 {strides = array<i32>} : memref<4x8x2x8x128xf32, #tpu.memory_space<vmem>>, vector<1x1x1x1x16xf32>,
        %get3A_1134 = arith.constant 1 : i32
        %get3A_1135 = arith.constant 4 : i32
        %get3A_1136 = arith.constant 0 : i32
        %get3A_1137 = arith.index_cast %get3A_1134 : i32 to index
        %get3A_1138 = arith.index_cast %get3A_1135 : i32 to index
        %get3A_1139 = arith.index_cast %select_n3A : i32 to index
        %get3A_1140 = arith.index_cast %get3A_1136 : i32 to index
        %get3A_1141 = arith.index_cast %mul3A_443 : i32 to index
        %get3A_1142 = tpu.vector_load %arg4[%get3A_1137, %get3A_1138, %get3A_1139, %get3A_1140, %get3A_1141] {strides = array<i32>} : memref<4x8x2x8x128xf32, #tpu.memory_space<vmem>>, vector<1x1x1x1x16xf32>,
        %get3A_1143 = vector.shape_cast %get3A_1142 : vector<1x1x1x1x16xf32> to vector<16xf32>
        %mul3A_1144 = arith.mulf %get3A_1143, %get3A_452 : vector<16xf32>
        %swap3A_1145 = arith.constant 1 : i32
        %swap3A_1146 = arith.constant 4 : i32
        %swap3A_1147 = arith.constant 0 : i32
        %swap3A_1148 = arith.index_cast %swap3A_1145 : i32 to index
        %swap3A_1149 = arith.index_cast %swap3A_1146 : i32 to index
        %swap3A_1150 = arith.index_cast %select_n3A : i32 to index
        %swap3A_1151 = arith.index_cast %swap3A_1147 : i32 to index
        %swap3A_1152 = arith.index_cast %mul3A_443 : i32 to index
        %swap3A_1153 = tpu.vector_load %arg4[%swap3A_1148, %swap3A_1149, %swap3A_1150, %swap3A_1151, %swap3A_1152] {strides = array<i32>} : memref<4x8x2x8x128xf32, #tpu.memory_space<vmem>>, vector<1x1x1x1x16xf32>,
        %swap3A_1154 = vector.shape_cast %swap3A_1153 : vector<1x1x1x1x16xf32> to vector<16xf32>
        %swap3A_1155 = vector.shape_cast %mul3A_1144 : vector<16xf32> to vector<1x1x1x1x16xf32>
        tpu.vector_store %arg4[%swap3A_1148, %swap3A_1149, %swap3A_1150, %swap3A_1151, %swap3A_1152], %swap3A_1155 {strides = array<i32>} : memref<4x8x2x8x128xf32, #tpu.memory_space<vmem>>, vector<1x1x1x1x16xf32>,
      }
      %scan3A_241 = arith.constant 16 : i32
      %mul3A_242 = arith.constant 2 : i32
      %mul3A_243 = arith.muli %add3A_211, %mul3A_242 : i32
      %add3A_244 = arith.addi %mul3A_2, %mul3A_243 : i32
      %dma_start3A_245 = arith.constant 1 : i32
      %dma_start3A_246 = arith.constant 0 : i32
      %dma_start3A_247 = arith.constant 0 : i32
      %dma_start3A_248 = arith.constant 0 : i32
      %dma_start3A_249 = arith.constant 0 : i32
      %dma_start3A_250 = tpu.memref_slice %arg4[%dma_start3A_245, %dma_start3A_246, %dma_start3A_247, %dma_start3A_248, %dma_start3A_249] : memref<4x8x2x8x128xf32, #tpu.memory_space<vmem>> -> memref<1x8x2x8x128xf32, #tpu.memory_space<vmem>>
      %dma_start3A_251 = tpu.memref_squeeze %dma_start3A_250 : memref<1x8x2x8x128xf32, #tpu.memory_space<vmem>> -> memref<8x2x8x128xf32, #tpu.memory_space<vmem>>
      %dma_start3A_252 = arith.constant 0 : i32
      %dma_start3A_253 = arith.constant 0 : i32
      %dma_start3A_254 = arith.constant 0 : i32
      %dma_start3A_255 = tpu.memref_slice %arg3[%dma_start3A_252, %add3A_244, %dma_start3A_253, %dma_start3A_254] : memref<8x4096x8x128xf32, #tpu.memory_space<hbm>> -> memref<8x2x8x128xf32, #tpu.memory_space<hbm>>
      %dma_start3A_256 = arith.constant 0 : i32
      %dma_start3A_257 = arith.constant 0 : i32
      %dma_start3A_258 = arith.constant 0 : i32
      %dma_start3A_259 = tpu.memref_slice %arg3[%dma_start3A_256, %add3A_244, %dma_start3A_257, %dma_start3A_258] : memref<8x4096x8x128xf32, #tpu.memory_space<hbm>> -> memref<8x2x8x128xf32, #tpu.memory_space<hbm>>
      %dma_start3A_260 = arith.constant 0 : i32
      %dma_start3A_261 = arith.constant 0 : i32
      %dma_start3A_262 = arith.constant 0 : i32
      %dma_start3A_263 = arith.constant 0 : i32
      %dma_start3A_264 = tpu.memref_slice %arg4[%dma_start3A_245, %dma_start3A_260, %dma_start3A_261, %dma_start3A_262, %dma_start3A_263] : memref<4x8x2x8x128xf32, #tpu.memory_space<vmem>> -> memref<1x8x2x8x128xf32, #tpu.memory_space<vmem>>
      %dma_start3A_265 = tpu.memref_squeeze %dma_start3A_264 : memref<1x8x2x8x128xf32, #tpu.memory_space<vmem>> -> memref<8x2x8x128xf32, #tpu.memory_space<vmem>>
      tpu.enqueue_dma source(%dma_start3A_265 : memref<8x2x8x128xf32, #tpu.memory_space<vmem>>) target(%dma_start3A_259 : memref<8x2x8x128xf32, #tpu.memory_space<hbm>>) target_semaphore(%arg10 : memref<!tpu.dma_semaphore, #tpu.memory_space<semaphore_mem>>)
      %add3A_266 = arith.constant 2 : i32
      %add3A_267 = arith.addi %add3A_211, %add3A_266 : i32
      %sub3A_268 = arith.constant 2 : i32
      %sub3A_269 = arith.subi %add3A_211, %sub3A_268 : i32
      %lt3A_270 = arith.constant 64 : i32
      %lt3A_271 = arith.cmpi slt, %add3A_267, %lt3A_270 : i32
      %convert_element_type3A_272 = arith.extui %lt3A_271 : i1 to i32
      %cond3A_273 = arith.constant 0 : i32
      %cond3A_274 = arith.cmpi ne, %convert_element_type3A_272, %cond3A_273 : i32
      scf.if %cond3A_274 {
        %ge3A = arith.constant 0 : i32
        %ge3A_409 = arith.cmpi sge, %sub3A_269, %ge3A : i32
        %convert_element_type3A_410 = arith.extui %ge3A_409 : i1 to i32
        %cond3A_411 = arith.constant 0 : i32
        %cond3A_412 = arith.cmpi ne, %convert_element_type3A_410, %cond3A_411 : i32
        scf.if %cond3A_412 {
          %mul3A_437 = arith.constant 2 : i32
          %mul3A_438 = arith.muli %sub3A_269, %mul3A_437 : i32
          %add3A_439 = arith.addi %mul3A_2, %mul3A_438 : i32
          %dma_wait3A_440 = arith.constant 3 : i32
          %dma_wait3A_441 = arith.constant 0 : i32
          %dma_wait3A_442 = arith.constant 0 : i32
          %dma_wait3A_443 = arith.constant 0 : i32
          %dma_wait3A_444 = arith.constant 0 : i32
          %dma_wait3A_445 = tpu.memref_slice %arg4[%dma_wait3A_440, %dma_wait3A_441, %dma_wait3A_442, %dma_wait3A_443, %dma_wait3A_444] : memref<4x8x2x8x128xf32, #tpu.memory_space<vmem>> -> memref<1x8x2x8x128xf32, #tpu.memory_space<vmem>>
          %dma_wait3A_446 = tpu.memref_squeeze %dma_wait3A_445 : memref<1x8x2x8x128xf32, #tpu.memory_space<vmem>> -> memref<8x2x8x128xf32, #tpu.memory_space<vmem>>
          %dma_wait3A_447 = arith.constant 0 : i32
          %dma_wait3A_448 = arith.constant 0 : i32
          %dma_wait3A_449 = arith.constant 0 : i32
          %dma_wait3A_450 = tpu.memref_slice %arg3[%dma_wait3A_447, %add3A_439, %dma_wait3A_448, %dma_wait3A_449] : memref<8x4096x8x128xf32, #tpu.memory_space<hbm>> -> memref<8x2x8x128xf32, #tpu.memory_space<hbm>>
          %dma_wait3A_451 = arith.constant 0 : i32
          %dma_wait3A_452 = arith.constant 0 : i32
          %dma_wait3A_453 = arith.constant 0 : i32
          %dma_wait3A_454 = tpu.memref_slice %arg3[%dma_wait3A_451, %add3A_439, %dma_wait3A_452, %dma_wait3A_453] : memref<8x4096x8x128xf32, #tpu.memory_space<hbm>> -> memref<8x2x8x128xf32, #tpu.memory_space<hbm>>
          %dma_wait3A_455 = arith.constant 0 : i32
          %dma_wait3A_456 = arith.constant 0 : i32
          %dma_wait3A_457 = arith.constant 0 : i32
          %dma_wait3A_458 = arith.constant 0 : i32
          %dma_wait3A_459 = tpu.memref_slice %arg4[%dma_wait3A_440, %dma_wait3A_455, %dma_wait3A_456, %dma_wait3A_457, %dma_wait3A_458] : memref<4x8x2x8x128xf32, #tpu.memory_space<vmem>> -> memref<1x8x2x8x128xf32, #tpu.memory_space<vmem>>
          %dma_wait3A_460 = tpu.memref_squeeze %dma_wait3A_459 : memref<1x8x2x8x128xf32, #tpu.memory_space<vmem>> -> memref<8x2x8x128xf32, #tpu.memory_space<vmem>>
          tpu.wait_dma2 semaphore(%arg12 : memref<!tpu.dma_semaphore, #tpu.memory_space<semaphore_mem>>) src(%dma_wait3A_460 : memref<8x2x8x128xf32, #tpu.memory_space<vmem>>) dst(%dma_wait3A_454 : memref<8x2x8x128xf32, #tpu.memory_space<hbm>>)
        } else {
        }
        %mul3A_413 = arith.constant 2 : i32
        %mul3A_414 = arith.muli %add3A_267, %mul3A_413 : i32
        %add3A_415 = arith.addi %mul3A_2, %mul3A_414 : i32
        %dma_start3A_416 = arith.constant 3 : i32
        %dma_start3A_417 = arith.constant 0 : i32
        %dma_start3A_418 = arith.constant 0 : i32
        %dma_start3A_419 = arith.constant 0 : i32
        %dma_start3A_420 = arith.constant 0 : i32
        %dma_start3A_421 = tpu.memref_slice %arg4[%dma_start3A_416, %dma_start3A_417, %dma_start3A_418, %dma_start3A_419, %dma_start3A_420] : memref<4x8x2x8x128xf32, #tpu.memory_space<vmem>> -> memref<1x8x2x8x128xf32, #tpu.memory_space<vmem>>
        %dma_start3A_422 = tpu.memref_squeeze %dma_start3A_421 : memref<1x8x2x8x128xf32, #tpu.memory_space<vmem>> -> memref<8x2x8x128xf32, #tpu.memory_space<vmem>>
        %dma_start3A_423 = arith.constant 0 : i32
        %dma_start3A_424 = arith.constant 0 : i32
        %dma_start3A_425 = arith.constant 0 : i32
        %dma_start3A_426 = tpu.memref_slice %arg2[%dma_start3A_423, %add3A_415, %dma_start3A_424, %dma_start3A_425] : memref<8x4096x8x128xf32, #tpu.memory_space<hbm>> -> memref<8x2x8x128xf32, #tpu.memory_space<hbm>>
        %dma_start3A_427 = arith.constant 0 : i32
        %dma_start3A_428 = arith.constant 0 : i32
        %dma_start3A_429 = arith.constant 0 : i32
        %dma_start3A_430 = arith.constant 0 : i32
        %dma_start3A_431 = tpu.memref_slice %arg4[%dma_start3A_416, %dma_start3A_427, %dma_start3A_428, %dma_start3A_429, %dma_start3A_430] : memref<4x8x2x8x128xf32, #tpu.memory_space<vmem>> -> memref<1x8x2x8x128xf32, #tpu.memory_space<vmem>>
        %dma_start3A_432 = tpu.memref_squeeze %dma_start3A_431 : memref<1x8x2x8x128xf32, #tpu.memory_space<vmem>> -> memref<8x2x8x128xf32, #tpu.memory_space<vmem>>
        %dma_start3A_433 = arith.constant 0 : i32
        %dma_start3A_434 = arith.constant 0 : i32
        %dma_start3A_435 = arith.constant 0 : i32
        %dma_start3A_436 = tpu.memref_slice %arg2[%dma_start3A_433, %add3A_415, %dma_start3A_434, %dma_start3A_435] : memref<8x4096x8x128xf32, #tpu.memory_space<hbm>> -> memref<8x2x8x128xf32, #tpu.memory_space<hbm>>
        tpu.enqueue_dma source(%dma_start3A_436 : memref<8x2x8x128xf32, #tpu.memory_space<hbm>>) target(%dma_start3A_432 : memref<8x2x8x128xf32, #tpu.memory_space<vmem>>) target_semaphore(%arg8 : memref<!tpu.dma_semaphore, #tpu.memory_space<semaphore_mem>>)
      } else {
      }
      %mul3A_275 = arith.constant 4 : i32
      %mul3A_276 = arith.muli %scan3A_144, %mul3A_275 : i32
      %add3A_277 = arith.constant 2 : i32
      %add3A_278 = arith.addi %mul3A_276, %add3A_277 : i32
      %mul3A_279 = arith.constant 2 : i32
      %mul3A_280 = arith.muli %add3A_278, %mul3A_279 : i32
      %add3A_281 = arith.addi %mul3A_2, %mul3A_280 : i32
      %dma_wait3A_282 = arith.constant 2 : i32
      %dma_wait3A_283 = arith.constant 0 : i32
      %dma_wait3A_284 = arith.constant 0 : i32
      %dma_wait3A_285 = arith.constant 0 : i32
      %dma_wait3A_286 = arith.constant 0 : i32
      %dma_wait3A_287 = tpu.memref_slice %arg4[%dma_wait3A_282, %dma_wait3A_283, %dma_wait3A_284, %dma_wait3A_285, %dma_wait3A_286] : memref<4x8x2x8x128xf32, #tpu.memory_space<vmem>> -> memref<1x8x2x8x128xf32, #tpu.memory_space<vmem>>
      %dma_wait3A_288 = tpu.memref_squeeze %dma_wait3A_287 : memref<1x8x2x8x128xf32, #tpu.memory_space<vmem>> -> memref<8x2x8x128xf32, #tpu.memory_space<vmem>>
      %dma_wait3A_289 = arith.constant 0 : i32
      %dma_wait3A_290 = arith.constant 0 : i32
      %dma_wait3A_291 = arith.constant 0 : i32
      %dma_wait3A_292 = tpu.memref_slice %arg2[%dma_wait3A_289, %add3A_281, %dma_wait3A_290, %dma_wait3A_291] : memref<8x4096x8x128xf32, #tpu.memory_space<hbm>> -> memref<8x2x8x128xf32, #tpu.memory_space<hbm>>
      %dma_wait3A_293 = arith.constant 0 : i32
      %dma_wait3A_294 = arith.constant 0 : i32
      %dma_wait3A_295 = arith.constant 0 : i32
      %dma_wait3A_296 = arith.constant 0 : i32
      %dma_wait3A_297 = tpu.memref_slice %arg4[%dma_wait3A_282, %dma_wait3A_293, %dma_wait3A_294, %dma_wait3A_295, %dma_wait3A_296] : memref<4x8x2x8x128xf32, #tpu.memory_space<vmem>> -> memref<1x8x2x8x128xf32, #tpu.memory_space<vmem>>
      %dma_wait3A_298 = tpu.memref_squeeze %dma_wait3A_297 : memref<1x8x2x8x128xf32, #tpu.memory_space<vmem>> -> memref<8x2x8x128xf32, #tpu.memory_space<vmem>>
      %dma_wait3A_299 = arith.constant 0 : i32
      %dma_wait3A_300 = arith.constant 0 : i32
      %dma_wait3A_301 = arith.constant 0 : i32
      %dma_wait3A_302 = tpu.memref_slice %arg2[%dma_wait3A_299, %add3A_281, %dma_wait3A_300, %dma_wait3A_301] : memref<8x4096x8x128xf32, #tpu.memory_space<hbm>> -> memref<8x2x8x128xf32, #tpu.memory_space<hbm>>
      tpu.wait_dma2 semaphore(%arg7 : memref<!tpu.dma_semaphore, #tpu.memory_space<semaphore_mem>>) src(%dma_wait3A_302 : memref<8x2x8x128xf32, #tpu.memory_space<hbm>>) dst(%dma_wait3A_298 : memref<8x2x8x128xf32, #tpu.memory_space<vmem>>)
      %scan3A_303 = arith.constant 0 : i32
      %scan3A_304 = arith.constant 0 : i32
      %scan3A_305 = arith.constant 16 : i32
      %scan3A_306 = arith.addi %scan3A_304, %scan3A_305 : i32
      %scan3A_307 = arith.constant 1 : i32
      scf.for %scan3A_409 = %scan3A_304 to %scan3A_306 step %scan3A_307  : i32 {
        %jit3A = arith.constant 8 : i32
        %div3A = arith.divsi %scan3A_409, %jit3A : i32
        %sign3A = arith.constant 0 : i32
        %sign3A_410 = arith.cmpi sgt, %scan3A_409, %sign3A : i32
        %sign3A_411 = arith.extui %sign3A_410 : i1 to i32
        %sign3A_412 = arith.constant 0 : i32
        %sign3A_413 = arith.cmpi slt, %scan3A_409, %sign3A_412 : i32
        %sign3A_414 = arith.extui %sign3A_413 : i1 to i32
        %sign3A_415 = arith.subi %sign3A_411, %sign3A_414 : i32
        %sign3A_416 = arith.constant 0 : i32
        %sign3A_417 = arith.cmpi sgt, %jit3A, %sign3A_416 : i32
        %sign3A_418 = arith.extui %sign3A_417 : i1 to i32
        %sign3A_419 = arith.constant 0 : i32
        %sign3A_420 = arith.cmpi slt, %jit3A, %sign3A_419 : i32
        %sign3A_421 = arith.extui %sign3A_420 : i1 to i32
        %sign3A_422 = arith.subi %sign3A_418, %sign3A_421 : i32
        %ne3A = arith.cmpi ne, %sign3A_415, %sign3A_422 : i32
        %rem3A = arith.remsi %scan3A_409, %jit3A : i32
        %ne3A_423 = arith.constant 0 : i32
        %ne3A_424 = arith.cmpi ne, %rem3A, %ne3A_423 : i32
        %and3A = arith.andi %ne3A, %ne3A_424 : i1
        %sub3A_425 = arith.constant 1 : i32
        %sub3A_426 = arith.subi %div3A, %sub3A_425 : i32
        %select_n3A = arith.select %and3A, %sub3A_426, %div3A : i32
        %jit3A_427 = arith.constant 8 : i32
        %eq3A = arith.constant 0 : i32
        %eq3A_428 = arith.cmpi eq, %jit3A_427, %eq3A : i32
        %jit3A_429 = arith.constant 1 : i32
        %select_n3A_430 = arith.select %eq3A_428, %jit3A_429, %jit3A_427 : i32
        %rem3A_431 = arith.remsi %scan3A_409, %select_n3A_430 : i32
        %ne3A_432 = arith.constant 0 : i32
        %ne3A_433 = arith.cmpi ne, %rem3A_431, %ne3A_432 : i32
        %lt3A_434 = arith.constant 0 : i32
        %lt3A_435 = arith.cmpi slt, %rem3A_431, %lt3A_434 : i32
        %lt3A_436 = arith.constant 0 : i32
        %lt3A_437 = arith.cmpi slt, %select_n3A_430, %lt3A_436 : i32
        %ne3A_438 = arith.xori %lt3A_435, %lt3A_437 : i1
        %and3A_439 = arith.andi %ne3A_438, %ne3A_433 : i1
        %add3A_440 = arith.addi %rem3A_431, %select_n3A_430 : i32
        %select_n3A_441 = arith.select %and3A_439, %add3A_440, %rem3A_431 : i32
        %mul3A_442 = arith.constant 16 : i32
        %mul3A_443 = arith.muli %select_n3A_441, %mul3A_442 : i32
        %get3A = arith.constant 2 : i32
        %get3A_444 = arith.constant 0 : i32
        %get3A_445 = arith.constant 0 : i32
        %get3A_446 = arith.index_cast %get3A : i32 to index
        %get3A_447 = arith.index_cast %get3A_444 : i32 to index
        %get3A_448 = arith.index_cast %select_n3A : i32 to index
        %get3A_449 = arith.index_cast %get3A_445 : i32 to index
        %get3A_450 = arith.index_cast %mul3A_443 : i32 to index
        %get3A_451 = tpu.vector_load %arg4[%get3A_446, %get3A_447, %get3A_448, %get3A_449, %get3A_450] {strides = array<i32>} : memref<4x8x2x8x128xf32, #tpu.memory_space<vmem>>, vector<1x1x1x1x16xf32>,
        %get3A_452 = vector.shape_cast %get3A_451 : vector<1x1x1x1x16xf32> to vector<16xf32>
        %get3A_453 = arith.constant 2 : i32
        %get3A_454 = arith.constant 0 : i32
        %get3A_455 = arith.constant 1 : i32
        %get3A_456 = arith.index_cast %get3A_453 : i32 to index
        %get3A_457 = arith.index_cast %get3A_454 : i32 to index
        %get3A_458 = arith.index_cast %select_n3A : i32 to index
        %get3A_459 = arith.index_cast %get3A_455 : i32 to index
        %get3A_460 = arith.index_cast %mul3A_443 : i32 to index
        %get3A_461 = tpu.vector_load %arg4[%get3A_456, %get3A_457, %get3A_458, %get3A_459, %get3A_460] {strides = array<i32>} : memref<4x8x2x8x128xf32, #tpu.memory_space<vmem>>, vector<1x1x1x1x16xf32>,
        %get3A_462 = vector.shape_cast %get3A_461 : vector<1x1x1x1x16xf32> to vector<16xf32>
        %mul3A_463 = arith.mulf %get3A_462, %get3A_452 : vector<16xf32>
        %swap3A = arith.constant 2 : i32
        %swap3A_464 = arith.constant 0 : i32
        %swap3A_465 = arith.constant 1 : i32
        %swap3A_466 = arith.index_cast %swap3A : i32 to index
        %swap3A_467 = arith.index_cast %swap3A_464 : i32 to index
        %swap3A_468 = arith.index_cast %select_n3A : i32 to index
        %swap3A_469 = arith.index_cast %swap3A_465 : i32 to index
        %swap3A_470 = arith.index_cast %mul3A_443 : i32 to index
        %swap3A_471 = tpu.vector_load %arg4[%swap3A_466, %swap3A_467, %swap3A_468, %swap3A_469, %swap3A_470] {strides = array<i32>} : memref<4x8x2x8x128xf32, #tpu.memory_space<vmem>>, vector<1x1x1x1x16xf32>,
        %swap3A_472 = vector.shape_cast %swap3A_471 : vector<1x1x1x1x16xf32> to vector<16xf32>
        %swap3A_473 = vector.shape_cast %mul3A_463 : vector<16xf32> to vector<1x1x1x1x16xf32>
        tpu.vector_store %arg4[%swap3A_466, %swap3A_467, %swap3A_468, %swap3A_469, %swap3A_470], %swap3A_473 {strides = array<i32>} : memref<4x8x2x8x128xf32, #tpu.memory_space<vmem>>, vector<1x1x1x1x16xf32>,
        %get3A_474 = arith.constant 2 : i32
        %get3A_475 = arith.constant 0 : i32
        %get3A_476 = arith.constant 2 : i32
        %get3A_477 = arith.index_cast %get3A_474 : i32 to index
        %get3A_478 = arith.index_cast %get3A_475 : i32 to index
        %get3A_479 = arith.index_cast %select_n3A : i32 to index
        %get3A_480 = arith.index_cast %get3A_476 : i32 to index
        %get3A_481 = arith.index_cast %mul3A_443 : i32 to index
        %get3A_482 = tpu.vector_load %arg4[%get3A_477, %get3A_478, %get3A_479, %get3A_480, %get3A_481] {strides = array<i32>} : memref<4x8x2x8x128xf32, #tpu.memory_space<vmem>>, vector<1x1x1x1x16xf32>,
        %get3A_483 = vector.shape_cast %get3A_482 : vector<1x1x1x1x16xf32> to vector<16xf32>
        %mul3A_484 = arith.mulf %get3A_483, %get3A_452 : vector<16xf32>
        %swap3A_485 = arith.constant 2 : i32
        %swap3A_486 = arith.constant 0 : i32
        %swap3A_487 = arith.constant 2 : i32
        %swap3A_488 = arith.index_cast %swap3A_485 : i32 to index
        %swap3A_489 = arith.index_cast %swap3A_486 : i32 to index
        %swap3A_490 = arith.index_cast %select_n3A : i32 to index
        %swap3A_491 = arith.index_cast %swap3A_487 : i32 to index
        %swap3A_492 = arith.index_cast %mul3A_443 : i32 to index
        %swap3A_493 = tpu.vector_load %arg4[%swap3A_488, %swap3A_489, %swap3A_490, %swap3A_491, %swap3A_492] {strides = array<i32>} : memref<4x8x2x8x128xf32, #tpu.memory_space<vmem>>, vector<1x1x1x1x16xf32>,
        %swap3A_494 = vector.shape_cast %swap3A_493 : vector<1x1x1x1x16xf32> to vector<16xf32>
        %swap3A_495 = vector.shape_cast %mul3A_484 : vector<16xf32> to vector<1x1x1x1x16xf32>
        tpu.vector_store %arg4[%swap3A_488, %swap3A_489, %swap3A_490, %swap3A_491, %swap3A_492], %swap3A_495 {strides = array<i32>} : memref<4x8x2x8x128xf32, #tpu.memory_space<vmem>>, vector<1x1x1x1x16xf32>,
        %get3A_496 = arith.constant 2 : i32
        %get3A_497 = arith.constant 0 : i32
        %get3A_498 = arith.constant 3 : i32
        %get3A_499 = arith.index_cast %get3A_496 : i32 to index
        %get3A_500 = arith.index_cast %get3A_497 : i32 to index
        %get3A_501 = arith.index_cast %select_n3A : i32 to index
        %get3A_502 = arith.index_cast %get3A_498 : i32 to index
        %get3A_503 = arith.index_cast %mul3A_443 : i32 to index
        %get3A_504 = tpu.vector_load %arg4[%get3A_499, %get3A_500, %get3A_501, %get3A_502, %get3A_503] {strides = array<i32>} : memref<4x8x2x8x128xf32, #tpu.memory_space<vmem>>, vector<1x1x1x1x16xf32>,
        %get3A_505 = vector.shape_cast %get3A_504 : vector<1x1x1x1x16xf32> to vector<16xf32>
        %mul3A_506 = arith.mulf %get3A_505, %get3A_452 : vector<16xf32>
        %swap3A_507 = arith.constant 2 : i32
        %swap3A_508 = arith.constant 0 : i32
        %swap3A_509 = arith.constant 3 : i32
        %swap3A_510 = arith.index_cast %swap3A_507 : i32 to index
        %swap3A_511 = arith.index_cast %swap3A_508 : i32 to index
        %swap3A_512 = arith.index_cast %select_n3A : i32 to index
        %swap3A_513 = arith.index_cast %swap3A_509 : i32 to index
        %swap3A_514 = arith.index_cast %mul3A_443 : i32 to index
        %swap3A_515 = tpu.vector_load %arg4[%swap3A_510, %swap3A_511, %swap3A_512, %swap3A_513, %swap3A_514] {strides = array<i32>} : memref<4x8x2x8x128xf32, #tpu.memory_space<vmem>>, vector<1x1x1x1x16xf32>,
        %swap3A_516 = vector.shape_cast %swap3A_515 : vector<1x1x1x1x16xf32> to vector<16xf32>
        %swap3A_517 = vector.shape_cast %mul3A_506 : vector<16xf32> to vector<1x1x1x1x16xf32>
        tpu.vector_store %arg4[%swap3A_510, %swap3A_511, %swap3A_512, %swap3A_513, %swap3A_514], %swap3A_517 {strides = array<i32>} : memref<4x8x2x8x128xf32, #tpu.memory_space<vmem>>, vector<1x1x1x1x16xf32>,
        %get3A_518 = arith.constant 2 : i32
        %get3A_519 = arith.constant 0 : i32
        %get3A_520 = arith.constant 4 : i32
        %get3A_521 = arith.index_cast %get3A_518 : i32 to index
        %get3A_522 = arith.index_cast %get3A_519 : i32 to index
        %get3A_523 = arith.index_cast %select_n3A : i32 to index
        %get3A_524 = arith.index_cast %get3A_520 : i32 to index
        %get3A_525 = arith.index_cast %mul3A_443 : i32 to index
        %get3A_526 = tpu.vector_load %arg4[%get3A_521, %get3A_522, %get3A_523, %get3A_524, %get3A_525] {strides = array<i32>} : memref<4x8x2x8x128xf32, #tpu.memory_space<vmem>>, vector<1x1x1x1x16xf32>,
        %get3A_527 = vector.shape_cast %get3A_526 : vector<1x1x1x1x16xf32> to vector<16xf32>
        %mul3A_528 = arith.mulf %get3A_527, %get3A_452 : vector<16xf32>
        %swap3A_529 = arith.constant 2 : i32
        %swap3A_530 = arith.constant 0 : i32
        %swap3A_531 = arith.constant 4 : i32
        %swap3A_532 = arith.index_cast %swap3A_529 : i32 to index
        %swap3A_533 = arith.index_cast %swap3A_530 : i32 to index
        %swap3A_534 = arith.index_cast %select_n3A : i32 to index
        %swap3A_535 = arith.index_cast %swap3A_531 : i32 to index
        %swap3A_536 = arith.index_cast %mul3A_443 : i32 to index
        %swap3A_537 = tpu.vector_load %arg4[%swap3A_532, %swap3A_533, %swap3A_534, %swap3A_535, %swap3A_536] {strides = array<i32>} : memref<4x8x2x8x128xf32, #tpu.memory_space<vmem>>, vector<1x1x1x1x16xf32>,
        %swap3A_538 = vector.shape_cast %swap3A_537 : vector<1x1x1x1x16xf32> to vector<16xf32>
        %swap3A_539 = vector.shape_cast %mul3A_528 : vector<16xf32> to vector<1x1x1x1x16xf32>
        tpu.vector_store %arg4[%swap3A_532, %swap3A_533, %swap3A_534, %swap3A_535, %swap3A_536], %swap3A_539 {strides = array<i32>} : memref<4x8x2x8x128xf32, #tpu.memory_space<vmem>>, vector<1x1x1x1x16xf32>,
        %get3A_540 = arith.constant 2 : i32
        %get3A_541 = arith.constant 0 : i32
        %get3A_542 = arith.constant 5 : i32
        %get3A_543 = arith.index_cast %get3A_540 : i32 to index
        %get3A_544 = arith.index_cast %get3A_541 : i32 to index
        %get3A_545 = arith.index_cast %select_n3A : i32 to index
        %get3A_546 = arith.index_cast %get3A_542 : i32 to index
        %get3A_547 = arith.index_cast %mul3A_443 : i32 to index
        %get3A_548 = tpu.vector_load %arg4[%get3A_543, %get3A_544, %get3A_545, %get3A_546, %get3A_547] {strides = array<i32>} : memref<4x8x2x8x128xf32, #tpu.memory_space<vmem>>, vector<1x1x1x1x16xf32>,
        %get3A_549 = vector.shape_cast %get3A_548 : vector<1x1x1x1x16xf32> to vector<16xf32>
        %mul3A_550 = arith.mulf %get3A_549, %get3A_452 : vector<16xf32>
        %swap3A_551 = arith.constant 2 : i32
        %swap3A_552 = arith.constant 0 : i32
        %swap3A_553 = arith.constant 5 : i32
        %swap3A_554 = arith.index_cast %swap3A_551 : i32 to index
        %swap3A_555 = arith.index_cast %swap3A_552 : i32 to index
        %swap3A_556 = arith.index_cast %select_n3A : i32 to index
        %swap3A_557 = arith.index_cast %swap3A_553 : i32 to index
        %swap3A_558 = arith.index_cast %mul3A_443 : i32 to index
        %swap3A_559 = tpu.vector_load %arg4[%swap3A_554, %swap3A_555, %swap3A_556, %swap3A_557, %swap3A_558] {strides = array<i32>} : memref<4x8x2x8x128xf32, #tpu.memory_space<vmem>>, vector<1x1x1x1x16xf32>,
        %swap3A_560 = vector.shape_cast %swap3A_559 : vector<1x1x1x1x16xf32> to vector<16xf32>
        %swap3A_561 = vector.shape_cast %mul3A_550 : vector<16xf32> to vector<1x1x1x1x16xf32>
        tpu.vector_store %arg4[%swap3A_554, %swap3A_555, %swap3A_556, %swap3A_557, %swap3A_558], %swap3A_561 {strides = array<i32>} : memref<4x8x2x8x128xf32, #tpu.memory_space<vmem>>, vector<1x1x1x1x16xf32>,
        %get3A_562 = arith.constant 2 : i32
        %get3A_563 = arith.constant 0 : i32
        %get3A_564 = arith.constant 6 : i32
        %get3A_565 = arith.index_cast %get3A_562 : i32 to index
        %get3A_566 = arith.index_cast %get3A_563 : i32 to index
        %get3A_567 = arith.index_cast %select_n3A : i32 to index
        %get3A_568 = arith.index_cast %get3A_564 : i32 to index
        %get3A_569 = arith.index_cast %mul3A_443 : i32 to index
        %get3A_570 = tpu.vector_load %arg4[%get3A_565, %get3A_566, %get3A_567, %get3A_568, %get3A_569] {strides = array<i32>} : memref<4x8x2x8x128xf32, #tpu.memory_space<vmem>>, vector<1x1x1x1x16xf32>,
        %get3A_571 = vector.shape_cast %get3A_570 : vector<1x1x1x1x16xf32> to vector<16xf32>
        %mul3A_572 = arith.mulf %get3A_571, %get3A_452 : vector<16xf32>
        %swap3A_573 = arith.constant 2 : i32
        %swap3A_574 = arith.constant 0 : i32
        %swap3A_575 = arith.constant 6 : i32
        %swap3A_576 = arith.index_cast %swap3A_573 : i32 to index
        %swap3A_577 = arith.index_cast %swap3A_574 : i32 to index
        %swap3A_578 = arith.index_cast %select_n3A : i32 to index
        %swap3A_579 = arith.index_cast %swap3A_575 : i32 to index
        %swap3A_580 = arith.index_cast %mul3A_443 : i32 to index
        %swap3A_581 = tpu.vector_load %arg4[%swap3A_576, %swap3A_577, %swap3A_578, %swap3A_579, %swap3A_580] {strides = array<i32>} : memref<4x8x2x8x128xf32, #tpu.memory_space<vmem>>, vector<1x1x1x1x16xf32>,
        %swap3A_582 = vector.shape_cast %swap3A_581 : vector<1x1x1x1x16xf32> to vector<16xf32>
        %swap3A_583 = vector.shape_cast %mul3A_572 : vector<16xf32> to vector<1x1x1x1x16xf32>
        tpu.vector_store %arg4[%swap3A_576, %swap3A_577, %swap3A_578, %swap3A_579, %swap3A_580], %swap3A_583 {strides = array<i32>} : memref<4x8x2x8x128xf32, #tpu.memory_space<vmem>>, vector<1x1x1x1x16xf32>,
        %get3A_584 = arith.constant 2 : i32
        %get3A_585 = arith.constant 0 : i32
        %get3A_586 = arith.constant 7 : i32
        %get3A_587 = arith.index_cast %get3A_584 : i32 to index
        %get3A_588 = arith.index_cast %get3A_585 : i32 to index
        %get3A_589 = arith.index_cast %select_n3A : i32 to index
        %get3A_590 = arith.index_cast %get3A_586 : i32 to index
        %get3A_591 = arith.index_cast %mul3A_443 : i32 to index
        %get3A_592 = tpu.vector_load %arg4[%get3A_587, %get3A_588, %get3A_589, %get3A_590, %get3A_591] {strides = array<i32>} : memref<4x8x2x8x128xf32, #tpu.memory_space<vmem>>, vector<1x1x1x1x16xf32>,
        %get3A_593 = vector.shape_cast %get3A_592 : vector<1x1x1x1x16xf32> to vector<16xf32>
        %mul3A_594 = arith.mulf %get3A_593, %get3A_452 : vector<16xf32>
        %swap3A_595 = arith.constant 2 : i32
        %swap3A_596 = arith.constant 0 : i32
        %swap3A_597 = arith.constant 7 : i32
        %swap3A_598 = arith.index_cast %swap3A_595 : i32 to index
        %swap3A_599 = arith.index_cast %swap3A_596 : i32 to index
        %swap3A_600 = arith.index_cast %select_n3A : i32 to index
        %swap3A_601 = arith.index_cast %swap3A_597 : i32 to index
        %swap3A_602 = arith.index_cast %mul3A_443 : i32 to index
        %swap3A_603 = tpu.vector_load %arg4[%swap3A_598, %swap3A_599, %swap3A_600, %swap3A_601, %swap3A_602] {strides = array<i32>} : memref<4x8x2x8x128xf32, #tpu.memory_space<vmem>>, vector<1x1x1x1x16xf32>,
        %swap3A_604 = vector.shape_cast %swap3A_603 : vector<1x1x1x1x16xf32> to vector<16xf32>
        %swap3A_605 = vector.shape_cast %mul3A_594 : vector<16xf32> to vector<1x1x1x1x16xf32>
        tpu.vector_store %arg4[%swap3A_598, %swap3A_599, %swap3A_600, %swap3A_601, %swap3A_602], %swap3A_605 {strides = array<i32>} : memref<4x8x2x8x128xf32, #tpu.memory_space<vmem>>, vector<1x1x1x1x16xf32>,
        %get3A_606 = arith.constant 2 : i32
        %get3A_607 = arith.constant 1 : i32
        %get3A_608 = arith.constant 0 : i32
        %get3A_609 = arith.index_cast %get3A_606 : i32 to index
        %get3A_610 = arith.index_cast %get3A_607 : i32 to index
        %get3A_611 = arith.index_cast %select_n3A : i32 to index
        %get3A_612 = arith.index_cast %get3A_608 : i32 to index
        %get3A_613 = arith.index_cast %mul3A_443 : i32 to index
        %get3A_614 = tpu.vector_load %arg4[%get3A_609, %get3A_610, %get3A_611, %get3A_612, %get3A_613] {strides = array<i32>} : memref<4x8x2x8x128xf32, #tpu.memory_space<vmem>>, vector<1x1x1x1x16xf32>,
        %get3A_615 = vector.shape_cast %get3A_614 : vector<1x1x1x1x16xf32> to vector<16xf32>
        %mul3A_616 = arith.mulf %get3A_615, %get3A_452 : vector<16xf32>
        %swap3A_617 = arith.constant 2 : i32
        %swap3A_618 = arith.constant 1 : i32
        %swap3A_619 = arith.constant 0 : i32
        %swap3A_620 = arith.index_cast %swap3A_617 : i32 to index
        %swap3A_621 = arith.index_cast %swap3A_618 : i32 to index
        %swap3A_622 = arith.index_cast %select_n3A : i32 to index
        %swap3A_623 = arith.index_cast %swap3A_619 : i32 to index
        %swap3A_624 = arith.index_cast %mul3A_443 : i32 to index
        %swap3A_625 = tpu.vector_load %arg4[%swap3A_620, %swap3A_621, %swap3A_622, %swap3A_623, %swap3A_624] {strides = array<i32>} : memref<4x8x2x8x128xf32, #tpu.memory_space<vmem>>, vector<1x1x1x1x16xf32>,
        %swap3A_626 = vector.shape_cast %swap3A_625 : vector<1x1x1x1x16xf32> to vector<16xf32>
        %swap3A_627 = vector.shape_cast %mul3A_616 : vector<16xf32> to vector<1x1x1x1x16xf32>
        tpu.vector_store %arg4[%swap3A_620, %swap3A_621, %swap3A_622, %swap3A_623, %swap3A_624], %swap3A_627 {strides = array<i32>} : memref<4x8x2x8x128xf32, #tpu.memory_space<vmem>>, vector<1x1x1x1x16xf32>,
        %get3A_628 = arith.constant 2 : i32
        %get3A_629 = arith.constant 1 : i32
        %get3A_630 = arith.constant 1 : i32
        %get3A_631 = arith.index_cast %get3A_628 : i32 to index
        %get3A_632 = arith.index_cast %get3A_629 : i32 to index
        %get3A_633 = arith.index_cast %select_n3A : i32 to index
        %get3A_634 = arith.index_cast %get3A_630 : i32 to index
        %get3A_635 = arith.index_cast %mul3A_443 : i32 to index
        %get3A_636 = tpu.vector_load %arg4[%get3A_631, %get3A_632, %get3A_633, %get3A_634, %get3A_635] {strides = array<i32>} : memref<4x8x2x8x128xf32, #tpu.memory_space<vmem>>, vector<1x1x1x1x16xf32>,
        %get3A_637 = vector.shape_cast %get3A_636 : vector<1x1x1x1x16xf32> to vector<16xf32>
        %mul3A_638 = arith.mulf %get3A_637, %get3A_452 : vector<16xf32>
        %swap3A_639 = arith.constant 2 : i32
        %swap3A_640 = arith.constant 1 : i32
        %swap3A_641 = arith.constant 1 : i32
        %swap3A_642 = arith.index_cast %swap3A_639 : i32 to index
        %swap3A_643 = arith.index_cast %swap3A_640 : i32 to index
        %swap3A_644 = arith.index_cast %select_n3A : i32 to index
        %swap3A_645 = arith.index_cast %swap3A_641 : i32 to index
        %swap3A_646 = arith.index_cast %mul3A_443 : i32 to index
        %swap3A_647 = tpu.vector_load %arg4[%swap3A_642, %swap3A_643, %swap3A_644, %swap3A_645, %swap3A_646] {strides = array<i32>} : memref<4x8x2x8x128xf32, #tpu.memory_space<vmem>>, vector<1x1x1x1x16xf32>,
        %swap3A_648 = vector.shape_cast %swap3A_647 : vector<1x1x1x1x16xf32> to vector<16xf32>
        %swap3A_649 = vector.shape_cast %mul3A_638 : vector<16xf32> to vector<1x1x1x1x16xf32>
        tpu.vector_store %arg4[%swap3A_642, %swap3A_643, %swap3A_644, %swap3A_645, %swap3A_646], %swap3A_649 {strides = array<i32>} : memref<4x8x2x8x128xf32, #tpu.memory_space<vmem>>, vector<1x1x1x1x16xf32>,
        %get3A_650 = arith.constant 2 : i32
        %get3A_651 = arith.constant 1 : i32
        %get3A_652 = arith.constant 2 : i32
        %get3A_653 = arith.index_cast %get3A_650 : i32 to index
        %get3A_654 = arith.index_cast %get3A_651 : i32 to index
        %get3A_655 = arith.index_cast %select_n3A : i32 to index
        %get3A_656 = arith.index_cast %get3A_652 : i32 to index
        %get3A_657 = arith.index_cast %mul3A_443 : i32 to index
        %get3A_658 = tpu.vector_load %arg4[%get3A_653, %get3A_654, %get3A_655, %get3A_656, %get3A_657] {strides = array<i32>} : memref<4x8x2x8x128xf32, #tpu.memory_space<vmem>>, vector<1x1x1x1x16xf32>,
        %get3A_659 = vector.shape_cast %get3A_658 : vector<1x1x1x1x16xf32> to vector<16xf32>
        %mul3A_660 = arith.mulf %get3A_659, %get3A_452 : vector<16xf32>
        %swap3A_661 = arith.constant 2 : i32
        %swap3A_662 = arith.constant 1 : i32
        %swap3A_663 = arith.constant 2 : i32
        %swap3A_664 = arith.index_cast %swap3A_661 : i32 to index
        %swap3A_665 = arith.index_cast %swap3A_662 : i32 to index
        %swap3A_666 = arith.index_cast %select_n3A : i32 to index
        %swap3A_667 = arith.index_cast %swap3A_663 : i32 to index
        %swap3A_668 = arith.index_cast %mul3A_443 : i32 to index
        %swap3A_669 = tpu.vector_load %arg4[%swap3A_664, %swap3A_665, %swap3A_666, %swap3A_667, %swap3A_668] {strides = array<i32>} : memref<4x8x2x8x128xf32, #tpu.memory_space<vmem>>, vector<1x1x1x1x16xf32>,
        %swap3A_670 = vector.shape_cast %swap3A_669 : vector<1x1x1x1x16xf32> to vector<16xf32>
        %swap3A_671 = vector.shape_cast %mul3A_660 : vector<16xf32> to vector<1x1x1x1x16xf32>
        tpu.vector_store %arg4[%swap3A_664, %swap3A_665, %swap3A_666, %swap3A_667, %swap3A_668], %swap3A_671 {strides = array<i32>} : memref<4x8x2x8x128xf32, #tpu.memory_space<vmem>>, vector<1x1x1x1x16xf32>,
        %get3A_672 = arith.constant 2 : i32
        %get3A_673 = arith.constant 1 : i32
        %get3A_674 = arith.constant 3 : i32
        %get3A_675 = arith.index_cast %get3A_672 : i32 to index
        %get3A_676 = arith.index_cast %get3A_673 : i32 to index
        %get3A_677 = arith.index_cast %select_n3A : i32 to index
        %get3A_678 = arith.index_cast %get3A_674 : i32 to index
        %get3A_679 = arith.index_cast %mul3A_443 : i32 to index
        %get3A_680 = tpu.vector_load %arg4[%get3A_675, %get3A_676, %get3A_677, %get3A_678, %get3A_679] {strides = array<i32>} : memref<4x8x2x8x128xf32, #tpu.memory_space<vmem>>, vector<1x1x1x1x16xf32>,
        %get3A_681 = vector.shape_cast %get3A_680 : vector<1x1x1x1x16xf32> to vector<16xf32>
        %mul3A_682 = arith.mulf %get3A_681, %get3A_452 : vector<16xf32>
        %swap3A_683 = arith.constant 2 : i32
        %swap3A_684 = arith.constant 1 : i32
        %swap3A_685 = arith.constant 3 : i32
        %swap3A_686 = arith.index_cast %swap3A_683 : i32 to index
        %swap3A_687 = arith.index_cast %swap3A_684 : i32 to index
        %swap3A_688 = arith.index_cast %select_n3A : i32 to index
        %swap3A_689 = arith.index_cast %swap3A_685 : i32 to index
        %swap3A_690 = arith.index_cast %mul3A_443 : i32 to index
        %swap3A_691 = tpu.vector_load %arg4[%swap3A_686, %swap3A_687, %swap3A_688, %swap3A_689, %swap3A_690] {strides = array<i32>} : memref<4x8x2x8x128xf32, #tpu.memory_space<vmem>>, vector<1x1x1x1x16xf32>,
        %swap3A_692 = vector.shape_cast %swap3A_691 : vector<1x1x1x1x16xf32> to vector<16xf32>
        %swap3A_693 = vector.shape_cast %mul3A_682 : vector<16xf32> to vector<1x1x1x1x16xf32>
        tpu.vector_store %arg4[%swap3A_686, %swap3A_687, %swap3A_688, %swap3A_689, %swap3A_690], %swap3A_693 {strides = array<i32>} : memref<4x8x2x8x128xf32, #tpu.memory_space<vmem>>, vector<1x1x1x1x16xf32>,
        %get3A_694 = arith.constant 2 : i32
        %get3A_695 = arith.constant 1 : i32
        %get3A_696 = arith.constant 4 : i32
        %get3A_697 = arith.index_cast %get3A_694 : i32 to index
        %get3A_698 = arith.index_cast %get3A_695 : i32 to index
        %get3A_699 = arith.index_cast %select_n3A : i32 to index
        %get3A_700 = arith.index_cast %get3A_696 : i32 to index
        %get3A_701 = arith.index_cast %mul3A_443 : i32 to index
        %get3A_702 = tpu.vector_load %arg4[%get3A_697, %get3A_698, %get3A_699, %get3A_700, %get3A_701] {strides = array<i32>} : memref<4x8x2x8x128xf32, #tpu.memory_space<vmem>>, vector<1x1x1x1x16xf32>,
        %get3A_703 = vector.shape_cast %get3A_702 : vector<1x1x1x1x16xf32> to vector<16xf32>
        %mul3A_704 = arith.mulf %get3A_703, %get3A_452 : vector<16xf32>
        %swap3A_705 = arith.constant 2 : i32
        %swap3A_706 = arith.constant 1 : i32
        %swap3A_707 = arith.constant 4 : i32
        %swap3A_708 = arith.index_cast %swap3A_705 : i32 to index
        %swap3A_709 = arith.index_cast %swap3A_706 : i32 to index
        %swap3A_710 = arith.index_cast %select_n3A : i32 to index
        %swap3A_711 = arith.index_cast %swap3A_707 : i32 to index
        %swap3A_712 = arith.index_cast %mul3A_443 : i32 to index
        %swap3A_713 = tpu.vector_load %arg4[%swap3A_708, %swap3A_709, %swap3A_710, %swap3A_711, %swap3A_712] {strides = array<i32>} : memref<4x8x2x8x128xf32, #tpu.memory_space<vmem>>, vector<1x1x1x1x16xf32>,
        %swap3A_714 = vector.shape_cast %swap3A_713 : vector<1x1x1x1x16xf32> to vector<16xf32>
        %swap3A_715 = vector.shape_cast %mul3A_704 : vector<16xf32> to vector<1x1x1x1x16xf32>
        tpu.vector_store %arg4[%swap3A_708, %swap3A_709, %swap3A_710, %swap3A_711, %swap3A_712], %swap3A_715 {strides = array<i32>} : memref<4x8x2x8x128xf32, #tpu.memory_space<vmem>>, vector<1x1x1x1x16xf32>,
        %get3A_716 = arith.constant 2 : i32
        %get3A_717 = arith.constant 1 : i32
        %get3A_718 = arith.constant 5 : i32
        %get3A_719 = arith.index_cast %get3A_716 : i32 to index
        %get3A_720 = arith.index_cast %get3A_717 : i32 to index
        %get3A_721 = arith.index_cast %select_n3A : i32 to index
        %get3A_722 = arith.index_cast %get3A_718 : i32 to index
        %get3A_723 = arith.index_cast %mul3A_443 : i32 to index
        %get3A_724 = tpu.vector_load %arg4[%get3A_719, %get3A_720, %get3A_721, %get3A_722, %get3A_723] {strides = array<i32>} : memref<4x8x2x8x128xf32, #tpu.memory_space<vmem>>, vector<1x1x1x1x16xf32>,
        %get3A_725 = vector.shape_cast %get3A_724 : vector<1x1x1x1x16xf32> to vector<16xf32>
        %mul3A_726 = arith.mulf %get3A_725, %get3A_452 : vector<16xf32>
        %swap3A_727 = arith.constant 2 : i32
        %swap3A_728 = arith.constant 1 : i32
        %swap3A_729 = arith.constant 5 : i32
        %swap3A_730 = arith.index_cast %swap3A_727 : i32 to index
        %swap3A_731 = arith.index_cast %swap3A_728 : i32 to index
        %swap3A_732 = arith.index_cast %select_n3A : i32 to index
        %swap3A_733 = arith.index_cast %swap3A_729 : i32 to index
        %swap3A_734 = arith.index_cast %mul3A_443 : i32 to index
        %swap3A_735 = tpu.vector_load %arg4[%swap3A_730, %swap3A_731, %swap3A_732, %swap3A_733, %swap3A_734] {strides = array<i32>} : memref<4x8x2x8x128xf32, #tpu.memory_space<vmem>>, vector<1x1x1x1x16xf32>,
        %swap3A_736 = vector.shape_cast %swap3A_735 : vector<1x1x1x1x16xf32> to vector<16xf32>
        %swap3A_737 = vector.shape_cast %mul3A_726 : vector<16xf32> to vector<1x1x1x1x16xf32>
        tpu.vector_store %arg4[%swap3A_730, %swap3A_731, %swap3A_732, %swap3A_733, %swap3A_734], %swap3A_737 {strides = array<i32>} : memref<4x8x2x8x128xf32, #tpu.memory_space<vmem>>, vector<1x1x1x1x16xf32>,
        %get3A_738 = arith.constant 2 : i32
        %get3A_739 = arith.constant 1 : i32
        %get3A_740 = arith.constant 6 : i32
        %get3A_741 = arith.index_cast %get3A_738 : i32 to index
        %get3A_742 = arith.index_cast %get3A_739 : i32 to index
        %get3A_743 = arith.index_cast %select_n3A : i32 to index
        %get3A_744 = arith.index_cast %get3A_740 : i32 to index
        %get3A_745 = arith.index_cast %mul3A_443 : i32 to index
        %get3A_746 = tpu.vector_load %arg4[%get3A_741, %get3A_742, %get3A_743, %get3A_744, %get3A_745] {strides = array<i32>} : memref<4x8x2x8x128xf32, #tpu.memory_space<vmem>>, vector<1x1x1x1x16xf32>,
        %get3A_747 = vector.shape_cast %get3A_746 : vector<1x1x1x1x16xf32> to vector<16xf32>
        %mul3A_748 = arith.mulf %get3A_747, %get3A_452 : vector<16xf32>
        %swap3A_749 = arith.constant 2 : i32
        %swap3A_750 = arith.constant 1 : i32
        %swap3A_751 = arith.constant 6 : i32
        %swap3A_752 = arith.index_cast %swap3A_749 : i32 to index
        %swap3A_753 = arith.index_cast %swap3A_750 : i32 to index
        %swap3A_754 = arith.index_cast %select_n3A : i32 to index
        %swap3A_755 = arith.index_cast %swap3A_751 : i32 to index
        %swap3A_756 = arith.index_cast %mul3A_443 : i32 to index
        %swap3A_757 = tpu.vector_load %arg4[%swap3A_752, %swap3A_753, %swap3A_754, %swap3A_755, %swap3A_756] {strides = array<i32>} : memref<4x8x2x8x128xf32, #tpu.memory_space<vmem>>, vector<1x1x1x1x16xf32>,
        %swap3A_758 = vector.shape_cast %swap3A_757 : vector<1x1x1x1x16xf32> to vector<16xf32>
        %swap3A_759 = vector.shape_cast %mul3A_748 : vector<16xf32> to vector<1x1x1x1x16xf32>
        tpu.vector_store %arg4[%swap3A_752, %swap3A_753, %swap3A_754, %swap3A_755, %swap3A_756], %swap3A_759 {strides = array<i32>} : memref<4x8x2x8x128xf32, #tpu.memory_space<vmem>>, vector<1x1x1x1x16xf32>,
        %get3A_760 = arith.constant 2 : i32
        %get3A_761 = arith.constant 1 : i32
        %get3A_762 = arith.constant 7 : i32
        %get3A_763 = arith.index_cast %get3A_760 : i32 to index
        %get3A_764 = arith.index_cast %get3A_761 : i32 to index
        %get3A_765 = arith.index_cast %select_n3A : i32 to index
        %get3A_766 = arith.index_cast %get3A_762 : i32 to index
        %get3A_767 = arith.index_cast %mul3A_443 : i32 to index
        %get3A_768 = tpu.vector_load %arg4[%get3A_763, %get3A_764, %get3A_765, %get3A_766, %get3A_767] {strides = array<i32>} : memref<4x8x2x8x128xf32, #tpu.memory_space<vmem>>, vector<1x1x1x1x16xf32>,
        %get3A_769 = vector.shape_cast %get3A_768 : vector<1x1x1x1x16xf32> to vector<16xf32>
        %mul3A_770 = arith.mulf %get3A_769, %get3A_452 : vector<16xf32>
        %swap3A_771 = arith.constant 2 : i32
        %swap3A_772 = arith.constant 1 : i32
        %swap3A_773 = arith.constant 7 : i32
        %swap3A_774 = arith.index_cast %swap3A_771 : i32 to index
        %swap3A_775 = arith.index_cast %swap3A_772 : i32 to index
        %swap3A_776 = arith.index_cast %select_n3A : i32 to index
        %swap3A_777 = arith.index_cast %swap3A_773 : i32 to index
        %swap3A_778 = arith.index_cast %mul3A_443 : i32 to index
        %swap3A_779 = tpu.vector_load %arg4[%swap3A_774, %swap3A_775, %swap3A_776, %swap3A_777, %swap3A_778] {strides = array<i32>} : memref<4x8x2x8x128xf32, #tpu.memory_space<vmem>>, vector<1x1x1x1x16xf32>,
        %swap3A_780 = vector.shape_cast %swap3A_779 : vector<1x1x1x1x16xf32> to vector<16xf32>
        %swap3A_781 = vector.shape_cast %mul3A_770 : vector<16xf32> to vector<1x1x1x1x16xf32>
        tpu.vector_store %arg4[%swap3A_774, %swap3A_775, %swap3A_776, %swap3A_777, %swap3A_778], %swap3A_781 {strides = array<i32>} : memref<4x8x2x8x128xf32, #tpu.memory_space<vmem>>, vector<1x1x1x1x16xf32>,
        %get3A_782 = arith.constant 2 : i32
        %get3A_783 = arith.constant 2 : i32
        %get3A_784 = arith.constant 0 : i32
        %get3A_785 = arith.index_cast %get3A_782 : i32 to index
        %get3A_786 = arith.index_cast %get3A_783 : i32 to index
        %get3A_787 = arith.index_cast %select_n3A : i32 to index
        %get3A_788 = arith.index_cast %get3A_784 : i32 to index
        %get3A_789 = arith.index_cast %mul3A_443 : i32 to index
        %get3A_790 = tpu.vector_load %arg4[%get3A_785, %get3A_786, %get3A_787, %get3A_788, %get3A_789] {strides = array<i32>} : memref<4x8x2x8x128xf32, #tpu.memory_space<vmem>>, vector<1x1x1x1x16xf32>,
        %get3A_791 = vector.shape_cast %get3A_790 : vector<1x1x1x1x16xf32> to vector<16xf32>
        %mul3A_792 = arith.mulf %get3A_791, %get3A_452 : vector<16xf32>
        %swap3A_793 = arith.constant 2 : i32
        %swap3A_794 = arith.constant 2 : i32
        %swap3A_795 = arith.constant 0 : i32
        %swap3A_796 = arith.index_cast %swap3A_793 : i32 to index
        %swap3A_797 = arith.index_cast %swap3A_794 : i32 to index
        %swap3A_798 = arith.index_cast %select_n3A : i32 to index
        %swap3A_799 = arith.index_cast %swap3A_795 : i32 to index
        %swap3A_800 = arith.index_cast %mul3A_443 : i32 to index
        %swap3A_801 = tpu.vector_load %arg4[%swap3A_796, %swap3A_797, %swap3A_798, %swap3A_799, %swap3A_800] {strides = array<i32>} : memref<4x8x2x8x128xf32, #tpu.memory_space<vmem>>, vector<1x1x1x1x16xf32>,
        %swap3A_802 = vector.shape_cast %swap3A_801 : vector<1x1x1x1x16xf32> to vector<16xf32>
        %swap3A_803 = vector.shape_cast %mul3A_792 : vector<16xf32> to vector<1x1x1x1x16xf32>
        tpu.vector_store %arg4[%swap3A_796, %swap3A_797, %swap3A_798, %swap3A_799, %swap3A_800], %swap3A_803 {strides = array<i32>} : memref<4x8x2x8x128xf32, #tpu.memory_space<vmem>>, vector<1x1x1x1x16xf32>,
        %get3A_804 = arith.constant 2 : i32
        %get3A_805 = arith.constant 2 : i32
        %get3A_806 = arith.constant 1 : i32
        %get3A_807 = arith.index_cast %get3A_804 : i32 to index
        %get3A_808 = arith.index_cast %get3A_805 : i32 to index
        %get3A_809 = arith.index_cast %select_n3A : i32 to index
        %get3A_810 = arith.index_cast %get3A_806 : i32 to index
        %get3A_811 = arith.index_cast %mul3A_443 : i32 to index
        %get3A_812 = tpu.vector_load %arg4[%get3A_807, %get3A_808, %get3A_809, %get3A_810, %get3A_811] {strides = array<i32>} : memref<4x8x2x8x128xf32, #tpu.memory_space<vmem>>, vector<1x1x1x1x16xf32>,
        %get3A_813 = vector.shape_cast %get3A_812 : vector<1x1x1x1x16xf32> to vector<16xf32>
        %mul3A_814 = arith.mulf %get3A_813, %get3A_452 : vector<16xf32>
        %swap3A_815 = arith.constant 2 : i32
        %swap3A_816 = arith.constant 2 : i32
        %swap3A_817 = arith.constant 1 : i32
        %swap3A_818 = arith.index_cast %swap3A_815 : i32 to index
        %swap3A_819 = arith.index_cast %swap3A_816 : i32 to index
        %swap3A_820 = arith.index_cast %select_n3A : i32 to index
        %swap3A_821 = arith.index_cast %swap3A_817 : i32 to index
        %swap3A_822 = arith.index_cast %mul3A_443 : i32 to index
        %swap3A_823 = tpu.vector_load %arg4[%swap3A_818, %swap3A_819, %swap3A_820, %swap3A_821, %swap3A_822] {strides = array<i32>} : memref<4x8x2x8x128xf32, #tpu.memory_space<vmem>>, vector<1x1x1x1x16xf32>,
        %swap3A_824 = vector.shape_cast %swap3A_823 : vector<1x1x1x1x16xf32> to vector<16xf32>
        %swap3A_825 = vector.shape_cast %mul3A_814 : vector<16xf32> to vector<1x1x1x1x16xf32>
        tpu.vector_store %arg4[%swap3A_818, %swap3A_819, %swap3A_820, %swap3A_821, %swap3A_822], %swap3A_825 {strides = array<i32>} : memref<4x8x2x8x128xf32, #tpu.memory_space<vmem>>, vector<1x1x1x1x16xf32>,
        %get3A_826 = arith.constant 2 : i32
        %get3A_827 = arith.constant 2 : i32
        %get3A_828 = arith.constant 2 : i32
        %get3A_829 = arith.index_cast %get3A_826 : i32 to index
        %get3A_830 = arith.index_cast %get3A_827 : i32 to index
        %get3A_831 = arith.index_cast %select_n3A : i32 to index
        %get3A_832 = arith.index_cast %get3A_828 : i32 to index
        %get3A_833 = arith.index_cast %mul3A_443 : i32 to index
        %get3A_834 = tpu.vector_load %arg4[%get3A_829, %get3A_830, %get3A_831, %get3A_832, %get3A_833] {strides = array<i32>} : memref<4x8x2x8x128xf32, #tpu.memory_space<vmem>>, vector<1x1x1x1x16xf32>,
        %get3A_835 = vector.shape_cast %get3A_834 : vector<1x1x1x1x16xf32> to vector<16xf32>
        %mul3A_836 = arith.mulf %get3A_835, %get3A_452 : vector<16xf32>
        %swap3A_837 = arith.constant 2 : i32
        %swap3A_838 = arith.constant 2 : i32
        %swap3A_839 = arith.constant 2 : i32
        %swap3A_840 = arith.index_cast %swap3A_837 : i32 to index
        %swap3A_841 = arith.index_cast %swap3A_838 : i32 to index
        %swap3A_842 = arith.index_cast %select_n3A : i32 to index
        %swap3A_843 = arith.index_cast %swap3A_839 : i32 to index
        %swap3A_844 = arith.index_cast %mul3A_443 : i32 to index
        %swap3A_845 = tpu.vector_load %arg4[%swap3A_840, %swap3A_841, %swap3A_842, %swap3A_843, %swap3A_844] {strides = array<i32>} : memref<4x8x2x8x128xf32, #tpu.memory_space<vmem>>, vector<1x1x1x1x16xf32>,
        %swap3A_846 = vector.shape_cast %swap3A_845 : vector<1x1x1x1x16xf32> to vector<16xf32>
        %swap3A_847 = vector.shape_cast %mul3A_836 : vector<16xf32> to vector<1x1x1x1x16xf32>
        tpu.vector_store %arg4[%swap3A_840, %swap3A_841, %swap3A_842, %swap3A_843, %swap3A_844], %swap3A_847 {strides = array<i32>} : memref<4x8x2x8x128xf32, #tpu.memory_space<vmem>>, vector<1x1x1x1x16xf32>,
        %get3A_848 = arith.constant 2 : i32
        %get3A_849 = arith.constant 2 : i32
        %get3A_850 = arith.constant 3 : i32
        %get3A_851 = arith.index_cast %get3A_848 : i32 to index
        %get3A_852 = arith.index_cast %get3A_849 : i32 to index
        %get3A_853 = arith.index_cast %select_n3A : i32 to index
        %get3A_854 = arith.index_cast %get3A_850 : i32 to index
        %get3A_855 = arith.index_cast %mul3A_443 : i32 to index
        %get3A_856 = tpu.vector_load %arg4[%get3A_851, %get3A_852, %get3A_853, %get3A_854, %get3A_855] {strides = array<i32>} : memref<4x8x2x8x128xf32, #tpu.memory_space<vmem>>, vector<1x1x1x1x16xf32>,
        %get3A_857 = vector.shape_cast %get3A_856 : vector<1x1x1x1x16xf32> to vector<16xf32>
        %mul3A_858 = arith.mulf %get3A_857, %get3A_452 : vector<16xf32>
        %swap3A_859 = arith.constant 2 : i32
        %swap3A_860 = arith.constant 2 : i32
        %swap3A_861 = arith.constant 3 : i32
        %swap3A_862 = arith.index_cast %swap3A_859 : i32 to index
        %swap3A_863 = arith.index_cast %swap3A_860 : i32 to index
        %swap3A_864 = arith.index_cast %select_n3A : i32 to index
        %swap3A_865 = arith.index_cast %swap3A_861 : i32 to index
        %swap3A_866 = arith.index_cast %mul3A_443 : i32 to index
        %swap3A_867 = tpu.vector_load %arg4[%swap3A_862, %swap3A_863, %swap3A_864, %swap3A_865, %swap3A_866] {strides = array<i32>} : memref<4x8x2x8x128xf32, #tpu.memory_space<vmem>>, vector<1x1x1x1x16xf32>,
        %swap3A_868 = vector.shape_cast %swap3A_867 : vector<1x1x1x1x16xf32> to vector<16xf32>
        %swap3A_869 = vector.shape_cast %mul3A_858 : vector<16xf32> to vector<1x1x1x1x16xf32>
        tpu.vector_store %arg4[%swap3A_862, %swap3A_863, %swap3A_864, %swap3A_865, %swap3A_866], %swap3A_869 {strides = array<i32>} : memref<4x8x2x8x128xf32, #tpu.memory_space<vmem>>, vector<1x1x1x1x16xf32>,
        %get3A_870 = arith.constant 2 : i32
        %get3A_871 = arith.constant 2 : i32
        %get3A_872 = arith.constant 4 : i32
        %get3A_873 = arith.index_cast %get3A_870 : i32 to index
        %get3A_874 = arith.index_cast %get3A_871 : i32 to index
        %get3A_875 = arith.index_cast %select_n3A : i32 to index
        %get3A_876 = arith.index_cast %get3A_872 : i32 to index
        %get3A_877 = arith.index_cast %mul3A_443 : i32 to index
        %get3A_878 = tpu.vector_load %arg4[%get3A_873, %get3A_874, %get3A_875, %get3A_876, %get3A_877] {strides = array<i32>} : memref<4x8x2x8x128xf32, #tpu.memory_space<vmem>>, vector<1x1x1x1x16xf32>,
        %get3A_879 = vector.shape_cast %get3A_878 : vector<1x1x1x1x16xf32> to vector<16xf32>
        %mul3A_880 = arith.mulf %get3A_879, %get3A_452 : vector<16xf32>
        %swap3A_881 = arith.constant 2 : i32
        %swap3A_882 = arith.constant 2 : i32
        %swap3A_883 = arith.constant 4 : i32
        %swap3A_884 = arith.index_cast %swap3A_881 : i32 to index
        %swap3A_885 = arith.index_cast %swap3A_882 : i32 to index
        %swap3A_886 = arith.index_cast %select_n3A : i32 to index
        %swap3A_887 = arith.index_cast %swap3A_883 : i32 to index
        %swap3A_888 = arith.index_cast %mul3A_443 : i32 to index
        %swap3A_889 = tpu.vector_load %arg4[%swap3A_884, %swap3A_885, %swap3A_886, %swap3A_887, %swap3A_888] {strides = array<i32>} : memref<4x8x2x8x128xf32, #tpu.memory_space<vmem>>, vector<1x1x1x1x16xf32>,
        %swap3A_890 = vector.shape_cast %swap3A_889 : vector<1x1x1x1x16xf32> to vector<16xf32>
        %swap3A_891 = vector.shape_cast %mul3A_880 : vector<16xf32> to vector<1x1x1x1x16xf32>
        tpu.vector_store %arg4[%swap3A_884, %swap3A_885, %swap3A_886, %swap3A_887, %swap3A_888], %swap3A_891 {strides = array<i32>} : memref<4x8x2x8x128xf32, #tpu.memory_space<vmem>>, vector<1x1x1x1x16xf32>,
        %get3A_892 = arith.constant 2 : i32
        %get3A_893 = arith.constant 2 : i32
        %get3A_894 = arith.constant 5 : i32
        %get3A_895 = arith.index_cast %get3A_892 : i32 to index
        %get3A_896 = arith.index_cast %get3A_893 : i32 to index
        %get3A_897 = arith.index_cast %select_n3A : i32 to index
        %get3A_898 = arith.index_cast %get3A_894 : i32 to index
        %get3A_899 = arith.index_cast %mul3A_443 : i32 to index
        %get3A_900 = tpu.vector_load %arg4[%get3A_895, %get3A_896, %get3A_897, %get3A_898, %get3A_899] {strides = array<i32>} : memref<4x8x2x8x128xf32, #tpu.memory_space<vmem>>, vector<1x1x1x1x16xf32>,
        %get3A_901 = vector.shape_cast %get3A_900 : vector<1x1x1x1x16xf32> to vector<16xf32>
        %mul3A_902 = arith.mulf %get3A_901, %get3A_452 : vector<16xf32>
        %swap3A_903 = arith.constant 2 : i32
        %swap3A_904 = arith.constant 2 : i32
        %swap3A_905 = arith.constant 5 : i32
        %swap3A_906 = arith.index_cast %swap3A_903 : i32 to index
        %swap3A_907 = arith.index_cast %swap3A_904 : i32 to index
        %swap3A_908 = arith.index_cast %select_n3A : i32 to index
        %swap3A_909 = arith.index_cast %swap3A_905 : i32 to index
        %swap3A_910 = arith.index_cast %mul3A_443 : i32 to index
        %swap3A_911 = tpu.vector_load %arg4[%swap3A_906, %swap3A_907, %swap3A_908, %swap3A_909, %swap3A_910] {strides = array<i32>} : memref<4x8x2x8x128xf32, #tpu.memory_space<vmem>>, vector<1x1x1x1x16xf32>,
        %swap3A_912 = vector.shape_cast %swap3A_911 : vector<1x1x1x1x16xf32> to vector<16xf32>
        %swap3A_913 = vector.shape_cast %mul3A_902 : vector<16xf32> to vector<1x1x1x1x16xf32>
        tpu.vector_store %arg4[%swap3A_906, %swap3A_907, %swap3A_908, %swap3A_909, %swap3A_910], %swap3A_913 {strides = array<i32>} : memref<4x8x2x8x128xf32, #tpu.memory_space<vmem>>, vector<1x1x1x1x16xf32>,
        %get3A_914 = arith.constant 2 : i32
        %get3A_915 = arith.constant 2 : i32
        %get3A_916 = arith.constant 6 : i32
        %get3A_917 = arith.index_cast %get3A_914 : i32 to index
        %get3A_918 = arith.index_cast %get3A_915 : i32 to index
        %get3A_919 = arith.index_cast %select_n3A : i32 to index
        %get3A_920 = arith.index_cast %get3A_916 : i32 to index
        %get3A_921 = arith.index_cast %mul3A_443 : i32 to index
        %get3A_922 = tpu.vector_load %arg4[%get3A_917, %get3A_918, %get3A_919, %get3A_920, %get3A_921] {strides = array<i32>} : memref<4x8x2x8x128xf32, #tpu.memory_space<vmem>>, vector<1x1x1x1x16xf32>,
        %get3A_923 = vector.shape_cast %get3A_922 : vector<1x1x1x1x16xf32> to vector<16xf32>
        %mul3A_924 = arith.mulf %get3A_923, %get3A_452 : vector<16xf32>
        %swap3A_925 = arith.constant 2 : i32
        %swap3A_926 = arith.constant 2 : i32
        %swap3A_927 = arith.constant 6 : i32
        %swap3A_928 = arith.index_cast %swap3A_925 : i32 to index
        %swap3A_929 = arith.index_cast %swap3A_926 : i32 to index
        %swap3A_930 = arith.index_cast %select_n3A : i32 to index
        %swap3A_931 = arith.index_cast %swap3A_927 : i32 to index
        %swap3A_932 = arith.index_cast %mul3A_443 : i32 to index
        %swap3A_933 = tpu.vector_load %arg4[%swap3A_928, %swap3A_929, %swap3A_930, %swap3A_931, %swap3A_932] {strides = array<i32>} : memref<4x8x2x8x128xf32, #tpu.memory_space<vmem>>, vector<1x1x1x1x16xf32>,
        %swap3A_934 = vector.shape_cast %swap3A_933 : vector<1x1x1x1x16xf32> to vector<16xf32>
        %swap3A_935 = vector.shape_cast %mul3A_924 : vector<16xf32> to vector<1x1x1x1x16xf32>
        tpu.vector_store %arg4[%swap3A_928, %swap3A_929, %swap3A_930, %swap3A_931, %swap3A_932], %swap3A_935 {strides = array<i32>} : memref<4x8x2x8x128xf32, #tpu.memory_space<vmem>>, vector<1x1x1x1x16xf32>,
        %get3A_936 = arith.constant 2 : i32
        %get3A_937 = arith.constant 2 : i32
        %get3A_938 = arith.constant 7 : i32
        %get3A_939 = arith.index_cast %get3A_936 : i32 to index
        %get3A_940 = arith.index_cast %get3A_937 : i32 to index
        %get3A_941 = arith.index_cast %select_n3A : i32 to index
        %get3A_942 = arith.index_cast %get3A_938 : i32 to index
        %get3A_943 = arith.index_cast %mul3A_443 : i32 to index
        %get3A_944 = tpu.vector_load %arg4[%get3A_939, %get3A_940, %get3A_941, %get3A_942, %get3A_943] {strides = array<i32>} : memref<4x8x2x8x128xf32, #tpu.memory_space<vmem>>, vector<1x1x1x1x16xf32>,
        %get3A_945 = vector.shape_cast %get3A_944 : vector<1x1x1x1x16xf32> to vector<16xf32>
        %mul3A_946 = arith.mulf %get3A_945, %get3A_452 : vector<16xf32>
        %swap3A_947 = arith.constant 2 : i32
        %swap3A_948 = arith.constant 2 : i32
        %swap3A_949 = arith.constant 7 : i32
        %swap3A_950 = arith.index_cast %swap3A_947 : i32 to index
        %swap3A_951 = arith.index_cast %swap3A_948 : i32 to index
        %swap3A_952 = arith.index_cast %select_n3A : i32 to index
        %swap3A_953 = arith.index_cast %swap3A_949 : i32 to index
        %swap3A_954 = arith.index_cast %mul3A_443 : i32 to index
        %swap3A_955 = tpu.vector_load %arg4[%swap3A_950, %swap3A_951, %swap3A_952, %swap3A_953, %swap3A_954] {strides = array<i32>} : memref<4x8x2x8x128xf32, #tpu.memory_space<vmem>>, vector<1x1x1x1x16xf32>,
        %swap3A_956 = vector.shape_cast %swap3A_955 : vector<1x1x1x1x16xf32> to vector<16xf32>
        %swap3A_957 = vector.shape_cast %mul3A_946 : vector<16xf32> to vector<1x1x1x1x16xf32>
        tpu.vector_store %arg4[%swap3A_950, %swap3A_951, %swap3A_952, %swap3A_953, %swap3A_954], %swap3A_957 {strides = array<i32>} : memref<4x8x2x8x128xf32, #tpu.memory_space<vmem>>, vector<1x1x1x1x16xf32>,
        %get3A_958 = arith.constant 2 : i32
        %get3A_959 = arith.constant 3 : i32
        %get3A_960 = arith.constant 0 : i32
        %get3A_961 = arith.index_cast %get3A_958 : i32 to index
        %get3A_962 = arith.index_cast %get3A_959 : i32 to index
        %get3A_963 = arith.index_cast %select_n3A : i32 to index
        %get3A_964 = arith.index_cast %get3A_960 : i32 to index
        %get3A_965 = arith.index_cast %mul3A_443 : i32 to index
        %get3A_966 = tpu.vector_load %arg4[%get3A_961, %get3A_962, %get3A_963, %get3A_964, %get3A_965] {strides = array<i32>} : memref<4x8x2x8x128xf32, #tpu.memory_space<vmem>>, vector<1x1x1x1x16xf32>,
        %get3A_967 = vector.shape_cast %get3A_966 : vector<1x1x1x1x16xf32> to vector<16xf32>
        %mul3A_968 = arith.mulf %get3A_967, %get3A_452 : vector<16xf32>
        %swap3A_969 = arith.constant 2 : i32
        %swap3A_970 = arith.constant 3 : i32
        %swap3A_971 = arith.constant 0 : i32
        %swap3A_972 = arith.index_cast %swap3A_969 : i32 to index
        %swap3A_973 = arith.index_cast %swap3A_970 : i32 to index
        %swap3A_974 = arith.index_cast %select_n3A : i32 to index
        %swap3A_975 = arith.index_cast %swap3A_971 : i32 to index
        %swap3A_976 = arith.index_cast %mul3A_443 : i32 to index
        %swap3A_977 = tpu.vector_load %arg4[%swap3A_972, %swap3A_973, %swap3A_974, %swap3A_975, %swap3A_976] {strides = array<i32>} : memref<4x8x2x8x128xf32, #tpu.memory_space<vmem>>, vector<1x1x1x1x16xf32>,
        %swap3A_978 = vector.shape_cast %swap3A_977 : vector<1x1x1x1x16xf32> to vector<16xf32>
        %swap3A_979 = vector.shape_cast %mul3A_968 : vector<16xf32> to vector<1x1x1x1x16xf32>
        tpu.vector_store %arg4[%swap3A_972, %swap3A_973, %swap3A_974, %swap3A_975, %swap3A_976], %swap3A_979 {strides = array<i32>} : memref<4x8x2x8x128xf32, #tpu.memory_space<vmem>>, vector<1x1x1x1x16xf32>,
        %get3A_980 = arith.constant 2 : i32
        %get3A_981 = arith.constant 3 : i32
        %get3A_982 = arith.constant 1 : i32
        %get3A_983 = arith.index_cast %get3A_980 : i32 to index
        %get3A_984 = arith.index_cast %get3A_981 : i32 to index
        %get3A_985 = arith.index_cast %select_n3A : i32 to index
        %get3A_986 = arith.index_cast %get3A_982 : i32 to index
        %get3A_987 = arith.index_cast %mul3A_443 : i32 to index
        %get3A_988 = tpu.vector_load %arg4[%get3A_983, %get3A_984, %get3A_985, %get3A_986, %get3A_987] {strides = array<i32>} : memref<4x8x2x8x128xf32, #tpu.memory_space<vmem>>, vector<1x1x1x1x16xf32>,
        %get3A_989 = vector.shape_cast %get3A_988 : vector<1x1x1x1x16xf32> to vector<16xf32>
        %mul3A_990 = arith.mulf %get3A_989, %get3A_452 : vector<16xf32>
        %swap3A_991 = arith.constant 2 : i32
        %swap3A_992 = arith.constant 3 : i32
        %swap3A_993 = arith.constant 1 : i32
        %swap3A_994 = arith.index_cast %swap3A_991 : i32 to index
        %swap3A_995 = arith.index_cast %swap3A_992 : i32 to index
        %swap3A_996 = arith.index_cast %select_n3A : i32 to index
        %swap3A_997 = arith.index_cast %swap3A_993 : i32 to index
        %swap3A_998 = arith.index_cast %mul3A_443 : i32 to index
        %swap3A_999 = tpu.vector_load %arg4[%swap3A_994, %swap3A_995, %swap3A_996, %swap3A_997, %swap3A_998] {strides = array<i32>} : memref<4x8x2x8x128xf32, #tpu.memory_space<vmem>>, vector<1x1x1x1x16xf32>,
        %swap3A_1000 = vector.shape_cast %swap3A_999 : vector<1x1x1x1x16xf32> to vector<16xf32>
        %swap3A_1001 = vector.shape_cast %mul3A_990 : vector<16xf32> to vector<1x1x1x1x16xf32>
        tpu.vector_store %arg4[%swap3A_994, %swap3A_995, %swap3A_996, %swap3A_997, %swap3A_998], %swap3A_1001 {strides = array<i32>} : memref<4x8x2x8x128xf32, #tpu.memory_space<vmem>>, vector<1x1x1x1x16xf32>,
        %get3A_1002 = arith.constant 2 : i32
        %get3A_1003 = arith.constant 3 : i32
        %get3A_1004 = arith.constant 2 : i32
        %get3A_1005 = arith.index_cast %get3A_1002 : i32 to index
        %get3A_1006 = arith.index_cast %get3A_1003 : i32 to index
        %get3A_1007 = arith.index_cast %select_n3A : i32 to index
        %get3A_1008 = arith.index_cast %get3A_1004 : i32 to index
        %get3A_1009 = arith.index_cast %mul3A_443 : i32 to index
        %get3A_1010 = tpu.vector_load %arg4[%get3A_1005, %get3A_1006, %get3A_1007, %get3A_1008, %get3A_1009] {strides = array<i32>} : memref<4x8x2x8x128xf32, #tpu.memory_space<vmem>>, vector<1x1x1x1x16xf32>,
        %get3A_1011 = vector.shape_cast %get3A_1010 : vector<1x1x1x1x16xf32> to vector<16xf32>
        %mul3A_1012 = arith.mulf %get3A_1011, %get3A_452 : vector<16xf32>
        %swap3A_1013 = arith.constant 2 : i32
        %swap3A_1014 = arith.constant 3 : i32
        %swap3A_1015 = arith.constant 2 : i32
        %swap3A_1016 = arith.index_cast %swap3A_1013 : i32 to index
        %swap3A_1017 = arith.index_cast %swap3A_1014 : i32 to index
        %swap3A_1018 = arith.index_cast %select_n3A : i32 to index
        %swap3A_1019 = arith.index_cast %swap3A_1015 : i32 to index
        %swap3A_1020 = arith.index_cast %mul3A_443 : i32 to index
        %swap3A_1021 = tpu.vector_load %arg4[%swap3A_1016, %swap3A_1017, %swap3A_1018, %swap3A_1019, %swap3A_1020] {strides = array<i32>} : memref<4x8x2x8x128xf32, #tpu.memory_space<vmem>>, vector<1x1x1x1x16xf32>,
        %swap3A_1022 = vector.shape_cast %swap3A_1021 : vector<1x1x1x1x16xf32> to vector<16xf32>
        %swap3A_1023 = vector.shape_cast %mul3A_1012 : vector<16xf32> to vector<1x1x1x1x16xf32>
        tpu.vector_store %arg4[%swap3A_1016, %swap3A_1017, %swap3A_1018, %swap3A_1019, %swap3A_1020], %swap3A_1023 {strides = array<i32>} : memref<4x8x2x8x128xf32, #tpu.memory_space<vmem>>, vector<1x1x1x1x16xf32>,
        %get3A_1024 = arith.constant 2 : i32
        %get3A_1025 = arith.constant 3 : i32
        %get3A_1026 = arith.constant 3 : i32
        %get3A_1027 = arith.index_cast %get3A_1024 : i32 to index
        %get3A_1028 = arith.index_cast %get3A_1025 : i32 to index
        %get3A_1029 = arith.index_cast %select_n3A : i32 to index
        %get3A_1030 = arith.index_cast %get3A_1026 : i32 to index
        %get3A_1031 = arith.index_cast %mul3A_443 : i32 to index
        %get3A_1032 = tpu.vector_load %arg4[%get3A_1027, %get3A_1028, %get3A_1029, %get3A_1030, %get3A_1031] {strides = array<i32>} : memref<4x8x2x8x128xf32, #tpu.memory_space<vmem>>, vector<1x1x1x1x16xf32>,
        %get3A_1033 = vector.shape_cast %get3A_1032 : vector<1x1x1x1x16xf32> to vector<16xf32>
        %mul3A_1034 = arith.mulf %get3A_1033, %get3A_452 : vector<16xf32>
        %swap3A_1035 = arith.constant 2 : i32
        %swap3A_1036 = arith.constant 3 : i32
        %swap3A_1037 = arith.constant 3 : i32
        %swap3A_1038 = arith.index_cast %swap3A_1035 : i32 to index
        %swap3A_1039 = arith.index_cast %swap3A_1036 : i32 to index
        %swap3A_1040 = arith.index_cast %select_n3A : i32 to index
        %swap3A_1041 = arith.index_cast %swap3A_1037 : i32 to index
        %swap3A_1042 = arith.index_cast %mul3A_443 : i32 to index
        %swap3A_1043 = tpu.vector_load %arg4[%swap3A_1038, %swap3A_1039, %swap3A_1040, %swap3A_1041, %swap3A_1042] {strides = array<i32>} : memref<4x8x2x8x128xf32, #tpu.memory_space<vmem>>, vector<1x1x1x1x16xf32>,
        %swap3A_1044 = vector.shape_cast %swap3A_1043 : vector<1x1x1x1x16xf32> to vector<16xf32>
        %swap3A_1045 = vector.shape_cast %mul3A_1034 : vector<16xf32> to vector<1x1x1x1x16xf32>
        tpu.vector_store %arg4[%swap3A_1038, %swap3A_1039, %swap3A_1040, %swap3A_1041, %swap3A_1042], %swap3A_1045 {strides = array<i32>} : memref<4x8x2x8x128xf32, #tpu.memory_space<vmem>>, vector<1x1x1x1x16xf32>,
        %get3A_1046 = arith.constant 2 : i32
        %get3A_1047 = arith.constant 3 : i32
        %get3A_1048 = arith.constant 4 : i32
        %get3A_1049 = arith.index_cast %get3A_1046 : i32 to index
        %get3A_1050 = arith.index_cast %get3A_1047 : i32 to index
        %get3A_1051 = arith.index_cast %select_n3A : i32 to index
        %get3A_1052 = arith.index_cast %get3A_1048 : i32 to index
        %get3A_1053 = arith.index_cast %mul3A_443 : i32 to index
        %get3A_1054 = tpu.vector_load %arg4[%get3A_1049, %get3A_1050, %get3A_1051, %get3A_1052, %get3A_1053] {strides = array<i32>} : memref<4x8x2x8x128xf32, #tpu.memory_space<vmem>>, vector<1x1x1x1x16xf32>,
        %get3A_1055 = vector.shape_cast %get3A_1054 : vector<1x1x1x1x16xf32> to vector<16xf32>
        %mul3A_1056 = arith.mulf %get3A_1055, %get3A_452 : vector<16xf32>
        %swap3A_1057 = arith.constant 2 : i32
        %swap3A_1058 = arith.constant 3 : i32
        %swap3A_1059 = arith.constant 4 : i32
        %swap3A_1060 = arith.index_cast %swap3A_1057 : i32 to index
        %swap3A_1061 = arith.index_cast %swap3A_1058 : i32 to index
        %swap3A_1062 = arith.index_cast %select_n3A : i32 to index
        %swap3A_1063 = arith.index_cast %swap3A_1059 : i32 to index
        %swap3A_1064 = arith.index_cast %mul3A_443 : i32 to index
        %swap3A_1065 = tpu.vector_load %arg4[%swap3A_1060, %swap3A_1061, %swap3A_1062, %swap3A_1063, %swap3A_1064] {strides = array<i32>} : memref<4x8x2x8x128xf32, #tpu.memory_space<vmem>>, vector<1x1x1x1x16xf32>,
        %swap3A_1066 = vector.shape_cast %swap3A_1065 : vector<1x1x1x1x16xf32> to vector<16xf32>
        %swap3A_1067 = vector.shape_cast %mul3A_1056 : vector<16xf32> to vector<1x1x1x1x16xf32>
        tpu.vector_store %arg4[%swap3A_1060, %swap3A_1061, %swap3A_1062, %swap3A_1063, %swap3A_1064], %swap3A_1067 {strides = array<i32>} : memref<4x8x2x8x128xf32, #tpu.memory_space<vmem>>, vector<1x1x1x1x16xf32>,
        %get3A_1068 = arith.constant 2 : i32
        %get3A_1069 = arith.constant 3 : i32
        %get3A_1070 = arith.constant 5 : i32
        %get3A_1071 = arith.index_cast %get3A_1068 : i32 to index
        %get3A_1072 = arith.index_cast %get3A_1069 : i32 to index
        %get3A_1073 = arith.index_cast %select_n3A : i32 to index
        %get3A_1074 = arith.index_cast %get3A_1070 : i32 to index
        %get3A_1075 = arith.index_cast %mul3A_443 : i32 to index
        %get3A_1076 = tpu.vector_load %arg4[%get3A_1071, %get3A_1072, %get3A_1073, %get3A_1074, %get3A_1075] {strides = array<i32>} : memref<4x8x2x8x128xf32, #tpu.memory_space<vmem>>, vector<1x1x1x1x16xf32>,
        %get3A_1077 = vector.shape_cast %get3A_1076 : vector<1x1x1x1x16xf32> to vector<16xf32>
        %mul3A_1078 = arith.mulf %get3A_1077, %get3A_452 : vector<16xf32>
        %swap3A_1079 = arith.constant 2 : i32
        %swap3A_1080 = arith.constant 3 : i32
        %swap3A_1081 = arith.constant 5 : i32
        %swap3A_1082 = arith.index_cast %swap3A_1079 : i32 to index
        %swap3A_1083 = arith.index_cast %swap3A_1080 : i32 to index
        %swap3A_1084 = arith.index_cast %select_n3A : i32 to index
        %swap3A_1085 = arith.index_cast %swap3A_1081 : i32 to index
        %swap3A_1086 = arith.index_cast %mul3A_443 : i32 to index
        %swap3A_1087 = tpu.vector_load %arg4[%swap3A_1082, %swap3A_1083, %swap3A_1084, %swap3A_1085, %swap3A_1086] {strides = array<i32>} : memref<4x8x2x8x128xf32, #tpu.memory_space<vmem>>, vector<1x1x1x1x16xf32>,
        %swap3A_1088 = vector.shape_cast %swap3A_1087 : vector<1x1x1x1x16xf32> to vector<16xf32>
        %swap3A_1089 = vector.shape_cast %mul3A_1078 : vector<16xf32> to vector<1x1x1x1x16xf32>
        tpu.vector_store %arg4[%swap3A_1082, %swap3A_1083, %swap3A_1084, %swap3A_1085, %swap3A_1086], %swap3A_1089 {strides = array<i32>} : memref<4x8x2x8x128xf32, #tpu.memory_space<vmem>>, vector<1x1x1x1x16xf32>,
        %get3A_1090 = arith.constant 2 : i32
        %get3A_1091 = arith.constant 3 : i32
        %get3A_1092 = arith.constant 6 : i32
        %get3A_1093 = arith.index_cast %get3A_1090 : i32 to index
        %get3A_1094 = arith.index_cast %get3A_1091 : i32 to index
        %get3A_1095 = arith.index_cast %select_n3A : i32 to index
        %get3A_1096 = arith.index_cast %get3A_1092 : i32 to index
        %get3A_1097 = arith.index_cast %mul3A_443 : i32 to index
        %get3A_1098 = tpu.vector_load %arg4[%get3A_1093, %get3A_1094, %get3A_1095, %get3A_1096, %get3A_1097] {strides = array<i32>} : memref<4x8x2x8x128xf32, #tpu.memory_space<vmem>>, vector<1x1x1x1x16xf32>,
        %get3A_1099 = vector.shape_cast %get3A_1098 : vector<1x1x1x1x16xf32> to vector<16xf32>
        %mul3A_1100 = arith.mulf %get3A_1099, %get3A_452 : vector<16xf32>
        %swap3A_1101 = arith.constant 2 : i32
        %swap3A_1102 = arith.constant 3 : i32
        %swap3A_1103 = arith.constant 6 : i32
        %swap3A_1104 = arith.index_cast %swap3A_1101 : i32 to index
        %swap3A_1105 = arith.index_cast %swap3A_1102 : i32 to index
        %swap3A_1106 = arith.index_cast %select_n3A : i32 to index
        %swap3A_1107 = arith.index_cast %swap3A_1103 : i32 to index
        %swap3A_1108 = arith.index_cast %mul3A_443 : i32 to index
        %swap3A_1109 = tpu.vector_load %arg4[%swap3A_1104, %swap3A_1105, %swap3A_1106, %swap3A_1107, %swap3A_1108] {strides = array<i32>} : memref<4x8x2x8x128xf32, #tpu.memory_space<vmem>>, vector<1x1x1x1x16xf32>,
        %swap3A_1110 = vector.shape_cast %swap3A_1109 : vector<1x1x1x1x16xf32> to vector<16xf32>
        %swap3A_1111 = vector.shape_cast %mul3A_1100 : vector<16xf32> to vector<1x1x1x1x16xf32>
        tpu.vector_store %arg4[%swap3A_1104, %swap3A_1105, %swap3A_1106, %swap3A_1107, %swap3A_1108], %swap3A_1111 {strides = array<i32>} : memref<4x8x2x8x128xf32, #tpu.memory_space<vmem>>, vector<1x1x1x1x16xf32>,
        %get3A_1112 = arith.constant 2 : i32
        %get3A_1113 = arith.constant 3 : i32
        %get3A_1114 = arith.constant 7 : i32
        %get3A_1115 = arith.index_cast %get3A_1112 : i32 to index
        %get3A_1116 = arith.index_cast %get3A_1113 : i32 to index
        %get3A_1117 = arith.index_cast %select_n3A : i32 to index
        %get3A_1118 = arith.index_cast %get3A_1114 : i32 to index
        %get3A_1119 = arith.index_cast %mul3A_443 : i32 to index
        %get3A_1120 = tpu.vector_load %arg4[%get3A_1115, %get3A_1116, %get3A_1117, %get3A_1118, %get3A_1119] {strides = array<i32>} : memref<4x8x2x8x128xf32, #tpu.memory_space<vmem>>, vector<1x1x1x1x16xf32>,
        %get3A_1121 = vector.shape_cast %get3A_1120 : vector<1x1x1x1x16xf32> to vector<16xf32>
        %mul3A_1122 = arith.mulf %get3A_1121, %get3A_452 : vector<16xf32>
        %swap3A_1123 = arith.constant 2 : i32
        %swap3A_1124 = arith.constant 3 : i32
        %swap3A_1125 = arith.constant 7 : i32
        %swap3A_1126 = arith.index_cast %swap3A_1123 : i32 to index
        %swap3A_1127 = arith.index_cast %swap3A_1124 : i32 to index
        %swap3A_1128 = arith.index_cast %select_n3A : i32 to index
        %swap3A_1129 = arith.index_cast %swap3A_1125 : i32 to index
        %swap3A_1130 = arith.index_cast %mul3A_443 : i32 to index
        %swap3A_1131 = tpu.vector_load %arg4[%swap3A_1126, %swap3A_1127, %swap3A_1128, %swap3A_1129, %swap3A_1130] {strides = array<i32>} : memref<4x8x2x8x128xf32, #tpu.memory_space<vmem>>, vector<1x1x1x1x16xf32>,
        %swap3A_1132 = vector.shape_cast %swap3A_1131 : vector<1x1x1x1x16xf32> to vector<16xf32>
        %swap3A_1133 = vector.shape_cast %mul3A_1122 : vector<16xf32> to vector<1x1x1x1x16xf32>
        tpu.vector_store %arg4[%swap3A_1126, %swap3A_1127, %swap3A_1128, %swap3A_1129, %swap3A_1130], %swap3A_1133 {strides = array<i32>} : memref<4x8x2x8x128xf32, #tpu.memory_space<vmem>>, vector<1x1x1x1x16xf32>,
        %get3A_1134 = arith.constant 2 : i32
        %get3A_1135 = arith.constant 4 : i32
        %get3A_1136 = arith.constant 0 : i32
        %get3A_1137 = arith.index_cast %get3A_1134 : i32 to index
        %get3A_1138 = arith.index_cast %get3A_1135 : i32 to index
        %get3A_1139 = arith.index_cast %select_n3A : i32 to index
        %get3A_1140 = arith.index_cast %get3A_1136 : i32 to index
        %get3A_1141 = arith.index_cast %mul3A_443 : i32 to index
        %get3A_1142 = tpu.vector_load %arg4[%get3A_1137, %get3A_1138, %get3A_1139, %get3A_1140, %get3A_1141] {strides = array<i32>} : memref<4x8x2x8x128xf32, #tpu.memory_space<vmem>>, vector<1x1x1x1x16xf32>,
        %get3A_1143 = vector.shape_cast %get3A_1142 : vector<1x1x1x1x16xf32> to vector<16xf32>
        %mul3A_1144 = arith.mulf %get3A_1143, %get3A_452 : vector<16xf32>
        %swap3A_1145 = arith.constant 2 : i32
        %swap3A_1146 = arith.constant 4 : i32
        %swap3A_1147 = arith.constant 0 : i32
        %swap3A_1148 = arith.index_cast %swap3A_1145 : i32 to index
        %swap3A_1149 = arith.index_cast %swap3A_1146 : i32 to index
        %swap3A_1150 = arith.index_cast %select_n3A : i32 to index
        %swap3A_1151 = arith.index_cast %swap3A_1147 : i32 to index
        %swap3A_1152 = arith.index_cast %mul3A_443 : i32 to index
        %swap3A_1153 = tpu.vector_load %arg4[%swap3A_1148, %swap3A_1149, %swap3A_1150, %swap3A_1151, %swap3A_1152] {strides = array<i32>} : memref<4x8x2x8x128xf32, #tpu.memory_space<vmem>>, vector<1x1x1x1x16xf32>,
        %swap3A_1154 = vector.shape_cast %swap3A_1153 : vector<1x1x1x1x16xf32> to vector<16xf32>
        %swap3A_1155 = vector.shape_cast %mul3A_1144 : vector<16xf32> to vector<1x1x1x1x16xf32>
        tpu.vector_store %arg4[%swap3A_1148, %swap3A_1149, %swap3A_1150, %swap3A_1151, %swap3A_1152], %swap3A_1155 {strides = array<i32>} : memref<4x8x2x8x128xf32, #tpu.memory_space<vmem>>, vector<1x1x1x1x16xf32>,
      }
      %scan3A_308 = arith.constant 16 : i32
      %mul3A_309 = arith.constant 2 : i32
      %mul3A_310 = arith.muli %add3A_278, %mul3A_309 : i32
      %add3A_311 = arith.addi %mul3A_2, %mul3A_310 : i32
      %dma_start3A_312 = arith.constant 2 : i32
      %dma_start3A_313 = arith.constant 0 : i32
      %dma_start3A_314 = arith.constant 0 : i32
      %dma_start3A_315 = arith.constant 0 : i32
      %dma_start3A_316 = arith.constant 0 : i32
      %dma_start3A_317 = tpu.memref_slice %arg4[%dma_start3A_312, %dma_start3A_313, %dma_start3A_314, %dma_start3A_315, %dma_start3A_316] : memref<4x8x2x8x128xf32, #tpu.memory_space<vmem>> -> memref<1x8x2x8x128xf32, #tpu.memory_space<vmem>>
      %dma_start3A_318 = tpu.memref_squeeze %dma_start3A_317 : memref<1x8x2x8x128xf32, #tpu.memory_space<vmem>> -> memref<8x2x8x128xf32, #tpu.memory_space<vmem>>
      %dma_start3A_319 = arith.constant 0 : i32
      %dma_start3A_320 = arith.constant 0 : i32
      %dma_start3A_321 = arith.constant 0 : i32
      %dma_start3A_322 = tpu.memref_slice %arg3[%dma_start3A_319, %add3A_311, %dma_start3A_320, %dma_start3A_321] : memref<8x4096x8x128xf32, #tpu.memory_space<hbm>> -> memref<8x2x8x128xf32, #tpu.memory_space<hbm>>
      %dma_start3A_323 = arith.constant 0 : i32
      %dma_start3A_324 = arith.constant 0 : i32
      %dma_start3A_325 = arith.constant 0 : i32
      %dma_start3A_326 = tpu.memref_slice %arg3[%dma_start3A_323, %add3A_311, %dma_start3A_324, %dma_start3A_325] : memref<8x4096x8x128xf32, #tpu.memory_space<hbm>> -> memref<8x2x8x128xf32, #tpu.memory_space<hbm>>
      %dma_start3A_327 = arith.constant 0 : i32
      %dma_start3A_328 = arith.constant 0 : i32
      %dma_start3A_329 = arith.constant 0 : i32
      %dma_start3A_330 = arith.constant 0 : i32
      %dma_start3A_331 = tpu.memref_slice %arg4[%dma_start3A_312, %dma_start3A_327, %dma_start3A_328, %dma_start3A_329, %dma_start3A_330] : memref<4x8x2x8x128xf32, #tpu.memory_space<vmem>> -> memref<1x8x2x8x128xf32, #tpu.memory_space<vmem>>
      %dma_start3A_332 = tpu.memref_squeeze %dma_start3A_331 : memref<1x8x2x8x128xf32, #tpu.memory_space<vmem>> -> memref<8x2x8x128xf32, #tpu.memory_space<vmem>>
      tpu.enqueue_dma source(%dma_start3A_332 : memref<8x2x8x128xf32, #tpu.memory_space<vmem>>) target(%dma_start3A_326 : memref<8x2x8x128xf32, #tpu.memory_space<hbm>>) target_semaphore(%arg11 : memref<!tpu.dma_semaphore, #tpu.memory_space<semaphore_mem>>)
      %add3A_333 = arith.constant 2 : i32
      %add3A_334 = arith.addi %add3A_278, %add3A_333 : i32
      %sub3A_335 = arith.constant 2 : i32
      %sub3A_336 = arith.subi %add3A_278, %sub3A_335 : i32
      %lt3A_337 = arith.constant 64 : i32
      %lt3A_338 = arith.cmpi slt, %add3A_334, %lt3A_337 : i32
      %convert_element_type3A_339 = arith.extui %lt3A_338 : i1 to i32
      %cond3A_340 = arith.constant 0 : i32
      %cond3A_341 = arith.cmpi ne, %convert_element_type3A_339, %cond3A_340 : i32
      scf.if %cond3A_341 {
        %ge3A = arith.constant 0 : i32
        %ge3A_409 = arith.cmpi sge, %sub3A_336, %ge3A : i32
        %convert_element_type3A_410 = arith.extui %ge3A_409 : i1 to i32
        %cond3A_411 = arith.constant 0 : i32
        %cond3A_412 = arith.cmpi ne, %convert_element_type3A_410, %cond3A_411 : i32
        scf.if %cond3A_412 {
          %mul3A_437 = arith.constant 2 : i32
          %mul3A_438 = arith.muli %sub3A_336, %mul3A_437 : i32
          %add3A_439 = arith.addi %mul3A_2, %mul3A_438 : i32
          %dma_wait3A_440 = arith.constant 0 : i32
          %dma_wait3A_441 = arith.constant 0 : i32
          %dma_wait3A_442 = arith.constant 0 : i32
          %dma_wait3A_443 = arith.constant 0 : i32
          %dma_wait3A_444 = arith.constant 0 : i32
          %dma_wait3A_445 = tpu.memref_slice %arg4[%dma_wait3A_440, %dma_wait3A_441, %dma_wait3A_442, %dma_wait3A_443, %dma_wait3A_444] : memref<4x8x2x8x128xf32, #tpu.memory_space<vmem>> -> memref<1x8x2x8x128xf32, #tpu.memory_space<vmem>>
          %dma_wait3A_446 = tpu.memref_squeeze %dma_wait3A_445 : memref<1x8x2x8x128xf32, #tpu.memory_space<vmem>> -> memref<8x2x8x128xf32, #tpu.memory_space<vmem>>
          %dma_wait3A_447 = arith.constant 0 : i32
          %dma_wait3A_448 = arith.constant 0 : i32
          %dma_wait3A_449 = arith.constant 0 : i32
          %dma_wait3A_450 = tpu.memref_slice %arg3[%dma_wait3A_447, %add3A_439, %dma_wait3A_448, %dma_wait3A_449] : memref<8x4096x8x128xf32, #tpu.memory_space<hbm>> -> memref<8x2x8x128xf32, #tpu.memory_space<hbm>>
          %dma_wait3A_451 = arith.constant 0 : i32
          %dma_wait3A_452 = arith.constant 0 : i32
          %dma_wait3A_453 = arith.constant 0 : i32
          %dma_wait3A_454 = tpu.memref_slice %arg3[%dma_wait3A_451, %add3A_439, %dma_wait3A_452, %dma_wait3A_453] : memref<8x4096x8x128xf32, #tpu.memory_space<hbm>> -> memref<8x2x8x128xf32, #tpu.memory_space<hbm>>
          %dma_wait3A_455 = arith.constant 0 : i32
          %dma_wait3A_456 = arith.constant 0 : i32
          %dma_wait3A_457 = arith.constant 0 : i32
          %dma_wait3A_458 = arith.constant 0 : i32
          %dma_wait3A_459 = tpu.memref_slice %arg4[%dma_wait3A_440, %dma_wait3A_455, %dma_wait3A_456, %dma_wait3A_457, %dma_wait3A_458] : memref<4x8x2x8x128xf32, #tpu.memory_space<vmem>> -> memref<1x8x2x8x128xf32, #tpu.memory_space<vmem>>
          %dma_wait3A_460 = tpu.memref_squeeze %dma_wait3A_459 : memref<1x8x2x8x128xf32, #tpu.memory_space<vmem>> -> memref<8x2x8x128xf32, #tpu.memory_space<vmem>>
          tpu.wait_dma2 semaphore(%arg9 : memref<!tpu.dma_semaphore, #tpu.memory_space<semaphore_mem>>) src(%dma_wait3A_460 : memref<8x2x8x128xf32, #tpu.memory_space<vmem>>) dst(%dma_wait3A_454 : memref<8x2x8x128xf32, #tpu.memory_space<hbm>>)
        } else {
        }
        %mul3A_413 = arith.constant 2 : i32
        %mul3A_414 = arith.muli %add3A_334, %mul3A_413 : i32
        %add3A_415 = arith.addi %mul3A_2, %mul3A_414 : i32
        %dma_start3A_416 = arith.constant 0 : i32
        %dma_start3A_417 = arith.constant 0 : i32
        %dma_start3A_418 = arith.constant 0 : i32
        %dma_start3A_419 = arith.constant 0 : i32
        %dma_start3A_420 = arith.constant 0 : i32
        %dma_start3A_421 = tpu.memref_slice %arg4[%dma_start3A_416, %dma_start3A_417, %dma_start3A_418, %dma_start3A_419, %dma_start3A_420] : memref<4x8x2x8x128xf32, #tpu.memory_space<vmem>> -> memref<1x8x2x8x128xf32, #tpu.memory_space<vmem>>
        %dma_start3A_422 = tpu.memref_squeeze %dma_start3A_421 : memref<1x8x2x8x128xf32, #tpu.memory_space<vmem>> -> memref<8x2x8x128xf32, #tpu.memory_space<vmem>>
        %dma_start3A_423 = arith.constant 0 : i32
        %dma_start3A_424 = arith.constant 0 : i32
        %dma_start3A_425 = arith.constant 0 : i32
        %dma_start3A_426 = tpu.memref_slice %arg2[%dma_start3A_423, %add3A_415, %dma_start3A_424, %dma_start3A_425] : memref<8x4096x8x128xf32, #tpu.memory_space<hbm>> -> memref<8x2x8x128xf32, #tpu.memory_space<hbm>>
        %dma_start3A_427 = arith.constant 0 : i32
        %dma_start3A_428 = arith.constant 0 : i32
        %dma_start3A_429 = arith.constant 0 : i32
        %dma_start3A_430 = arith.constant 0 : i32
        %dma_start3A_431 = tpu.memref_slice %arg4[%dma_start3A_416, %dma_start3A_427, %dma_start3A_428, %dma_start3A_429, %dma_start3A_430] : memref<4x8x2x8x128xf32, #tpu.memory_space<vmem>> -> memref<1x8x2x8x128xf32, #tpu.memory_space<vmem>>
        %dma_start3A_432 = tpu.memref_squeeze %dma_start3A_431 : memref<1x8x2x8x128xf32, #tpu.memory_space<vmem>> -> memref<8x2x8x128xf32, #tpu.memory_space<vmem>>
        %dma_start3A_433 = arith.constant 0 : i32
        %dma_start3A_434 = arith.constant 0 : i32
        %dma_start3A_435 = arith.constant 0 : i32
        %dma_start3A_436 = tpu.memref_slice %arg2[%dma_start3A_433, %add3A_415, %dma_start3A_434, %dma_start3A_435] : memref<8x4096x8x128xf32, #tpu.memory_space<hbm>> -> memref<8x2x8x128xf32, #tpu.memory_space<hbm>>
        tpu.enqueue_dma source(%dma_start3A_436 : memref<8x2x8x128xf32, #tpu.memory_space<hbm>>) target(%dma_start3A_432 : memref<8x2x8x128xf32, #tpu.memory_space<vmem>>) target_semaphore(%arg5 : memref<!tpu.dma_semaphore, #tpu.memory_space<semaphore_mem>>)
      } else {
      }
      %mul3A_342 = arith.constant 4 : i32
      %mul3A_343 = arith.muli %scan3A_144, %mul3A_342 : i32
      %add3A_344 = arith.constant 3 : i32
      %add3A_345 = arith.addi %mul3A_343, %add3A_344 : i32
      %mul3A_346 = arith.constant 2 : i32
      %mul3A_347 = arith.muli %add3A_345, %mul3A_346 : i32
      %add3A_348 = arith.addi %mul3A_2, %mul3A_347 : i32
      %dma_wait3A_349 = arith.constant 3 : i32
      %dma_wait3A_350 = arith.constant 0 : i32
      %dma_wait3A_351 = arith.constant 0 : i32
      %dma_wait3A_352 = arith.constant 0 : i32
      %dma_wait3A_353 = arith.constant 0 : i32
      %dma_wait3A_354 = tpu.memref_slice %arg4[%dma_wait3A_349, %dma_wait3A_350, %dma_wait3A_351, %dma_wait3A_352, %dma_wait3A_353] : memref<4x8x2x8x128xf32, #tpu.memory_space<vmem>> -> memref<1x8x2x8x128xf32, #tpu.memory_space<vmem>>
      %dma_wait3A_355 = tpu.memref_squeeze %dma_wait3A_354 : memref<1x8x2x8x128xf32, #tpu.memory_space<vmem>> -> memref<8x2x8x128xf32, #tpu.memory_space<vmem>>
      %dma_wait3A_356 = arith.constant 0 : i32
      %dma_wait3A_357 = arith.constant 0 : i32
      %dma_wait3A_358 = arith.constant 0 : i32
      %dma_wait3A_359 = tpu.memref_slice %arg2[%dma_wait3A_356, %add3A_348, %dma_wait3A_357, %dma_wait3A_358] : memref<8x4096x8x128xf32, #tpu.memory_space<hbm>> -> memref<8x2x8x128xf32, #tpu.memory_space<hbm>>
      %dma_wait3A_360 = arith.constant 0 : i32
      %dma_wait3A_361 = arith.constant 0 : i32
      %dma_wait3A_362 = arith.constant 0 : i32
      %dma_wait3A_363 = arith.constant 0 : i32
      %dma_wait3A_364 = tpu.memref_slice %arg4[%dma_wait3A_349, %dma_wait3A_360, %dma_wait3A_361, %dma_wait3A_362, %dma_wait3A_363] : memref<4x8x2x8x128xf32, #tpu.memory_space<vmem>> -> memref<1x8x2x8x128xf32, #tpu.memory_space<vmem>>
      %dma_wait3A_365 = tpu.memref_squeeze %dma_wait3A_364 : memref<1x8x2x8x128xf32, #tpu.memory_space<vmem>> -> memref<8x2x8x128xf32, #tpu.memory_space<vmem>>
      %dma_wait3A_366 = arith.constant 0 : i32
      %dma_wait3A_367 = arith.constant 0 : i32
      %dma_wait3A_368 = arith.constant 0 : i32
      %dma_wait3A_369 = tpu.memref_slice %arg2[%dma_wait3A_366, %add3A_348, %dma_wait3A_367, %dma_wait3A_368] : memref<8x4096x8x128xf32, #tpu.memory_space<hbm>> -> memref<8x2x8x128xf32, #tpu.memory_space<hbm>>
      tpu.wait_dma2 semaphore(%arg8 : memref<!tpu.dma_semaphore, #tpu.memory_space<semaphore_mem>>) src(%dma_wait3A_369 : memref<8x2x8x128xf32, #tpu.memory_space<hbm>>) dst(%dma_wait3A_365 : memref<8x2x8x128xf32, #tpu.memory_space<vmem>>)
      %scan3A_370 = arith.constant 0 : i32
      %scan3A_371 = arith.constant 0 : i32
      %scan3A_372 = arith.constant 16 : i32
      %scan3A_373 = arith.addi %scan3A_371, %scan3A_372 : i32
      %scan3A_374 = arith.constant 1 : i32
      scf.for %scan3A_409 = %scan3A_371 to %scan3A_373 step %scan3A_374  : i32 {
        %jit3A = arith.constant 8 : i32
        %div3A = arith.divsi %scan3A_409, %jit3A : i32
        %sign3A = arith.constant 0 : i32
        %sign3A_410 = arith.cmpi sgt, %scan3A_409, %sign3A : i32
        %sign3A_411 = arith.extui %sign3A_410 : i1 to i32
        %sign3A_412 = arith.constant 0 : i32
        %sign3A_413 = arith.cmpi slt, %scan3A_409, %sign3A_412 : i32
        %sign3A_414 = arith.extui %sign3A_413 : i1 to i32
        %sign3A_415 = arith.subi %sign3A_411, %sign3A_414 : i32
        %sign3A_416 = arith.constant 0 : i32
        %sign3A_417 = arith.cmpi sgt, %jit3A, %sign3A_416 : i32
        %sign3A_418 = arith.extui %sign3A_417 : i1 to i32
        %sign3A_419 = arith.constant 0 : i32
        %sign3A_420 = arith.cmpi slt, %jit3A, %sign3A_419 : i32
        %sign3A_421 = arith.extui %sign3A_420 : i1 to i32
        %sign3A_422 = arith.subi %sign3A_418, %sign3A_421 : i32
        %ne3A = arith.cmpi ne, %sign3A_415, %sign3A_422 : i32
        %rem3A = arith.remsi %scan3A_409, %jit3A : i32
        %ne3A_423 = arith.constant 0 : i32
        %ne3A_424 = arith.cmpi ne, %rem3A, %ne3A_423 : i32
        %and3A = arith.andi %ne3A, %ne3A_424 : i1
        %sub3A_425 = arith.constant 1 : i32
        %sub3A_426 = arith.subi %div3A, %sub3A_425 : i32
        %select_n3A = arith.select %and3A, %sub3A_426, %div3A : i32
        %jit3A_427 = arith.constant 8 : i32
        %eq3A = arith.constant 0 : i32
        %eq3A_428 = arith.cmpi eq, %jit3A_427, %eq3A : i32
        %jit3A_429 = arith.constant 1 : i32
        %select_n3A_430 = arith.select %eq3A_428, %jit3A_429, %jit3A_427 : i32
        %rem3A_431 = arith.remsi %scan3A_409, %select_n3A_430 : i32
        %ne3A_432 = arith.constant 0 : i32
        %ne3A_433 = arith.cmpi ne, %rem3A_431, %ne3A_432 : i32
        %lt3A_434 = arith.constant 0 : i32
        %lt3A_435 = arith.cmpi slt, %rem3A_431, %lt3A_434 : i32
        %lt3A_436 = arith.constant 0 : i32
        %lt3A_437 = arith.cmpi slt, %select_n3A_430, %lt3A_436 : i32
        %ne3A_438 = arith.xori %lt3A_435, %lt3A_437 : i1
        %and3A_439 = arith.andi %ne3A_438, %ne3A_433 : i1
        %add3A_440 = arith.addi %rem3A_431, %select_n3A_430 : i32
        %select_n3A_441 = arith.select %and3A_439, %add3A_440, %rem3A_431 : i32
        %mul3A_442 = arith.constant 16 : i32
        %mul3A_443 = arith.muli %select_n3A_441, %mul3A_442 : i32
        %get3A = arith.constant 3 : i32
        %get3A_444 = arith.constant 0 : i32
        %get3A_445 = arith.constant 0 : i32
        %get3A_446 = arith.index_cast %get3A : i32 to index
        %get3A_447 = arith.index_cast %get3A_444 : i32 to index
        %get3A_448 = arith.index_cast %select_n3A : i32 to index
        %get3A_449 = arith.index_cast %get3A_445 : i32 to index
        %get3A_450 = arith.index_cast %mul3A_443 : i32 to index
        %get3A_451 = tpu.vector_load %arg4[%get3A_446, %get3A_447, %get3A_448, %get3A_449, %get3A_450] {strides = array<i32>} : memref<4x8x2x8x128xf32, #tpu.memory_space<vmem>>, vector<1x1x1x1x16xf32>,
        %get3A_452 = vector.shape_cast %get3A_451 : vector<1x1x1x1x16xf32> to vector<16xf32>
        %get3A_453 = arith.constant 3 : i32
        %get3A_454 = arith.constant 0 : i32
        %get3A_455 = arith.constant 1 : i32
        %get3A_456 = arith.index_cast %get3A_453 : i32 to index
        %get3A_457 = arith.index_cast %get3A_454 : i32 to index
        %get3A_458 = arith.index_cast %select_n3A : i32 to index
        %get3A_459 = arith.index_cast %get3A_455 : i32 to index
        %get3A_460 = arith.index_cast %mul3A_443 : i32 to index
        %get3A_461 = tpu.vector_load %arg4[%get3A_456, %get3A_457, %get3A_458, %get3A_459, %get3A_460] {strides = array<i32>} : memref<4x8x2x8x128xf32, #tpu.memory_space<vmem>>, vector<1x1x1x1x16xf32>,
        %get3A_462 = vector.shape_cast %get3A_461 : vector<1x1x1x1x16xf32> to vector<16xf32>
        %mul3A_463 = arith.mulf %get3A_462, %get3A_452 : vector<16xf32>
        %swap3A = arith.constant 3 : i32
        %swap3A_464 = arith.constant 0 : i32
        %swap3A_465 = arith.constant 1 : i32
        %swap3A_466 = arith.index_cast %swap3A : i32 to index
        %swap3A_467 = arith.index_cast %swap3A_464 : i32 to index
        %swap3A_468 = arith.index_cast %select_n3A : i32 to index
        %swap3A_469 = arith.index_cast %swap3A_465 : i32 to index
        %swap3A_470 = arith.index_cast %mul3A_443 : i32 to index
        %swap3A_471 = tpu.vector_load %arg4[%swap3A_466, %swap3A_467, %swap3A_468, %swap3A_469, %swap3A_470] {strides = array<i32>} : memref<4x8x2x8x128xf32, #tpu.memory_space<vmem>>, vector<1x1x1x1x16xf32>,
        %swap3A_472 = vector.shape_cast %swap3A_471 : vector<1x1x1x1x16xf32> to vector<16xf32>
        %swap3A_473 = vector.shape_cast %mul3A_463 : vector<16xf32> to vector<1x1x1x1x16xf32>
        tpu.vector_store %arg4[%swap3A_466, %swap3A_467, %swap3A_468, %swap3A_469, %swap3A_470], %swap3A_473 {strides = array<i32>} : memref<4x8x2x8x128xf32, #tpu.memory_space<vmem>>, vector<1x1x1x1x16xf32>,
        %get3A_474 = arith.constant 3 : i32
        %get3A_475 = arith.constant 0 : i32
        %get3A_476 = arith.constant 2 : i32
        %get3A_477 = arith.index_cast %get3A_474 : i32 to index
        %get3A_478 = arith.index_cast %get3A_475 : i32 to index
        %get3A_479 = arith.index_cast %select_n3A : i32 to index
        %get3A_480 = arith.index_cast %get3A_476 : i32 to index
        %get3A_481 = arith.index_cast %mul3A_443 : i32 to index
        %get3A_482 = tpu.vector_load %arg4[%get3A_477, %get3A_478, %get3A_479, %get3A_480, %get3A_481] {strides = array<i32>} : memref<4x8x2x8x128xf32, #tpu.memory_space<vmem>>, vector<1x1x1x1x16xf32>,
        %get3A_483 = vector.shape_cast %get3A_482 : vector<1x1x1x1x16xf32> to vector<16xf32>
        %mul3A_484 = arith.mulf %get3A_483, %get3A_452 : vector<16xf32>
        %swap3A_485 = arith.constant 3 : i32
        %swap3A_486 = arith.constant 0 : i32
        %swap3A_487 = arith.constant 2 : i32
        %swap3A_488 = arith.index_cast %swap3A_485 : i32 to index
        %swap3A_489 = arith.index_cast %swap3A_486 : i32 to index
        %swap3A_490 = arith.index_cast %select_n3A : i32 to index
        %swap3A_491 = arith.index_cast %swap3A_487 : i32 to index
        %swap3A_492 = arith.index_cast %mul3A_443 : i32 to index
        %swap3A_493 = tpu.vector_load %arg4[%swap3A_488, %swap3A_489, %swap3A_490, %swap3A_491, %swap3A_492] {strides = array<i32>} : memref<4x8x2x8x128xf32, #tpu.memory_space<vmem>>, vector<1x1x1x1x16xf32>,
        %swap3A_494 = vector.shape_cast %swap3A_493 : vector<1x1x1x1x16xf32> to vector<16xf32>
        %swap3A_495 = vector.shape_cast %mul3A_484 : vector<16xf32> to vector<1x1x1x1x16xf32>
        tpu.vector_store %arg4[%swap3A_488, %swap3A_489, %swap3A_490, %swap3A_491, %swap3A_492], %swap3A_495 {strides = array<i32>} : memref<4x8x2x8x128xf32, #tpu.memory_space<vmem>>, vector<1x1x1x1x16xf32>,
        %get3A_496 = arith.constant 3 : i32
        %get3A_497 = arith.constant 0 : i32
        %get3A_498 = arith.constant 3 : i32
        %get3A_499 = arith.index_cast %get3A_496 : i32 to index
        %get3A_500 = arith.index_cast %get3A_497 : i32 to index
        %get3A_501 = arith.index_cast %select_n3A : i32 to index
        %get3A_502 = arith.index_cast %get3A_498 : i32 to index
        %get3A_503 = arith.index_cast %mul3A_443 : i32 to index
        %get3A_504 = tpu.vector_load %arg4[%get3A_499, %get3A_500, %get3A_501, %get3A_502, %get3A_503] {strides = array<i32>} : memref<4x8x2x8x128xf32, #tpu.memory_space<vmem>>, vector<1x1x1x1x16xf32>,
        %get3A_505 = vector.shape_cast %get3A_504 : vector<1x1x1x1x16xf32> to vector<16xf32>
        %mul3A_506 = arith.mulf %get3A_505, %get3A_452 : vector<16xf32>
        %swap3A_507 = arith.constant 3 : i32
        %swap3A_508 = arith.constant 0 : i32
        %swap3A_509 = arith.constant 3 : i32
        %swap3A_510 = arith.index_cast %swap3A_507 : i32 to index
        %swap3A_511 = arith.index_cast %swap3A_508 : i32 to index
        %swap3A_512 = arith.index_cast %select_n3A : i32 to index
        %swap3A_513 = arith.index_cast %swap3A_509 : i32 to index
        %swap3A_514 = arith.index_cast %mul3A_443 : i32 to index
        %swap3A_515 = tpu.vector_load %arg4[%swap3A_510, %swap3A_511, %swap3A_512, %swap3A_513, %swap3A_514] {strides = array<i32>} : memref<4x8x2x8x128xf32, #tpu.memory_space<vmem>>, vector<1x1x1x1x16xf32>,
        %swap3A_516 = vector.shape_cast %swap3A_515 : vector<1x1x1x1x16xf32> to vector<16xf32>
        %swap3A_517 = vector.shape_cast %mul3A_506 : vector<16xf32> to vector<1x1x1x1x16xf32>
        tpu.vector_store %arg4[%swap3A_510, %swap3A_511, %swap3A_512, %swap3A_513, %swap3A_514], %swap3A_517 {strides = array<i32>} : memref<4x8x2x8x128xf32, #tpu.memory_space<vmem>>, vector<1x1x1x1x16xf32>,
        %get3A_518 = arith.constant 3 : i32
        %get3A_519 = arith.constant 0 : i32
        %get3A_520 = arith.constant 4 : i32
        %get3A_521 = arith.index_cast %get3A_518 : i32 to index
        %get3A_522 = arith.index_cast %get3A_519 : i32 to index
        %get3A_523 = arith.index_cast %select_n3A : i32 to index
        %get3A_524 = arith.index_cast %get3A_520 : i32 to index
        %get3A_525 = arith.index_cast %mul3A_443 : i32 to index
        %get3A_526 = tpu.vector_load %arg4[%get3A_521, %get3A_522, %get3A_523, %get3A_524, %get3A_525] {strides = array<i32>} : memref<4x8x2x8x128xf32, #tpu.memory_space<vmem>>, vector<1x1x1x1x16xf32>,
        %get3A_527 = vector.shape_cast %get3A_526 : vector<1x1x1x1x16xf32> to vector<16xf32>
        %mul3A_528 = arith.mulf %get3A_527, %get3A_452 : vector<16xf32>
        %swap3A_529 = arith.constant 3 : i32
        %swap3A_530 = arith.constant 0 : i32
        %swap3A_531 = arith.constant 4 : i32
        %swap3A_532 = arith.index_cast %swap3A_529 : i32 to index
        %swap3A_533 = arith.index_cast %swap3A_530 : i32 to index
        %swap3A_534 = arith.index_cast %select_n3A : i32 to index
        %swap3A_535 = arith.index_cast %swap3A_531 : i32 to index
        %swap3A_536 = arith.index_cast %mul3A_443 : i32 to index
        %swap3A_537 = tpu.vector_load %arg4[%swap3A_532, %swap3A_533, %swap3A_534, %swap3A_535, %swap3A_536] {strides = array<i32>} : memref<4x8x2x8x128xf32, #tpu.memory_space<vmem>>, vector<1x1x1x1x16xf32>,
        %swap3A_538 = vector.shape_cast %swap3A_537 : vector<1x1x1x1x16xf32> to vector<16xf32>
        %swap3A_539 = vector.shape_cast %mul3A_528 : vector<16xf32> to vector<1x1x1x1x16xf32>
        tpu.vector_store %arg4[%swap3A_532, %swap3A_533, %swap3A_534, %swap3A_535, %swap3A_536], %swap3A_539 {strides = array<i32>} : memref<4x8x2x8x128xf32, #tpu.memory_space<vmem>>, vector<1x1x1x1x16xf32>,
        %get3A_540 = arith.constant 3 : i32
        %get3A_541 = arith.constant 0 : i32
        %get3A_542 = arith.constant 5 : i32
        %get3A_543 = arith.index_cast %get3A_540 : i32 to index
        %get3A_544 = arith.index_cast %get3A_541 : i32 to index
        %get3A_545 = arith.index_cast %select_n3A : i32 to index
        %get3A_546 = arith.index_cast %get3A_542 : i32 to index
        %get3A_547 = arith.index_cast %mul3A_443 : i32 to index
        %get3A_548 = tpu.vector_load %arg4[%get3A_543, %get3A_544, %get3A_545, %get3A_546, %get3A_547] {strides = array<i32>} : memref<4x8x2x8x128xf32, #tpu.memory_space<vmem>>, vector<1x1x1x1x16xf32>,
        %get3A_549 = vector.shape_cast %get3A_548 : vector<1x1x1x1x16xf32> to vector<16xf32>
        %mul3A_550 = arith.mulf %get3A_549, %get3A_452 : vector<16xf32>
        %swap3A_551 = arith.constant 3 : i32
        %swap3A_552 = arith.constant 0 : i32
        %swap3A_553 = arith.constant 5 : i32
        %swap3A_554 = arith.index_cast %swap3A_551 : i32 to index
        %swap3A_555 = arith.index_cast %swap3A_552 : i32 to index
        %swap3A_556 = arith.index_cast %select_n3A : i32 to index
        %swap3A_557 = arith.index_cast %swap3A_553 : i32 to index
        %swap3A_558 = arith.index_cast %mul3A_443 : i32 to index
        %swap3A_559 = tpu.vector_load %arg4[%swap3A_554, %swap3A_555, %swap3A_556, %swap3A_557, %swap3A_558] {strides = array<i32>} : memref<4x8x2x8x128xf32, #tpu.memory_space<vmem>>, vector<1x1x1x1x16xf32>,
        %swap3A_560 = vector.shape_cast %swap3A_559 : vector<1x1x1x1x16xf32> to vector<16xf32>
        %swap3A_561 = vector.shape_cast %mul3A_550 : vector<16xf32> to vector<1x1x1x1x16xf32>
        tpu.vector_store %arg4[%swap3A_554, %swap3A_555, %swap3A_556, %swap3A_557, %swap3A_558], %swap3A_561 {strides = array<i32>} : memref<4x8x2x8x128xf32, #tpu.memory_space<vmem>>, vector<1x1x1x1x16xf32>,
        %get3A_562 = arith.constant 3 : i32
        %get3A_563 = arith.constant 0 : i32
        %get3A_564 = arith.constant 6 : i32
        %get3A_565 = arith.index_cast %get3A_562 : i32 to index
        %get3A_566 = arith.index_cast %get3A_563 : i32 to index
        %get3A_567 = arith.index_cast %select_n3A : i32 to index
        %get3A_568 = arith.index_cast %get3A_564 : i32 to index
        %get3A_569 = arith.index_cast %mul3A_443 : i32 to index
        %get3A_570 = tpu.vector_load %arg4[%get3A_565, %get3A_566, %get3A_567, %get3A_568, %get3A_569] {strides = array<i32>} : memref<4x8x2x8x128xf32, #tpu.memory_space<vmem>>, vector<1x1x1x1x16xf32>,
        %get3A_571 = vector.shape_cast %get3A_570 : vector<1x1x1x1x16xf32> to vector<16xf32>
        %mul3A_572 = arith.mulf %get3A_571, %get3A_452 : vector<16xf32>
        %swap3A_573 = arith.constant 3 : i32
        %swap3A_574 = arith.constant 0 : i32
        %swap3A_575 = arith.constant 6 : i32
        %swap3A_576 = arith.index_cast %swap3A_573 : i32 to index
        %swap3A_577 = arith.index_cast %swap3A_574 : i32 to index
        %swap3A_578 = arith.index_cast %select_n3A : i32 to index
        %swap3A_579 = arith.index_cast %swap3A_575 : i32 to index
        %swap3A_580 = arith.index_cast %mul3A_443 : i32 to index
        %swap3A_581 = tpu.vector_load %arg4[%swap3A_576, %swap3A_577, %swap3A_578, %swap3A_579, %swap3A_580] {strides = array<i32>} : memref<4x8x2x8x128xf32, #tpu.memory_space<vmem>>, vector<1x1x1x1x16xf32>,
        %swap3A_582 = vector.shape_cast %swap3A_581 : vector<1x1x1x1x16xf32> to vector<16xf32>
        %swap3A_583 = vector.shape_cast %mul3A_572 : vector<16xf32> to vector<1x1x1x1x16xf32>
        tpu.vector_store %arg4[%swap3A_576, %swap3A_577, %swap3A_578, %swap3A_579, %swap3A_580], %swap3A_583 {strides = array<i32>} : memref<4x8x2x8x128xf32, #tpu.memory_space<vmem>>, vector<1x1x1x1x16xf32>,
        %get3A_584 = arith.constant 3 : i32
        %get3A_585 = arith.constant 0 : i32
        %get3A_586 = arith.constant 7 : i32
        %get3A_587 = arith.index_cast %get3A_584 : i32 to index
        %get3A_588 = arith.index_cast %get3A_585 : i32 to index
        %get3A_589 = arith.index_cast %select_n3A : i32 to index
        %get3A_590 = arith.index_cast %get3A_586 : i32 to index
        %get3A_591 = arith.index_cast %mul3A_443 : i32 to index
        %get3A_592 = tpu.vector_load %arg4[%get3A_587, %get3A_588, %get3A_589, %get3A_590, %get3A_591] {strides = array<i32>} : memref<4x8x2x8x128xf32, #tpu.memory_space<vmem>>, vector<1x1x1x1x16xf32>,
        %get3A_593 = vector.shape_cast %get3A_592 : vector<1x1x1x1x16xf32> to vector<16xf32>
        %mul3A_594 = arith.mulf %get3A_593, %get3A_452 : vector<16xf32>
        %swap3A_595 = arith.constant 3 : i32
        %swap3A_596 = arith.constant 0 : i32
        %swap3A_597 = arith.constant 7 : i32
        %swap3A_598 = arith.index_cast %swap3A_595 : i32 to index
        %swap3A_599 = arith.index_cast %swap3A_596 : i32 to index
        %swap3A_600 = arith.index_cast %select_n3A : i32 to index
        %swap3A_601 = arith.index_cast %swap3A_597 : i32 to index
        %swap3A_602 = arith.index_cast %mul3A_443 : i32 to index
        %swap3A_603 = tpu.vector_load %arg4[%swap3A_598, %swap3A_599, %swap3A_600, %swap3A_601, %swap3A_602] {strides = array<i32>} : memref<4x8x2x8x128xf32, #tpu.memory_space<vmem>>, vector<1x1x1x1x16xf32>,
        %swap3A_604 = vector.shape_cast %swap3A_603 : vector<1x1x1x1x16xf32> to vector<16xf32>
        %swap3A_605 = vector.shape_cast %mul3A_594 : vector<16xf32> to vector<1x1x1x1x16xf32>
        tpu.vector_store %arg4[%swap3A_598, %swap3A_599, %swap3A_600, %swap3A_601, %swap3A_602], %swap3A_605 {strides = array<i32>} : memref<4x8x2x8x128xf32, #tpu.memory_space<vmem>>, vector<1x1x1x1x16xf32>,
        %get3A_606 = arith.constant 3 : i32
        %get3A_607 = arith.constant 1 : i32
        %get3A_608 = arith.constant 0 : i32
        %get3A_609 = arith.index_cast %get3A_606 : i32 to index
        %get3A_610 = arith.index_cast %get3A_607 : i32 to index
        %get3A_611 = arith.index_cast %select_n3A : i32 to index
        %get3A_612 = arith.index_cast %get3A_608 : i32 to index
        %get3A_613 = arith.index_cast %mul3A_443 : i32 to index
        %get3A_614 = tpu.vector_load %arg4[%get3A_609, %get3A_610, %get3A_611, %get3A_612, %get3A_613] {strides = array<i32>} : memref<4x8x2x8x128xf32, #tpu.memory_space<vmem>>, vector<1x1x1x1x16xf32>,
        %get3A_615 = vector.shape_cast %get3A_614 : vector<1x1x1x1x16xf32> to vector<16xf32>
        %mul3A_616 = arith.mulf %get3A_615, %get3A_452 : vector<16xf32>
        %swap3A_617 = arith.constant 3 : i32
        %swap3A_618 = arith.constant 1 : i32
        %swap3A_619 = arith.constant 0 : i32
        %swap3A_620 = arith.index_cast %swap3A_617 : i32 to index
        %swap3A_621 = arith.index_cast %swap3A_618 : i32 to index
        %swap3A_622 = arith.index_cast %select_n3A : i32 to index
        %swap3A_623 = arith.index_cast %swap3A_619 : i32 to index
        %swap3A_624 = arith.index_cast %mul3A_443 : i32 to index
        %swap3A_625 = tpu.vector_load %arg4[%swap3A_620, %swap3A_621, %swap3A_622, %swap3A_623, %swap3A_624] {strides = array<i32>} : memref<4x8x2x8x128xf32, #tpu.memory_space<vmem>>, vector<1x1x1x1x16xf32>,
        %swap3A_626 = vector.shape_cast %swap3A_625 : vector<1x1x1x1x16xf32> to vector<16xf32>
        %swap3A_627 = vector.shape_cast %mul3A_616 : vector<16xf32> to vector<1x1x1x1x16xf32>
        tpu.vector_store %arg4[%swap3A_620, %swap3A_621, %swap3A_622, %swap3A_623, %swap3A_624], %swap3A_627 {strides = array<i32>} : memref<4x8x2x8x128xf32, #tpu.memory_space<vmem>>, vector<1x1x1x1x16xf32>,
        %get3A_628 = arith.constant 3 : i32
        %get3A_629 = arith.constant 1 : i32
        %get3A_630 = arith.constant 1 : i32
        %get3A_631 = arith.index_cast %get3A_628 : i32 to index
        %get3A_632 = arith.index_cast %get3A_629 : i32 to index
        %get3A_633 = arith.index_cast %select_n3A : i32 to index
        %get3A_634 = arith.index_cast %get3A_630 : i32 to index
        %get3A_635 = arith.index_cast %mul3A_443 : i32 to index
        %get3A_636 = tpu.vector_load %arg4[%get3A_631, %get3A_632, %get3A_633, %get3A_634, %get3A_635] {strides = array<i32>} : memref<4x8x2x8x128xf32, #tpu.memory_space<vmem>>, vector<1x1x1x1x16xf32>,
        %get3A_637 = vector.shape_cast %get3A_636 : vector<1x1x1x1x16xf32> to vector<16xf32>
        %mul3A_638 = arith.mulf %get3A_637, %get3A_452 : vector<16xf32>
        %swap3A_639 = arith.constant 3 : i32
        %swap3A_640 = arith.constant 1 : i32
        %swap3A_641 = arith.constant 1 : i32
        %swap3A_642 = arith.index_cast %swap3A_639 : i32 to index
        %swap3A_643 = arith.index_cast %swap3A_640 : i32 to index
        %swap3A_644 = arith.index_cast %select_n3A : i32 to index
        %swap3A_645 = arith.index_cast %swap3A_641 : i32 to index
        %swap3A_646 = arith.index_cast %mul3A_443 : i32 to index
        %swap3A_647 = tpu.vector_load %arg4[%swap3A_642, %swap3A_643, %swap3A_644, %swap3A_645, %swap3A_646] {strides = array<i32>} : memref<4x8x2x8x128xf32, #tpu.memory_space<vmem>>, vector<1x1x1x1x16xf32>,
        %swap3A_648 = vector.shape_cast %swap3A_647 : vector<1x1x1x1x16xf32> to vector<16xf32>
        %swap3A_649 = vector.shape_cast %mul3A_638 : vector<16xf32> to vector<1x1x1x1x16xf32>
        tpu.vector_store %arg4[%swap3A_642, %swap3A_643, %swap3A_644, %swap3A_645, %swap3A_646], %swap3A_649 {strides = array<i32>} : memref<4x8x2x8x128xf32, #tpu.memory_space<vmem>>, vector<1x1x1x1x16xf32>,
        %get3A_650 = arith.constant 3 : i32
        %get3A_651 = arith.constant 1 : i32
        %get3A_652 = arith.constant 2 : i32
        %get3A_653 = arith.index_cast %get3A_650 : i32 to index
        %get3A_654 = arith.index_cast %get3A_651 : i32 to index
        %get3A_655 = arith.index_cast %select_n3A : i32 to index
        %get3A_656 = arith.index_cast %get3A_652 : i32 to index
        %get3A_657 = arith.index_cast %mul3A_443 : i32 to index
        %get3A_658 = tpu.vector_load %arg4[%get3A_653, %get3A_654, %get3A_655, %get3A_656, %get3A_657] {strides = array<i32>} : memref<4x8x2x8x128xf32, #tpu.memory_space<vmem>>, vector<1x1x1x1x16xf32>,
        %get3A_659 = vector.shape_cast %get3A_658 : vector<1x1x1x1x16xf32> to vector<16xf32>
        %mul3A_660 = arith.mulf %get3A_659, %get3A_452 : vector<16xf32>
        %swap3A_661 = arith.constant 3 : i32
        %swap3A_662 = arith.constant 1 : i32
        %swap3A_663 = arith.constant 2 : i32
        %swap3A_664 = arith.index_cast %swap3A_661 : i32 to index
        %swap3A_665 = arith.index_cast %swap3A_662 : i32 to index
        %swap3A_666 = arith.index_cast %select_n3A : i32 to index
        %swap3A_667 = arith.index_cast %swap3A_663 : i32 to index
        %swap3A_668 = arith.index_cast %mul3A_443 : i32 to index
        %swap3A_669 = tpu.vector_load %arg4[%swap3A_664, %swap3A_665, %swap3A_666, %swap3A_667, %swap3A_668] {strides = array<i32>} : memref<4x8x2x8x128xf32, #tpu.memory_space<vmem>>, vector<1x1x1x1x16xf32>,
        %swap3A_670 = vector.shape_cast %swap3A_669 : vector<1x1x1x1x16xf32> to vector<16xf32>
        %swap3A_671 = vector.shape_cast %mul3A_660 : vector<16xf32> to vector<1x1x1x1x16xf32>
        tpu.vector_store %arg4[%swap3A_664, %swap3A_665, %swap3A_666, %swap3A_667, %swap3A_668], %swap3A_671 {strides = array<i32>} : memref<4x8x2x8x128xf32, #tpu.memory_space<vmem>>, vector<1x1x1x1x16xf32>,
        %get3A_672 = arith.constant 3 : i32
        %get3A_673 = arith.constant 1 : i32
        %get3A_674 = arith.constant 3 : i32
        %get3A_675 = arith.index_cast %get3A_672 : i32 to index
        %get3A_676 = arith.index_cast %get3A_673 : i32 to index
        %get3A_677 = arith.index_cast %select_n3A : i32 to index
        %get3A_678 = arith.index_cast %get3A_674 : i32 to index
        %get3A_679 = arith.index_cast %mul3A_443 : i32 to index
        %get3A_680 = tpu.vector_load %arg4[%get3A_675, %get3A_676, %get3A_677, %get3A_678, %get3A_679] {strides = array<i32>} : memref<4x8x2x8x128xf32, #tpu.memory_space<vmem>>, vector<1x1x1x1x16xf32>,
        %get3A_681 = vector.shape_cast %get3A_680 : vector<1x1x1x1x16xf32> to vector<16xf32>
        %mul3A_682 = arith.mulf %get3A_681, %get3A_452 : vector<16xf32>
        %swap3A_683 = arith.constant 3 : i32
        %swap3A_684 = arith.constant 1 : i32
        %swap3A_685 = arith.constant 3 : i32
        %swap3A_686 = arith.index_cast %swap3A_683 : i32 to index
        %swap3A_687 = arith.index_cast %swap3A_684 : i32 to index
        %swap3A_688 = arith.index_cast %select_n3A : i32 to index
        %swap3A_689 = arith.index_cast %swap3A_685 : i32 to index
        %swap3A_690 = arith.index_cast %mul3A_443 : i32 to index
        %swap3A_691 = tpu.vector_load %arg4[%swap3A_686, %swap3A_687, %swap3A_688, %swap3A_689, %swap3A_690] {strides = array<i32>} : memref<4x8x2x8x128xf32, #tpu.memory_space<vmem>>, vector<1x1x1x1x16xf32>,
        %swap3A_692 = vector.shape_cast %swap3A_691 : vector<1x1x1x1x16xf32> to vector<16xf32>
        %swap3A_693 = vector.shape_cast %mul3A_682 : vector<16xf32> to vector<1x1x1x1x16xf32>
        tpu.vector_store %arg4[%swap3A_686, %swap3A_687, %swap3A_688, %swap3A_689, %swap3A_690], %swap3A_693 {strides = array<i32>} : memref<4x8x2x8x128xf32, #tpu.memory_space<vmem>>, vector<1x1x1x1x16xf32>,
        %get3A_694 = arith.constant 3 : i32
        %get3A_695 = arith.constant 1 : i32
        %get3A_696 = arith.constant 4 : i32
        %get3A_697 = arith.index_cast %get3A_694 : i32 to index
        %get3A_698 = arith.index_cast %get3A_695 : i32 to index
        %get3A_699 = arith.index_cast %select_n3A : i32 to index
        %get3A_700 = arith.index_cast %get3A_696 : i32 to index
        %get3A_701 = arith.index_cast %mul3A_443 : i32 to index
        %get3A_702 = tpu.vector_load %arg4[%get3A_697, %get3A_698, %get3A_699, %get3A_700, %get3A_701] {strides = array<i32>} : memref<4x8x2x8x128xf32, #tpu.memory_space<vmem>>, vector<1x1x1x1x16xf32>,
        %get3A_703 = vector.shape_cast %get3A_702 : vector<1x1x1x1x16xf32> to vector<16xf32>
        %mul3A_704 = arith.mulf %get3A_703, %get3A_452 : vector<16xf32>
        %swap3A_705 = arith.constant 3 : i32
        %swap3A_706 = arith.constant 1 : i32
        %swap3A_707 = arith.constant 4 : i32
        %swap3A_708 = arith.index_cast %swap3A_705 : i32 to index
        %swap3A_709 = arith.index_cast %swap3A_706 : i32 to index
        %swap3A_710 = arith.index_cast %select_n3A : i32 to index
        %swap3A_711 = arith.index_cast %swap3A_707 : i32 to index
        %swap3A_712 = arith.index_cast %mul3A_443 : i32 to index
        %swap3A_713 = tpu.vector_load %arg4[%swap3A_708, %swap3A_709, %swap3A_710, %swap3A_711, %swap3A_712] {strides = array<i32>} : memref<4x8x2x8x128xf32, #tpu.memory_space<vmem>>, vector<1x1x1x1x16xf32>,
        %swap3A_714 = vector.shape_cast %swap3A_713 : vector<1x1x1x1x16xf32> to vector<16xf32>
        %swap3A_715 = vector.shape_cast %mul3A_704 : vector<16xf32> to vector<1x1x1x1x16xf32>
        tpu.vector_store %arg4[%swap3A_708, %swap3A_709, %swap3A_710, %swap3A_711, %swap3A_712], %swap3A_715 {strides = array<i32>} : memref<4x8x2x8x128xf32, #tpu.memory_space<vmem>>, vector<1x1x1x1x16xf32>,
        %get3A_716 = arith.constant 3 : i32
        %get3A_717 = arith.constant 1 : i32
        %get3A_718 = arith.constant 5 : i32
        %get3A_719 = arith.index_cast %get3A_716 : i32 to index
        %get3A_720 = arith.index_cast %get3A_717 : i32 to index
        %get3A_721 = arith.index_cast %select_n3A : i32 to index
        %get3A_722 = arith.index_cast %get3A_718 : i32 to index
        %get3A_723 = arith.index_cast %mul3A_443 : i32 to index
        %get3A_724 = tpu.vector_load %arg4[%get3A_719, %get3A_720, %get3A_721, %get3A_722, %get3A_723] {strides = array<i32>} : memref<4x8x2x8x128xf32, #tpu.memory_space<vmem>>, vector<1x1x1x1x16xf32>,
        %get3A_725 = vector.shape_cast %get3A_724 : vector<1x1x1x1x16xf32> to vector<16xf32>
        %mul3A_726 = arith.mulf %get3A_725, %get3A_452 : vector<16xf32>
        %swap3A_727 = arith.constant 3 : i32
        %swap3A_728 = arith.constant 1 : i32
        %swap3A_729 = arith.constant 5 : i32
        %swap3A_730 = arith.index_cast %swap3A_727 : i32 to index
        %swap3A_731 = arith.index_cast %swap3A_728 : i32 to index
        %swap3A_732 = arith.index_cast %select_n3A : i32 to index
        %swap3A_733 = arith.index_cast %swap3A_729 : i32 to index
        %swap3A_734 = arith.index_cast %mul3A_443 : i32 to index
        %swap3A_735 = tpu.vector_load %arg4[%swap3A_730, %swap3A_731, %swap3A_732, %swap3A_733, %swap3A_734] {strides = array<i32>} : memref<4x8x2x8x128xf32, #tpu.memory_space<vmem>>, vector<1x1x1x1x16xf32>,
        %swap3A_736 = vector.shape_cast %swap3A_735 : vector<1x1x1x1x16xf32> to vector<16xf32>
        %swap3A_737 = vector.shape_cast %mul3A_726 : vector<16xf32> to vector<1x1x1x1x16xf32>
        tpu.vector_store %arg4[%swap3A_730, %swap3A_731, %swap3A_732, %swap3A_733, %swap3A_734], %swap3A_737 {strides = array<i32>} : memref<4x8x2x8x128xf32, #tpu.memory_space<vmem>>, vector<1x1x1x1x16xf32>,
        %get3A_738 = arith.constant 3 : i32
        %get3A_739 = arith.constant 1 : i32
        %get3A_740 = arith.constant 6 : i32
        %get3A_741 = arith.index_cast %get3A_738 : i32 to index
        %get3A_742 = arith.index_cast %get3A_739 : i32 to index
        %get3A_743 = arith.index_cast %select_n3A : i32 to index
        %get3A_744 = arith.index_cast %get3A_740 : i32 to index
        %get3A_745 = arith.index_cast %mul3A_443 : i32 to index
        %get3A_746 = tpu.vector_load %arg4[%get3A_741, %get3A_742, %get3A_743, %get3A_744, %get3A_745] {strides = array<i32>} : memref<4x8x2x8x128xf32, #tpu.memory_space<vmem>>, vector<1x1x1x1x16xf32>,
        %get3A_747 = vector.shape_cast %get3A_746 : vector<1x1x1x1x16xf32> to vector<16xf32>
        %mul3A_748 = arith.mulf %get3A_747, %get3A_452 : vector<16xf32>
        %swap3A_749 = arith.constant 3 : i32
        %swap3A_750 = arith.constant 1 : i32
        %swap3A_751 = arith.constant 6 : i32
        %swap3A_752 = arith.index_cast %swap3A_749 : i32 to index
        %swap3A_753 = arith.index_cast %swap3A_750 : i32 to index
        %swap3A_754 = arith.index_cast %select_n3A : i32 to index
        %swap3A_755 = arith.index_cast %swap3A_751 : i32 to index
        %swap3A_756 = arith.index_cast %mul3A_443 : i32 to index
        %swap3A_757 = tpu.vector_load %arg4[%swap3A_752, %swap3A_753, %swap3A_754, %swap3A_755, %swap3A_756] {strides = array<i32>} : memref<4x8x2x8x128xf32, #tpu.memory_space<vmem>>, vector<1x1x1x1x16xf32>,
        %swap3A_758 = vector.shape_cast %swap3A_757 : vector<1x1x1x1x16xf32> to vector<16xf32>
        %swap3A_759 = vector.shape_cast %mul3A_748 : vector<16xf32> to vector<1x1x1x1x16xf32>
        tpu.vector_store %arg4[%swap3A_752, %swap3A_753, %swap3A_754, %swap3A_755, %swap3A_756], %swap3A_759 {strides = array<i32>} : memref<4x8x2x8x128xf32, #tpu.memory_space<vmem>>, vector<1x1x1x1x16xf32>,
        %get3A_760 = arith.constant 3 : i32
        %get3A_761 = arith.constant 1 : i32
        %get3A_762 = arith.constant 7 : i32
        %get3A_763 = arith.index_cast %get3A_760 : i32 to index
        %get3A_764 = arith.index_cast %get3A_761 : i32 to index
        %get3A_765 = arith.index_cast %select_n3A : i32 to index
        %get3A_766 = arith.index_cast %get3A_762 : i32 to index
        %get3A_767 = arith.index_cast %mul3A_443 : i32 to index
        %get3A_768 = tpu.vector_load %arg4[%get3A_763, %get3A_764, %get3A_765, %get3A_766, %get3A_767] {strides = array<i32>} : memref<4x8x2x8x128xf32, #tpu.memory_space<vmem>>, vector<1x1x1x1x16xf32>,
        %get3A_769 = vector.shape_cast %get3A_768 : vector<1x1x1x1x16xf32> to vector<16xf32>
        %mul3A_770 = arith.mulf %get3A_769, %get3A_452 : vector<16xf32>
        %swap3A_771 = arith.constant 3 : i32
        %swap3A_772 = arith.constant 1 : i32
        %swap3A_773 = arith.constant 7 : i32
        %swap3A_774 = arith.index_cast %swap3A_771 : i32 to index
        %swap3A_775 = arith.index_cast %swap3A_772 : i32 to index
        %swap3A_776 = arith.index_cast %select_n3A : i32 to index
        %swap3A_777 = arith.index_cast %swap3A_773 : i32 to index
        %swap3A_778 = arith.index_cast %mul3A_443 : i32 to index
        %swap3A_779 = tpu.vector_load %arg4[%swap3A_774, %swap3A_775, %swap3A_776, %swap3A_777, %swap3A_778] {strides = array<i32>} : memref<4x8x2x8x128xf32, #tpu.memory_space<vmem>>, vector<1x1x1x1x16xf32>,
        %swap3A_780 = vector.shape_cast %swap3A_779 : vector<1x1x1x1x16xf32> to vector<16xf32>
        %swap3A_781 = vector.shape_cast %mul3A_770 : vector<16xf32> to vector<1x1x1x1x16xf32>
        tpu.vector_store %arg4[%swap3A_774, %swap3A_775, %swap3A_776, %swap3A_777, %swap3A_778], %swap3A_781 {strides = array<i32>} : memref<4x8x2x8x128xf32, #tpu.memory_space<vmem>>, vector<1x1x1x1x16xf32>,
        %get3A_782 = arith.constant 3 : i32
        %get3A_783 = arith.constant 2 : i32
        %get3A_784 = arith.constant 0 : i32
        %get3A_785 = arith.index_cast %get3A_782 : i32 to index
        %get3A_786 = arith.index_cast %get3A_783 : i32 to index
        %get3A_787 = arith.index_cast %select_n3A : i32 to index
        %get3A_788 = arith.index_cast %get3A_784 : i32 to index
        %get3A_789 = arith.index_cast %mul3A_443 : i32 to index
        %get3A_790 = tpu.vector_load %arg4[%get3A_785, %get3A_786, %get3A_787, %get3A_788, %get3A_789] {strides = array<i32>} : memref<4x8x2x8x128xf32, #tpu.memory_space<vmem>>, vector<1x1x1x1x16xf32>,
        %get3A_791 = vector.shape_cast %get3A_790 : vector<1x1x1x1x16xf32> to vector<16xf32>
        %mul3A_792 = arith.mulf %get3A_791, %get3A_452 : vector<16xf32>
        %swap3A_793 = arith.constant 3 : i32
        %swap3A_794 = arith.constant 2 : i32
        %swap3A_795 = arith.constant 0 : i32
        %swap3A_796 = arith.index_cast %swap3A_793 : i32 to index
        %swap3A_797 = arith.index_cast %swap3A_794 : i32 to index
        %swap3A_798 = arith.index_cast %select_n3A : i32 to index
        %swap3A_799 = arith.index_cast %swap3A_795 : i32 to index
        %swap3A_800 = arith.index_cast %mul3A_443 : i32 to index
        %swap3A_801 = tpu.vector_load %arg4[%swap3A_796, %swap3A_797, %swap3A_798, %swap3A_799, %swap3A_800] {strides = array<i32>} : memref<4x8x2x8x128xf32, #tpu.memory_space<vmem>>, vector<1x1x1x1x16xf32>,
        %swap3A_802 = vector.shape_cast %swap3A_801 : vector<1x1x1x1x16xf32> to vector<16xf32>
        %swap3A_803 = vector.shape_cast %mul3A_792 : vector<16xf32> to vector<1x1x1x1x16xf32>
        tpu.vector_store %arg4[%swap3A_796, %swap3A_797, %swap3A_798, %swap3A_799, %swap3A_800], %swap3A_803 {strides = array<i32>} : memref<4x8x2x8x128xf32, #tpu.memory_space<vmem>>, vector<1x1x1x1x16xf32>,
        %get3A_804 = arith.constant 3 : i32
        %get3A_805 = arith.constant 2 : i32
        %get3A_806 = arith.constant 1 : i32
        %get3A_807 = arith.index_cast %get3A_804 : i32 to index
        %get3A_808 = arith.index_cast %get3A_805 : i32 to index
        %get3A_809 = arith.index_cast %select_n3A : i32 to index
        %get3A_810 = arith.index_cast %get3A_806 : i32 to index
        %get3A_811 = arith.index_cast %mul3A_443 : i32 to index
        %get3A_812 = tpu.vector_load %arg4[%get3A_807, %get3A_808, %get3A_809, %get3A_810, %get3A_811] {strides = array<i32>} : memref<4x8x2x8x128xf32, #tpu.memory_space<vmem>>, vector<1x1x1x1x16xf32>,
        %get3A_813 = vector.shape_cast %get3A_812 : vector<1x1x1x1x16xf32> to vector<16xf32>
        %mul3A_814 = arith.mulf %get3A_813, %get3A_452 : vector<16xf32>
        %swap3A_815 = arith.constant 3 : i32
        %swap3A_816 = arith.constant 2 : i32
        %swap3A_817 = arith.constant 1 : i32
        %swap3A_818 = arith.index_cast %swap3A_815 : i32 to index
        %swap3A_819 = arith.index_cast %swap3A_816 : i32 to index
        %swap3A_820 = arith.index_cast %select_n3A : i32 to index
        %swap3A_821 = arith.index_cast %swap3A_817 : i32 to index
        %swap3A_822 = arith.index_cast %mul3A_443 : i32 to index
        %swap3A_823 = tpu.vector_load %arg4[%swap3A_818, %swap3A_819, %swap3A_820, %swap3A_821, %swap3A_822] {strides = array<i32>} : memref<4x8x2x8x128xf32, #tpu.memory_space<vmem>>, vector<1x1x1x1x16xf32>,
        %swap3A_824 = vector.shape_cast %swap3A_823 : vector<1x1x1x1x16xf32> to vector<16xf32>
        %swap3A_825 = vector.shape_cast %mul3A_814 : vector<16xf32> to vector<1x1x1x1x16xf32>
        tpu.vector_store %arg4[%swap3A_818, %swap3A_819, %swap3A_820, %swap3A_821, %swap3A_822], %swap3A_825 {strides = array<i32>} : memref<4x8x2x8x128xf32, #tpu.memory_space<vmem>>, vector<1x1x1x1x16xf32>,
        %get3A_826 = arith.constant 3 : i32
        %get3A_827 = arith.constant 2 : i32
        %get3A_828 = arith.constant 2 : i32
        %get3A_829 = arith.index_cast %get3A_826 : i32 to index
        %get3A_830 = arith.index_cast %get3A_827 : i32 to index
        %get3A_831 = arith.index_cast %select_n3A : i32 to index
        %get3A_832 = arith.index_cast %get3A_828 : i32 to index
        %get3A_833 = arith.index_cast %mul3A_443 : i32 to index
        %get3A_834 = tpu.vector_load %arg4[%get3A_829, %get3A_830, %get3A_831, %get3A_832, %get3A_833] {strides = array<i32>} : memref<4x8x2x8x128xf32, #tpu.memory_space<vmem>>, vector<1x1x1x1x16xf32>,
        %get3A_835 = vector.shape_cast %get3A_834 : vector<1x1x1x1x16xf32> to vector<16xf32>
        %mul3A_836 = arith.mulf %get3A_835, %get3A_452 : vector<16xf32>
        %swap3A_837 = arith.constant 3 : i32
        %swap3A_838 = arith.constant 2 : i32
        %swap3A_839 = arith.constant 2 : i32
        %swap3A_840 = arith.index_cast %swap3A_837 : i32 to index
        %swap3A_841 = arith.index_cast %swap3A_838 : i32 to index
        %swap3A_842 = arith.index_cast %select_n3A : i32 to index
        %swap3A_843 = arith.index_cast %swap3A_839 : i32 to index
        %swap3A_844 = arith.index_cast %mul3A_443 : i32 to index
        %swap3A_845 = tpu.vector_load %arg4[%swap3A_840, %swap3A_841, %swap3A_842, %swap3A_843, %swap3A_844] {strides = array<i32>} : memref<4x8x2x8x128xf32, #tpu.memory_space<vmem>>, vector<1x1x1x1x16xf32>,
        %swap3A_846 = vector.shape_cast %swap3A_845 : vector<1x1x1x1x16xf32> to vector<16xf32>
        %swap3A_847 = vector.shape_cast %mul3A_836 : vector<16xf32> to vector<1x1x1x1x16xf32>
        tpu.vector_store %arg4[%swap3A_840, %swap3A_841, %swap3A_842, %swap3A_843, %swap3A_844], %swap3A_847 {strides = array<i32>} : memref<4x8x2x8x128xf32, #tpu.memory_space<vmem>>, vector<1x1x1x1x16xf32>,
        %get3A_848 = arith.constant 3 : i32
        %get3A_849 = arith.constant 2 : i32
        %get3A_850 = arith.constant 3 : i32
        %get3A_851 = arith.index_cast %get3A_848 : i32 to index
        %get3A_852 = arith.index_cast %get3A_849 : i32 to index
        %get3A_853 = arith.index_cast %select_n3A : i32 to index
        %get3A_854 = arith.index_cast %get3A_850 : i32 to index
        %get3A_855 = arith.index_cast %mul3A_443 : i32 to index
        %get3A_856 = tpu.vector_load %arg4[%get3A_851, %get3A_852, %get3A_853, %get3A_854, %get3A_855] {strides = array<i32>} : memref<4x8x2x8x128xf32, #tpu.memory_space<vmem>>, vector<1x1x1x1x16xf32>,
        %get3A_857 = vector.shape_cast %get3A_856 : vector<1x1x1x1x16xf32> to vector<16xf32>
        %mul3A_858 = arith.mulf %get3A_857, %get3A_452 : vector<16xf32>
        %swap3A_859 = arith.constant 3 : i32
        %swap3A_860 = arith.constant 2 : i32
        %swap3A_861 = arith.constant 3 : i32
        %swap3A_862 = arith.index_cast %swap3A_859 : i32 to index
        %swap3A_863 = arith.index_cast %swap3A_860 : i32 to index
        %swap3A_864 = arith.index_cast %select_n3A : i32 to index
        %swap3A_865 = arith.index_cast %swap3A_861 : i32 to index
        %swap3A_866 = arith.index_cast %mul3A_443 : i32 to index
        %swap3A_867 = tpu.vector_load %arg4[%swap3A_862, %swap3A_863, %swap3A_864, %swap3A_865, %swap3A_866] {strides = array<i32>} : memref<4x8x2x8x128xf32, #tpu.memory_space<vmem>>, vector<1x1x1x1x16xf32>,
        %swap3A_868 = vector.shape_cast %swap3A_867 : vector<1x1x1x1x16xf32> to vector<16xf32>
        %swap3A_869 = vector.shape_cast %mul3A_858 : vector<16xf32> to vector<1x1x1x1x16xf32>
        tpu.vector_store %arg4[%swap3A_862, %swap3A_863, %swap3A_864, %swap3A_865, %swap3A_866], %swap3A_869 {strides = array<i32>} : memref<4x8x2x8x128xf32, #tpu.memory_space<vmem>>, vector<1x1x1x1x16xf32>,
        %get3A_870 = arith.constant 3 : i32
        %get3A_871 = arith.constant 2 : i32
        %get3A_872 = arith.constant 4 : i32
        %get3A_873 = arith.index_cast %get3A_870 : i32 to index
        %get3A_874 = arith.index_cast %get3A_871 : i32 to index
        %get3A_875 = arith.index_cast %select_n3A : i32 to index
        %get3A_876 = arith.index_cast %get3A_872 : i32 to index
        %get3A_877 = arith.index_cast %mul3A_443 : i32 to index
        %get3A_878 = tpu.vector_load %arg4[%get3A_873, %get3A_874, %get3A_875, %get3A_876, %get3A_877] {strides = array<i32>} : memref<4x8x2x8x128xf32, #tpu.memory_space<vmem>>, vector<1x1x1x1x16xf32>,
        %get3A_879 = vector.shape_cast %get3A_878 : vector<1x1x1x1x16xf32> to vector<16xf32>
        %mul3A_880 = arith.mulf %get3A_879, %get3A_452 : vector<16xf32>
        %swap3A_881 = arith.constant 3 : i32
        %swap3A_882 = arith.constant 2 : i32
        %swap3A_883 = arith.constant 4 : i32
        %swap3A_884 = arith.index_cast %swap3A_881 : i32 to index
        %swap3A_885 = arith.index_cast %swap3A_882 : i32 to index
        %swap3A_886 = arith.index_cast %select_n3A : i32 to index
        %swap3A_887 = arith.index_cast %swap3A_883 : i32 to index
        %swap3A_888 = arith.index_cast %mul3A_443 : i32 to index
        %swap3A_889 = tpu.vector_load %arg4[%swap3A_884, %swap3A_885, %swap3A_886, %swap3A_887, %swap3A_888] {strides = array<i32>} : memref<4x8x2x8x128xf32, #tpu.memory_space<vmem>>, vector<1x1x1x1x16xf32>,
        %swap3A_890 = vector.shape_cast %swap3A_889 : vector<1x1x1x1x16xf32> to vector<16xf32>
        %swap3A_891 = vector.shape_cast %mul3A_880 : vector<16xf32> to vector<1x1x1x1x16xf32>
        tpu.vector_store %arg4[%swap3A_884, %swap3A_885, %swap3A_886, %swap3A_887, %swap3A_888], %swap3A_891 {strides = array<i32>} : memref<4x8x2x8x128xf32, #tpu.memory_space<vmem>>, vector<1x1x1x1x16xf32>,
        %get3A_892 = arith.constant 3 : i32
        %get3A_893 = arith.constant 2 : i32
        %get3A_894 = arith.constant 5 : i32
        %get3A_895 = arith.index_cast %get3A_892 : i32 to index
        %get3A_896 = arith.index_cast %get3A_893 : i32 to index
        %get3A_897 = arith.index_cast %select_n3A : i32 to index
        %get3A_898 = arith.index_cast %get3A_894 : i32 to index
        %get3A_899 = arith.index_cast %mul3A_443 : i32 to index
        %get3A_900 = tpu.vector_load %arg4[%get3A_895, %get3A_896, %get3A_897, %get3A_898, %get3A_899] {strides = array<i32>} : memref<4x8x2x8x128xf32, #tpu.memory_space<vmem>>, vector<1x1x1x1x16xf32>,
        %get3A_901 = vector.shape_cast %get3A_900 : vector<1x1x1x1x16xf32> to vector<16xf32>
        %mul3A_902 = arith.mulf %get3A_901, %get3A_452 : vector<16xf32>
        %swap3A_903 = arith.constant 3 : i32
        %swap3A_904 = arith.constant 2 : i32
        %swap3A_905 = arith.constant 5 : i32
        %swap3A_906 = arith.index_cast %swap3A_903 : i32 to index
        %swap3A_907 = arith.index_cast %swap3A_904 : i32 to index
        %swap3A_908 = arith.index_cast %select_n3A : i32 to index
        %swap3A_909 = arith.index_cast %swap3A_905 : i32 to index
        %swap3A_910 = arith.index_cast %mul3A_443 : i32 to index
        %swap3A_911 = tpu.vector_load %arg4[%swap3A_906, %swap3A_907, %swap3A_908, %swap3A_909, %swap3A_910] {strides = array<i32>} : memref<4x8x2x8x128xf32, #tpu.memory_space<vmem>>, vector<1x1x1x1x16xf32>,
        %swap3A_912 = vector.shape_cast %swap3A_911 : vector<1x1x1x1x16xf32> to vector<16xf32>
        %swap3A_913 = vector.shape_cast %mul3A_902 : vector<16xf32> to vector<1x1x1x1x16xf32>
        tpu.vector_store %arg4[%swap3A_906, %swap3A_907, %swap3A_908, %swap3A_909, %swap3A_910], %swap3A_913 {strides = array<i32>} : memref<4x8x2x8x128xf32, #tpu.memory_space<vmem>>, vector<1x1x1x1x16xf32>,
        %get3A_914 = arith.constant 3 : i32
        %get3A_915 = arith.constant 2 : i32
        %get3A_916 = arith.constant 6 : i32
        %get3A_917 = arith.index_cast %get3A_914 : i32 to index
        %get3A_918 = arith.index_cast %get3A_915 : i32 to index
        %get3A_919 = arith.index_cast %select_n3A : i32 to index
        %get3A_920 = arith.index_cast %get3A_916 : i32 to index
        %get3A_921 = arith.index_cast %mul3A_443 : i32 to index
        %get3A_922 = tpu.vector_load %arg4[%get3A_917, %get3A_918, %get3A_919, %get3A_920, %get3A_921] {strides = array<i32>} : memref<4x8x2x8x128xf32, #tpu.memory_space<vmem>>, vector<1x1x1x1x16xf32>,
        %get3A_923 = vector.shape_cast %get3A_922 : vector<1x1x1x1x16xf32> to vector<16xf32>
        %mul3A_924 = arith.mulf %get3A_923, %get3A_452 : vector<16xf32>
        %swap3A_925 = arith.constant 3 : i32
        %swap3A_926 = arith.constant 2 : i32
        %swap3A_927 = arith.constant 6 : i32
        %swap3A_928 = arith.index_cast %swap3A_925 : i32 to index
        %swap3A_929 = arith.index_cast %swap3A_926 : i32 to index
        %swap3A_930 = arith.index_cast %select_n3A : i32 to index
        %swap3A_931 = arith.index_cast %swap3A_927 : i32 to index
        %swap3A_932 = arith.index_cast %mul3A_443 : i32 to index
        %swap3A_933 = tpu.vector_load %arg4[%swap3A_928, %swap3A_929, %swap3A_930, %swap3A_931, %swap3A_932] {strides = array<i32>} : memref<4x8x2x8x128xf32, #tpu.memory_space<vmem>>, vector<1x1x1x1x16xf32>,
        %swap3A_934 = vector.shape_cast %swap3A_933 : vector<1x1x1x1x16xf32> to vector<16xf32>
        %swap3A_935 = vector.shape_cast %mul3A_924 : vector<16xf32> to vector<1x1x1x1x16xf32>
        tpu.vector_store %arg4[%swap3A_928, %swap3A_929, %swap3A_930, %swap3A_931, %swap3A_932], %swap3A_935 {strides = array<i32>} : memref<4x8x2x8x128xf32, #tpu.memory_space<vmem>>, vector<1x1x1x1x16xf32>,
        %get3A_936 = arith.constant 3 : i32
        %get3A_937 = arith.constant 2 : i32
        %get3A_938 = arith.constant 7 : i32
        %get3A_939 = arith.index_cast %get3A_936 : i32 to index
        %get3A_940 = arith.index_cast %get3A_937 : i32 to index
        %get3A_941 = arith.index_cast %select_n3A : i32 to index
        %get3A_942 = arith.index_cast %get3A_938 : i32 to index
        %get3A_943 = arith.index_cast %mul3A_443 : i32 to index
        %get3A_944 = tpu.vector_load %arg4[%get3A_939, %get3A_940, %get3A_941, %get3A_942, %get3A_943] {strides = array<i32>} : memref<4x8x2x8x128xf32, #tpu.memory_space<vmem>>, vector<1x1x1x1x16xf32>,
        %get3A_945 = vector.shape_cast %get3A_944 : vector<1x1x1x1x16xf32> to vector<16xf32>
        %mul3A_946 = arith.mulf %get3A_945, %get3A_452 : vector<16xf32>
        %swap3A_947 = arith.constant 3 : i32
        %swap3A_948 = arith.constant 2 : i32
        %swap3A_949 = arith.constant 7 : i32
        %swap3A_950 = arith.index_cast %swap3A_947 : i32 to index
        %swap3A_951 = arith.index_cast %swap3A_948 : i32 to index
        %swap3A_952 = arith.index_cast %select_n3A : i32 to index
        %swap3A_953 = arith.index_cast %swap3A_949 : i32 to index
        %swap3A_954 = arith.index_cast %mul3A_443 : i32 to index
        %swap3A_955 = tpu.vector_load %arg4[%swap3A_950, %swap3A_951, %swap3A_952, %swap3A_953, %swap3A_954] {strides = array<i32>} : memref<4x8x2x8x128xf32, #tpu.memory_space<vmem>>, vector<1x1x1x1x16xf32>,
        %swap3A_956 = vector.shape_cast %swap3A_955 : vector<1x1x1x1x16xf32> to vector<16xf32>
        %swap3A_957 = vector.shape_cast %mul3A_946 : vector<16xf32> to vector<1x1x1x1x16xf32>
        tpu.vector_store %arg4[%swap3A_950, %swap3A_951, %swap3A_952, %swap3A_953, %swap3A_954], %swap3A_957 {strides = array<i32>} : memref<4x8x2x8x128xf32, #tpu.memory_space<vmem>>, vector<1x1x1x1x16xf32>,
        %get3A_958 = arith.constant 3 : i32
        %get3A_959 = arith.constant 3 : i32
        %get3A_960 = arith.constant 0 : i32
        %get3A_961 = arith.index_cast %get3A_958 : i32 to index
        %get3A_962 = arith.index_cast %get3A_959 : i32 to index
        %get3A_963 = arith.index_cast %select_n3A : i32 to index
        %get3A_964 = arith.index_cast %get3A_960 : i32 to index
        %get3A_965 = arith.index_cast %mul3A_443 : i32 to index
        %get3A_966 = tpu.vector_load %arg4[%get3A_961, %get3A_962, %get3A_963, %get3A_964, %get3A_965] {strides = array<i32>} : memref<4x8x2x8x128xf32, #tpu.memory_space<vmem>>, vector<1x1x1x1x16xf32>,
        %get3A_967 = vector.shape_cast %get3A_966 : vector<1x1x1x1x16xf32> to vector<16xf32>
        %mul3A_968 = arith.mulf %get3A_967, %get3A_452 : vector<16xf32>
        %swap3A_969 = arith.constant 3 : i32
        %swap3A_970 = arith.constant 3 : i32
        %swap3A_971 = arith.constant 0 : i32
        %swap3A_972 = arith.index_cast %swap3A_969 : i32 to index
        %swap3A_973 = arith.index_cast %swap3A_970 : i32 to index
        %swap3A_974 = arith.index_cast %select_n3A : i32 to index
        %swap3A_975 = arith.index_cast %swap3A_971 : i32 to index
        %swap3A_976 = arith.index_cast %mul3A_443 : i32 to index
        %swap3A_977 = tpu.vector_load %arg4[%swap3A_972, %swap3A_973, %swap3A_974, %swap3A_975, %swap3A_976] {strides = array<i32>} : memref<4x8x2x8x128xf32, #tpu.memory_space<vmem>>, vector<1x1x1x1x16xf32>,
        %swap3A_978 = vector.shape_cast %swap3A_977 : vector<1x1x1x1x16xf32> to vector<16xf32>
        %swap3A_979 = vector.shape_cast %mul3A_968 : vector<16xf32> to vector<1x1x1x1x16xf32>
        tpu.vector_store %arg4[%swap3A_972, %swap3A_973, %swap3A_974, %swap3A_975, %swap3A_976], %swap3A_979 {strides = array<i32>} : memref<4x8x2x8x128xf32, #tpu.memory_space<vmem>>, vector<1x1x1x1x16xf32>,
        %get3A_980 = arith.constant 3 : i32
        %get3A_981 = arith.constant 3 : i32
        %get3A_982 = arith.constant 1 : i32
        %get3A_983 = arith.index_cast %get3A_980 : i32 to index
        %get3A_984 = arith.index_cast %get3A_981 : i32 to index
        %get3A_985 = arith.index_cast %select_n3A : i32 to index
        %get3A_986 = arith.index_cast %get3A_982 : i32 to index
        %get3A_987 = arith.index_cast %mul3A_443 : i32 to index
        %get3A_988 = tpu.vector_load %arg4[%get3A_983, %get3A_984, %get3A_985, %get3A_986, %get3A_987] {strides = array<i32>} : memref<4x8x2x8x128xf32, #tpu.memory_space<vmem>>, vector<1x1x1x1x16xf32>,
        %get3A_989 = vector.shape_cast %get3A_988 : vector<1x1x1x1x16xf32> to vector<16xf32>
        %mul3A_990 = arith.mulf %get3A_989, %get3A_452 : vector<16xf32>
        %swap3A_991 = arith.constant 3 : i32
        %swap3A_992 = arith.constant 3 : i32
        %swap3A_993 = arith.constant 1 : i32
        %swap3A_994 = arith.index_cast %swap3A_991 : i32 to index
        %swap3A_995 = arith.index_cast %swap3A_992 : i32 to index
        %swap3A_996 = arith.index_cast %select_n3A : i32 to index
        %swap3A_997 = arith.index_cast %swap3A_993 : i32 to index
        %swap3A_998 = arith.index_cast %mul3A_443 : i32 to index
        %swap3A_999 = tpu.vector_load %arg4[%swap3A_994, %swap3A_995, %swap3A_996, %swap3A_997, %swap3A_998] {strides = array<i32>} : memref<4x8x2x8x128xf32, #tpu.memory_space<vmem>>, vector<1x1x1x1x16xf32>,
        %swap3A_1000 = vector.shape_cast %swap3A_999 : vector<1x1x1x1x16xf32> to vector<16xf32>
        %swap3A_1001 = vector.shape_cast %mul3A_990 : vector<16xf32> to vector<1x1x1x1x16xf32>
        tpu.vector_store %arg4[%swap3A_994, %swap3A_995, %swap3A_996, %swap3A_997, %swap3A_998], %swap3A_1001 {strides = array<i32>} : memref<4x8x2x8x128xf32, #tpu.memory_space<vmem>>, vector<1x1x1x1x16xf32>,
        %get3A_1002 = arith.constant 3 : i32
        %get3A_1003 = arith.constant 3 : i32
        %get3A_1004 = arith.constant 2 : i32
        %get3A_1005 = arith.index_cast %get3A_1002 : i32 to index
        %get3A_1006 = arith.index_cast %get3A_1003 : i32 to index
        %get3A_1007 = arith.index_cast %select_n3A : i32 to index
        %get3A_1008 = arith.index_cast %get3A_1004 : i32 to index
        %get3A_1009 = arith.index_cast %mul3A_443 : i32 to index
        %get3A_1010 = tpu.vector_load %arg4[%get3A_1005, %get3A_1006, %get3A_1007, %get3A_1008, %get3A_1009] {strides = array<i32>} : memref<4x8x2x8x128xf32, #tpu.memory_space<vmem>>, vector<1x1x1x1x16xf32>,
        %get3A_1011 = vector.shape_cast %get3A_1010 : vector<1x1x1x1x16xf32> to vector<16xf32>
        %mul3A_1012 = arith.mulf %get3A_1011, %get3A_452 : vector<16xf32>
        %swap3A_1013 = arith.constant 3 : i32
        %swap3A_1014 = arith.constant 3 : i32
        %swap3A_1015 = arith.constant 2 : i32
        %swap3A_1016 = arith.index_cast %swap3A_1013 : i32 to index
        %swap3A_1017 = arith.index_cast %swap3A_1014 : i32 to index
        %swap3A_1018 = arith.index_cast %select_n3A : i32 to index
        %swap3A_1019 = arith.index_cast %swap3A_1015 : i32 to index
        %swap3A_1020 = arith.index_cast %mul3A_443 : i32 to index
        %swap3A_1021 = tpu.vector_load %arg4[%swap3A_1016, %swap3A_1017, %swap3A_1018, %swap3A_1019, %swap3A_1020] {strides = array<i32>} : memref<4x8x2x8x128xf32, #tpu.memory_space<vmem>>, vector<1x1x1x1x16xf32>,
        %swap3A_1022 = vector.shape_cast %swap3A_1021 : vector<1x1x1x1x16xf32> to vector<16xf32>
        %swap3A_1023 = vector.shape_cast %mul3A_1012 : vector<16xf32> to vector<1x1x1x1x16xf32>
        tpu.vector_store %arg4[%swap3A_1016, %swap3A_1017, %swap3A_1018, %swap3A_1019, %swap3A_1020], %swap3A_1023 {strides = array<i32>} : memref<4x8x2x8x128xf32, #tpu.memory_space<vmem>>, vector<1x1x1x1x16xf32>,
        %get3A_1024 = arith.constant 3 : i32
        %get3A_1025 = arith.constant 3 : i32
        %get3A_1026 = arith.constant 3 : i32
        %get3A_1027 = arith.index_cast %get3A_1024 : i32 to index
        %get3A_1028 = arith.index_cast %get3A_1025 : i32 to index
        %get3A_1029 = arith.index_cast %select_n3A : i32 to index
        %get3A_1030 = arith.index_cast %get3A_1026 : i32 to index
        %get3A_1031 = arith.index_cast %mul3A_443 : i32 to index
        %get3A_1032 = tpu.vector_load %arg4[%get3A_1027, %get3A_1028, %get3A_1029, %get3A_1030, %get3A_1031] {strides = array<i32>} : memref<4x8x2x8x128xf32, #tpu.memory_space<vmem>>, vector<1x1x1x1x16xf32>,
        %get3A_1033 = vector.shape_cast %get3A_1032 : vector<1x1x1x1x16xf32> to vector<16xf32>
        %mul3A_1034 = arith.mulf %get3A_1033, %get3A_452 : vector<16xf32>
        %swap3A_1035 = arith.constant 3 : i32
        %swap3A_1036 = arith.constant 3 : i32
        %swap3A_1037 = arith.constant 3 : i32
        %swap3A_1038 = arith.index_cast %swap3A_1035 : i32 to index
        %swap3A_1039 = arith.index_cast %swap3A_1036 : i32 to index
        %swap3A_1040 = arith.index_cast %select_n3A : i32 to index
        %swap3A_1041 = arith.index_cast %swap3A_1037 : i32 to index
        %swap3A_1042 = arith.index_cast %mul3A_443 : i32 to index
        %swap3A_1043 = tpu.vector_load %arg4[%swap3A_1038, %swap3A_1039, %swap3A_1040, %swap3A_1041, %swap3A_1042] {strides = array<i32>} : memref<4x8x2x8x128xf32, #tpu.memory_space<vmem>>, vector<1x1x1x1x16xf32>,
        %swap3A_1044 = vector.shape_cast %swap3A_1043 : vector<1x1x1x1x16xf32> to vector<16xf32>
        %swap3A_1045 = vector.shape_cast %mul3A_1034 : vector<16xf32> to vector<1x1x1x1x16xf32>
        tpu.vector_store %arg4[%swap3A_1038, %swap3A_1039, %swap3A_1040, %swap3A_1041, %swap3A_1042], %swap3A_1045 {strides = array<i32>} : memref<4x8x2x8x128xf32, #tpu.memory_space<vmem>>, vector<1x1x1x1x16xf32>,
        %get3A_1046 = arith.constant 3 : i32
        %get3A_1047 = arith.constant 3 : i32
        %get3A_1048 = arith.constant 4 : i32
        %get3A_1049 = arith.index_cast %get3A_1046 : i32 to index
        %get3A_1050 = arith.index_cast %get3A_1047 : i32 to index
        %get3A_1051 = arith.index_cast %select_n3A : i32 to index
        %get3A_1052 = arith.index_cast %get3A_1048 : i32 to index
        %get3A_1053 = arith.index_cast %mul3A_443 : i32 to index
        %get3A_1054 = tpu.vector_load %arg4[%get3A_1049, %get3A_1050, %get3A_1051, %get3A_1052, %get3A_1053] {strides = array<i32>} : memref<4x8x2x8x128xf32, #tpu.memory_space<vmem>>, vector<1x1x1x1x16xf32>,
        %get3A_1055 = vector.shape_cast %get3A_1054 : vector<1x1x1x1x16xf32> to vector<16xf32>
        %mul3A_1056 = arith.mulf %get3A_1055, %get3A_452 : vector<16xf32>
        %swap3A_1057 = arith.constant 3 : i32
        %swap3A_1058 = arith.constant 3 : i32
        %swap3A_1059 = arith.constant 4 : i32
        %swap3A_1060 = arith.index_cast %swap3A_1057 : i32 to index
        %swap3A_1061 = arith.index_cast %swap3A_1058 : i32 to index
        %swap3A_1062 = arith.index_cast %select_n3A : i32 to index
        %swap3A_1063 = arith.index_cast %swap3A_1059 : i32 to index
        %swap3A_1064 = arith.index_cast %mul3A_443 : i32 to index
        %swap3A_1065 = tpu.vector_load %arg4[%swap3A_1060, %swap3A_1061, %swap3A_1062, %swap3A_1063, %swap3A_1064] {strides = array<i32>} : memref<4x8x2x8x128xf32, #tpu.memory_space<vmem>>, vector<1x1x1x1x16xf32>,
        %swap3A_1066 = vector.shape_cast %swap3A_1065 : vector<1x1x1x1x16xf32> to vector<16xf32>
        %swap3A_1067 = vector.shape_cast %mul3A_1056 : vector<16xf32> to vector<1x1x1x1x16xf32>
        tpu.vector_store %arg4[%swap3A_1060, %swap3A_1061, %swap3A_1062, %swap3A_1063, %swap3A_1064], %swap3A_1067 {strides = array<i32>} : memref<4x8x2x8x128xf32, #tpu.memory_space<vmem>>, vector<1x1x1x1x16xf32>,
        %get3A_1068 = arith.constant 3 : i32
        %get3A_1069 = arith.constant 3 : i32
        %get3A_1070 = arith.constant 5 : i32
        %get3A_1071 = arith.index_cast %get3A_1068 : i32 to index
        %get3A_1072 = arith.index_cast %get3A_1069 : i32 to index
        %get3A_1073 = arith.index_cast %select_n3A : i32 to index
        %get3A_1074 = arith.index_cast %get3A_1070 : i32 to index
        %get3A_1075 = arith.index_cast %mul3A_443 : i32 to index
        %get3A_1076 = tpu.vector_load %arg4[%get3A_1071, %get3A_1072, %get3A_1073, %get3A_1074, %get3A_1075] {strides = array<i32>} : memref<4x8x2x8x128xf32, #tpu.memory_space<vmem>>, vector<1x1x1x1x16xf32>,
        %get3A_1077 = vector.shape_cast %get3A_1076 : vector<1x1x1x1x16xf32> to vector<16xf32>
        %mul3A_1078 = arith.mulf %get3A_1077, %get3A_452 : vector<16xf32>
        %swap3A_1079 = arith.constant 3 : i32
        %swap3A_1080 = arith.constant 3 : i32
        %swap3A_1081 = arith.constant 5 : i32
        %swap3A_1082 = arith.index_cast %swap3A_1079 : i32 to index
        %swap3A_1083 = arith.index_cast %swap3A_1080 : i32 to index
        %swap3A_1084 = arith.index_cast %select_n3A : i32 to index
        %swap3A_1085 = arith.index_cast %swap3A_1081 : i32 to index
        %swap3A_1086 = arith.index_cast %mul3A_443 : i32 to index
        %swap3A_1087 = tpu.vector_load %arg4[%swap3A_1082, %swap3A_1083, %swap3A_1084, %swap3A_1085, %swap3A_1086] {strides = array<i32>} : memref<4x8x2x8x128xf32, #tpu.memory_space<vmem>>, vector<1x1x1x1x16xf32>,
        %swap3A_1088 = vector.shape_cast %swap3A_1087 : vector<1x1x1x1x16xf32> to vector<16xf32>
        %swap3A_1089 = vector.shape_cast %mul3A_1078 : vector<16xf32> to vector<1x1x1x1x16xf32>
        tpu.vector_store %arg4[%swap3A_1082, %swap3A_1083, %swap3A_1084, %swap3A_1085, %swap3A_1086], %swap3A_1089 {strides = array<i32>} : memref<4x8x2x8x128xf32, #tpu.memory_space<vmem>>, vector<1x1x1x1x16xf32>,
        %get3A_1090 = arith.constant 3 : i32
        %get3A_1091 = arith.constant 3 : i32
        %get3A_1092 = arith.constant 6 : i32
        %get3A_1093 = arith.index_cast %get3A_1090 : i32 to index
        %get3A_1094 = arith.index_cast %get3A_1091 : i32 to index
        %get3A_1095 = arith.index_cast %select_n3A : i32 to index
        %get3A_1096 = arith.index_cast %get3A_1092 : i32 to index
        %get3A_1097 = arith.index_cast %mul3A_443 : i32 to index
        %get3A_1098 = tpu.vector_load %arg4[%get3A_1093, %get3A_1094, %get3A_1095, %get3A_1096, %get3A_1097] {strides = array<i32>} : memref<4x8x2x8x128xf32, #tpu.memory_space<vmem>>, vector<1x1x1x1x16xf32>,
        %get3A_1099 = vector.shape_cast %get3A_1098 : vector<1x1x1x1x16xf32> to vector<16xf32>
        %mul3A_1100 = arith.mulf %get3A_1099, %get3A_452 : vector<16xf32>
        %swap3A_1101 = arith.constant 3 : i32
        %swap3A_1102 = arith.constant 3 : i32
        %swap3A_1103 = arith.constant 6 : i32
        %swap3A_1104 = arith.index_cast %swap3A_1101 : i32 to index
        %swap3A_1105 = arith.index_cast %swap3A_1102 : i32 to index
        %swap3A_1106 = arith.index_cast %select_n3A : i32 to index
        %swap3A_1107 = arith.index_cast %swap3A_1103 : i32 to index
        %swap3A_1108 = arith.index_cast %mul3A_443 : i32 to index
        %swap3A_1109 = tpu.vector_load %arg4[%swap3A_1104, %swap3A_1105, %swap3A_1106, %swap3A_1107, %swap3A_1108] {strides = array<i32>} : memref<4x8x2x8x128xf32, #tpu.memory_space<vmem>>, vector<1x1x1x1x16xf32>,
        %swap3A_1110 = vector.shape_cast %swap3A_1109 : vector<1x1x1x1x16xf32> to vector<16xf32>
        %swap3A_1111 = vector.shape_cast %mul3A_1100 : vector<16xf32> to vector<1x1x1x1x16xf32>
        tpu.vector_store %arg4[%swap3A_1104, %swap3A_1105, %swap3A_1106, %swap3A_1107, %swap3A_1108], %swap3A_1111 {strides = array<i32>} : memref<4x8x2x8x128xf32, #tpu.memory_space<vmem>>, vector<1x1x1x1x16xf32>,
        %get3A_1112 = arith.constant 3 : i32
        %get3A_1113 = arith.constant 3 : i32
        %get3A_1114 = arith.constant 7 : i32
        %get3A_1115 = arith.index_cast %get3A_1112 : i32 to index
        %get3A_1116 = arith.index_cast %get3A_1113 : i32 to index
        %get3A_1117 = arith.index_cast %select_n3A : i32 to index
        %get3A_1118 = arith.index_cast %get3A_1114 : i32 to index
        %get3A_1119 = arith.index_cast %mul3A_443 : i32 to index
        %get3A_1120 = tpu.vector_load %arg4[%get3A_1115, %get3A_1116, %get3A_1117, %get3A_1118, %get3A_1119] {strides = array<i32>} : memref<4x8x2x8x128xf32, #tpu.memory_space<vmem>>, vector<1x1x1x1x16xf32>,
        %get3A_1121 = vector.shape_cast %get3A_1120 : vector<1x1x1x1x16xf32> to vector<16xf32>
        %mul3A_1122 = arith.mulf %get3A_1121, %get3A_452 : vector<16xf32>
        %swap3A_1123 = arith.constant 3 : i32
        %swap3A_1124 = arith.constant 3 : i32
        %swap3A_1125 = arith.constant 7 : i32
        %swap3A_1126 = arith.index_cast %swap3A_1123 : i32 to index
        %swap3A_1127 = arith.index_cast %swap3A_1124 : i32 to index
        %swap3A_1128 = arith.index_cast %select_n3A : i32 to index
        %swap3A_1129 = arith.index_cast %swap3A_1125 : i32 to index
        %swap3A_1130 = arith.index_cast %mul3A_443 : i32 to index
        %swap3A_1131 = tpu.vector_load %arg4[%swap3A_1126, %swap3A_1127, %swap3A_1128, %swap3A_1129, %swap3A_1130] {strides = array<i32>} : memref<4x8x2x8x128xf32, #tpu.memory_space<vmem>>, vector<1x1x1x1x16xf32>,
        %swap3A_1132 = vector.shape_cast %swap3A_1131 : vector<1x1x1x1x16xf32> to vector<16xf32>
        %swap3A_1133 = vector.shape_cast %mul3A_1122 : vector<16xf32> to vector<1x1x1x1x16xf32>
        tpu.vector_store %arg4[%swap3A_1126, %swap3A_1127, %swap3A_1128, %swap3A_1129, %swap3A_1130], %swap3A_1133 {strides = array<i32>} : memref<4x8x2x8x128xf32, #tpu.memory_space<vmem>>, vector<1x1x1x1x16xf32>,
        %get3A_1134 = arith.constant 3 : i32
        %get3A_1135 = arith.constant 4 : i32
        %get3A_1136 = arith.constant 0 : i32
        %get3A_1137 = arith.index_cast %get3A_1134 : i32 to index
        %get3A_1138 = arith.index_cast %get3A_1135 : i32 to index
        %get3A_1139 = arith.index_cast %select_n3A : i32 to index
        %get3A_1140 = arith.index_cast %get3A_1136 : i32 to index
        %get3A_1141 = arith.index_cast %mul3A_443 : i32 to index
        %get3A_1142 = tpu.vector_load %arg4[%get3A_1137, %get3A_1138, %get3A_1139, %get3A_1140, %get3A_1141] {strides = array<i32>} : memref<4x8x2x8x128xf32, #tpu.memory_space<vmem>>, vector<1x1x1x1x16xf32>,
        %get3A_1143 = vector.shape_cast %get3A_1142 : vector<1x1x1x1x16xf32> to vector<16xf32>
        %mul3A_1144 = arith.mulf %get3A_1143, %get3A_452 : vector<16xf32>
        %swap3A_1145 = arith.constant 3 : i32
        %swap3A_1146 = arith.constant 4 : i32
        %swap3A_1147 = arith.constant 0 : i32
        %swap3A_1148 = arith.index_cast %swap3A_1145 : i32 to index
        %swap3A_1149 = arith.index_cast %swap3A_1146 : i32 to index
        %swap3A_1150 = arith.index_cast %select_n3A : i32 to index
        %swap3A_1151 = arith.index_cast %swap3A_1147 : i32 to index
        %swap3A_1152 = arith.index_cast %mul3A_443 : i32 to index
        %swap3A_1153 = tpu.vector_load %arg4[%swap3A_1148, %swap3A_1149, %swap3A_1150, %swap3A_1151, %swap3A_1152] {strides = array<i32>} : memref<4x8x2x8x128xf32, #tpu.memory_space<vmem>>, vector<1x1x1x1x16xf32>,
        %swap3A_1154 = vector.shape_cast %swap3A_1153 : vector<1x1x1x1x16xf32> to vector<16xf32>
        %swap3A_1155 = vector.shape_cast %mul3A_1144 : vector<16xf32> to vector<1x1x1x1x16xf32>
        tpu.vector_store %arg4[%swap3A_1148, %swap3A_1149, %swap3A_1150, %swap3A_1151, %swap3A_1152], %swap3A_1155 {strides = array<i32>} : memref<4x8x2x8x128xf32, #tpu.memory_space<vmem>>, vector<1x1x1x1x16xf32>,
      }
      %scan3A_375 = arith.constant 16 : i32
      %mul3A_376 = arith.constant 2 : i32
      %mul3A_377 = arith.muli %add3A_345, %mul3A_376 : i32
      %add3A_378 = arith.addi %mul3A_2, %mul3A_377 : i32
      %dma_start3A_379 = arith.constant 3 : i32
      %dma_start3A_380 = arith.constant 0 : i32
      %dma_start3A_381 = arith.constant 0 : i32
      %dma_start3A_382 = arith.constant 0 : i32
      %dma_start3A_383 = arith.constant 0 : i32
      %dma_start3A_384 = tpu.memref_slice %arg4[%dma_start3A_379, %dma_start3A_380, %dma_start3A_381, %dma_start3A_382, %dma_start3A_383] : memref<4x8x2x8x128xf32, #tpu.memory_space<vmem>> -> memref<1x8x2x8x128xf32, #tpu.memory_space<vmem>>
      %dma_start3A_385 = tpu.memref_squeeze %dma_start3A_384 : memref<1x8x2x8x128xf32, #tpu.memory_space<vmem>> -> memref<8x2x8x128xf32, #tpu.memory_space<vmem>>
      %dma_start3A_386 = arith.constant 0 : i32
      %dma_start3A_387 = arith.constant 0 : i32
      %dma_start3A_388 = arith.constant 0 : i32
      %dma_start3A_389 = tpu.memref_slice %arg3[%dma_start3A_386, %add3A_378, %dma_start3A_387, %dma_start3A_388] : memref<8x4096x8x128xf32, #tpu.memory_space<hbm>> -> memref<8x2x8x128xf32, #tpu.memory_space<hbm>>
      %dma_start3A_390 = arith.constant 0 : i32
      %dma_start3A_391 = arith.constant 0 : i32
      %dma_start3A_392 = arith.constant 0 : i32
      %dma_start3A_393 = tpu.memref_slice %arg3[%dma_start3A_390, %add3A_378, %dma_start3A_391, %dma_start3A_392] : memref<8x4096x8x128xf32, #tpu.memory_space<hbm>> -> memref<8x2x8x128xf32, #tpu.memory_space<hbm>>
      %dma_start3A_394 = arith.constant 0 : i32
      %dma_start3A_395 = arith.constant 0 : i32
      %dma_start3A_396 = arith.constant 0 : i32
      %dma_start3A_397 = arith.constant 0 : i32
      %dma_start3A_398 = tpu.memref_slice %arg4[%dma_start3A_379, %dma_start3A_394, %dma_start3A_395, %dma_start3A_396, %dma_start3A_397] : memref<4x8x2x8x128xf32, #tpu.memory_space<vmem>> -> memref<1x8x2x8x128xf32, #tpu.memory_space<vmem>>
      %dma_start3A_399 = tpu.memref_squeeze %dma_start3A_398 : memref<1x8x2x8x128xf32, #tpu.memory_space<vmem>> -> memref<8x2x8x128xf32, #tpu.memory_space<vmem>>
      tpu.enqueue_dma source(%dma_start3A_399 : memref<8x2x8x128xf32, #tpu.memory_space<vmem>>) target(%dma_start3A_393 : memref<8x2x8x128xf32, #tpu.memory_space<hbm>>) target_semaphore(%arg12 : memref<!tpu.dma_semaphore, #tpu.memory_space<semaphore_mem>>)
      %add3A_400 = arith.constant 2 : i32
      %add3A_401 = arith.addi %add3A_345, %add3A_400 : i32
      %sub3A_402 = arith.constant 2 : i32
      %sub3A_403 = arith.subi %add3A_345, %sub3A_402 : i32
      %lt3A_404 = arith.constant 64 : i32
      %lt3A_405 = arith.cmpi slt, %add3A_401, %lt3A_404 : i32
      %convert_element_type3A_406 = arith.extui %lt3A_405 : i1 to i32
      %cond3A_407 = arith.constant 0 : i32
      %cond3A_408 = arith.cmpi ne, %convert_element_type3A_406, %cond3A_407 : i32
      scf.if %cond3A_408 {
        %ge3A = arith.constant 0 : i32
        %ge3A_409 = arith.cmpi sge, %sub3A_403, %ge3A : i32
        %convert_element_type3A_410 = arith.extui %ge3A_409 : i1 to i32
        %cond3A_411 = arith.constant 0 : i32
        %cond3A_412 = arith.cmpi ne, %convert_element_type3A_410, %cond3A_411 : i32
        scf.if %cond3A_412 {
          %mul3A_437 = arith.constant 2 : i32
          %mul3A_438 = arith.muli %sub3A_403, %mul3A_437 : i32
          %add3A_439 = arith.addi %mul3A_2, %mul3A_438 : i32
          %dma_wait3A_440 = arith.constant 1 : i32
          %dma_wait3A_441 = arith.constant 0 : i32
          %dma_wait3A_442 = arith.constant 0 : i32
          %dma_wait3A_443 = arith.constant 0 : i32
          %dma_wait3A_444 = arith.constant 0 : i32
          %dma_wait3A_445 = tpu.memref_slice %arg4[%dma_wait3A_440, %dma_wait3A_441, %dma_wait3A_442, %dma_wait3A_443, %dma_wait3A_444] : memref<4x8x2x8x128xf32, #tpu.memory_space<vmem>> -> memref<1x8x2x8x128xf32, #tpu.memory_space<vmem>>
          %dma_wait3A_446 = tpu.memref_squeeze %dma_wait3A_445 : memref<1x8x2x8x128xf32, #tpu.memory_space<vmem>> -> memref<8x2x8x128xf32, #tpu.memory_space<vmem>>
          %dma_wait3A_447 = arith.constant 0 : i32
          %dma_wait3A_448 = arith.constant 0 : i32
          %dma_wait3A_449 = arith.constant 0 : i32
          %dma_wait3A_450 = tpu.memref_slice %arg3[%dma_wait3A_447, %add3A_439, %dma_wait3A_448, %dma_wait3A_449] : memref<8x4096x8x128xf32, #tpu.memory_space<hbm>> -> memref<8x2x8x128xf32, #tpu.memory_space<hbm>>
          %dma_wait3A_451 = arith.constant 0 : i32
          %dma_wait3A_452 = arith.constant 0 : i32
          %dma_wait3A_453 = arith.constant 0 : i32
          %dma_wait3A_454 = tpu.memref_slice %arg3[%dma_wait3A_451, %add3A_439, %dma_wait3A_452, %dma_wait3A_453] : memref<8x4096x8x128xf32, #tpu.memory_space<hbm>> -> memref<8x2x8x128xf32, #tpu.memory_space<hbm>>
          %dma_wait3A_455 = arith.constant 0 : i32
          %dma_wait3A_456 = arith.constant 0 : i32
          %dma_wait3A_457 = arith.constant 0 : i32
          %dma_wait3A_458 = arith.constant 0 : i32
          %dma_wait3A_459 = tpu.memref_slice %arg4[%dma_wait3A_440, %dma_wait3A_455, %dma_wait3A_456, %dma_wait3A_457, %dma_wait3A_458] : memref<4x8x2x8x128xf32, #tpu.memory_space<vmem>> -> memref<1x8x2x8x128xf32, #tpu.memory_space<vmem>>
          %dma_wait3A_460 = tpu.memref_squeeze %dma_wait3A_459 : memref<1x8x2x8x128xf32, #tpu.memory_space<vmem>> -> memref<8x2x8x128xf32, #tpu.memory_space<vmem>>
          tpu.wait_dma2 semaphore(%arg10 : memref<!tpu.dma_semaphore, #tpu.memory_space<semaphore_mem>>) src(%dma_wait3A_460 : memref<8x2x8x128xf32, #tpu.memory_space<vmem>>) dst(%dma_wait3A_454 : memref<8x2x8x128xf32, #tpu.memory_space<hbm>>)
        } else {
        }
        %mul3A_413 = arith.constant 2 : i32
        %mul3A_414 = arith.muli %add3A_401, %mul3A_413 : i32
        %add3A_415 = arith.addi %mul3A_2, %mul3A_414 : i32
        %dma_start3A_416 = arith.constant 1 : i32
        %dma_start3A_417 = arith.constant 0 : i32
        %dma_start3A_418 = arith.constant 0 : i32
        %dma_start3A_419 = arith.constant 0 : i32
        %dma_start3A_420 = arith.constant 0 : i32
        %dma_start3A_421 = tpu.memref_slice %arg4[%dma_start3A_416, %dma_start3A_417, %dma_start3A_418, %dma_start3A_419, %dma_start3A_420] : memref<4x8x2x8x128xf32, #tpu.memory_space<vmem>> -> memref<1x8x2x8x128xf32, #tpu.memory_space<vmem>>
        %dma_start3A_422 = tpu.memref_squeeze %dma_start3A_421 : memref<1x8x2x8x128xf32, #tpu.memory_space<vmem>> -> memref<8x2x8x128xf32, #tpu.memory_space<vmem>>
        %dma_start3A_423 = arith.constant 0 : i32
        %dma_start3A_424 = arith.constant 0 : i32
        %dma_start3A_425 = arith.constant 0 : i32
        %dma_start3A_426 = tpu.memref_slice %arg2[%dma_start3A_423, %add3A_415, %dma_start3A_424, %dma_start3A_425] : memref<8x4096x8x128xf32, #tpu.memory_space<hbm>> -> memref<8x2x8x128xf32, #tpu.memory_space<hbm>>
        %dma_start3A_427 = arith.constant 0 : i32
        %dma_start3A_428 = arith.constant 0 : i32
        %dma_start3A_429 = arith.constant 0 : i32
        %dma_start3A_430 = arith.constant 0 : i32
        %dma_start3A_431 = tpu.memref_slice %arg4[%dma_start3A_416, %dma_start3A_427, %dma_start3A_428, %dma_start3A_429, %dma_start3A_430] : memref<4x8x2x8x128xf32, #tpu.memory_space<vmem>> -> memref<1x8x2x8x128xf32, #tpu.memory_space<vmem>>
        %dma_start3A_432 = tpu.memref_squeeze %dma_start3A_431 : memref<1x8x2x8x128xf32, #tpu.memory_space<vmem>> -> memref<8x2x8x128xf32, #tpu.memory_space<vmem>>
        %dma_start3A_433 = arith.constant 0 : i32
        %dma_start3A_434 = arith.constant 0 : i32
        %dma_start3A_435 = arith.constant 0 : i32
        %dma_start3A_436 = tpu.memref_slice %arg2[%dma_start3A_433, %add3A_415, %dma_start3A_434, %dma_start3A_435] : memref<8x4096x8x128xf32, #tpu.memory_space<hbm>> -> memref<8x2x8x128xf32, #tpu.memory_space<hbm>>
        tpu.enqueue_dma source(%dma_start3A_436 : memref<8x2x8x128xf32, #tpu.memory_space<hbm>>) target(%dma_start3A_432 : memref<8x2x8x128xf32, #tpu.memory_space<vmem>>) target_semaphore(%arg6 : memref<!tpu.dma_semaphore, #tpu.memory_space<semaphore_mem>>)
      } else {
      }
    }
    %scan3A_52 = arith.constant 16 : i32
    %add3A_53 = arith.constant 120 : i32
    %add3A_54 = arith.addi %mul3A_2, %add3A_53 : i32
    %dma_wait3A = arith.constant 0 : i32
    %dma_wait3A_55 = arith.constant 0 : i32
    %dma_wait3A_56 = arith.constant 0 : i32
    %dma_wait3A_57 = arith.constant 0 : i32
    %dma_wait3A_58 = arith.constant 0 : i32
    %dma_wait3A_59 = tpu.memref_slice %arg4[%dma_wait3A, %dma_wait3A_55, %dma_wait3A_56, %dma_wait3A_57, %dma_wait3A_58] : memref<4x8x2x8x128xf32, #tpu.memory_space<vmem>> -> memref<1x8x2x8x128xf32, #tpu.memory_space<vmem>>
    %dma_wait3A_60 = tpu.memref_squeeze %dma_wait3A_59 : memref<1x8x2x8x128xf32, #tpu.memory_space<vmem>> -> memref<8x2x8x128xf32, #tpu.memory_space<vmem>>
    %dma_wait3A_61 = arith.constant 0 : i32
    %dma_wait3A_62 = arith.constant 0 : i32
    %dma_wait3A_63 = arith.constant 0 : i32
    %dma_wait3A_64 = tpu.memref_slice %arg3[%dma_wait3A_61, %add3A_54, %dma_wait3A_62, %dma_wait3A_63] : memref<8x4096x8x128xf32, #tpu.memory_space<hbm>> -> memref<8x2x8x128xf32, #tpu.memory_space<hbm>>
    %dma_wait3A_65 = arith.constant 0 : i32
    %dma_wait3A_66 = arith.constant 0 : i32
    %dma_wait3A_67 = arith.constant 0 : i32
    %dma_wait3A_68 = tpu.memref_slice %arg3[%dma_wait3A_65, %add3A_54, %dma_wait3A_66, %dma_wait3A_67] : memref<8x4096x8x128xf32, #tpu.memory_space<hbm>> -> memref<8x2x8x128xf32, #tpu.memory_space<hbm>>
    %dma_wait3A_69 = arith.constant 0 : i32
    %dma_wait3A_70 = arith.constant 0 : i32
    %dma_wait3A_71 = arith.constant 0 : i32
    %dma_wait3A_72 = arith.constant 0 : i32
    %dma_wait3A_73 = tpu.memref_slice %arg4[%dma_wait3A, %dma_wait3A_69, %dma_wait3A_70, %dma_wait3A_71, %dma_wait3A_72] : memref<4x8x2x8x128xf32, #tpu.memory_space<vmem>> -> memref<1x8x2x8x128xf32, #tpu.memory_space<vmem>>
    %dma_wait3A_74 = tpu.memref_squeeze %dma_wait3A_73 : memref<1x8x2x8x128xf32, #tpu.memory_space<vmem>> -> memref<8x2x8x128xf32, #tpu.memory_space<vmem>>
    tpu.wait_dma2 semaphore(%arg9 : memref<!tpu.dma_semaphore, #tpu.memory_space<semaphore_mem>>) src(%dma_wait3A_74 : memref<8x2x8x128xf32, #tpu.memory_space<vmem>>) dst(%dma_wait3A_68 : memref<8x2x8x128xf32, #tpu.memory_space<hbm>>)
    %add3A_75 = arith.constant 122 : i32
    %add3A_76 = arith.addi %mul3A_2, %add3A_75 : i32
    %dma_wait3A_77 = arith.constant 1 : i32
    %dma_wait3A_78 = arith.constant 0 : i32
    %dma_wait3A_79 = arith.constant 0 : i32
    %dma_wait3A_80 = arith.constant 0 : i32
    %dma_wait3A_81 = arith.constant 0 : i32
    %dma_wait3A_82 = tpu.memref_slice %arg4[%dma_wait3A_77, %dma_wait3A_78, %dma_wait3A_79, %dma_wait3A_80, %dma_wait3A_81] : memref<4x8x2x8x128xf32, #tpu.memory_space<vmem>> -> memref<1x8x2x8x128xf32, #tpu.memory_space<vmem>>
    %dma_wait3A_83 = tpu.memref_squeeze %dma_wait3A_82 : memref<1x8x2x8x128xf32, #tpu.memory_space<vmem>> -> memref<8x2x8x128xf32, #tpu.memory_space<vmem>>
    %dma_wait3A_84 = arith.constant 0 : i32
    %dma_wait3A_85 = arith.constant 0 : i32
    %dma_wait3A_86 = arith.constant 0 : i32
    %dma_wait3A_87 = tpu.memref_slice %arg3[%dma_wait3A_84, %add3A_76, %dma_wait3A_85, %dma_wait3A_86] : memref<8x4096x8x128xf32, #tpu.memory_space<hbm>> -> memref<8x2x8x128xf32, #tpu.memory_space<hbm>>
    %dma_wait3A_88 = arith.constant 0 : i32
    %dma_wait3A_89 = arith.constant 0 : i32
    %dma_wait3A_90 = arith.constant 0 : i32
    %dma_wait3A_91 = tpu.memref_slice %arg3[%dma_wait3A_88, %add3A_76, %dma_wait3A_89, %dma_wait3A_90] : memref<8x4096x8x128xf32, #tpu.memory_space<hbm>> -> memref<8x2x8x128xf32, #tpu.memory_space<hbm>>
    %dma_wait3A_92 = arith.constant 0 : i32
    %dma_wait3A_93 = arith.constant 0 : i32
    %dma_wait3A_94 = arith.constant 0 : i32
    %dma_wait3A_95 = arith.constant 0 : i32
    %dma_wait3A_96 = tpu.memref_slice %arg4[%dma_wait3A_77, %dma_wait3A_92, %dma_wait3A_93, %dma_wait3A_94, %dma_wait3A_95] : memref<4x8x2x8x128xf32, #tpu.memory_space<vmem>> -> memref<1x8x2x8x128xf32, #tpu.memory_space<vmem>>
    %dma_wait3A_97 = tpu.memref_squeeze %dma_wait3A_96 : memref<1x8x2x8x128xf32, #tpu.memory_space<vmem>> -> memref<8x2x8x128xf32, #tpu.memory_space<vmem>>
    tpu.wait_dma2 semaphore(%arg10 : memref<!tpu.dma_semaphore, #tpu.memory_space<semaphore_mem>>) src(%dma_wait3A_97 : memref<8x2x8x128xf32, #tpu.memory_space<vmem>>) dst(%dma_wait3A_91 : memref<8x2x8x128xf32, #tpu.memory_space<hbm>>)
    %add3A_98 = arith.constant 124 : i32
    %add3A_99 = arith.addi %mul3A_2, %add3A_98 : i32
    %dma_wait3A_100 = arith.constant 2 : i32
    %dma_wait3A_101 = arith.constant 0 : i32
    %dma_wait3A_102 = arith.constant 0 : i32
    %dma_wait3A_103 = arith.constant 0 : i32
    %dma_wait3A_104 = arith.constant 0 : i32
    %dma_wait3A_105 = tpu.memref_slice %arg4[%dma_wait3A_100, %dma_wait3A_101, %dma_wait3A_102, %dma_wait3A_103, %dma_wait3A_104] : memref<4x8x2x8x128xf32, #tpu.memory_space<vmem>> -> memref<1x8x2x8x128xf32, #tpu.memory_space<vmem>>
    %dma_wait3A_106 = tpu.memref_squeeze %dma_wait3A_105 : memref<1x8x2x8x128xf32, #tpu.memory_space<vmem>> -> memref<8x2x8x128xf32, #tpu.memory_space<vmem>>
    %dma_wait3A_107 = arith.constant 0 : i32
    %dma_wait3A_108 = arith.constant 0 : i32
    %dma_wait3A_109 = arith.constant 0 : i32
    %dma_wait3A_110 = tpu.memref_slice %arg3[%dma_wait3A_107, %add3A_99, %dma_wait3A_108, %dma_wait3A_109] : memref<8x4096x8x128xf32, #tpu.memory_space<hbm>> -> memref<8x2x8x128xf32, #tpu.memory_space<hbm>>
    %dma_wait3A_111 = arith.constant 0 : i32
    %dma_wait3A_112 = arith.constant 0 : i32
    %dma_wait3A_113 = arith.constant 0 : i32
    %dma_wait3A_114 = tpu.memref_slice %arg3[%dma_wait3A_111, %add3A_99, %dma_wait3A_112, %dma_wait3A_113] : memref<8x4096x8x128xf32, #tpu.memory_space<hbm>> -> memref<8x2x8x128xf32, #tpu.memory_space<hbm>>
    %dma_wait3A_115 = arith.constant 0 : i32
    %dma_wait3A_116 = arith.constant 0 : i32
    %dma_wait3A_117 = arith.constant 0 : i32
    %dma_wait3A_118 = arith.constant 0 : i32
    %dma_wait3A_119 = tpu.memref_slice %arg4[%dma_wait3A_100, %dma_wait3A_115, %dma_wait3A_116, %dma_wait3A_117, %dma_wait3A_118] : memref<4x8x2x8x128xf32, #tpu.memory_space<vmem>> -> memref<1x8x2x8x128xf32, #tpu.memory_space<vmem>>
    %dma_wait3A_120 = tpu.memref_squeeze %dma_wait3A_119 : memref<1x8x2x8x128xf32, #tpu.memory_space<vmem>> -> memref<8x2x8x128xf32, #tpu.memory_space<vmem>>
    tpu.wait_dma2 semaphore(%arg11 : memref<!tpu.dma_semaphore, #tpu.memory_space<semaphore_mem>>) src(%dma_wait3A_120 : memref<8x2x8x128xf32, #tpu.memory_space<vmem>>) dst(%dma_wait3A_114 : memref<8x2x8x128xf32, #tpu.memory_space<hbm>>)
    %add3A_121 = arith.constant 126 : i32
    %add3A_122 = arith.addi %mul3A_2, %add3A_121 : i32
    %dma_wait3A_123 = arith.constant 3 : i32
    %dma_wait3A_124 = arith.constant 0 : i32
    %dma_wait3A_125 = arith.constant 0 : i32
    %dma_wait3A_126 = arith.constant 0 : i32
    %dma_wait3A_127 = arith.constant 0 : i32
    %dma_wait3A_128 = tpu.memref_slice %arg4[%dma_wait3A_123, %dma_wait3A_124, %dma_wait3A_125, %dma_wait3A_126, %dma_wait3A_127] : memref<4x8x2x8x128xf32, #tpu.memory_space<vmem>> -> memref<1x8x2x8x128xf32, #tpu.memory_space<vmem>>
    %dma_wait3A_129 = tpu.memref_squeeze %dma_wait3A_128 : memref<1x8x2x8x128xf32, #tpu.memory_space<vmem>> -> memref<8x2x8x128xf32, #tpu.memory_space<vmem>>
    %dma_wait3A_130 = arith.constant 0 : i32
    %dma_wait3A_131 = arith.constant 0 : i32
    %dma_wait3A_132 = arith.constant 0 : i32
    %dma_wait3A_133 = tpu.memref_slice %arg3[%dma_wait3A_130, %add3A_122, %dma_wait3A_131, %dma_wait3A_132] : memref<8x4096x8x128xf32, #tpu.memory_space<hbm>> -> memref<8x2x8x128xf32, #tpu.memory_space<hbm>>
    %dma_wait3A_134 = arith.constant 0 : i32
    %dma_wait3A_135 = arith.constant 0 : i32
    %dma_wait3A_136 = arith.constant 0 : i32
    %dma_wait3A_137 = tpu.memref_slice %arg3[%dma_wait3A_134, %add3A_122, %dma_wait3A_135, %dma_wait3A_136] : memref<8x4096x8x128xf32, #tpu.memory_space<hbm>> -> memref<8x2x8x128xf32, #tpu.memory_space<hbm>>
    %dma_wait3A_138 = arith.constant 0 : i32
    %dma_wait3A_139 = arith.constant 0 : i32
    %dma_wait3A_140 = arith.constant 0 : i32
    %dma_wait3A_141 = arith.constant 0 : i32
    %dma_wait3A_142 = tpu.memref_slice %arg4[%dma_wait3A_123, %dma_wait3A_138, %dma_wait3A_139, %dma_wait3A_140, %dma_wait3A_141] : memref<4x8x2x8x128xf32, #tpu.memory_space<vmem>> -> memref<1x8x2x8x128xf32, #tpu.memory_space<vmem>>
    %dma_wait3A_143 = tpu.memref_squeeze %dma_wait3A_142 : memref<1x8x2x8x128xf32, #tpu.memory_space<vmem>> -> memref<8x2x8x128xf32, #tpu.memory_space<vmem>>
    tpu.wait_dma2 semaphore(%arg12 : memref<!tpu.dma_semaphore, #tpu.memory_space<semaphore_mem>>) src(%dma_wait3A_143 : memref<8x2x8x128xf32, #tpu.memory_space<vmem>>) dst(%dma_wait3A_137 : memref<8x2x8x128xf32, #tpu.memory_space<hbm>>)
    return
  }
}

</mosaic_0001>

<sc_bundles>
// kernel: kernel.3.cloned.1.call-start
scs
__scs_entry_jumppad:
0x0: {  	(pc) =	sbr.rel $0x88, $3  }
0x1: {  	(tag) =	ssettag $0x0;
	lr =	simm.s32 $0x1  }
0x2: {  	[smem:$0x3FA0] =	sst lr;
	_ =	strace $0xD0000000  }
0x3: {  	_ = 	snop  }
0x4: {  	_ = 	snop  }
0x5: {  	_ = 	snop  }
0x6: {  	_ = 	snop  }
0x7: {  	_ = 	snop  }
__scs_overlays_trampoline_lowered:
0x8: {  	[smem:$0x3FAF] =	sst s0  }
0x9: {  	[smem:$0x3FB0] =	sst s1  }
0xa: {  	[smem:$0x3FB1] =	sst s2  }
0xb: {  	[smem:$0x3FB2] =	sst s3  }
0xc: {  	[smem:$0x3FB3] =	sst s4  }
0xd: {  	[smem:$0x3FB4] =	sst s5  }
0xe: {  	[smem:$0x3FB5] =	sst s6  }
0xf: {  	[smem:$0x3FB6] =	sst s7  }
0x10: {  	[smem:$0x3FB7] =	sst s8  }
0x11: {  	[smem:$0x3FB8] =	sst s9;
	s0 =	simm.s32 @!p0 $0x0  }
0x12: {  	s1 =	sld [smem:$0x3F9E];
	s0 =	simm.s32 @p0 $0x1  }
0x13: {  	[smem:$0x3FB9] =	sst s0;
	s0 =	simm.s32 @!p1 $0x0  }
0x14: {  	s2 =	sld [smem:$0x3F9D];
	s0 =	simm.s32 @p1 $0x1  }
0x15: {  	[smem:$0x3FBA] =	sst s0;
	s0 =	simm.s32 @!p2 $0x0  }
0x16: {  	s3 =	sld [smem:$0x3FDB];
	s0 =	simm.s32 @p2 $0x1  }
0x17: {  	s4 =	simm.s32 $0x1BF5;
	[smem:$0x3FBC] =	sst s0  }
0x18: {  	s0 =	sld [smem:$0x3F9F];
	_ =	swait.ge [sflag:s4], $0x0  }
0x19: {  	s7 =	sld [smem:$0x3FA0]  }
0x1a: {  	s8 =	sadd.s32 $0xFFFFE003, lr  }
0x1b: {  	s9 =	sadd.s32 $0xFFFFFEF7, lr;
	s5 =	simm.s32 $0xFFFFFFFF;
	p2 =	slt.u32 s8, $0xFFFFF086  }
0x1c: {  	p1 =	slt.u32 s9, $0xF7A;
	s5 =	simm.s32 @!p2 $0x0  }
0x1d: {  	s5 =	simm.s32 @p1 $0x1;
	p0 =	seq.s32 s7, s2  }
0x1e: {  	s7 =	smul.u32 @!p0 $0xF7A, s2;
	p2 =	seq.s32 @!p0 s5, $0x0  }
0x1f: {  	s9 =	smul.u32 $0xF7A, s1;
	s8 =	simm.s32 @!p0 $0x1BF5;
	p2 =	por !p2, p0  }
0x20: {  	[sflag:s8] =	ssyncset.s32 @!p0 $0xFFFFF086;
	s6 =	sadd.s32 @!p0 s3, s7;
	s7 =	simm.s32 @!p0 $0x108  }
0x21: {  	s3 =	sadd.s32 s3, s9;
	s6 =	sadd.s32 @!p0 $0x88, s6;
	s7 =	simm.s32 @p2 $0x1082  }
0x22: {  	[simem:s7], [sflag:s8] =	dma.local @!p0 [hbm:s6], $0xF7A  }
0x23: {  	s9 =	sor.u32 $0xD0000000, s2;
	s6 =	simm.s32 $0x108;
	_ =	swait.ge @!p0 [sflag:s8], $0x0  }
0x24: {  	s3 =	sadd.s32 $0x88, s3;
	s6 =	simm.s32 @!p1 $0x1082;
	[sflag:s4] =	ssyncset.s32 $0xFFFFF086  }
0x25: {  	[simem:s6], [sflag:s4] =	dma.local [hbm:s3], $0xF7A  }
0x26: {  	[smem:$0x3FA0] =	sst s1;
	(tag) =	ssettag s2;
	_ =	strace s9  }
0x27: {  	s1 =	sld [smem:$0x3FB0]  }
0x28: {  	s2 =	sld [smem:$0x3FB1]  }
0x29: {  	s4 =	sld [smem:$0x3FB3]  }
0x2a: {  	p0 =	seq.s32 s5, $0x0;
	s5 =	sld [smem:$0x3FB4]  }
0x2b: {  	s6 =	sld [smem:$0x3FB5]  }
0x2c: {  	s7 =	sld [smem:$0x3FB6]  }
0x2d: {  	s3 =	simm.s32 $0x108;
	s8 =	sld [smem:$0x3FB7]  }
0x2e: {  	s3 =	simm.s32 @!p0 $0x1082;
	s9 =	sld [smem:$0x3FB8]  }
0x2f: {  	lr =	sadd.s32 s0, s3;
	s0 =	sld [smem:$0x3FAF]  }
0x30: {  	s3 =	sld [smem:$0x3FB2]  }
0x31: {  	[smem:$0x3FBB] =	sst s10  }
0x32: {  	s10 =	sld [smem:$0x3FB9];
	_ =	sdelay $0x3  }
0x33: {  	p0 =	seq.s32 s10, $0x1;
	s10 =	sld [smem:$0x3FBB];
	_ =	sdelay $0x3  }
0x34: {  	[smem:$0x3FBB] =	sst s10  }
0x35: {  	s10 =	sld [smem:$0x3FBA];
	_ =	sdelay $0x3  }
0x36: {  	p1 =	seq.s32 s10, $0x1;
	s10 =	sld [smem:$0x3FBB];
	_ =	sdelay $0x3  }
0x37: {  	[smem:$0x3FBB] =	sst s10  }
0x38: {  	s10 =	sld [smem:$0x3FBC]  }
0x39: {  	_ = 	snop;
	(pc) =	sbr.ind lr, $3  }
0x3a: {  	_ = 	snop  }
0x3b: {  	_ = 	snop  }
0x3c: {  	p2 =	seq.s32 s10, $0x1;
	s10 =	sld [smem:$0x3FBB]  }
0x3d: {  	_ =	shalt  }
0x3e: {  	_ =	shalt  }
0x3f: {  	_ =	shalt  }
0x40: {  	_ =	shalt  }
0x41: {  	_ =	shalt  }
0x42: {  	_ =	shalt  }
0x43: {  	_ =	shalt  }
0x44: {  	_ =	shalt  }
0x45: {  	_ =	shalt  }
0x46: {  	_ =	shalt  }
0x47: {  	_ =	shalt  }
0x48: {  	_ =	shalt  }
0x49: {  	_ =	shalt  }
0x4a: {  	_ =	shalt  }
0x4b: {  	_ =	shalt  }
0x4c: {  	_ =	shalt  }
0x4d: {  	_ =	shalt  }
0x4e: {  	_ =	shalt  }
0x4f: {  	_ =	shalt  }
0x50: {  	_ =	shalt  }
0x51: {  	_ =	shalt  }
0x52: {  	_ =	shalt  }
0x53: {  	_ =	shalt  }
0x54: {  	_ =	shalt  }
0x55: {  	_ =	shalt  }
0x56: {  	_ =	shalt  }
0x57: {  	_ =	shalt  }
0x58: {  	_ =	shalt  }
0x59: {  	_ =	shalt  }
0x5a: {  	_ =	shalt  }
0x5b: {  	_ =	shalt  }
0x5c: {  	_ =	shalt  }
0x5d: {  	_ =	shalt  }
0x5e: {  	_ =	shalt  }
0x5f: {  	_ =	shalt  }
0x60: {  	_ =	shalt  }
0x61: {  	_ =	shalt  }
0x62: {  	_ =	shalt  }
0x63: {  	_ =	shalt  }
0x64: {  	_ =	shalt  }
0x65: {  	_ =	shalt  }
0x66: {  	_ =	shalt  }
0x67: {  	_ =	shalt  }
0x68: {  	_ =	shalt  }
0x69: {  	_ =	shalt  }
0x6a: {  	_ =	shalt  }
0x6b: {  	_ =	shalt  }
0x6c: {  	_ =	shalt  }
0x6d: {  	_ =	shalt  }
0x6e: {  	_ =	shalt  }
0x6f: {  	_ =	shalt  }
0x70: {  	_ =	shalt  }
0x71: {  	_ =	shalt  }
0x72: {  	_ =	shalt  }
0x73: {  	_ =	shalt  }
0x74: {  	_ =	shalt  }
0x75: {  	_ =	shalt  }
0x76: {  	_ =	shalt  }
0x77: {  	_ =	shalt  }
0x78: {  	_ =	shalt  }
0x79: {  	_ =	shalt  }
0x7a: {  	_ =	shalt  }
0x7b: {  	_ =	shalt  }
0x7c: {  	_ =	shalt  }
0x7d: {  	_ =	shalt  }
0x7e: {  	_ =	shalt  }
0x7f: {  	_ =	shalt  }
0x80: {  	_ =	shalt  }
0x81: {  	_ =	shalt  }
0x82: {  	_ =	shalt  }
0x83: {  	_ =	shalt  }
0x84: {  	_ =	shalt  }
0x85: {  	_ =	shalt  }
0x86: {  	_ =	shalt  }
0x87: {  	_ =	shalt  }
.Lfunc_end0:
.L_simem_size_0:
called_computation_lowered:
.L_overlay_start_0:
0x88: {  	s2 =	sld [smem:$0x3FD9]  }
0x89: {  	s3 =	sld [smem:$0x3FFE];
	_ =	sdelay $0x1  }
0x8a: {  	s1 =	srdreg.scid  }
0x8b: {  	s0 =	sand.u32 $0x1, s1  }
0x8c: {  	s18 =	sshll.u32 s0, $0xA;
	s2 =	sadd.s32 s3, s2  }
0x8d: {  	s2 =	sadd.s32 s2, s18  }
0x8e: {  	[smem:$0x3FC7] =	sst s2  }
0x8f: {  	_ = 	snop  }
0x90: {  	s2 =	sld [smem:$0x3FC9]  }
0x91: {  	s19 =	sld [smem:$0x3FD0];
	(tm) =	ssettm $0x1  }
0x92: {  	s4 =	sld [smem:$0x3FFB];
	_ =	sdelay $0x3  }
0x93: {  	_ =	strace s4  }
0x94: {  	s4 =	sld [smem:$0x3FFC];
	_ =	sdelay $0x3  }
0x95: {  	_ =	strace s4  }
0x96: {  	s4 =	sld [smem:$0x3FFD];
	_ =	sdelay $0x3  }
0x97: {  	_ =	strace s4  }
0x98: {  	_ =	strace $0x8FFFFFFF  }
0x99: {  	s20 =	sld [smem:$0x3FDB];
	_ =	sdelay $0x1  }
0x9a: {  	s5 =	simm.s32 $_scs_section_size  }
0x9b: {  	s6 =	simm.s32 $_size__tile_overlayer_lowered;
	s7 =	simm.s32 $_tile_overlayer_lowered  }
0x9c: {  	s23 =	simm.s32 $0x1BFF;
	s22 =	sshll.u32 s7, $0x1;
	s4 =	sadd.s32 s5, s20  }
0x9d: {  	s8 =	simm.s32 $0x0;
	s21 =	sshll.u32 s6, $0x1;
	s6 =	sadd.s32 s22, s4  }
0x9e: {  	[timem:s8], [sflag:s23] =	dma.local [hbm:s6], s21  }
0x9f: {  	_ =	swait.ge [sflag:s23], s21  }
0xa0: {  	s5 =	ssub.s32 $0x0, s21;
	[sflag:s23] =	ssyncset.done $0x0  }
0xa1: {  	[sflag:s23] =	ssyncadd.s32 s5;
	_ =	sdelay $0x1  }
0xa2: {  	s24 =	simm.s32 $0x1B8B  }
0xa3: {  	_ =	swait.ge [sflag:s24], $0x1  }
0xa4: {  	[sflag:s24] =	ssyncset.done $0x0  }
0xa5: {  	s25 =	simm.s32 $0x1B8E;
	[sflag:s24] =	ssyncadd.s32 $0xFFFFFFFF  }
0xa6: {  	s26 =	simm.s32 $execute0_lowered;
	[smem:$0x3FD2] =	sst s25  }
0xa7: {  	s5 =	sshll.u32 s26, $0x1;
	_ =	strace $0x80000046;
	[dreg:$0x1] =	wrdreg $0xFFFFFFFF  }
0xa8: {  	s28 =	simm.s32 $_size_execute0_lowered;
	s4 =	sadd.s32 s4, s5;
	[dreg:$0x0] =	wrdreg $0x0  }
0xa9: {  	s5 =	sshll.u32 s28, $0x1;
	[dreg:$0x2] =	wrdreg s4  }
0xaa: {  	[dreg:$0x3] =	wrdreg s5  }
0xab: {  	[dreg:$0x4] =	wrdreg $0xC0  }
0xac: {  	_ =	task [dreg:s8], $0x5FFFF  }
0xad: {  	[dreg:$0x1] =	wrdreg $0xFFFFFFFF  }
0xae: {  	[dreg:$0x0] =	wrdreg $0x60  }
0xaf: {  	[dreg:$0x2] =	wrdreg s2  }
0xb0: {  	[dreg:$0x3] =	wrdreg s19  }
0xb1: {  	[dreg:$0x4] =	wrdreg $0x9  }
0xb2: {  	_ =	task.clear_ibuf [dreg:s8], $0x5FFFF;
	_ =	strace $0x90000046  }
0xb3: {  	s29 =	simm.s32 $0x9;
	_ =	strace $0x80000048  }
0xb4: {  	_ =	swait.ge [sflag:s29], $0x1  }
0xb5: {  	[sflag:s29] =	ssyncadd.s32 $0xFFFFFFFF  }
0xb6: {  	_ =	strace $0x90000048  }
0xb7: {  	_ =	sfence  }
0xb8: {  	s30 =	sld [smem:$0x0];
	_ =	sdelay $0x2  }
0xb9: {  	s31 =	sshll.u32 s1, $0xD;
	s1 =	sshrl.u32 s1, $0x2  }
0xba: {  	s3 =	sand.u32 $0x4000, s31;
	s1 =	sadd.s32 s1, s30  }
0xbb: {  	s0 =	sor.u32 s3, s0;
	s1 =	sshll.u32 s1, $0x11  }
0xbc: {  	s0 =	sor.u32 s1, s0  }
0xbd: {  	s0 =	sadd.s32 $0x8F2B, s0  }
0xbe: {  	[sflag:s0] =	ssyncadd.remote.s32 $0x1  }
0xbf: {  	_ =	sfence.sel $0xFFFF  }
0xc0: {  	[dreg:$0x0] =	wrdreg $0xFFFFFFFF;
	(pc) =	sbr.abs _section_cstart, $3  }
0xc1: {  	[dreg:$0x1] =	wrdreg $0xFFFFFFFF  }
0xc2: {  	_ =	task.clear_ibuf [dreg:s8], $0x2FFFF;
	_ =	strace $0x9FFFFFFF  }
0xc3: {  	(tm) =	ssettm $0x7FFFFFFF  }
tec
execute0_lowered:
.L_overlay_start_1:
0x0: {  	(tag) =	ssettag $0x1  }
0x1: {  	s1 =	rddreg [dreg:$0x0]  }
0x2: {  	s3 =	rddreg [dreg:$0x1];
	s0 =	srdreg.scid  }
0x3: {  	s4 =	simm.s32 $0x0;
	s5 =	stileid.u32;
	s14 =	simm.s32 $0x800  }
0x4: {  	s15 =	simm.s32 $0x400000;
	s16 =	simm.s32 $0x4000;
	s17 =	simm.s32 $0x1  }
0x5: {  	s18 =	simm.s32 $0x8000;
	s19 =	simm.s32 $0x2;
	s20 =	simm.s32 $0xC000  }
0x6: {  	s21 =	simm.s32 $0x3;
	s22 =	simm.s32 $0x4;
	s24 =	simm.s32 $0x6  }
0x7: {  	s25 =	simm.s32 $0x7;
	s26 =	simm.s32 $0x8;
	s28 =	simm.s32 $0x0  }
0x8: {  	s0 =	sand.u32 $0x1, s0;
	s5 =	sshll.u32 s5, $0xF;
	[smem:$0x7FF] =	sst s4  }
0x9: {  	s10 =	sadd.s32 $0x100, s3;
	s2 =	ssub.s32 $0x2, s0;
	s0 =	sshll.u32 s0, $0xE  }
.Ltmp0:
0xa: {  	s6 =	sshrl.u32 s2, $0x1;
	s5 =	sor.u32 s0, s5;
	(pc) =	sbr.rel .LBB2_1-.Ltmp0, $4  }
0xb: {  	_ =	strace $0x80000047;
	s29 =	ssub.s32 s2, s6;
	s30 =	sadd.s32 s1, s5  }
0xc: {  	s8 =	sor.u32 $0x200, s5;
	s31 =	sadd.s32 $0x100, s30;
	[dreg:$0x3] =	wrdreg s30  }
0xd: {  	s9 =	sor.u32 $0x300, s5;
	s0 =	smax.u32 s29, $0x1;
	[dreg:$0x4] =	wrdreg s31  }
0xe: {  	s11 =	sadd.s32 $0x400, s30;
	s12 =	sadd.s32 $0x500, s30;
	[dreg:$0x5] =	wrdreg s0  }
.LBB2_12:
0xf: {  	s0 =	simm.s32 $0x5  }
0x10: {  	_ =	swait.ge [sflag:s0], $0x4000  }
0x11: {  	[sflag:s0] =	ssyncset.done $0x0  }
0x12: {  	[sflag:s0] =	ssyncadd.s32 $0xFFFFC000  }
0x13: {  	_ =	swait.ge [sflag:s24], $0x4000  }
0x14: {  	[sflag:s24] =	ssyncset.done $0x0  }
0x15: {  	[sflag:s24] =	ssyncadd.s32 $0xFFFFC000  }
0x16: {  	_ =	swait.ge [sflag:s25], $0x4000  }
0x17: {  	[sflag:s25] =	ssyncset.done $0x0  }
0x18: {  	[sflag:s25] =	ssyncadd.s32 $0xFFFFC000  }
0x19: {  	_ =	swait.ge [sflag:s26], $0x4000  }
0x1a: {  	s28 =	sadd.s32 $0x1, s28;
	s31 =	rddreg [dreg:$0x5]  }
0x1b: {  	p0 =	sne.s32 s28, s31  }
.Ltmp1:
0x1c: {  	_ = 	snop;
	(pc) =	sbr.rel @!p0 .LBB2_13-.Ltmp1, $3  }
0x1d: {  	_ =	sdelay $0x1  }
0x1e: {  	[sflag:s26] =	ssyncset.done $0x0  }
0x1f: {  	[sflag:s26] =	ssyncadd.s32 $0xFFFFC000  }
.LBB2_1:
0x20: {  	s0 =	rddreg [dreg:$0x3]  }
0x21: {  	[tilespmem:s4], [sflag:$0x1] =	stream.strided.gather [hbm4b:s0+s14], $0x4000, s15, s14, $0x38;
	[tilespmem:$0x10000] =	vst v63  }
0x22: {  	s31 =	rddreg [dreg:$0x4];
	s29 =	simm.s32 $0x0  }
0x23: {  	[tilespmem:s16], [sflag:$0x2] =	stream.strided.gather [hbm4b:s31+s14], $0x4000, s15, s14, $0x38;
	[tilespmem:$0x10000] =	vst v63  }
.LBB2_2:
0x24: {  	_ =	swait.ge [sflag:s17], $0x4000;
	s0 =	simm.s32 $0x0  }
0x25: {  	[sflag:s17] =	ssyncset.done $0x0;
	s2 =	sand.u32 $0x70, s0;
	s0 =	sand.u32 $0x400, s0  }
0x26: {  	[sflag:s17] =	ssyncadd.s32 $0xFFFFC000;
	s0 =	sor.u32 s2, s0  }
0x27: {  	v0 =	vld [tilespmem:s0+$0x0]  }
0x28: {  	v1 =	vld [tilespmem:s0+$0x80]  }
0x29: {  	v2 =	vld [tilespmem:s0+$0x100]  }
0x2a: {  	v3 =	vld [tilespmem:s0+$0x180]  }
0x2b: {  	v4 =	vld [tilespmem:s0+$0x200]  }
0x2c: {  	v5 =	vld [tilespmem:s0+$0x280]  }
0x2d: {  	v6 =	vld [tilespmem:s0+$0x300];
	v1 =	vmul.f32 v1, v0  }
0x2e: {  	v7 =	vld [tilespmem:s0+$0x380];
	v2 =	vmul.f32 v2, v0  }
0x2f: {  	v3 =	vmul.f32 v3, v0;
	[tilespmem:s0+$0x80] =	vst v1;
	v1 =	vld [tilespmem:s0+$0x800]  }
0x30: {  	v4 =	vmul.f32 v4, v0;
	[tilespmem:s0+$0x100] =	vst v2;
	v2 =	vld [tilespmem:s0+$0x880]  }
0x31: {  	v5 =	vmul.f32 v5, v0;
	[tilespmem:s0+$0x180] =	vst v3;
	v3 =	vld [tilespmem:s0+$0x900]  }
0x32: {  	v6 =	vmul.f32 v6, v0;
	[tilespmem:s0+$0x200] =	vst v4;
	v4 =	vld [tilespmem:s0+$0x980]  }
0x33: {  	v7 =	vmul.f32 v7, v0;
	[tilespmem:s0+$0x280] =	vst v5;
	v5 =	vld [tilespmem:s0+$0xA00]  }
0x34: {  	[tilespmem:s0+$0x300] =	vst v6;
	v6 =	vld [tilespmem:s0+$0xA80];
	v1 =	vmul.f32 v1, v0  }
0x35: {  	[tilespmem:s0+$0x380] =	vst v7;
	v7 =	vld [tilespmem:s0+$0xB00];
	v2 =	vmul.f32 v2, v0  }
0x36: {  	v3 =	vmul.f32 v3, v0;
	[tilespmem:s0+$0x800] =	vst v1;
	v1 =	vld [tilespmem:s0+$0xB80]  }
0x37: {  	v4 =	vmul.f32 v4, v0;
	[tilespmem:s0+$0x880] =	vst v2;
	v2 =	vld [tilespmem:s0+$0x1000]  }
0x38: {  	v5 =	vmul.f32 v5, v0;
	[tilespmem:s0+$0x900] =	vst v3;
	v3 =	vld [tilespmem:s0+$0x1080]  }
0x39: {  	v6 =	vmul.f32 v6, v0;
	[tilespmem:s0+$0x980] =	vst v4;
	v4 =	vld [tilespmem:s0+$0x1100]  }
0x3a: {  	v7 =	vmul.f32 v7, v0;
	[tilespmem:s0+$0xA00] =	vst v5;
	v5 =	vld [tilespmem:s0+$0x1180]  }
0x3b: {  	[tilespmem:s0+$0xA80] =	vst v6;
	v6 =	vld [tilespmem:s0+$0x1200];
	v1 =	vmul.f32 v1, v0  }
0x3c: {  	[tilespmem:s0+$0xB00] =	vst v7;
	v7 =	vld [tilespmem:s0+$0x1280];
	v2 =	vmul.f32 v2, v0  }
0x3d: {  	v3 =	vmul.f32 v3, v0;
	[tilespmem:s0+$0xB80] =	vst v1;
	v1 =	vld [tilespmem:s0+$0x1300]  }
0x3e: {  	v8 =	vld [tilespmem:s0+$0x1380];
	[tilespmem:s0+$0x1000] =	vst v2;
	v2 =	vmul.f32 v4, v0  }
0x3f: {  	v9 =	vld [tilespmem:s0+$0x1800];
	[tilespmem:s0+$0x1080] =	vst v3;
	v3 =	vmul.f32 v5, v0  }
0x40: {  	v5 =	vld [tilespmem:s0+$0x1880];
	v4 =	vmul.f32 v6, v0;
	[tilespmem:s0+$0x1100] =	vst v2  }
0x41: {  	v6 =	vmul.f32 v7, v0;
	[tilespmem:s0+$0x1180] =	vst v3;
	v2 =	vld [tilespmem:s0+$0x1900]  }
0x42: {  	[tilespmem:s0+$0x1200] =	vst v4;
	v3 =	vld [tilespmem:s0+$0x1980];
	v4 =	vmul.f32 v1, v0  }
0x43: {  	[tilespmem:s0+$0x1280] =	vst v6;
	v6 =	vmul.f32 v8, v0;
	v1 =	vld [tilespmem:s0+$0x1A00]  }
0x44: {  	v7 =	vmul.f32 v9, v0;
	[tilespmem:s0+$0x1300] =	vst v4;
	v4 =	vld [tilespmem:s0+$0x1A80]  }
0x45: {  	s7 =	simm.s32 $0x80;
	s2 =	simm.s32 $0x10;
	[tilespmem:s0+$0x1380] =	vst v6;
	v6 =	vmul.f32 v5, v0;
	v5 =	vld [tilespmem:s0+$0x1B00]  }
.LBB2_3:
0x46: {  	s13 =	sand.u32 $0x70, s2;
	s30 =	sand.u32 $0x400, s7;
	p0 =	sne.s32 s7, $0x780;
	[tilespmem:s0+$0x1800] =	vst v7;
	v2 =	vmul.f32 v2, v0;
	v7 =	vld [tilespmem:s0+$0x1B80]  }
0x47: {  	s13 =	sor.u32 s13, s30;
	[tilespmem:s0+$0x1880] =	vst v6;
	v3 =	vmul.f32 v3, v0;
	v6 =	vld [tilespmem:s0+$0x2000]  }
0x48: {  	v8 =	vld [tilespmem:s13+$0x0];
	[tilespmem:s0+$0x1900] =	vst v2;
	v1 =	vmul.f32 v1, v0  }
0x49: {  	v2 =	vld [tilespmem:s13+$0x80];
	[tilespmem:s0+$0x1980] =	vst v3;
	v3 =	vmul.f32 v4, v0  }
0x4a: {  	v4 =	vld [tilespmem:s13+$0x100];
	[tilespmem:s0+$0x1A00] =	vst v1;
	v1 =	vmul.f32 v5, v0  }
0x4b: {  	v5 =	vld [tilespmem:s13+$0x180];
	[tilespmem:s0+$0x1A80] =	vst v3;
	v3 =	vmul.f32 v7, v0  }
0x4c: {  	v7 =	vld [tilespmem:s13+$0x200];
	[tilespmem:s0+$0x1B00] =	vst v1;
	v1 =	vmul.f32 v6, v0  }
0x4d: {  	v6 =	vld [tilespmem:s13+$0x280];
	[tilespmem:s0+$0x1B80] =	vst v3;
	v0 =	vmov v8  }
0x4e: {  	v2 =	vmul.f32 v2, v0;
	v3 =	vld [tilespmem:s13+$0x300];
	[tilespmem:s0+$0x2000] =	vst v1;
	s0 =	smov.u32 s13  }
0x4f: {  	v1 =	vmul.f32 v4, v0;
	v4 =	vld [tilespmem:s0+$0x380]  }
0x50: {  	[tilespmem:s0+$0x80] =	vst v2;
	v2 =	vmul.f32 v5, v0;
	v5 =	vld [tilespmem:s0+$0x800]  }
0x51: {  	[tilespmem:s0+$0x100] =	vst v1;
	v1 =	vmul.f32 v7, v0;
	v7 =	vld [tilespmem:s0+$0x880]  }
0x52: {  	[tilespmem:s0+$0x180] =	vst v2;
	v2 =	vmul.f32 v6, v0;
	v6 =	vld [tilespmem:s0+$0x900]  }
0x53: {  	[tilespmem:s0+$0x200] =	vst v1;
	v1 =	vmul.f32 v3, v0;
	v3 =	vld [tilespmem:s0+$0x980]  }
0x54: {  	[tilespmem:s0+$0x280] =	vst v2;
	v2 =	vmul.f32 v4, v0;
	v4 =	vld [tilespmem:s0+$0xA00]  }
0x55: {  	[tilespmem:s0+$0x300] =	vst v1;
	v1 =	vmul.f32 v5, v0;
	v5 =	vld [tilespmem:s0+$0xA80]  }
0x56: {  	[tilespmem:s0+$0x380] =	vst v2;
	v2 =	vmul.f32 v7, v0;
	v7 =	vld [tilespmem:s0+$0xB00]  }
0x57: {  	[tilespmem:s0+$0x800] =	vst v1;
	v1 =	vmul.f32 v6, v0;
	v6 =	vld [tilespmem:s0+$0xB80]  }
0x58: {  	[tilespmem:s0+$0x880] =	vst v2;
	v2 =	vmul.f32 v3, v0;
	v3 =	vld [tilespmem:s0+$0x1000]  }
0x59: {  	[tilespmem:s0+$0x900] =	vst v1;
	v1 =	vmul.f32 v4, v0;
	v4 =	vld [tilespmem:s0+$0x1080]  }
0x5a: {  	[tilespmem:s0+$0x980] =	vst v2;
	v2 =	vmul.f32 v5, v0;
	v5 =	vld [tilespmem:s0+$0x1100]  }
0x5b: {  	[tilespmem:s0+$0xA00] =	vst v1;
	v1 =	vmul.f32 v7, v0;
	v7 =	vld [tilespmem:s0+$0x1180]  }
0x5c: {  	[tilespmem:s0+$0xA80] =	vst v2;
	v2 =	vmul.f32 v6, v0;
	v6 =	vld [tilespmem:s0+$0x1200]  }
0x5d: {  	[tilespmem:s0+$0xB00] =	vst v1;
	v1 =	vmul.f32 v3, v0;
	v3 =	vld [tilespmem:s0+$0x1280]  }
0x5e: {  	[tilespmem:s0+$0xB80] =	vst v2;
	v2 =	vmul.f32 v4, v0;
	v4 =	vld [tilespmem:s0+$0x1300]  }
0x5f: {  	[tilespmem:s0+$0x1000] =	vst v1;
	v1 =	vmul.f32 v5, v0;
	v5 =	vld [tilespmem:s0+$0x1380]  }
0x60: {  	[tilespmem:s0+$0x1080] =	vst v2;
	v2 =	vmul.f32 v7, v0;
	v7 =	vld [tilespmem:s0+$0x1800]  }
0x61: {  	[tilespmem:s0+$0x1100] =	vst v1;
	v1 =	vmul.f32 v6, v0;
	v6 =	vld [tilespmem:s0+$0x1880]  }
.Ltmp2:
0x62: {  	[tilespmem:s0+$0x1180] =	vst v2;
	v8 =	vmul.f32 v3, v0;
	v2 =	vld [tilespmem:s0+$0x1900];
	(pc) =	sbr.rel @p0 .LBB2_3-.Ltmp2, $4  }
0x63: {  	[tilespmem:s0+$0x1200] =	vst v1;
	v4 =	vmul.f32 v4, v0;
	v3 =	vld [tilespmem:s0+$0x1980]  }
0x64: {  	[tilespmem:s0+$0x1280] =	vst v8;
	v5 =	vmul.f32 v5, v0;
	v1 =	vld [tilespmem:s0+$0x1A00]  }
0x65: {  	[tilespmem:s0+$0x1300] =	vst v4;
	v7 =	vmul.f32 v7, v0;
	v4 =	vld [tilespmem:s0+$0x1A80]  }
0x66: {  	s2 =	sadd.s32 $0x10, s2;
	s7 =	sadd.s32 $0x80, s7;
	[tilespmem:s0+$0x1380] =	vst v5;
	v6 =	vmul.f32 v6, v0;
	v5 =	vld [tilespmem:s0+$0x1B00]  }
0x67: {  	[tilespmem:s0+$0x1800] =	vst v7;
	v7 =	vld [tilespmem:s0+$0x1B80];
	v2 =	vmul.f32 v2, v0  }
0x68: {  	[tilespmem:s0+$0x1880] =	vst v6;
	v3 =	vmul.f32 v3, v0;
	v6 =	vld [tilespmem:s0+$0x2000]  }
0x69: {  	[tilespmem:s0+$0x1900] =	vst v2;
	v1 =	vmul.f32 v1, v0  }
0x6a: {  	[tilespmem:s0+$0x1980] =	vst v3;
	v2 =	vmul.f32 v4, v0  }
0x6b: {  	[tilespmem:s0+$0x1A00] =	vst v1;
	v1 =	vmul.f32 v5, v0  }
0x6c: {  	[tilespmem:s0+$0x1A80] =	vst v2;
	v2 =	vmul.f32 v7, v0  }
0x6d: {  	s30 =	sshll.u32 s29, $0xA;
	[tilespmem:s0+$0x1B00] =	vst v1;
	v0 =	vmul.f32 v6, v0  }
0x6e: {  	p0 =	seq.s32 s29, $0x0;
	s31 =	sor.u32 s5, s30;
	[tilespmem:s0+$0x1B80] =	vst v2  }
0x6f: {  	s2 =	simm.s32 @!p0 $0x7;
	s7 =	sadd.s32 s3, s31;
	[tilespmem:s0+$0x2000] =	vst v0  }
0x70: {  	[hbm4b:s7+s14] =	stream.strided.scatter [tilespmem:s4], [sflag:$0x5], $0x4000, s15, s14, $0x38;
	[tilespmem:$0x10000] =	vst v63  }
0x71: {  	_ =	swait.ge @!p0 [sflag:s2], $0x4000  }
0x72: {  	s0 =	sadd.s32 s8, s30;
	[sflag:s2] =	ssyncset.done @!p0 $0x0  }
0x73: {  	s13 =	sadd.s32 s1, s0;
	[sflag:s2] =	ssyncadd.s32 @!p0 $0xFFFFC000  }
0x74: {  	[tilespmem:s18], [sflag:$0x3] =	stream.strided.gather [hbm4b:s13+s14], $0x4000, s15, s14, $0x38;
	[tilespmem:$0x10000] =	vst v63  }
0x75: {  	s23 =	simm.s32 $0x0;
	_ =	swait.ge [sflag:s19], $0x4000  }
0x76: {  	s7 =	sand.u32 $0x70, s23;
	s2 =	sand.u32 $0x400, s23;
	[sflag:s19] =	ssyncset.done $0x0  }
0x77: {  	s2 =	sor.u32 s7, s2;
	[sflag:s19] =	ssyncadd.s32 $0xFFFFC000  }
0x78: {  	v0 =	vld [tilespmem:s2+$0x4000]  }
0x79: {  	v1 =	vld [tilespmem:s2+$0x4080]  }
0x7a: {  	v2 =	vld [tilespmem:s2+$0x4100]  }
0x7b: {  	v3 =	vld [tilespmem:s2+$0x4180]  }
0x7c: {  	v4 =	vld [tilespmem:s2+$0x4200]  }
0x7d: {  	v5 =	vld [tilespmem:s2+$0x4280]  }
0x7e: {  	v6 =	vld [tilespmem:s2+$0x4300];
	v1 =	vmul.f32 v1, v0  }
0x7f: {  	v7 =	vld [tilespmem:s2+$0x4380];
	v2 =	vmul.f32 v2, v0  }
0x80: {  	v3 =	vmul.f32 v3, v0;
	[tilespmem:s2+$0x4080] =	vst v1;
	v1 =	vld [tilespmem:s2+$0x4800]  }
0x81: {  	v4 =	vmul.f32 v4, v0;
	[tilespmem:s2+$0x4100] =	vst v2;
	v2 =	vld [tilespmem:s2+$0x4880]  }
0x82: {  	v5 =	vmul.f32 v5, v0;
	[tilespmem:s2+$0x4180] =	vst v3;
	v3 =	vld [tilespmem:s2+$0x4900]  }
0x83: {  	v6 =	vmul.f32 v6, v0;
	[tilespmem:s2+$0x4200] =	vst v4;
	v4 =	vld [tilespmem:s2+$0x4980]  }
0x84: {  	v7 =	vmul.f32 v7, v0;
	[tilespmem:s2+$0x4280] =	vst v5;
	v5 =	vld [tilespmem:s2+$0x4A00]  }
0x85: {  	[tilespmem:s2+$0x4300] =	vst v6;
	v6 =	vld [tilespmem:s2+$0x4A80];
	v1 =	vmul.f32 v1, v0  }
0x86: {  	[tilespmem:s2+$0x4380] =	vst v7;
	v7 =	vld [tilespmem:s2+$0x4B00];
	v2 =	vmul.f32 v2, v0  }
0x87: {  	v3 =	vmul.f32 v3, v0;
	[tilespmem:s2+$0x4800] =	vst v1;
	v1 =	vld [tilespmem:s2+$0x4B80]  }
0x88: {  	v4 =	vmul.f32 v4, v0;
	[tilespmem:s2+$0x4880] =	vst v2;
	v2 =	vld [tilespmem:s2+$0x5000]  }
0x89: {  	v5 =	vmul.f32 v5, v0;
	[tilespmem:s2+$0x4900] =	vst v3;
	v3 =	vld [tilespmem:s2+$0x5080]  }
0x8a: {  	v6 =	vmul.f32 v6, v0;
	[tilespmem:s2+$0x4980] =	vst v4;
	v4 =	vld [tilespmem:s2+$0x5100]  }
0x8b: {  	v7 =	vmul.f32 v7, v0;
	[tilespmem:s2+$0x4A00] =	vst v5;
	v5 =	vld [tilespmem:s2+$0x5180]  }
0x8c: {  	[tilespmem:s2+$0x4A80] =	vst v6;
	v6 =	vld [tilespmem:s2+$0x5200];
	v1 =	vmul.f32 v1, v0  }
0x8d: {  	[tilespmem:s2+$0x4B00] =	vst v7;
	v7 =	vld [tilespmem:s2+$0x5280];
	v2 =	vmul.f32 v2, v0  }
0x8e: {  	v3 =	vmul.f32 v3, v0;
	[tilespmem:s2+$0x4B80] =	vst v1;
	v1 =	vld [tilespmem:s2+$0x5300]  }
0x8f: {  	v8 =	vld [tilespmem:s2+$0x5380];
	[tilespmem:s2+$0x5000] =	vst v2;
	v2 =	vmul.f32 v4, v0  }
0x90: {  	v9 =	vld [tilespmem:s2+$0x5800];
	[tilespmem:s2+$0x5080] =	vst v3;
	v3 =	vmul.f32 v5, v0  }
0x91: {  	v5 =	vld [tilespmem:s2+$0x5880];
	v4 =	vmul.f32 v6, v0;
	[tilespmem:s2+$0x5100] =	vst v2  }
0x92: {  	v6 =	vmul.f32 v7, v0;
	[tilespmem:s2+$0x5180] =	vst v3;
	v2 =	vld [tilespmem:s2+$0x5900]  }
0x93: {  	[tilespmem:s2+$0x5200] =	vst v4;
	v3 =	vld [tilespmem:s2+$0x5980];
	v4 =	vmul.f32 v1, v0  }
0x94: {  	[tilespmem:s2+$0x5280] =	vst v6;
	v6 =	vmul.f32 v8, v0;
	v1 =	vld [tilespmem:s2+$0x5A00]  }
0x95: {  	v7 =	vmul.f32 v9, v0;
	[tilespmem:s2+$0x5300] =	vst v4;
	v4 =	vld [tilespmem:s2+$0x5A80]  }
0x96: {  	s7 =	simm.s32 $0x10;
	s13 =	simm.s32 $0x80;
	[tilespmem:s2+$0x5380] =	vst v6;
	v6 =	vmul.f32 v5, v0;
	v5 =	vld [tilespmem:s2+$0x5B00]  }
.LBB2_5:
0x97: {  	s6 =	sand.u32 $0x70, s7;
	s23 =	sand.u32 $0x400, s13;
	p1 =	sne.s32 s13, $0x780;
	[tilespmem:s2+$0x5800] =	vst v7;
	v2 =	vmul.f32 v2, v0;
	v7 =	vld [tilespmem:s2+$0x5B80]  }
0x98: {  	s6 =	sor.u32 s6, s23;
	[tilespmem:s2+$0x5880] =	vst v6;
	v3 =	vmul.f32 v3, v0;
	v6 =	vld [tilespmem:s2+$0x6000]  }
0x99: {  	v8 =	vld [tilespmem:s6+$0x4000];
	[tilespmem:s2+$0x5900] =	vst v2;
	v1 =	vmul.f32 v1, v0  }
0x9a: {  	v2 =	vld [tilespmem:s6+$0x4080];
	[tilespmem:s2+$0x5980] =	vst v3;
	v3 =	vmul.f32 v4, v0  }
0x9b: {  	v4 =	vld [tilespmem:s6+$0x4100];
	[tilespmem:s2+$0x5A00] =	vst v1;
	v1 =	vmul.f32 v5, v0  }
0x9c: {  	v5 =	vld [tilespmem:s6+$0x4180];
	[tilespmem:s2+$0x5A80] =	vst v3;
	v3 =	vmul.f32 v7, v0  }
0x9d: {  	v7 =	vld [tilespmem:s6+$0x4200];
	[tilespmem:s2+$0x5B00] =	vst v1;
	v1 =	vmul.f32 v6, v0  }
0x9e: {  	v6 =	vld [tilespmem:s6+$0x4280];
	[tilespmem:s2+$0x5B80] =	vst v3;
	v0 =	vmov v8  }
0x9f: {  	v2 =	vmul.f32 v2, v0;
	v3 =	vld [tilespmem:s6+$0x4300];
	[tilespmem:s2+$0x6000] =	vst v1;
	s2 =	smov.u32 s6  }
0xa0: {  	v1 =	vmul.f32 v4, v0;
	v4 =	vld [tilespmem:s2+$0x4380]  }
0xa1: {  	[tilespmem:s2+$0x4080] =	vst v2;
	v2 =	vmul.f32 v5, v0;
	v5 =	vld [tilespmem:s2+$0x4800]  }
0xa2: {  	[tilespmem:s2+$0x4100] =	vst v1;
	v1 =	vmul.f32 v7, v0;
	v7 =	vld [tilespmem:s2+$0x4880]  }
0xa3: {  	[tilespmem:s2+$0x4180] =	vst v2;
	v2 =	vmul.f32 v6, v0;
	v6 =	vld [tilespmem:s2+$0x4900]  }
0xa4: {  	[tilespmem:s2+$0x4200] =	vst v1;
	v1 =	vmul.f32 v3, v0;
	v3 =	vld [tilespmem:s2+$0x4980]  }
0xa5: {  	[tilespmem:s2+$0x4280] =	vst v2;
	v2 =	vmul.f32 v4, v0;
	v4 =	vld [tilespmem:s2+$0x4A00]  }
0xa6: {  	[tilespmem:s2+$0x4300] =	vst v1;
	v1 =	vmul.f32 v5, v0;
	v5 =	vld [tilespmem:s2+$0x4A80]  }
0xa7: {  	[tilespmem:s2+$0x4380] =	vst v2;
	v2 =	vmul.f32 v7, v0;
	v7 =	vld [tilespmem:s2+$0x4B00]  }
0xa8: {  	[tilespmem:s2+$0x4800] =	vst v1;
	v1 =	vmul.f32 v6, v0;
	v6 =	vld [tilespmem:s2+$0x4B80]  }
0xa9: {  	[tilespmem:s2+$0x4880] =	vst v2;
	v2 =	vmul.f32 v3, v0;
	v3 =	vld [tilespmem:s2+$0x5000]  }
0xaa: {  	[tilespmem:s2+$0x4900] =	vst v1;
	v1 =	vmul.f32 v4, v0;
	v4 =	vld [tilespmem:s2+$0x5080]  }
0xab: {  	[tilespmem:s2+$0x4980] =	vst v2;
	v2 =	vmul.f32 v5, v0;
	v5 =	vld [tilespmem:s2+$0x5100]  }
0xac: {  	[tilespmem:s2+$0x4A00] =	vst v1;
	v1 =	vmul.f32 v7, v0;
	v7 =	vld [tilespmem:s2+$0x5180]  }
0xad: {  	[tilespmem:s2+$0x4A80] =	vst v2;
	v2 =	vmul.f32 v6, v0;
	v6 =	vld [tilespmem:s2+$0x5200]  }
0xae: {  	[tilespmem:s2+$0x4B00] =	vst v1;
	v1 =	vmul.f32 v3, v0;
	v3 =	vld [tilespmem:s2+$0x5280]  }
0xaf: {  	[tilespmem:s2+$0x4B80] =	vst v2;
	v2 =	vmul.f32 v4, v0;
	v4 =	vld [tilespmem:s2+$0x5300]  }
0xb0: {  	[tilespmem:s2+$0x5000] =	vst v1;
	v1 =	vmul.f32 v5, v0;
	v5 =	vld [tilespmem:s2+$0x5380]  }
0xb1: {  	[tilespmem:s2+$0x5080] =	vst v2;
	v2 =	vmul.f32 v7, v0;
	v7 =	vld [tilespmem:s2+$0x5800]  }
0xb2: {  	[tilespmem:s2+$0x5100] =	vst v1;
	v1 =	vmul.f32 v6, v0;
	v6 =	vld [tilespmem:s2+$0x5880]  }
.Ltmp3:
0xb3: {  	[tilespmem:s2+$0x5180] =	vst v2;
	v8 =	vmul.f32 v3, v0;
	v2 =	vld [tilespmem:s2+$0x5900];
	(pc) =	sbr.rel @p1 .LBB2_5-.Ltmp3, $4  }
0xb4: {  	[tilespmem:s2+$0x5200] =	vst v1;
	v4 =	vmul.f32 v4, v0;
	v3 =	vld [tilespmem:s2+$0x5980]  }
0xb5: {  	[tilespmem:s2+$0x5280] =	vst v8;
	v5 =	vmul.f32 v5, v0;
	v1 =	vld [tilespmem:s2+$0x5A00]  }
0xb6: {  	[tilespmem:s2+$0x5300] =	vst v4;
	v7 =	vmul.f32 v7, v0;
	v4 =	vld [tilespmem:s2+$0x5A80]  }
0xb7: {  	s7 =	sadd.s32 $0x10, s7;
	s13 =	sadd.s32 $0x80, s13;
	[tilespmem:s2+$0x5380] =	vst v5;
	v6 =	vmul.f32 v6, v0;
	v5 =	vld [tilespmem:s2+$0x5B00]  }
0xb8: {  	[tilespmem:s2+$0x5800] =	vst v7;
	v7 =	vld [tilespmem:s2+$0x5B80];
	v2 =	vmul.f32 v2, v0  }
0xb9: {  	[tilespmem:s2+$0x5880] =	vst v6;
	v3 =	vmul.f32 v3, v0;
	v6 =	vld [tilespmem:s2+$0x6000]  }
0xba: {  	[tilespmem:s2+$0x5900] =	vst v2;
	v1 =	vmul.f32 v1, v0  }
0xbb: {  	[tilespmem:s2+$0x5980] =	vst v3;
	v2 =	vmul.f32 v4, v0  }
0xbc: {  	[tilespmem:s2+$0x5A00] =	vst v1;
	v1 =	vmul.f32 v5, v0  }
0xbd: {  	[tilespmem:s2+$0x5A80] =	vst v2;
	v2 =	vmul.f32 v7, v0  }
0xbe: {  	[tilespmem:s2+$0x5B00] =	vst v1;
	v0 =	vmul.f32 v6, v0  }
0xbf: {  	[tilespmem:s2+$0x5B80] =	vst v2  }
0xc0: {  	s7 =	sadd.s32 s31, s10;
	[tilespmem:s2+$0x6000] =	vst v0;
	s2 =	simm.s32 @!p0 $0x8  }
0xc1: {  	[hbm4b:s7+s14] =	stream.strided.scatter [tilespmem:s16], [sflag:$0x6], $0x4000, s15, s14, $0x38;
	[tilespmem:$0x10000] =	vst v63  }
0xc2: {  	_ =	swait.ge @!p0 [sflag:s2], $0x4000  }
0xc3: {  	s31 =	sadd.s32 s9, s30;
	[sflag:s2] =	ssyncset.done @!p0 $0x0  }
0xc4: {  	s13 =	sadd.s32 s1, s31;
	[sflag:s2] =	ssyncadd.s32 @!p0 $0xFFFFC000  }
0xc5: {  	[tilespmem:s20], [sflag:$0x4] =	stream.strided.gather [hbm4b:s13+s14], $0x4000, s15, s14, $0x38;
	[tilespmem:$0x10000] =	vst v63  }
0xc6: {  	s23 =	simm.s32 $0x0;
	_ =	swait.ge [sflag:s21], $0x4000  }
0xc7: {  	s6 =	sand.u32 $0x70, s23;
	s2 =	sand.u32 $0x400, s23;
	[sflag:s21] =	ssyncset.done $0x0  }
0xc8: {  	s2 =	sor.u32 s6, s2;
	[sflag:s21] =	ssyncadd.s32 $0xFFFFC000  }
0xc9: {  	v0 =	vld [tilespmem:s2+$0x8000]  }
0xca: {  	v1 =	vld [tilespmem:s2+$0x8080]  }
0xcb: {  	v2 =	vld [tilespmem:s2+$0x8100]  }
0xcc: {  	v3 =	vld [tilespmem:s2+$0x8180]  }
0xcd: {  	v4 =	vld [tilespmem:s2+$0x8200]  }
0xce: {  	v5 =	vld [tilespmem:s2+$0x8280]  }
0xcf: {  	v6 =	vld [tilespmem:s2+$0x8300];
	v1 =	vmul.f32 v1, v0  }
0xd0: {  	v7 =	vld [tilespmem:s2+$0x8380];
	v2 =	vmul.f32 v2, v0  }
0xd1: {  	v3 =	vmul.f32 v3, v0;
	[tilespmem:s2+$0x8080] =	vst v1;
	v1 =	vld [tilespmem:s2+$0x8800]  }
0xd2: {  	v4 =	vmul.f32 v4, v0;
	[tilespmem:s2+$0x8100] =	vst v2;
	v2 =	vld [tilespmem:s2+$0x8880]  }
0xd3: {  	v5 =	vmul.f32 v5, v0;
	[tilespmem:s2+$0x8180] =	vst v3;
	v3 =	vld [tilespmem:s2+$0x8900]  }
0xd4: {  	v6 =	vmul.f32 v6, v0;
	[tilespmem:s2+$0x8200] =	vst v4;
	v4 =	vld [tilespmem:s2+$0x8980]  }
0xd5: {  	v7 =	vmul.f32 v7, v0;
	[tilespmem:s2+$0x8280] =	vst v5;
	v5 =	vld [tilespmem:s2+$0x8A00]  }
0xd6: {  	[tilespmem:s2+$0x8300] =	vst v6;
	v6 =	vld [tilespmem:s2+$0x8A80];
	v1 =	vmul.f32 v1, v0  }
0xd7: {  	[tilespmem:s2+$0x8380] =	vst v7;
	v7 =	vld [tilespmem:s2+$0x8B00];
	v2 =	vmul.f32 v2, v0  }
0xd8: {  	v3 =	vmul.f32 v3, v0;
	[tilespmem:s2+$0x8800] =	vst v1;
	v1 =	vld [tilespmem:s2+$0x8B80]  }
0xd9: {  	v4 =	vmul.f32 v4, v0;
	[tilespmem:s2+$0x8880] =	vst v2;
	v2 =	vld [tilespmem:s2+$0x9000]  }
0xda: {  	v5 =	vmul.f32 v5, v0;
	[tilespmem:s2+$0x8900] =	vst v3;
	v3 =	vld [tilespmem:s2+$0x9080]  }
0xdb: {  	v6 =	vmul.f32 v6, v0;
	[tilespmem:s2+$0x8980] =	vst v4;
	v4 =	vld [tilespmem:s2+$0x9100]  }
0xdc: {  	v7 =	vmul.f32 v7, v0;
	[tilespmem:s2+$0x8A00] =	vst v5;
	v5 =	vld [tilespmem:s2+$0x9180]  }
0xdd: {  	[tilespmem:s2+$0x8A80] =	vst v6;
	v6 =	vld [tilespmem:s2+$0x9200];
	v1 =	vmul.f32 v1, v0  }
0xde: {  	[tilespmem:s2+$0x8B00] =	vst v7;
	v7 =	vld [tilespmem:s2+$0x9280];
	v2 =	vmul.f32 v2, v0  }
0xdf: {  	v3 =	vmul.f32 v3, v0;
	[tilespmem:s2+$0x8B80] =	vst v1;
	v1 =	vld [tilespmem:s2+$0x9300]  }
0xe0: {  	v8 =	vld [tilespmem:s2+$0x9380];
	[tilespmem:s2+$0x9000] =	vst v2;
	v2 =	vmul.f32 v4, v0  }
0xe1: {  	v9 =	vld [tilespmem:s2+$0x9800];
	[tilespmem:s2+$0x9080] =	vst v3;
	v3 =	vmul.f32 v5, v0  }
0xe2: {  	v5 =	vld [tilespmem:s2+$0x9880];
	v4 =	vmul.f32 v6, v0;
	[tilespmem:s2+$0x9100] =	vst v2  }
0xe3: {  	v6 =	vmul.f32 v7, v0;
	[tilespmem:s2+$0x9180] =	vst v3;
	v2 =	vld [tilespmem:s2+$0x9900]  }
0xe4: {  	[tilespmem:s2+$0x9200] =	vst v4;
	v3 =	vld [tilespmem:s2+$0x9980];
	v4 =	vmul.f32 v1, v0  }
0xe5: {  	[tilespmem:s2+$0x9280] =	vst v6;
	v6 =	vmul.f32 v8, v0;
	v1 =	vld [tilespmem:s2+$0x9A00]  }
0xe6: {  	v7 =	vmul.f32 v9, v0;
	[tilespmem:s2+$0x9300] =	vst v4;
	v4 =	vld [tilespmem:s2+$0x9A80]  }
0xe7: {  	s7 =	simm.s32 $0x10;
	s13 =	simm.s32 $0x80;
	[tilespmem:s2+$0x9380] =	vst v6;
	v6 =	vmul.f32 v5, v0;
	v5 =	vld [tilespmem:s2+$0x9B00]  }
.LBB2_7:
0xe8: {  	s6 =	sand.u32 $0x70, s7;
	s23 =	sand.u32 $0x400, s13;
	p0 =	sne.s32 s13, $0x780;
	[tilespmem:s2+$0x9800] =	vst v7;
	v2 =	vmul.f32 v2, v0;
	v7 =	vld [tilespmem:s2+$0x9B80]  }
0xe9: {  	s6 =	sor.u32 s6, s23;
	[tilespmem:s2+$0x9880] =	vst v6;
	v3 =	vmul.f32 v3, v0;
	v6 =	vld [tilespmem:s2+$0xA000]  }
0xea: {  	v8 =	vld [tilespmem:s6+$0x8000];
	[tilespmem:s2+$0x9900] =	vst v2;
	v1 =	vmul.f32 v1, v0  }
0xeb: {  	v2 =	vld [tilespmem:s6+$0x8080];
	[tilespmem:s2+$0x9980] =	vst v3;
	v3 =	vmul.f32 v4, v0  }
0xec: {  	v4 =	vld [tilespmem:s6+$0x8100];
	[tilespmem:s2+$0x9A00] =	vst v1;
	v1 =	vmul.f32 v5, v0  }
0xed: {  	v5 =	vld [tilespmem:s6+$0x8180];
	[tilespmem:s2+$0x9A80] =	vst v3;
	v3 =	vmul.f32 v7, v0  }
0xee: {  	v7 =	vld [tilespmem:s6+$0x8200];
	[tilespmem:s2+$0x9B00] =	vst v1;
	v1 =	vmul.f32 v6, v0  }
0xef: {  	v6 =	vld [tilespmem:s6+$0x8280];
	[tilespmem:s2+$0x9B80] =	vst v3;
	v0 =	vmov v8  }
0xf0: {  	v2 =	vmul.f32 v2, v0;
	v3 =	vld [tilespmem:s6+$0x8300];
	[tilespmem:s2+$0xA000] =	vst v1;
	s2 =	smov.u32 s6  }
0xf1: {  	v1 =	vmul.f32 v4, v0;
	v4 =	vld [tilespmem:s2+$0x8380]  }
0xf2: {  	[tilespmem:s2+$0x8080] =	vst v2;
	v2 =	vmul.f32 v5, v0;
	v5 =	vld [tilespmem:s2+$0x8800]  }
0xf3: {  	[tilespmem:s2+$0x8100] =	vst v1;
	v1 =	vmul.f32 v7, v0;
	v7 =	vld [tilespmem:s2+$0x8880]  }
0xf4: {  	[tilespmem:s2+$0x8180] =	vst v2;
	v2 =	vmul.f32 v6, v0;
	v6 =	vld [tilespmem:s2+$0x8900]  }
0xf5: {  	[tilespmem:s2+$0x8200] =	vst v1;
	v1 =	vmul.f32 v3, v0;
	v3 =	vld [tilespmem:s2+$0x8980]  }
0xf6: {  	[tilespmem:s2+$0x8280] =	vst v2;
	v2 =	vmul.f32 v4, v0;
	v4 =	vld [tilespmem:s2+$0x8A00]  }
0xf7: {  	[tilespmem:s2+$0x8300] =	vst v1;
	v1 =	vmul.f32 v5, v0;
	v5 =	vld [tilespmem:s2+$0x8A80]  }
0xf8: {  	[tilespmem:s2+$0x8380] =	vst v2;
	v2 =	vmul.f32 v7, v0;
	v7 =	vld [tilespmem:s2+$0x8B00]  }
0xf9: {  	[tilespmem:s2+$0x8800] =	vst v1;
	v1 =	vmul.f32 v6, v0;
	v6 =	vld [tilespmem:s2+$0x8B80]  }
0xfa: {  	[tilespmem:s2+$0x8880] =	vst v2;
	v2 =	vmul.f32 v3, v0;
	v3 =	vld [tilespmem:s2+$0x9000]  }
0xfb: {  	[tilespmem:s2+$0x8900] =	vst v1;
	v1 =	vmul.f32 v4, v0;
	v4 =	vld [tilespmem:s2+$0x9080]  }
0xfc: {  	[tilespmem:s2+$0x8980] =	vst v2;
	v2 =	vmul.f32 v5, v0;
	v5 =	vld [tilespmem:s2+$0x9100]  }
0xfd: {  	[tilespmem:s2+$0x8A00] =	vst v1;
	v1 =	vmul.f32 v7, v0;
	v7 =	vld [tilespmem:s2+$0x9180]  }
0xfe: {  	[tilespmem:s2+$0x8A80] =	vst v2;
	v2 =	vmul.f32 v6, v0;
	v6 =	vld [tilespmem:s2+$0x9200]  }
0xff: {  	[tilespmem:s2+$0x8B00] =	vst v1;
	v1 =	vmul.f32 v3, v0;
	v3 =	vld [tilespmem:s2+$0x9280]  }
0x100: {  	[tilespmem:s2+$0x8B80] =	vst v2;
	v2 =	vmul.f32 v4, v0;
	v4 =	vld [tilespmem:s2+$0x9300]  }
0x101: {  	[tilespmem:s2+$0x9000] =	vst v1;
	v1 =	vmul.f32 v5, v0;
	v5 =	vld [tilespmem:s2+$0x9380]  }
0x102: {  	[tilespmem:s2+$0x9080] =	vst v2;
	v2 =	vmul.f32 v7, v0;
	v7 =	vld [tilespmem:s2+$0x9800]  }
0x103: {  	[tilespmem:s2+$0x9100] =	vst v1;
	v1 =	vmul.f32 v6, v0;
	v6 =	vld [tilespmem:s2+$0x9880]  }
.Ltmp4:
0x104: {  	[tilespmem:s2+$0x9180] =	vst v2;
	v8 =	vmul.f32 v3, v0;
	v2 =	vld [tilespmem:s2+$0x9900];
	(pc) =	sbr.rel @p0 .LBB2_7-.Ltmp4, $4  }
0x105: {  	[tilespmem:s2+$0x9200] =	vst v1;
	v4 =	vmul.f32 v4, v0;
	v3 =	vld [tilespmem:s2+$0x9980]  }
0x106: {  	[tilespmem:s2+$0x9280] =	vst v8;
	v5 =	vmul.f32 v5, v0;
	v1 =	vld [tilespmem:s2+$0x9A00]  }
0x107: {  	[tilespmem:s2+$0x9300] =	vst v4;
	v7 =	vmul.f32 v7, v0;
	v4 =	vld [tilespmem:s2+$0x9A80]  }
0x108: {  	s7 =	sadd.s32 $0x10, s7;
	s13 =	sadd.s32 $0x80, s13;
	[tilespmem:s2+$0x9380] =	vst v5;
	v6 =	vmul.f32 v6, v0;
	v5 =	vld [tilespmem:s2+$0x9B00]  }
0x109: {  	[tilespmem:s2+$0x9800] =	vst v7;
	v7 =	vld [tilespmem:s2+$0x9B80];
	v2 =	vmul.f32 v2, v0  }
0x10a: {  	[tilespmem:s2+$0x9880] =	vst v6;
	v3 =	vmul.f32 v3, v0;
	v6 =	vld [tilespmem:s2+$0xA000]  }
0x10b: {  	[tilespmem:s2+$0x9900] =	vst v2;
	v1 =	vmul.f32 v1, v0  }
0x10c: {  	[tilespmem:s2+$0x9980] =	vst v3;
	v2 =	vmul.f32 v4, v0  }
0x10d: {  	[tilespmem:s2+$0x9A00] =	vst v1;
	v1 =	vmul.f32 v5, v0  }
0x10e: {  	[tilespmem:s2+$0x9A80] =	vst v2;
	v2 =	vmul.f32 v7, v0  }
0x10f: {  	[tilespmem:s2+$0x9B00] =	vst v1;
	v0 =	vmul.f32 v6, v0  }
0x110: {  	[tilespmem:s2+$0x9B80] =	vst v2  }
0x111: {  	s0 =	sadd.s32 s3, s0;
	p0 =	seq.s32 s29, $0xF;
	[tilespmem:s2+$0xA000] =	vst v0  }
0x112: {  	[hbm4b:s0+s14] =	stream.strided.scatter [tilespmem:s18], [sflag:$0x7], $0x4000, s15, s14, $0x38;
	[tilespmem:$0x10000] =	vst v63  }
0x113: {  	s0 =	simm.s32 @!p0 $0x5  }
0x114: {  	_ =	swait.ge @!p0 [sflag:s0], $0x4000  }
0x115: {  	s6 =	simm.s32 @!p0 $0x400000;
	s7 =	simm.s32 @!p0 $0x0;
	[sflag:s0] =	ssyncset.done @!p0 $0x0  }
0x116: {  	s2 =	simm.s32 @!p0 $0x800;
	[sflag:s0] =	ssyncadd.s32 @!p0 $0xFFFFC000;
	s0 =	sadd.s32 @!p0 s30, s11  }
0x117: {  	[tilespmem:s7], [sflag:$0x1] =	stream.strided.gather @!p0 [hbm4b:s0+s2], $0x4000, s6, s2, $0x38;
	[tilespmem:$0x10000] =	vst v63  }
0x118: {  	s13 =	simm.s32 $0x0;
	_ =	swait.ge [sflag:s22], $0x4000  }
0x119: {  	s23 =	sand.u32 $0x70, s13;
	s0 =	sand.u32 $0x400, s13;
	[sflag:s22] =	ssyncset.done $0x0  }
0x11a: {  	s0 =	sor.u32 s23, s0;
	[sflag:s22] =	ssyncadd.s32 $0xFFFFC000  }
0x11b: {  	v0 =	vld [tilespmem:s0+$0xC000]  }
0x11c: {  	v1 =	vld [tilespmem:s0+$0xC080]  }
0x11d: {  	v2 =	vld [tilespmem:s0+$0xC100]  }
0x11e: {  	v3 =	vld [tilespmem:s0+$0xC180]  }
0x11f: {  	v4 =	vld [tilespmem:s0+$0xC200]  }
0x120: {  	v5 =	vld [tilespmem:s0+$0xC280]  }
0x121: {  	v6 =	vld [tilespmem:s0+$0xC300];
	v1 =	vmul.f32 v1, v0  }
0x122: {  	v7 =	vld [tilespmem:s0+$0xC380];
	v2 =	vmul.f32 v2, v0  }
0x123: {  	v3 =	vmul.f32 v3, v0;
	[tilespmem:s0+$0xC080] =	vst v1;
	v1 =	vld [tilespmem:s0+$0xC800]  }
0x124: {  	v4 =	vmul.f32 v4, v0;
	[tilespmem:s0+$0xC100] =	vst v2;
	v2 =	vld [tilespmem:s0+$0xC880]  }
0x125: {  	v5 =	vmul.f32 v5, v0;
	[tilespmem:s0+$0xC180] =	vst v3;
	v3 =	vld [tilespmem:s0+$0xC900]  }
0x126: {  	v6 =	vmul.f32 v6, v0;
	[tilespmem:s0+$0xC200] =	vst v4;
	v4 =	vld [tilespmem:s0+$0xC980]  }
0x127: {  	v7 =	vmul.f32 v7, v0;
	[tilespmem:s0+$0xC280] =	vst v5;
	v5 =	vld [tilespmem:s0+$0xCA00]  }
0x128: {  	[tilespmem:s0+$0xC300] =	vst v6;
	v6 =	vld [tilespmem:s0+$0xCA80];
	v1 =	vmul.f32 v1, v0  }
0x129: {  	[tilespmem:s0+$0xC380] =	vst v7;
	v7 =	vld [tilespmem:s0+$0xCB00];
	v2 =	vmul.f32 v2, v0  }
0x12a: {  	v3 =	vmul.f32 v3, v0;
	[tilespmem:s0+$0xC800] =	vst v1;
	v1 =	vld [tilespmem:s0+$0xCB80]  }
0x12b: {  	v4 =	vmul.f32 v4, v0;
	[tilespmem:s0+$0xC880] =	vst v2;
	v2 =	vld [tilespmem:s0+$0xD000]  }
0x12c: {  	v5 =	vmul.f32 v5, v0;
	[tilespmem:s0+$0xC900] =	vst v3;
	v3 =	vld [tilespmem:s0+$0xD080]  }
0x12d: {  	v6 =	vmul.f32 v6, v0;
	[tilespmem:s0+$0xC980] =	vst v4;
	v4 =	vld [tilespmem:s0+$0xD100]  }
0x12e: {  	v7 =	vmul.f32 v7, v0;
	[tilespmem:s0+$0xCA00] =	vst v5;
	v5 =	vld [tilespmem:s0+$0xD180]  }
0x12f: {  	[tilespmem:s0+$0xCA80] =	vst v6;
	v6 =	vld [tilespmem:s0+$0xD200];
	v1 =	vmul.f32 v1, v0  }
0x130: {  	[tilespmem:s0+$0xCB00] =	vst v7;
	v7 =	vld [tilespmem:s0+$0xD280];
	v2 =	vmul.f32 v2, v0  }
0x131: {  	v3 =	vmul.f32 v3, v0;
	[tilespmem:s0+$0xCB80] =	vst v1;
	v1 =	vld [tilespmem:s0+$0xD300]  }
0x132: {  	v8 =	vld [tilespmem:s0+$0xD380];
	[tilespmem:s0+$0xD000] =	vst v2;
	v2 =	vmul.f32 v4, v0  }
0x133: {  	v9 =	vld [tilespmem:s0+$0xD800];
	[tilespmem:s0+$0xD080] =	vst v3;
	v3 =	vmul.f32 v5, v0  }
0x134: {  	v5 =	vld [tilespmem:s0+$0xD880];
	v4 =	vmul.f32 v6, v0;
	[tilespmem:s0+$0xD100] =	vst v2  }
0x135: {  	v6 =	vmul.f32 v7, v0;
	[tilespmem:s0+$0xD180] =	vst v3;
	v2 =	vld [tilespmem:s0+$0xD900]  }
0x136: {  	[tilespmem:s0+$0xD200] =	vst v4;
	v3 =	vld [tilespmem:s0+$0xD980];
	v4 =	vmul.f32 v1, v0  }
0x137: {  	[tilespmem:s0+$0xD280] =	vst v6;
	v6 =	vmul.f32 v8, v0;
	v1 =	vld [tilespmem:s0+$0xDA00]  }
0x138: {  	v7 =	vmul.f32 v9, v0;
	[tilespmem:s0+$0xD300] =	vst v4;
	v4 =	vld [tilespmem:s0+$0xDA80]  }
0x139: {  	s2 =	simm.s32 $0x10;
	s7 =	simm.s32 $0x80;
	[tilespmem:s0+$0xD380] =	vst v6;
	v6 =	vmul.f32 v5, v0;
	v5 =	vld [tilespmem:s0+$0xDB00]  }
.LBB2_9:
0x13a: {  	s6 =	sand.u32 $0x70, s2;
	s13 =	sand.u32 $0x400, s7;
	p1 =	sne.s32 s7, $0x780;
	[tilespmem:s0+$0xD800] =	vst v7;
	v2 =	vmul.f32 v2, v0;
	v7 =	vld [tilespmem:s0+$0xDB80]  }
0x13b: {  	s6 =	sor.u32 s6, s13;
	[tilespmem:s0+$0xD880] =	vst v6;
	v3 =	vmul.f32 v3, v0;
	v6 =	vld [tilespmem:s0+$0xE000]  }
0x13c: {  	v8 =	vld [tilespmem:s6+$0xC000];
	[tilespmem:s0+$0xD900] =	vst v2;
	v1 =	vmul.f32 v1, v0  }
0x13d: {  	v2 =	vld [tilespmem:s6+$0xC080];
	[tilespmem:s0+$0xD980] =	vst v3;
	v3 =	vmul.f32 v4, v0  }
0x13e: {  	v4 =	vld [tilespmem:s6+$0xC100];
	[tilespmem:s0+$0xDA00] =	vst v1;
	v1 =	vmul.f32 v5, v0  }
0x13f: {  	v5 =	vld [tilespmem:s6+$0xC180];
	[tilespmem:s0+$0xDA80] =	vst v3;
	v3 =	vmul.f32 v7, v0  }
0x140: {  	v7 =	vld [tilespmem:s6+$0xC200];
	[tilespmem:s0+$0xDB00] =	vst v1;
	v1 =	vmul.f32 v6, v0  }
0x141: {  	v6 =	vld [tilespmem:s6+$0xC280];
	[tilespmem:s0+$0xDB80] =	vst v3;
	v0 =	vmov v8  }
0x142: {  	v2 =	vmul.f32 v2, v0;
	v3 =	vld [tilespmem:s6+$0xC300];
	[tilespmem:s0+$0xE000] =	vst v1;
	s0 =	smov.u32 s6  }
0x143: {  	v1 =	vmul.f32 v4, v0;
	v4 =	vld [tilespmem:s0+$0xC380]  }
0x144: {  	[tilespmem:s0+$0xC080] =	vst v2;
	v2 =	vmul.f32 v5, v0;
	v5 =	vld [tilespmem:s0+$0xC800]  }
0x145: {  	[tilespmem:s0+$0xC100] =	vst v1;
	v1 =	vmul.f32 v7, v0;
	v7 =	vld [tilespmem:s0+$0xC880]  }
0x146: {  	[tilespmem:s0+$0xC180] =	vst v2;
	v2 =	vmul.f32 v6, v0;
	v6 =	vld [tilespmem:s0+$0xC900]  }
0x147: {  	[tilespmem:s0+$0xC200] =	vst v1;
	v1 =	vmul.f32 v3, v0;
	v3 =	vld [tilespmem:s0+$0xC980]  }
0x148: {  	[tilespmem:s0+$0xC280] =	vst v2;
	v2 =	vmul.f32 v4, v0;
	v4 =	vld [tilespmem:s0+$0xCA00]  }
0x149: {  	[tilespmem:s0+$0xC300] =	vst v1;
	v1 =	vmul.f32 v5, v0;
	v5 =	vld [tilespmem:s0+$0xCA80]  }
0x14a: {  	[tilespmem:s0+$0xC380] =	vst v2;
	v2 =	vmul.f32 v7, v0;
	v7 =	vld [tilespmem:s0+$0xCB00]  }
0x14b: {  	[tilespmem:s0+$0xC800] =	vst v1;
	v1 =	vmul.f32 v6, v0;
	v6 =	vld [tilespmem:s0+$0xCB80]  }
0x14c: {  	[tilespmem:s0+$0xC880] =	vst v2;
	v2 =	vmul.f32 v3, v0;
	v3 =	vld [tilespmem:s0+$0xD000]  }
0x14d: {  	[tilespmem:s0+$0xC900] =	vst v1;
	v1 =	vmul.f32 v4, v0;
	v4 =	vld [tilespmem:s0+$0xD080]  }
0x14e: {  	[tilespmem:s0+$0xC980] =	vst v2;
	v2 =	vmul.f32 v5, v0;
	v5 =	vld [tilespmem:s0+$0xD100]  }
0x14f: {  	[tilespmem:s0+$0xCA00] =	vst v1;
	v1 =	vmul.f32 v7, v0;
	v7 =	vld [tilespmem:s0+$0xD180]  }
0x150: {  	[tilespmem:s0+$0xCA80] =	vst v2;
	v2 =	vmul.f32 v6, v0;
	v6 =	vld [tilespmem:s0+$0xD200]  }
0x151: {  	[tilespmem:s0+$0xCB00] =	vst v1;
	v1 =	vmul.f32 v3, v0;
	v3 =	vld [tilespmem:s0+$0xD280]  }
0x152: {  	[tilespmem:s0+$0xCB80] =	vst v2;
	v2 =	vmul.f32 v4, v0;
	v4 =	vld [tilespmem:s0+$0xD300]  }
0x153: {  	[tilespmem:s0+$0xD000] =	vst v1;
	v1 =	vmul.f32 v5, v0;
	v5 =	vld [tilespmem:s0+$0xD380]  }
0x154: {  	[tilespmem:s0+$0xD080] =	vst v2;
	v2 =	vmul.f32 v7, v0;
	v7 =	vld [tilespmem:s0+$0xD800]  }
0x155: {  	[tilespmem:s0+$0xD100] =	vst v1;
	v1 =	vmul.f32 v6, v0;
	v6 =	vld [tilespmem:s0+$0xD880]  }
.Ltmp5:
0x156: {  	[tilespmem:s0+$0xD180] =	vst v2;
	v8 =	vmul.f32 v3, v0;
	v2 =	vld [tilespmem:s0+$0xD900];
	(pc) =	sbr.rel @p1 .LBB2_9-.Ltmp5, $4  }
0x157: {  	[tilespmem:s0+$0xD200] =	vst v1;
	v4 =	vmul.f32 v4, v0;
	v3 =	vld [tilespmem:s0+$0xD980]  }
0x158: {  	[tilespmem:s0+$0xD280] =	vst v8;
	v5 =	vmul.f32 v5, v0;
	v1 =	vld [tilespmem:s0+$0xDA00]  }
0x159: {  	[tilespmem:s0+$0xD300] =	vst v4;
	v7 =	vmul.f32 v7, v0;
	v4 =	vld [tilespmem:s0+$0xDA80]  }
0x15a: {  	s2 =	sadd.s32 $0x10, s2;
	s7 =	sadd.s32 $0x80, s7;
	[tilespmem:s0+$0xD380] =	vst v5;
	v6 =	vmul.f32 v6, v0;
	v5 =	vld [tilespmem:s0+$0xDB00]  }
0x15b: {  	[tilespmem:s0+$0xD800] =	vst v7;
	v58 =	vld [tilespmem:s0+$0xDB80];
	v2 =	vmul.f32 v2, v0  }
0x15c: {  	v59 =	vld [tilespmem:s0+$0xE000];
	[tilespmem:s0+$0xD880] =	vst v6;
	v3 =	vmul.f32 v3, v0  }
0x15d: {  	[tilespmem:s0+$0xD900] =	vst v2;
	v1 =	vmul.f32 v1, v0  }
0x15e: {  	[tilespmem:s0+$0xD980] =	vst v3;
	v60 =	vmul.f32 v4, v0  }
0x15f: {  	[tilespmem:s0+$0xDA00] =	vst v1;
	v61 =	vmul.f32 v5, v0  }
.Ltmp6:
0x160: {  	[tilespmem:s0+$0xDA80] =	vst v60;
	v62 =	vmul.f32 v58, v0;
	(pc) =	sbr.rel @p0 .LBB2_12-.Ltmp6, $4  }
0x161: {  	v63 =	vmul.f32 v59, v0;
	[tilespmem:s0+$0xDB00] =	vst v61  }
0x162: {  	[tilespmem:s0+$0xDB80] =	vst v62  }
0x163: {  	s31 =	sadd.s32 s3, s31;
	[tilespmem:s0+$0xE000] =	vst v63  }
0x164: {  	[hbm4b:s31+s14] =	stream.strided.scatter [tilespmem:s20], [sflag:$0x8], $0x4000, s15, s14, $0x38;
	[tilespmem:$0x10000] =	vst v63  }
.Ltmp7:
0x165: {  	(pc) =	sbr.rel .LBB2_2-.Ltmp7, $4  }
0x166: {  	_ =	swait.ge [sflag:s24], $0x4000  }
0x167: {  	[sflag:s24] =	ssyncset.done $0x0  }
0x168: {  	s0 =	sadd.s32 s30, s12;
	s29 =	sadd.s32 $0x1, s29;
	[sflag:s24] =	ssyncadd.s32 $0xFFFFC000  }
0x169: {  	[tilespmem:s16], [sflag:$0x2] =	stream.strided.gather [hbm4b:s0+s14], $0x4000, s15, s14, $0x38;
	[tilespmem:$0x10000] =	vst v63  }
.LBB2_13:
0x16a: {  	_ =	sfence.sel $0x180000  }
0x16b: {  	[bflag:$0x0] =	sbarrier.arrive $0xFFFF  }
0x16c: {  	_ =	strace $0x90000047  }
0x16d: {  	s0 =	stileid.u32;
	[bflag:$0x2] =	sbarrier.arrive $0xFFFF  }
0x16e: {  	p0 =	sne.s32 s0, $0x0;
	s0 =	rddreg [dreg:$0x2]  }
0x16f: {  	s0 =	sadd.s32 @!p0 $0x100000, s0  }
0x170: {  	[sflag:s0] =	ssyncadd.tile.s32 @!p0 $0x1;
	_ =	shalt  }
.Lfunc_end2:
_tile_overlayer_lowered:
.L_overlay_start_2:
0x171: {  	(tag) =	ssettag $0x2  }
0x172: {  	s0 =	rddreg [dreg:$0x0];
	s2 =	stileid.u32  }
0x173: {  	s1 =	rddreg [dreg:$0x1];
	p0 =	sne.s32 s2, $0x0  }
0x174: {  	s3 =	rddreg [dreg:$0x2];
	[bflag:$0x3] =	sbarrier.arrive $0xFFFF;
	s2 =	simm.s32 @!p0 $0x1C09  }
0x175: {  	[timem:s3], [sflag:s2] =	dma.local @!p0 [hbm:s0], s1  }
0x176: {  	s0 =	simm.s32 @!p0 $0x9  }
0x177: {  	_ =	swait.ge @!p0 [sflag:s0], s1  }
0x178: {  	s1 =	ssub.s32 @!p0 $0x0, s1;
	[sflag:s0] =	ssyncset.done @!p0 $0x0  }
0x179: {  	[sflag:s0] =	ssyncadd.s32 @!p0 s1  }
0x17a: {  	[bflag:$0x3] =	sbarrier.arrive $0xFFFF  }
0x17b: {  	_ =	shalt  }

</sc_bundles>
